<compile_context>
chip_gen: v7x
topology: tpu7x:2x2x1
jax: 0.10.2.dev20260603
libtpu: 0.0.44.dev20260713+nightly
codegen_flags: <defaults>
</compile_context>

<pallas_src>
import functools

import jax
import jax.numpy as jnp
from jax import lax
from jax.experimental import pallas as pl
from jax.experimental.pallas import tpu as pltpu
from jax.experimental.pallas import tpu_sc as plsc

VOCAB = 100000
D = 1024
PROMPT_LEN = 100
ID_OFFSET = 100000
B, S = 4, 2048
N = B * S
NC, NS, L = 2, 16, 16
NW = NC * NS
TPW = N // NW
CH = 16
NCH = TPW // CH
NB = 4

_mesh = plsc.VectorSubcoreMesh(core_axis_name="c", subcore_axis_name="s")


@functools.partial(
    pl.kernel,
    out_type=jax.ShapeDtypeStruct((B, S, D), jnp.float32),
    mesh=_mesh,
    scratch_types=[
        pltpu.VMEM((TPW,), jnp.int32),
        pltpu.VMEM((NB, CH), jnp.int32),
        pltpu.VMEM((CH, D), jnp.float32),
        pltpu.VMEM((CH, D), jnp.float32),
        pltpu.VMEM((CH, D), jnp.float32),
        pltpu.VMEM((CH, D), jnp.float32),
        pltpu.SemaphoreType.DMA,
        pltpu.SemaphoreType.DMA,
        pltpu.SemaphoreType.DMA,
        pltpu.SemaphoreType.DMA,
        pltpu.SemaphoreType.DMA,
        pltpu.SemaphoreType.DMA,
        pltpu.SemaphoreType.DMA,
        pltpu.SemaphoreType.DMA,
    ],
)
def _embed_lookup(ids_hbm, w_hbm, p_hbm, out_hbm, ids_v, idx_v,
                  rw0, rw1, rw2, rw3,
                  semg0, semg1, semg2, semg3, semo0, semo1, semo2, semo3):
    wid = lax.axis_index("s") * NC + lax.axis_index("c")
    wb = wid // (S // TPW)
    ws = (wid % (S // TPW)) * TPW
    pltpu.sync_copy(ids_hbm.at[wb, pl.ds(ws, TPW)], ids_v)

    zeros = jnp.zeros((L,), jnp.int32)
    voff = jnp.full((L,), ID_OFFSET, jnp.int32)
    bufs = (rw0, rw1, rw2, rw3)
    semg = (semg0, semg1, semg2, semg3)
    semo = (semo0, semo1, semo2, semo3)

    def compute_idx(off, b):
        ids = ids_v[pl.ds(off, L)]
        pr = ids >= voff
        idx_v[b, pl.ds(0, L)] = jnp.where(pr, zeros, ids)

    def issue_gather(b):
        return pltpu.async_copy(w_hbm.at[idx_v.at[b]], bufs[b], semg[b])

    def issue_write(off, b):
        return pltpu.async_copy(bufs[b], out_hbm.at[wb, pl.ds(ws + off, CH)],
                                semo[b])

    def patch_prompt_rows(off, rw):
        grp = ids_v[pl.ds(off, L)]
        for i in range(L):
            sid = grp[i]

            @pl.when(sid >= ID_OFFSET)
            def _patch():
                pltpu.sync_copy(
                    p_hbm.at[pl.ds(sid - ID_OFFSET, 1)],
                    rw.at[pl.ds(i, 1)])

    K = 2
    for c in range(K):
        compute_idx(c * CH, c)
        issue_gather(c)

    def ring_step(g, carry):
        for b in range(NB):
            c = g * NB + b
            off = c * CH

            @pl.when(c + K < NCH)
            def _prefetch():
                pb = (b + K) % NB
                poff = (c + K) * CH

                @pl.when(c >= NB - K)
                def _drain_prev_write():
                    pltpu.make_async_copy(
                        bufs[pb],
                        out_hbm.at[wb, pl.ds(ws + (c + K - NB) * CH, CH)],
                        semo[pb]).wait()

                compute_idx(poff, pb)
                issue_gather(pb)

            pltpu.make_async_copy(w_hbm.at[idx_v.at[b]], bufs[b],
                                  semg[b]).wait()
            patch_prompt_rows(off, bufs[b])
            issue_write(off, b)
        return carry

    lax.fori_loop(0, NCH // NB, ring_step, 0)

    for c in range(NCH - NB, NCH):
        pltpu.make_async_copy(
            bufs[c % NB],
            out_hbm.at[wb, pl.ds(ws + c * CH, CH)],
            semo[c % NB]).wait()


def kernel(input_ids, labels, W, P):
    del labels
    return _embed_lookup(input_ids, W, P)

# --- scband reference (transcript-rebuilt; emitter-appended) ---
"""Pipeline reference for scband-ptuning-wrapper-38774964748761 (READ-ONLY COPY).

The authoritative reference and input builder live on the scoring server;
editing this copy changes nothing except your own understanding.
"""

import jax, jax.numpy as jnp
import numpy as np

VOCAB = 100000
D = 1024
PROMPT_LEN = 100
ID_OFFSET = 100000
REPLACING_TOKEN_ID = 0
B, S = 4, 2048


def setup_inputs(seed: int = 0) -> dict:
    key = jax.random.key(seed)
    k1, k2, k3, k4 = jax.random.split(key, 4)
    input_ids = jax.random.randint(k1, (B, S), 0, VOCAB + PROMPT_LEN, dtype=jnp.int32)
    labels = jax.random.randint(k2, (B, S), 0, VOCAB, dtype=jnp.int32)
    # original embedding table of the wrapped model
    W = jax.random.normal(k3, (VOCAB, D), dtype=jnp.float32) * 0.02
    # EmbeddingPromptEncoder table (length=PROMPT_LEN)
    P = jax.random.normal(k4, (PROMPT_LEN, D), dtype=jnp.float32) * 0.02
    return {"input_ids": input_ids, "labels": labels, "W": W, "P": P}


def reference(input_ids, labels, W, P):
    # prompt_token_fn: t >= original vocab size (id_offset)
    prompt_masks = input_ids >= ID_OFFSET
    # input_ids_[prompt_masks] = replacing_token_id, then original embedding lookup
    input_ids_ = jnp.where(prompt_masks, REPLACING_TOKEN_ID, input_ids)
    inputs_embeds = jnp.take(W, input_ids_, axis=0)
    # prompt encoder: (prompt_token_ids - id_offset) -> prompt embedding table
    prompt_local_ids = jnp.where(prompt_masks, input_ids - ID_OFFSET, 0)
    prompt_embeds = jnp.take(P, prompt_local_ids, axis=0)
    # inputs_embeds[prompt_masks] = prompt_embeds (masked overwrite)
    inputs_embeds = jnp.where(prompt_masks[..., None], prompt_embeds, inputs_embeds)
    return inputs_embeds

if __name__ == "__main__":
    import jax
    _d = setup_inputs()
    print(jax.jit(kernel)(*tuple(_d.values())))

</pallas_src>

<mosaic_0001>
#map = affine_map<(d0, d1) -> (0, 0)>
#map1 = affine_map<(d0, d1) -> (0, 0, 0)>
module attributes {stable_mosaic.version = 14 : i64} {
  func.func @_embed_lookup(%arg0: i32, %arg1: i32, %arg2: memref<4x2048xi32, #tpu.memory_space<hbm>>, %arg3: memref<100000x1024xf32, #tpu.memory_space<hbm>>, %arg4: memref<100x1024xf32, #tpu.memory_space<hbm>>, %arg5: memref<4x2048x1024xf32, #tpu.memory_space<hbm>>, %arg6: memref<256xi32, #tpu.memory_space<vmem>>, %arg7: memref<4x16xi32, #tpu.memory_space<vmem>>, %arg8: memref<16x1024xf32, #tpu.memory_space<vmem>>, %arg9: memref<16x1024xf32, #tpu.memory_space<vmem>>, %arg10: memref<16x1024xf32, #tpu.memory_space<vmem>>, %arg11: memref<16x1024xf32, #tpu.memory_space<vmem>>, %arg12: memref<!tpu.dma_semaphore, #tpu.memory_space<semaphore_mem>>, %arg13: memref<!tpu.dma_semaphore, #tpu.memory_space<semaphore_mem>>, %arg14: memref<!tpu.dma_semaphore, #tpu.memory_space<semaphore_mem>>, %arg15: memref<!tpu.dma_semaphore, #tpu.memory_space<semaphore_mem>>, %arg16: memref<!tpu.dma_semaphore, #tpu.memory_space<semaphore_mem>>, %arg17: memref<!tpu.dma_semaphore, #tpu.memory_space<semaphore_mem>>, %arg18: memref<!tpu.dma_semaphore, #tpu.memory_space<semaphore_mem>>, %arg19: memref<!tpu.dma_semaphore, #tpu.memory_space<semaphore_mem>>) attributes {dimension_semantics = [#tpu.dimension_semantics<core_parallel>, #tpu.dimension_semantics<subcore_parallel>], iteration_bounds = array<i64: 2, 16>, scalar_prefetch = 0 : i64, scratch_operands = 14 : i64, tpu.core_type = #tpu.core_type<sc_vector_subcore>, window_params = [{transform_indices = #map}, {transform_indices = #map}, {transform_indices = #map}, {transform_indices = #map1}]} {
    %mul3A = arith.constant 2 : i32
    %mul3A_0 = arith.muli %arg1, %mul3A : i32
    %add3A = arith.addi %mul3A_0, %arg0 : i32
    %jit3A = arith.constant 8 : i32
    %div3A = arith.divsi %add3A, %jit3A : i32
    %sign3A = arith.constant 0 : i32
    %sign3A_1 = arith.cmpi sgt, %add3A, %sign3A : i32
    %sign3A_2 = arith.extui %sign3A_1 : i1 to i32
    %sign3A_3 = arith.constant 0 : i32
    %sign3A_4 = arith.cmpi slt, %add3A, %sign3A_3 : i32
    %sign3A_5 = arith.extui %sign3A_4 : i1 to i32
    %sign3A_6 = arith.subi %sign3A_2, %sign3A_5 : i32
    %sign3A_7 = arith.constant 0 : i32
    %sign3A_8 = arith.cmpi sgt, %jit3A, %sign3A_7 : i32
    %sign3A_9 = arith.extui %sign3A_8 : i1 to i32
    %sign3A_10 = arith.constant 0 : i32
    %sign3A_11 = arith.cmpi slt, %jit3A, %sign3A_10 : i32
    %sign3A_12 = arith.extui %sign3A_11 : i1 to i32
    %sign3A_13 = arith.subi %sign3A_9, %sign3A_12 : i32
    %ne3A = arith.cmpi ne, %sign3A_6, %sign3A_13 : i32
    %rem3A = arith.remsi %add3A, %jit3A : i32
    %ne3A_14 = arith.constant 0 : i32
    %ne3A_15 = arith.cmpi ne, %rem3A, %ne3A_14 : i32
    %and3A = arith.andi %ne3A, %ne3A_15 : i1
    %sub3A = arith.constant 1 : i32
    %sub3A_16 = arith.subi %div3A, %sub3A : i32
    %select_n3A = arith.select %and3A, %sub3A_16, %div3A : i32
    %jit3A_17 = arith.constant 8 : i32
    %eq3A = arith.constant 0 : i32
    %eq3A_18 = arith.cmpi eq, %jit3A_17, %eq3A : i32
    %jit3A_19 = arith.constant 1 : i32
    %select_n3A_20 = arith.select %eq3A_18, %jit3A_19, %jit3A_17 : i32
    %rem3A_21 = arith.remsi %add3A, %select_n3A_20 : i32
    %ne3A_22 = arith.constant 0 : i32
    %ne3A_23 = arith.cmpi ne, %rem3A_21, %ne3A_22 : i32
    %lt3A = arith.constant 0 : i32
    %lt3A_24 = arith.cmpi slt, %rem3A_21, %lt3A : i32
    %lt3A_25 = arith.constant 0 : i32
    %lt3A_26 = arith.cmpi slt, %select_n3A_20, %lt3A_25 : i32
    %ne3A_27 = arith.xori %lt3A_24, %lt3A_26 : i1
    %and3A_28 = arith.andi %ne3A_27, %ne3A_23 : i1
    %add3A_29 = arith.addi %rem3A_21, %select_n3A_20 : i32
    %select_n3A_30 = arith.select %and3A_28, %add3A_29, %rem3A_21 : i32
    %mul3A_31 = arith.constant 256 : i32
    %mul3A_32 = arith.muli %select_n3A_30, %mul3A_31 : i32
    "tpu.region"() ({
      %run_scoped3A = tpu.sem_alloc : memref<!tpu.dma_semaphore, #tpu.memory_space<semaphore_mem>>
      %dma_start3A_104 = tpu.memref_slice %arg2[%select_n3A, %mul3A_32] : memref<4x2048xi32, #tpu.memory_space<hbm>> -> memref<1x256xi32, #tpu.memory_space<hbm>>
      %dma_start3A_105 = tpu.memref_squeeze %dma_start3A_104 : memref<1x256xi32, #tpu.memory_space<hbm>> -> memref<256xi32, #tpu.memory_space<hbm>>
      %dma_start3A_106 = tpu.memref_slice %arg2[%select_n3A, %mul3A_32] : memref<4x2048xi32, #tpu.memory_space<hbm>> -> memref<1x256xi32, #tpu.memory_space<hbm>>
      %dma_start3A_107 = tpu.memref_squeeze %dma_start3A_106 : memref<1x256xi32, #tpu.memory_space<hbm>> -> memref<256xi32, #tpu.memory_space<hbm>>
      tpu.enqueue_dma source(%dma_start3A_107 : memref<256xi32, #tpu.memory_space<hbm>>) target(%arg6 : memref<256xi32, #tpu.memory_space<vmem>>) target_semaphore(%run_scoped3A : memref<!tpu.dma_semaphore, #tpu.memory_space<semaphore_mem>>)
      %dma_wait3A_108 = tpu.memref_slice %arg2[%select_n3A, %mul3A_32] : memref<4x2048xi32, #tpu.memory_space<hbm>> -> memref<1x256xi32, #tpu.memory_space<hbm>>
      %dma_wait3A_109 = tpu.memref_squeeze %dma_wait3A_108 : memref<1x256xi32, #tpu.memory_space<hbm>> -> memref<256xi32, #tpu.memory_space<hbm>>
      %dma_wait3A_110 = tpu.memref_slice %arg2[%select_n3A, %mul3A_32] : memref<4x2048xi32, #tpu.memory_space<hbm>> -> memref<1x256xi32, #tpu.memory_space<hbm>>
      %dma_wait3A_111 = tpu.memref_squeeze %dma_wait3A_110 : memref<1x256xi32, #tpu.memory_space<hbm>> -> memref<256xi32, #tpu.memory_space<hbm>>
      tpu.wait_dma2 semaphore(%run_scoped3A : memref<!tpu.dma_semaphore, #tpu.memory_space<semaphore_mem>>) src(%dma_wait3A_111 : memref<256xi32, #tpu.memory_space<hbm>>) dst(%arg6 : memref<256xi32, #tpu.memory_space<vmem>>)
      tpu.yield
    }) : () -> ()
    %broadcast_in_dim3A = arith.constant 0 : i32
    %broadcast_in_dim3A_33 = vector.broadcast %broadcast_in_dim3A : i32 to vector<16xi32>
    %broadcast_in_dim3A_34 = arith.constant 100000 : i32
    %broadcast_in_dim3A_35 = vector.broadcast %broadcast_in_dim3A_34 : i32 to vector<16xi32>
    %get3A = arith.constant 0 : index
    %get3A_36 = tpu.vector_load %arg6[%get3A] {strides = array<i32>} : memref<256xi32, #tpu.memory_space<vmem>>, vector<16xi32>,
    %get3A_37 = vector.shape_cast %get3A_36 : vector<16xi32> to vector<16xi32>
    %ge3A = arith.cmpi sge, %get3A_37, %broadcast_in_dim3A_35 : vector<16xi32>
    %select_n3A_38 = arith.select %ge3A, %broadcast_in_dim3A_33, %get3A_37 : vector<16xi1>, vector<16xi32>
    %swap3A = arith.constant 0 : i32
    %swap3A_39 = arith.index_cast %swap3A : i32 to index
    %swap3A_40 = arith.constant 0 : index
    %swap3A_41 = tpu.vector_load %arg7[%swap3A_39, %swap3A_40] {strides = array<i32>} : memref<4x16xi32, #tpu.memory_space<vmem>>, vector<1x16xi32>,
    %swap3A_42 = vector.shape_cast %swap3A_41 : vector<1x16xi32> to vector<16xi32>
    %swap3A_43 = vector.shape_cast %select_n3A_38 : vector<16xi32> to vector<1x16xi32>
    tpu.vector_store %arg7[%swap3A_39, %swap3A_40], %swap3A_43 {strides = array<i32>} : memref<4x16xi32, #tpu.memory_space<vmem>>, vector<1x16xi32>,
    %dma_start3A = arith.constant 0 : i32
    %dma_start3A_44 = arith.constant 0 : i32
    %dma_start3A_45 = tpu.memref_slice %arg7[%dma_start3A, %dma_start3A_44] : memref<4x16xi32, #tpu.memory_space<vmem>> -> memref<1x16xi32, #tpu.memory_space<vmem>>
    %dma_start3A_46 = tpu.memref_squeeze %dma_start3A_45 : memref<1x16xi32, #tpu.memory_space<vmem>> -> memref<16xi32, #tpu.memory_space<vmem>>
    %dma_start3A_47 = arith.constant 0 : i32
    %dma_start3A_48 = arith.constant 0 : i32
    %dma_start3A_49 = tpu.memref_slice %arg3[%dma_start3A_47, %dma_start3A_48] : memref<100000x1024xf32, #tpu.memory_space<hbm>> -> memref<100000x1024xf32, #tpu.memory_space<hbm>>
    tpu.enqueue_indirect_dma source(%dma_start3A_49 : memref<100000x1024xf32, #tpu.memory_space<hbm>>) target(%arg8 : memref<16x1024xf32, #tpu.memory_space<vmem>>) offsets(%dma_start3A_46 : memref<16xi32, #tpu.memory_space<vmem>>) semaphore(%arg12 : memref<!tpu.dma_semaphore, #tpu.memory_space<semaphore_mem>>)
    %get3A_50 = arith.constant 16 : index
    %get3A_51 = tpu.vector_load %arg6[%get3A_50] {strides = array<i32>} : memref<256xi32, #tpu.memory_space<vmem>>, vector<16xi32>,
    %get3A_52 = vector.shape_cast %get3A_51 : vector<16xi32> to vector<16xi32>
    %ge3A_53 = arith.cmpi sge, %get3A_52, %broadcast_in_dim3A_35 : vector<16xi32>
    %select_n3A_54 = arith.select %ge3A_53, %broadcast_in_dim3A_33, %get3A_52 : vector<16xi1>, vector<16xi32>
    %swap3A_55 = arith.constant 1 : i32
    %swap3A_56 = arith.index_cast %swap3A_55 : i32 to index
    %swap3A_57 = arith.constant 0 : index
    %swap3A_58 = tpu.vector_load %arg7[%swap3A_56, %swap3A_57] {strides = array<i32>} : memref<4x16xi32, #tpu.memory_space<vmem>>, vector<1x16xi32>,
    %swap3A_59 = vector.shape_cast %swap3A_58 : vector<1x16xi32> to vector<16xi32>
    %swap3A_60 = vector.shape_cast %select_n3A_54 : vector<16xi32> to vector<1x16xi32>
    tpu.vector_store %arg7[%swap3A_56, %swap3A_57], %swap3A_60 {strides = array<i32>} : memref<4x16xi32, #tpu.memory_space<vmem>>, vector<1x16xi32>,
    %dma_start3A_61 = arith.constant 1 : i32
    %dma_start3A_62 = arith.constant 0 : i32
    %dma_start3A_63 = tpu.memref_slice %arg7[%dma_start3A_61, %dma_start3A_62] : memref<4x16xi32, #tpu.memory_space<vmem>> -> memref<1x16xi32, #tpu.memory_space<vmem>>
    %dma_start3A_64 = tpu.memref_squeeze %dma_start3A_63 : memref<1x16xi32, #tpu.memory_space<vmem>> -> memref<16xi32, #tpu.memory_space<vmem>>
    %dma_start3A_65 = arith.constant 0 : i32
    %dma_start3A_66 = arith.constant 0 : i32
    %dma_start3A_67 = tpu.memref_slice %arg3[%dma_start3A_65, %dma_start3A_66] : memref<100000x1024xf32, #tpu.memory_space<hbm>> -> memref<100000x1024xf32, #tpu.memory_space<hbm>>
    tpu.enqueue_indirect_dma source(%dma_start3A_67 : memref<100000x1024xf32, #tpu.memory_space<hbm>>) target(%arg9 : memref<16x1024xf32, #tpu.memory_space<vmem>>) offsets(%dma_start3A_64 : memref<16xi32, #tpu.memory_space<vmem>>) semaphore(%arg13 : memref<!tpu.dma_semaphore, #tpu.memory_space<semaphore_mem>>)
    %scan3A = arith.constant 0 : i32
    %scan3A_68 = arith.constant 0 : i32
    %scan3A_69 = arith.constant 4 : i32
    %scan3A_70 = arith.addi %scan3A_68, %scan3A_69 : i32
    %scan3A_71 = arith.constant 1 : i32
    scf.for %scan3A_104 = %scan3A_68 to %scan3A_70 step %scan3A_71  : i32 {
      %mul3A_105 = arith.constant 4 : i32
      %mul3A_106 = arith.muli %scan3A_104, %mul3A_105 : i32
      %add3A_107 = arith.constant 0 : i32
      %add3A_108 = arith.addi %mul3A_106, %add3A_107 : i32
      %mul3A_109 = arith.constant 16 : i32
      %mul3A_110 = arith.muli %add3A_108, %mul3A_109 : i32
      %add3A_111 = arith.constant 2 : i32
      %add3A_112 = arith.addi %add3A_108, %add3A_111 : i32
      %lt3A_113 = arith.constant 16 : i32
      %lt3A_114 = arith.cmpi slt, %add3A_112, %lt3A_113 : i32
      %convert_element_type3A = arith.extui %lt3A_114 : i1 to i32
      %cond3A = arith.constant 0 : i32
      %cond3A_115 = arith.cmpi ne, %convert_element_type3A, %cond3A : i32
      scf.if %cond3A_115 {
        %add3A_669 = arith.constant 2 : i32
        %add3A_670 = arith.addi %add3A_108, %add3A_669 : i32
        %mul3A_671 = arith.constant 16 : i32
        %mul3A_672 = arith.muli %add3A_670, %mul3A_671 : i32
        %ge3A_673 = arith.constant 2 : i32
        %ge3A_674 = arith.cmpi sge, %add3A_108, %ge3A_673 : i32
        %convert_element_type3A_675 = arith.extui %ge3A_674 : i1 to i32
        %cond3A_676 = arith.constant 0 : i32
        %cond3A_677 = arith.cmpi ne, %convert_element_type3A_675, %cond3A_676 : i32
        scf.if %cond3A_677 {
          %add3A_696 = arith.constant 2 : i32
          %add3A_697 = arith.addi %add3A_108, %add3A_696 : i32
          %sub3A_698 = arith.constant 4 : i32
          %sub3A_699 = arith.subi %add3A_697, %sub3A_698 : i32
          %mul3A_700 = arith.constant 16 : i32
          %mul3A_701 = arith.muli %sub3A_699, %mul3A_700 : i32
          %add3A_702 = arith.addi %mul3A_32, %mul3A_701 : i32
          %dma_wait3A_703 = arith.constant 0 : i32
          %dma_wait3A_704 = tpu.memref_slice %arg5[%select_n3A, %add3A_702, %dma_wait3A_703] : memref<4x2048x1024xf32, #tpu.memory_space<hbm>> -> memref<1x16x1024xf32, #tpu.memory_space<hbm>>
          %dma_wait3A_705 = tpu.memref_squeeze %dma_wait3A_704 : memref<1x16x1024xf32, #tpu.memory_space<hbm>> -> memref<16x1024xf32, #tpu.memory_space<hbm>>
          %dma_wait3A_706 = arith.constant 0 : i32
          %dma_wait3A_707 = tpu.memref_slice %arg5[%select_n3A, %add3A_702, %dma_wait3A_706] : memref<4x2048x1024xf32, #tpu.memory_space<hbm>> -> memref<1x16x1024xf32, #tpu.memory_space<hbm>>
          %dma_wait3A_708 = tpu.memref_squeeze %dma_wait3A_707 : memref<1x16x1024xf32, #tpu.memory_space<hbm>> -> memref<16x1024xf32, #tpu.memory_space<hbm>>
          tpu.wait_dma2 semaphore(%arg18 : memref<!tpu.dma_semaphore, #tpu.memory_space<semaphore_mem>>) src(%arg10 : memref<16x1024xf32, #tpu.memory_space<vmem>>) dst(%dma_wait3A_708 : memref<16x1024xf32, #tpu.memory_space<hbm>>)
        } else {
        }
        %get3A_678 = arith.index_cast %mul3A_672 : i32 to index
        %get3A_679 = tpu.vector_load %arg6[%get3A_678] {strides = array<i32>} : memref<256xi32, #tpu.memory_space<vmem>>, vector<16xi32>,
        %get3A_680 = vector.shape_cast %get3A_679 : vector<16xi32> to vector<16xi32>
        %ge3A_681 = arith.cmpi sge, %get3A_680, %broadcast_in_dim3A_35 : vector<16xi32>
        %select_n3A_682 = arith.select %ge3A_681, %broadcast_in_dim3A_33, %get3A_680 : vector<16xi1>, vector<16xi32>
        %swap3A_683 = arith.constant 2 : i32
        %swap3A_684 = arith.index_cast %swap3A_683 : i32 to index
        %swap3A_685 = arith.constant 0 : index
        %swap3A_686 = tpu.vector_load %arg7[%swap3A_684, %swap3A_685] {strides = array<i32>} : memref<4x16xi32, #tpu.memory_space<vmem>>, vector<1x16xi32>,
        %swap3A_687 = vector.shape_cast %swap3A_686 : vector<1x16xi32> to vector<16xi32>
        %swap3A_688 = vector.shape_cast %select_n3A_682 : vector<16xi32> to vector<1x16xi32>
        tpu.vector_store %arg7[%swap3A_684, %swap3A_685], %swap3A_688 {strides = array<i32>} : memref<4x16xi32, #tpu.memory_space<vmem>>, vector<1x16xi32>,
        %dma_start3A_689 = arith.constant 2 : i32
        %dma_start3A_690 = arith.constant 0 : i32
        %dma_start3A_691 = tpu.memref_slice %arg7[%dma_start3A_689, %dma_start3A_690] : memref<4x16xi32, #tpu.memory_space<vmem>> -> memref<1x16xi32, #tpu.memory_space<vmem>>
        %dma_start3A_692 = tpu.memref_squeeze %dma_start3A_691 : memref<1x16xi32, #tpu.memory_space<vmem>> -> memref<16xi32, #tpu.memory_space<vmem>>
        %dma_start3A_693 = arith.constant 0 : i32
        %dma_start3A_694 = arith.constant 0 : i32
        %dma_start3A_695 = tpu.memref_slice %arg3[%dma_start3A_693, %dma_start3A_694] : memref<100000x1024xf32, #tpu.memory_space<hbm>> -> memref<100000x1024xf32, #tpu.memory_space<hbm>>
        tpu.enqueue_indirect_dma source(%dma_start3A_695 : memref<100000x1024xf32, #tpu.memory_space<hbm>>) target(%arg10 : memref<16x1024xf32, #tpu.memory_space<vmem>>) offsets(%dma_start3A_692 : memref<16xi32, #tpu.memory_space<vmem>>) semaphore(%arg14 : memref<!tpu.dma_semaphore, #tpu.memory_space<semaphore_mem>>)
      } else {
      }
      %dma_wait3A_116 = arith.constant 0 : i32
      %dma_wait3A_117 = arith.constant 0 : i32
      %dma_wait3A_118 = tpu.memref_slice %arg7[%dma_wait3A_116, %dma_wait3A_117] : memref<4x16xi32, #tpu.memory_space<vmem>> -> memref<1x16xi32, #tpu.memory_space<vmem>>
      %dma_wait3A_119 = tpu.memref_squeeze %dma_wait3A_118 : memref<1x16xi32, #tpu.memory_space<vmem>> -> memref<16xi32, #tpu.memory_space<vmem>>
      %dma_wait3A_120 = arith.constant 0 : i32
      %dma_wait3A_121 = arith.constant 0 : i32
      %dma_wait3A_122 = tpu.memref_slice %arg3[%dma_wait3A_120, %dma_wait3A_121] : memref<100000x1024xf32, #tpu.memory_space<hbm>> -> memref<100000x1024xf32, #tpu.memory_space<hbm>>
      tpu.wait_indirect_dma semaphore(%arg12 : memref<!tpu.dma_semaphore, #tpu.memory_space<semaphore_mem>>) src(%dma_wait3A_122 : memref<100000x1024xf32, #tpu.memory_space<hbm>>) dst(%arg8 : memref<16x1024xf32, #tpu.memory_space<vmem>>)
      %get3A_123 = arith.index_cast %mul3A_110 : i32 to index
      %get3A_124 = tpu.vector_load %arg6[%get3A_123] {strides = array<i32>} : memref<256xi32, #tpu.memory_space<vmem>>, vector<16xi32>,
      %get3A_125 = vector.shape_cast %get3A_124 : vector<16xi32> to vector<16xi32>
      %slice3A = vector.extract_strided_slice %get3A_125 {offsets = [0], sizes = [1], strides = [1]} : vector<16xi32> to vector<1xi32>
      %squeeze3A = vector.extract %slice3A[0] : i32 from vector<1xi32>
      %ge3A_126 = arith.constant 100000 : i32
      %ge3A_127 = arith.cmpi sge, %squeeze3A, %ge3A_126 : i32
      %convert_element_type3A_128 = arith.extui %ge3A_127 : i1 to i32
      %cond3A_129 = arith.constant 0 : i32
      %cond3A_130 = arith.cmpi ne, %convert_element_type3A_128, %cond3A_129 : i32
      scf.if %cond3A_130 {
        %sub3A_669 = arith.constant 100000 : i32
        %sub3A_670 = arith.subi %squeeze3A, %sub3A_669 : i32
        "tpu.region"() ({
          %run_scoped3A = tpu.sem_alloc : memref<!tpu.dma_semaphore, #tpu.memory_space<semaphore_mem>>
          %dma_start3A_671 = arith.constant 0 : i32
          %dma_start3A_672 = arith.constant 0 : i32
          %dma_start3A_673 = tpu.memref_slice %arg8[%dma_start3A_671, %dma_start3A_672] : memref<16x1024xf32, #tpu.memory_space<vmem>> -> memref<1x1024xf32, #tpu.memory_space<vmem>>
          %dma_start3A_674 = arith.constant 0 : i32
          %dma_start3A_675 = tpu.memref_slice %arg4[%sub3A_670, %dma_start3A_674] : memref<100x1024xf32, #tpu.memory_space<hbm>> -> memref<1x1024xf32, #tpu.memory_space<hbm>>
          %dma_start3A_676 = arith.constant 0 : i32
          %dma_start3A_677 = arith.constant 0 : i32
          %dma_start3A_678 = tpu.memref_slice %arg8[%dma_start3A_676, %dma_start3A_677] : memref<16x1024xf32, #tpu.memory_space<vmem>> -> memref<1x1024xf32, #tpu.memory_space<vmem>>
          %dma_start3A_679 = arith.constant 0 : i32
          %dma_start3A_680 = tpu.memref_slice %arg4[%sub3A_670, %dma_start3A_679] : memref<100x1024xf32, #tpu.memory_space<hbm>> -> memref<1x1024xf32, #tpu.memory_space<hbm>>
          tpu.enqueue_dma source(%dma_start3A_680 : memref<1x1024xf32, #tpu.memory_space<hbm>>) target(%dma_start3A_678 : memref<1x1024xf32, #tpu.memory_space<vmem>>) target_semaphore(%run_scoped3A : memref<!tpu.dma_semaphore, #tpu.memory_space<semaphore_mem>>)
          %dma_wait3A_681 = arith.constant 0 : i32
          %dma_wait3A_682 = arith.constant 0 : i32
          %dma_wait3A_683 = tpu.memref_slice %arg8[%dma_wait3A_681, %dma_wait3A_682] : memref<16x1024xf32, #tpu.memory_space<vmem>> -> memref<1x1024xf32, #tpu.memory_space<vmem>>
          %dma_wait3A_684 = arith.constant 0 : i32
          %dma_wait3A_685 = tpu.memref_slice %arg4[%sub3A_670, %dma_wait3A_684] : memref<100x1024xf32, #tpu.memory_space<hbm>> -> memref<1x1024xf32, #tpu.memory_space<hbm>>
          %dma_wait3A_686 = arith.constant 0 : i32
          %dma_wait3A_687 = arith.constant 0 : i32
          %dma_wait3A_688 = tpu.memref_slice %arg8[%dma_wait3A_686, %dma_wait3A_687] : memref<16x1024xf32, #tpu.memory_space<vmem>> -> memref<1x1024xf32, #tpu.memory_space<vmem>>
          %dma_wait3A_689 = arith.constant 0 : i32
          %dma_wait3A_690 = tpu.memref_slice %arg4[%sub3A_670, %dma_wait3A_689] : memref<100x1024xf32, #tpu.memory_space<hbm>> -> memref<1x1024xf32, #tpu.memory_space<hbm>>
          tpu.wait_dma2 semaphore(%run_scoped3A : memref<!tpu.dma_semaphore, #tpu.memory_space<semaphore_mem>>) src(%dma_wait3A_690 : memref<1x1024xf32, #tpu.memory_space<hbm>>) dst(%dma_wait3A_688 : memref<1x1024xf32, #tpu.memory_space<vmem>>)
          tpu.yield
        }) : () -> ()
      } else {
      }
      %slice3A_131 = vector.extract_strided_slice %get3A_125 {offsets = [1], sizes = [1], strides = [1]} : vector<16xi32> to vector<1xi32>
      %squeeze3A_132 = vector.extract %slice3A_131[0] : i32 from vector<1xi32>
      %ge3A_133 = arith.constant 100000 : i32
      %ge3A_134 = arith.cmpi sge, %squeeze3A_132, %ge3A_133 : i32
      %convert_element_type3A_135 = arith.extui %ge3A_134 : i1 to i32
      %cond3A_136 = arith.constant 0 : i32
      %cond3A_137 = arith.cmpi ne, %convert_element_type3A_135, %cond3A_136 : i32
      scf.if %cond3A_137 {
        %sub3A_669 = arith.constant 100000 : i32
        %sub3A_670 = arith.subi %squeeze3A_132, %sub3A_669 : i32
        "tpu.region"() ({
          %run_scoped3A = tpu.sem_alloc : memref<!tpu.dma_semaphore, #tpu.memory_space<semaphore_mem>>
          %dma_start3A_671 = arith.constant 1 : i32
          %dma_start3A_672 = arith.constant 0 : i32
          %dma_start3A_673 = tpu.memref_slice %arg8[%dma_start3A_671, %dma_start3A_672] : memref<16x1024xf32, #tpu.memory_space<vmem>> -> memref<1x1024xf32, #tpu.memory_space<vmem>>
          %dma_start3A_674 = arith.constant 0 : i32
          %dma_start3A_675 = tpu.memref_slice %arg4[%sub3A_670, %dma_start3A_674] : memref<100x1024xf32, #tpu.memory_space<hbm>> -> memref<1x1024xf32, #tpu.memory_space<hbm>>
          %dma_start3A_676 = arith.constant 1 : i32
          %dma_start3A_677 = arith.constant 0 : i32
          %dma_start3A_678 = tpu.memref_slice %arg8[%dma_start3A_676, %dma_start3A_677] : memref<16x1024xf32, #tpu.memory_space<vmem>> -> memref<1x1024xf32, #tpu.memory_space<vmem>>
          %dma_start3A_679 = arith.constant 0 : i32
          %dma_start3A_680 = tpu.memref_slice %arg4[%sub3A_670, %dma_start3A_679] : memref<100x1024xf32, #tpu.memory_space<hbm>> -> memref<1x1024xf32, #tpu.memory_space<hbm>>
          tpu.enqueue_dma source(%dma_start3A_680 : memref<1x1024xf32, #tpu.memory_space<hbm>>) target(%dma_start3A_678 : memref<1x1024xf32, #tpu.memory_space<vmem>>) target_semaphore(%run_scoped3A : memref<!tpu.dma_semaphore, #tpu.memory_space<semaphore_mem>>)
          %dma_wait3A_681 = arith.constant 1 : i32
          %dma_wait3A_682 = arith.constant 0 : i32
          %dma_wait3A_683 = tpu.memref_slice %arg8[%dma_wait3A_681, %dma_wait3A_682] : memref<16x1024xf32, #tpu.memory_space<vmem>> -> memref<1x1024xf32, #tpu.memory_space<vmem>>
          %dma_wait3A_684 = arith.constant 0 : i32
          %dma_wait3A_685 = tpu.memref_slice %arg4[%sub3A_670, %dma_wait3A_684] : memref<100x1024xf32, #tpu.memory_space<hbm>> -> memref<1x1024xf32, #tpu.memory_space<hbm>>
          %dma_wait3A_686 = arith.constant 1 : i32
          %dma_wait3A_687 = arith.constant 0 : i32
          %dma_wait3A_688 = tpu.memref_slice %arg8[%dma_wait3A_686, %dma_wait3A_687] : memref<16x1024xf32, #tpu.memory_space<vmem>> -> memref<1x1024xf32, #tpu.memory_space<vmem>>
          %dma_wait3A_689 = arith.constant 0 : i32
          %dma_wait3A_690 = tpu.memref_slice %arg4[%sub3A_670, %dma_wait3A_689] : memref<100x1024xf32, #tpu.memory_space<hbm>> -> memref<1x1024xf32, #tpu.memory_space<hbm>>
          tpu.wait_dma2 semaphore(%run_scoped3A : memref<!tpu.dma_semaphore, #tpu.memory_space<semaphore_mem>>) src(%dma_wait3A_690 : memref<1x1024xf32, #tpu.memory_space<hbm>>) dst(%dma_wait3A_688 : memref<1x1024xf32, #tpu.memory_space<vmem>>)
          tpu.yield
        }) : () -> ()
      } else {
      }
      %slice3A_138 = vector.extract_strided_slice %get3A_125 {offsets = [2], sizes = [1], strides = [1]} : vector<16xi32> to vector<1xi32>
      %squeeze3A_139 = vector.extract %slice3A_138[0] : i32 from vector<1xi32>
      %ge3A_140 = arith.constant 100000 : i32
      %ge3A_141 = arith.cmpi sge, %squeeze3A_139, %ge3A_140 : i32
      %convert_element_type3A_142 = arith.extui %ge3A_141 : i1 to i32
      %cond3A_143 = arith.constant 0 : i32
      %cond3A_144 = arith.cmpi ne, %convert_element_type3A_142, %cond3A_143 : i32
      scf.if %cond3A_144 {
        %sub3A_669 = arith.constant 100000 : i32
        %sub3A_670 = arith.subi %squeeze3A_139, %sub3A_669 : i32
        "tpu.region"() ({
          %run_scoped3A = tpu.sem_alloc : memref<!tpu.dma_semaphore, #tpu.memory_space<semaphore_mem>>
          %dma_start3A_671 = arith.constant 2 : i32
          %dma_start3A_672 = arith.constant 0 : i32
          %dma_start3A_673 = tpu.memref_slice %arg8[%dma_start3A_671, %dma_start3A_672] : memref<16x1024xf32, #tpu.memory_space<vmem>> -> memref<1x1024xf32, #tpu.memory_space<vmem>>
          %dma_start3A_674 = arith.constant 0 : i32
          %dma_start3A_675 = tpu.memref_slice %arg4[%sub3A_670, %dma_start3A_674] : memref<100x1024xf32, #tpu.memory_space<hbm>> -> memref<1x1024xf32, #tpu.memory_space<hbm>>
          %dma_start3A_676 = arith.constant 2 : i32
          %dma_start3A_677 = arith.constant 0 : i32
          %dma_start3A_678 = tpu.memref_slice %arg8[%dma_start3A_676, %dma_start3A_677] : memref<16x1024xf32, #tpu.memory_space<vmem>> -> memref<1x1024xf32, #tpu.memory_space<vmem>>
          %dma_start3A_679 = arith.constant 0 : i32
          %dma_start3A_680 = tpu.memref_slice %arg4[%sub3A_670, %dma_start3A_679] : memref<100x1024xf32, #tpu.memory_space<hbm>> -> memref<1x1024xf32, #tpu.memory_space<hbm>>
          tpu.enqueue_dma source(%dma_start3A_680 : memref<1x1024xf32, #tpu.memory_space<hbm>>) target(%dma_start3A_678 : memref<1x1024xf32, #tpu.memory_space<vmem>>) target_semaphore(%run_scoped3A : memref<!tpu.dma_semaphore, #tpu.memory_space<semaphore_mem>>)
          %dma_wait3A_681 = arith.constant 2 : i32
          %dma_wait3A_682 = arith.constant 0 : i32
          %dma_wait3A_683 = tpu.memref_slice %arg8[%dma_wait3A_681, %dma_wait3A_682] : memref<16x1024xf32, #tpu.memory_space<vmem>> -> memref<1x1024xf32, #tpu.memory_space<vmem>>
          %dma_wait3A_684 = arith.constant 0 : i32
          %dma_wait3A_685 = tpu.memref_slice %arg4[%sub3A_670, %dma_wait3A_684] : memref<100x1024xf32, #tpu.memory_space<hbm>> -> memref<1x1024xf32, #tpu.memory_space<hbm>>
          %dma_wait3A_686 = arith.constant 2 : i32
          %dma_wait3A_687 = arith.constant 0 : i32
          %dma_wait3A_688 = tpu.memref_slice %arg8[%dma_wait3A_686, %dma_wait3A_687] : memref<16x1024xf32, #tpu.memory_space<vmem>> -> memref<1x1024xf32, #tpu.memory_space<vmem>>
          %dma_wait3A_689 = arith.constant 0 : i32
          %dma_wait3A_690 = tpu.memref_slice %arg4[%sub3A_670, %dma_wait3A_689] : memref<100x1024xf32, #tpu.memory_space<hbm>> -> memref<1x1024xf32, #tpu.memory_space<hbm>>
          tpu.wait_dma2 semaphore(%run_scoped3A : memref<!tpu.dma_semaphore, #tpu.memory_space<semaphore_mem>>) src(%dma_wait3A_690 : memref<1x1024xf32, #tpu.memory_space<hbm>>) dst(%dma_wait3A_688 : memref<1x1024xf32, #tpu.memory_space<vmem>>)
          tpu.yield
        }) : () -> ()
      } else {
      }
      %slice3A_145 = vector.extract_strided_slice %get3A_125 {offsets = [3], sizes = [1], strides = [1]} : vector<16xi32> to vector<1xi32>
      %squeeze3A_146 = vector.extract %slice3A_145[0] : i32 from vector<1xi32>
      %ge3A_147 = arith.constant 100000 : i32
      %ge3A_148 = arith.cmpi sge, %squeeze3A_146, %ge3A_147 : i32
      %convert_element_type3A_149 = arith.extui %ge3A_148 : i1 to i32
      %cond3A_150 = arith.constant 0 : i32
      %cond3A_151 = arith.cmpi ne, %convert_element_type3A_149, %cond3A_150 : i32
      scf.if %cond3A_151 {
        %sub3A_669 = arith.constant 100000 : i32
        %sub3A_670 = arith.subi %squeeze3A_146, %sub3A_669 : i32
        "tpu.region"() ({
          %run_scoped3A = tpu.sem_alloc : memref<!tpu.dma_semaphore, #tpu.memory_space<semaphore_mem>>
          %dma_start3A_671 = arith.constant 3 : i32
          %dma_start3A_672 = arith.constant 0 : i32
          %dma_start3A_673 = tpu.memref_slice %arg8[%dma_start3A_671, %dma_start3A_672] : memref<16x1024xf32, #tpu.memory_space<vmem>> -> memref<1x1024xf32, #tpu.memory_space<vmem>>
          %dma_start3A_674 = arith.constant 0 : i32
          %dma_start3A_675 = tpu.memref_slice %arg4[%sub3A_670, %dma_start3A_674] : memref<100x1024xf32, #tpu.memory_space<hbm>> -> memref<1x1024xf32, #tpu.memory_space<hbm>>
          %dma_start3A_676 = arith.constant 3 : i32
          %dma_start3A_677 = arith.constant 0 : i32
          %dma_start3A_678 = tpu.memref_slice %arg8[%dma_start3A_676, %dma_start3A_677] : memref<16x1024xf32, #tpu.memory_space<vmem>> -> memref<1x1024xf32, #tpu.memory_space<vmem>>
          %dma_start3A_679 = arith.constant 0 : i32
          %dma_start3A_680 = tpu.memref_slice %arg4[%sub3A_670, %dma_start3A_679] : memref<100x1024xf32, #tpu.memory_space<hbm>> -> memref<1x1024xf32, #tpu.memory_space<hbm>>
          tpu.enqueue_dma source(%dma_start3A_680 : memref<1x1024xf32, #tpu.memory_space<hbm>>) target(%dma_start3A_678 : memref<1x1024xf32, #tpu.memory_space<vmem>>) target_semaphore(%run_scoped3A : memref<!tpu.dma_semaphore, #tpu.memory_space<semaphore_mem>>)
          %dma_wait3A_681 = arith.constant 3 : i32
          %dma_wait3A_682 = arith.constant 0 : i32
          %dma_wait3A_683 = tpu.memref_slice %arg8[%dma_wait3A_681, %dma_wait3A_682] : memref<16x1024xf32, #tpu.memory_space<vmem>> -> memref<1x1024xf32, #tpu.memory_space<vmem>>
          %dma_wait3A_684 = arith.constant 0 : i32
          %dma_wait3A_685 = tpu.memref_slice %arg4[%sub3A_670, %dma_wait3A_684] : memref<100x1024xf32, #tpu.memory_space<hbm>> -> memref<1x1024xf32, #tpu.memory_space<hbm>>
          %dma_wait3A_686 = arith.constant 3 : i32
          %dma_wait3A_687 = arith.constant 0 : i32
          %dma_wait3A_688 = tpu.memref_slice %arg8[%dma_wait3A_686, %dma_wait3A_687] : memref<16x1024xf32, #tpu.memory_space<vmem>> -> memref<1x1024xf32, #tpu.memory_space<vmem>>
          %dma_wait3A_689 = arith.constant 0 : i32
          %dma_wait3A_690 = tpu.memref_slice %arg4[%sub3A_670, %dma_wait3A_689] : memref<100x1024xf32, #tpu.memory_space<hbm>> -> memref<1x1024xf32, #tpu.memory_space<hbm>>
          tpu.wait_dma2 semaphore(%run_scoped3A : memref<!tpu.dma_semaphore, #tpu.memory_space<semaphore_mem>>) src(%dma_wait3A_690 : memref<1x1024xf32, #tpu.memory_space<hbm>>) dst(%dma_wait3A_688 : memref<1x1024xf32, #tpu.memory_space<vmem>>)
          tpu.yield
        }) : () -> ()
      } else {
      }
      %slice3A_152 = vector.extract_strided_slice %get3A_125 {offsets = [4], sizes = [1], strides = [1]} : vector<16xi32> to vector<1xi32>
      %squeeze3A_153 = vector.extract %slice3A_152[0] : i32 from vector<1xi32>
      %ge3A_154 = arith.constant 100000 : i32
      %ge3A_155 = arith.cmpi sge, %squeeze3A_153, %ge3A_154 : i32
      %convert_element_type3A_156 = arith.extui %ge3A_155 : i1 to i32
      %cond3A_157 = arith.constant 0 : i32
      %cond3A_158 = arith.cmpi ne, %convert_element_type3A_156, %cond3A_157 : i32
      scf.if %cond3A_158 {
        %sub3A_669 = arith.constant 100000 : i32
        %sub3A_670 = arith.subi %squeeze3A_153, %sub3A_669 : i32
        "tpu.region"() ({
          %run_scoped3A = tpu.sem_alloc : memref<!tpu.dma_semaphore, #tpu.memory_space<semaphore_mem>>
          %dma_start3A_671 = arith.constant 4 : i32
          %dma_start3A_672 = arith.constant 0 : i32
          %dma_start3A_673 = tpu.memref_slice %arg8[%dma_start3A_671, %dma_start3A_672] : memref<16x1024xf32, #tpu.memory_space<vmem>> -> memref<1x1024xf32, #tpu.memory_space<vmem>>
          %dma_start3A_674 = arith.constant 0 : i32
          %dma_start3A_675 = tpu.memref_slice %arg4[%sub3A_670, %dma_start3A_674] : memref<100x1024xf32, #tpu.memory_space<hbm>> -> memref<1x1024xf32, #tpu.memory_space<hbm>>
          %dma_start3A_676 = arith.constant 4 : i32
          %dma_start3A_677 = arith.constant 0 : i32
          %dma_start3A_678 = tpu.memref_slice %arg8[%dma_start3A_676, %dma_start3A_677] : memref<16x1024xf32, #tpu.memory_space<vmem>> -> memref<1x1024xf32, #tpu.memory_space<vmem>>
          %dma_start3A_679 = arith.constant 0 : i32
          %dma_start3A_680 = tpu.memref_slice %arg4[%sub3A_670, %dma_start3A_679] : memref<100x1024xf32, #tpu.memory_space<hbm>> -> memref<1x1024xf32, #tpu.memory_space<hbm>>
          tpu.enqueue_dma source(%dma_start3A_680 : memref<1x1024xf32, #tpu.memory_space<hbm>>) target(%dma_start3A_678 : memref<1x1024xf32, #tpu.memory_space<vmem>>) target_semaphore(%run_scoped3A : memref<!tpu.dma_semaphore, #tpu.memory_space<semaphore_mem>>)
          %dma_wait3A_681 = arith.constant 4 : i32
          %dma_wait3A_682 = arith.constant 0 : i32
          %dma_wait3A_683 = tpu.memref_slice %arg8[%dma_wait3A_681, %dma_wait3A_682] : memref<16x1024xf32, #tpu.memory_space<vmem>> -> memref<1x1024xf32, #tpu.memory_space<vmem>>
          %dma_wait3A_684 = arith.constant 0 : i32
          %dma_wait3A_685 = tpu.memref_slice %arg4[%sub3A_670, %dma_wait3A_684] : memref<100x1024xf32, #tpu.memory_space<hbm>> -> memref<1x1024xf32, #tpu.memory_space<hbm>>
          %dma_wait3A_686 = arith.constant 4 : i32
          %dma_wait3A_687 = arith.constant 0 : i32
          %dma_wait3A_688 = tpu.memref_slice %arg8[%dma_wait3A_686, %dma_wait3A_687] : memref<16x1024xf32, #tpu.memory_space<vmem>> -> memref<1x1024xf32, #tpu.memory_space<vmem>>
          %dma_wait3A_689 = arith.constant 0 : i32
          %dma_wait3A_690 = tpu.memref_slice %arg4[%sub3A_670, %dma_wait3A_689] : memref<100x1024xf32, #tpu.memory_space<hbm>> -> memref<1x1024xf32, #tpu.memory_space<hbm>>
          tpu.wait_dma2 semaphore(%run_scoped3A : memref<!tpu.dma_semaphore, #tpu.memory_space<semaphore_mem>>) src(%dma_wait3A_690 : memref<1x1024xf32, #tpu.memory_space<hbm>>) dst(%dma_wait3A_688 : memref<1x1024xf32, #tpu.memory_space<vmem>>)
          tpu.yield
        }) : () -> ()
      } else {
      }
      %slice3A_159 = vector.extract_strided_slice %get3A_125 {offsets = [5], sizes = [1], strides = [1]} : vector<16xi32> to vector<1xi32>
      %squeeze3A_160 = vector.extract %slice3A_159[0] : i32 from vector<1xi32>
      %ge3A_161 = arith.constant 100000 : i32
      %ge3A_162 = arith.cmpi sge, %squeeze3A_160, %ge3A_161 : i32
      %convert_element_type3A_163 = arith.extui %ge3A_162 : i1 to i32
      %cond3A_164 = arith.constant 0 : i32
      %cond3A_165 = arith.cmpi ne, %convert_element_type3A_163, %cond3A_164 : i32
      scf.if %cond3A_165 {
        %sub3A_669 = arith.constant 100000 : i32
        %sub3A_670 = arith.subi %squeeze3A_160, %sub3A_669 : i32
        "tpu.region"() ({
          %run_scoped3A = tpu.sem_alloc : memref<!tpu.dma_semaphore, #tpu.memory_space<semaphore_mem>>
          %dma_start3A_671 = arith.constant 5 : i32
          %dma_start3A_672 = arith.constant 0 : i32
          %dma_start3A_673 = tpu.memref_slice %arg8[%dma_start3A_671, %dma_start3A_672] : memref<16x1024xf32, #tpu.memory_space<vmem>> -> memref<1x1024xf32, #tpu.memory_space<vmem>>
          %dma_start3A_674 = arith.constant 0 : i32
          %dma_start3A_675 = tpu.memref_slice %arg4[%sub3A_670, %dma_start3A_674] : memref<100x1024xf32, #tpu.memory_space<hbm>> -> memref<1x1024xf32, #tpu.memory_space<hbm>>
          %dma_start3A_676 = arith.constant 5 : i32
          %dma_start3A_677 = arith.constant 0 : i32
          %dma_start3A_678 = tpu.memref_slice %arg8[%dma_start3A_676, %dma_start3A_677] : memref<16x1024xf32, #tpu.memory_space<vmem>> -> memref<1x1024xf32, #tpu.memory_space<vmem>>
          %dma_start3A_679 = arith.constant 0 : i32
          %dma_start3A_680 = tpu.memref_slice %arg4[%sub3A_670, %dma_start3A_679] : memref<100x1024xf32, #tpu.memory_space<hbm>> -> memref<1x1024xf32, #tpu.memory_space<hbm>>
          tpu.enqueue_dma source(%dma_start3A_680 : memref<1x1024xf32, #tpu.memory_space<hbm>>) target(%dma_start3A_678 : memref<1x1024xf32, #tpu.memory_space<vmem>>) target_semaphore(%run_scoped3A : memref<!tpu.dma_semaphore, #tpu.memory_space<semaphore_mem>>)
          %dma_wait3A_681 = arith.constant 5 : i32
          %dma_wait3A_682 = arith.constant 0 : i32
          %dma_wait3A_683 = tpu.memref_slice %arg8[%dma_wait3A_681, %dma_wait3A_682] : memref<16x1024xf32, #tpu.memory_space<vmem>> -> memref<1x1024xf32, #tpu.memory_space<vmem>>
          %dma_wait3A_684 = arith.constant 0 : i32
          %dma_wait3A_685 = tpu.memref_slice %arg4[%sub3A_670, %dma_wait3A_684] : memref<100x1024xf32, #tpu.memory_space<hbm>> -> memref<1x1024xf32, #tpu.memory_space<hbm>>
          %dma_wait3A_686 = arith.constant 5 : i32
          %dma_wait3A_687 = arith.constant 0 : i32
          %dma_wait3A_688 = tpu.memref_slice %arg8[%dma_wait3A_686, %dma_wait3A_687] : memref<16x1024xf32, #tpu.memory_space<vmem>> -> memref<1x1024xf32, #tpu.memory_space<vmem>>
          %dma_wait3A_689 = arith.constant 0 : i32
          %dma_wait3A_690 = tpu.memref_slice %arg4[%sub3A_670, %dma_wait3A_689] : memref<100x1024xf32, #tpu.memory_space<hbm>> -> memref<1x1024xf32, #tpu.memory_space<hbm>>
          tpu.wait_dma2 semaphore(%run_scoped3A : memref<!tpu.dma_semaphore, #tpu.memory_space<semaphore_mem>>) src(%dma_wait3A_690 : memref<1x1024xf32, #tpu.memory_space<hbm>>) dst(%dma_wait3A_688 : memref<1x1024xf32, #tpu.memory_space<vmem>>)
          tpu.yield
        }) : () -> ()
      } else {
      }
      %slice3A_166 = vector.extract_strided_slice %get3A_125 {offsets = [6], sizes = [1], strides = [1]} : vector<16xi32> to vector<1xi32>
      %squeeze3A_167 = vector.extract %slice3A_166[0] : i32 from vector<1xi32>
      %ge3A_168 = arith.constant 100000 : i32
      %ge3A_169 = arith.cmpi sge, %squeeze3A_167, %ge3A_168 : i32
      %convert_element_type3A_170 = arith.extui %ge3A_169 : i1 to i32
      %cond3A_171 = arith.constant 0 : i32
      %cond3A_172 = arith.cmpi ne, %convert_element_type3A_170, %cond3A_171 : i32
      scf.if %cond3A_172 {
        %sub3A_669 = arith.constant 100000 : i32
        %sub3A_670 = arith.subi %squeeze3A_167, %sub3A_669 : i32
        "tpu.region"() ({
          %run_scoped3A = tpu.sem_alloc : memref<!tpu.dma_semaphore, #tpu.memory_space<semaphore_mem>>
          %dma_start3A_671 = arith.constant 6 : i32
          %dma_start3A_672 = arith.constant 0 : i32
          %dma_start3A_673 = tpu.memref_slice %arg8[%dma_start3A_671, %dma_start3A_672] : memref<16x1024xf32, #tpu.memory_space<vmem>> -> memref<1x1024xf32, #tpu.memory_space<vmem>>
          %dma_start3A_674 = arith.constant 0 : i32
          %dma_start3A_675 = tpu.memref_slice %arg4[%sub3A_670, %dma_start3A_674] : memref<100x1024xf32, #tpu.memory_space<hbm>> -> memref<1x1024xf32, #tpu.memory_space<hbm>>
          %dma_start3A_676 = arith.constant 6 : i32
          %dma_start3A_677 = arith.constant 0 : i32
          %dma_start3A_678 = tpu.memref_slice %arg8[%dma_start3A_676, %dma_start3A_677] : memref<16x1024xf32, #tpu.memory_space<vmem>> -> memref<1x1024xf32, #tpu.memory_space<vmem>>
          %dma_start3A_679 = arith.constant 0 : i32
          %dma_start3A_680 = tpu.memref_slice %arg4[%sub3A_670, %dma_start3A_679] : memref<100x1024xf32, #tpu.memory_space<hbm>> -> memref<1x1024xf32, #tpu.memory_space<hbm>>
          tpu.enqueue_dma source(%dma_start3A_680 : memref<1x1024xf32, #tpu.memory_space<hbm>>) target(%dma_start3A_678 : memref<1x1024xf32, #tpu.memory_space<vmem>>) target_semaphore(%run_scoped3A : memref<!tpu.dma_semaphore, #tpu.memory_space<semaphore_mem>>)
          %dma_wait3A_681 = arith.constant 6 : i32
          %dma_wait3A_682 = arith.constant 0 : i32
          %dma_wait3A_683 = tpu.memref_slice %arg8[%dma_wait3A_681, %dma_wait3A_682] : memref<16x1024xf32, #tpu.memory_space<vmem>> -> memref<1x1024xf32, #tpu.memory_space<vmem>>
          %dma_wait3A_684 = arith.constant 0 : i32
          %dma_wait3A_685 = tpu.memref_slice %arg4[%sub3A_670, %dma_wait3A_684] : memref<100x1024xf32, #tpu.memory_space<hbm>> -> memref<1x1024xf32, #tpu.memory_space<hbm>>
          %dma_wait3A_686 = arith.constant 6 : i32
          %dma_wait3A_687 = arith.constant 0 : i32
          %dma_wait3A_688 = tpu.memref_slice %arg8[%dma_wait3A_686, %dma_wait3A_687] : memref<16x1024xf32, #tpu.memory_space<vmem>> -> memref<1x1024xf32, #tpu.memory_space<vmem>>
          %dma_wait3A_689 = arith.constant 0 : i32
          %dma_wait3A_690 = tpu.memref_slice %arg4[%sub3A_670, %dma_wait3A_689] : memref<100x1024xf32, #tpu.memory_space<hbm>> -> memref<1x1024xf32, #tpu.memory_space<hbm>>
          tpu.wait_dma2 semaphore(%run_scoped3A : memref<!tpu.dma_semaphore, #tpu.memory_space<semaphore_mem>>) src(%dma_wait3A_690 : memref<1x1024xf32, #tpu.memory_space<hbm>>) dst(%dma_wait3A_688 : memref<1x1024xf32, #tpu.memory_space<vmem>>)
          tpu.yield
        }) : () -> ()
      } else {
      }
      %slice3A_173 = vector.extract_strided_slice %get3A_125 {offsets = [7], sizes = [1], strides = [1]} : vector<16xi32> to vector<1xi32>
      %squeeze3A_174 = vector.extract %slice3A_173[0] : i32 from vector<1xi32>
      %ge3A_175 = arith.constant 100000 : i32
      %ge3A_176 = arith.cmpi sge, %squeeze3A_174, %ge3A_175 : i32
      %convert_element_type3A_177 = arith.extui %ge3A_176 : i1 to i32
      %cond3A_178 = arith.constant 0 : i32
      %cond3A_179 = arith.cmpi ne, %convert_element_type3A_177, %cond3A_178 : i32
      scf.if %cond3A_179 {
        %sub3A_669 = arith.constant 100000 : i32
        %sub3A_670 = arith.subi %squeeze3A_174, %sub3A_669 : i32
        "tpu.region"() ({
          %run_scoped3A = tpu.sem_alloc : memref<!tpu.dma_semaphore, #tpu.memory_space<semaphore_mem>>
          %dma_start3A_671 = arith.constant 7 : i32
          %dma_start3A_672 = arith.constant 0 : i32
          %dma_start3A_673 = tpu.memref_slice %arg8[%dma_start3A_671, %dma_start3A_672] : memref<16x1024xf32, #tpu.memory_space<vmem>> -> memref<1x1024xf32, #tpu.memory_space<vmem>>
          %dma_start3A_674 = arith.constant 0 : i32
          %dma_start3A_675 = tpu.memref_slice %arg4[%sub3A_670, %dma_start3A_674] : memref<100x1024xf32, #tpu.memory_space<hbm>> -> memref<1x1024xf32, #tpu.memory_space<hbm>>
          %dma_start3A_676 = arith.constant 7 : i32
          %dma_start3A_677 = arith.constant 0 : i32
          %dma_start3A_678 = tpu.memref_slice %arg8[%dma_start3A_676, %dma_start3A_677] : memref<16x1024xf32, #tpu.memory_space<vmem>> -> memref<1x1024xf32, #tpu.memory_space<vmem>>
          %dma_start3A_679 = arith.constant 0 : i32
          %dma_start3A_680 = tpu.memref_slice %arg4[%sub3A_670, %dma_start3A_679] : memref<100x1024xf32, #tpu.memory_space<hbm>> -> memref<1x1024xf32, #tpu.memory_space<hbm>>
          tpu.enqueue_dma source(%dma_start3A_680 : memref<1x1024xf32, #tpu.memory_space<hbm>>) target(%dma_start3A_678 : memref<1x1024xf32, #tpu.memory_space<vmem>>) target_semaphore(%run_scoped3A : memref<!tpu.dma_semaphore, #tpu.memory_space<semaphore_mem>>)
          %dma_wait3A_681 = arith.constant 7 : i32
          %dma_wait3A_682 = arith.constant 0 : i32
          %dma_wait3A_683 = tpu.memref_slice %arg8[%dma_wait3A_681, %dma_wait3A_682] : memref<16x1024xf32, #tpu.memory_space<vmem>> -> memref<1x1024xf32, #tpu.memory_space<vmem>>
          %dma_wait3A_684 = arith.constant 0 : i32
          %dma_wait3A_685 = tpu.memref_slice %arg4[%sub3A_670, %dma_wait3A_684] : memref<100x1024xf32, #tpu.memory_space<hbm>> -> memref<1x1024xf32, #tpu.memory_space<hbm>>
          %dma_wait3A_686 = arith.constant 7 : i32
          %dma_wait3A_687 = arith.constant 0 : i32
          %dma_wait3A_688 = tpu.memref_slice %arg8[%dma_wait3A_686, %dma_wait3A_687] : memref<16x1024xf32, #tpu.memory_space<vmem>> -> memref<1x1024xf32, #tpu.memory_space<vmem>>
          %dma_wait3A_689 = arith.constant 0 : i32
          %dma_wait3A_690 = tpu.memref_slice %arg4[%sub3A_670, %dma_wait3A_689] : memref<100x1024xf32, #tpu.memory_space<hbm>> -> memref<1x1024xf32, #tpu.memory_space<hbm>>
          tpu.wait_dma2 semaphore(%run_scoped3A : memref<!tpu.dma_semaphore, #tpu.memory_space<semaphore_mem>>) src(%dma_wait3A_690 : memref<1x1024xf32, #tpu.memory_space<hbm>>) dst(%dma_wait3A_688 : memref<1x1024xf32, #tpu.memory_space<vmem>>)
          tpu.yield
        }) : () -> ()
      } else {
      }
      %slice3A_180 = vector.extract_strided_slice %get3A_125 {offsets = [8], sizes = [1], strides = [1]} : vector<16xi32> to vector<1xi32>
      %squeeze3A_181 = vector.extract %slice3A_180[0] : i32 from vector<1xi32>
      %ge3A_182 = arith.constant 100000 : i32
      %ge3A_183 = arith.cmpi sge, %squeeze3A_181, %ge3A_182 : i32
      %convert_element_type3A_184 = arith.extui %ge3A_183 : i1 to i32
      %cond3A_185 = arith.constant 0 : i32
      %cond3A_186 = arith.cmpi ne, %convert_element_type3A_184, %cond3A_185 : i32
      scf.if %cond3A_186 {
        %sub3A_669 = arith.constant 100000 : i32
        %sub3A_670 = arith.subi %squeeze3A_181, %sub3A_669 : i32
        "tpu.region"() ({
          %run_scoped3A = tpu.sem_alloc : memref<!tpu.dma_semaphore, #tpu.memory_space<semaphore_mem>>
          %dma_start3A_671 = arith.constant 8 : i32
          %dma_start3A_672 = arith.constant 0 : i32
          %dma_start3A_673 = tpu.memref_slice %arg8[%dma_start3A_671, %dma_start3A_672] : memref<16x1024xf32, #tpu.memory_space<vmem>> -> memref<1x1024xf32, #tpu.memory_space<vmem>>
          %dma_start3A_674 = arith.constant 0 : i32
          %dma_start3A_675 = tpu.memref_slice %arg4[%sub3A_670, %dma_start3A_674] : memref<100x1024xf32, #tpu.memory_space<hbm>> -> memref<1x1024xf32, #tpu.memory_space<hbm>>
          %dma_start3A_676 = arith.constant 8 : i32
          %dma_start3A_677 = arith.constant 0 : i32
          %dma_start3A_678 = tpu.memref_slice %arg8[%dma_start3A_676, %dma_start3A_677] : memref<16x1024xf32, #tpu.memory_space<vmem>> -> memref<1x1024xf32, #tpu.memory_space<vmem>>
          %dma_start3A_679 = arith.constant 0 : i32
          %dma_start3A_680 = tpu.memref_slice %arg4[%sub3A_670, %dma_start3A_679] : memref<100x1024xf32, #tpu.memory_space<hbm>> -> memref<1x1024xf32, #tpu.memory_space<hbm>>
          tpu.enqueue_dma source(%dma_start3A_680 : memref<1x1024xf32, #tpu.memory_space<hbm>>) target(%dma_start3A_678 : memref<1x1024xf32, #tpu.memory_space<vmem>>) target_semaphore(%run_scoped3A : memref<!tpu.dma_semaphore, #tpu.memory_space<semaphore_mem>>)
          %dma_wait3A_681 = arith.constant 8 : i32
          %dma_wait3A_682 = arith.constant 0 : i32
          %dma_wait3A_683 = tpu.memref_slice %arg8[%dma_wait3A_681, %dma_wait3A_682] : memref<16x1024xf32, #tpu.memory_space<vmem>> -> memref<1x1024xf32, #tpu.memory_space<vmem>>
          %dma_wait3A_684 = arith.constant 0 : i32
          %dma_wait3A_685 = tpu.memref_slice %arg4[%sub3A_670, %dma_wait3A_684] : memref<100x1024xf32, #tpu.memory_space<hbm>> -> memref<1x1024xf32, #tpu.memory_space<hbm>>
          %dma_wait3A_686 = arith.constant 8 : i32
          %dma_wait3A_687 = arith.constant 0 : i32
          %dma_wait3A_688 = tpu.memref_slice %arg8[%dma_wait3A_686, %dma_wait3A_687] : memref<16x1024xf32, #tpu.memory_space<vmem>> -> memref<1x1024xf32, #tpu.memory_space<vmem>>
          %dma_wait3A_689 = arith.constant 0 : i32
          %dma_wait3A_690 = tpu.memref_slice %arg4[%sub3A_670, %dma_wait3A_689] : memref<100x1024xf32, #tpu.memory_space<hbm>> -> memref<1x1024xf32, #tpu.memory_space<hbm>>
          tpu.wait_dma2 semaphore(%run_scoped3A : memref<!tpu.dma_semaphore, #tpu.memory_space<semaphore_mem>>) src(%dma_wait3A_690 : memref<1x1024xf32, #tpu.memory_space<hbm>>) dst(%dma_wait3A_688 : memref<1x1024xf32, #tpu.memory_space<vmem>>)
          tpu.yield
        }) : () -> ()
      } else {
      }
      %slice3A_187 = vector.extract_strided_slice %get3A_125 {offsets = [9], sizes = [1], strides = [1]} : vector<16xi32> to vector<1xi32>
      %squeeze3A_188 = vector.extract %slice3A_187[0] : i32 from vector<1xi32>
      %ge3A_189 = arith.constant 100000 : i32
      %ge3A_190 = arith.cmpi sge, %squeeze3A_188, %ge3A_189 : i32
      %convert_element_type3A_191 = arith.extui %ge3A_190 : i1 to i32
      %cond3A_192 = arith.constant 0 : i32
      %cond3A_193 = arith.cmpi ne, %convert_element_type3A_191, %cond3A_192 : i32
      scf.if %cond3A_193 {
        %sub3A_669 = arith.constant 100000 : i32
        %sub3A_670 = arith.subi %squeeze3A_188, %sub3A_669 : i32
        "tpu.region"() ({
          %run_scoped3A = tpu.sem_alloc : memref<!tpu.dma_semaphore, #tpu.memory_space<semaphore_mem>>
          %dma_start3A_671 = arith.constant 9 : i32
          %dma_start3A_672 = arith.constant 0 : i32
          %dma_start3A_673 = tpu.memref_slice %arg8[%dma_start3A_671, %dma_start3A_672] : memref<16x1024xf32, #tpu.memory_space<vmem>> -> memref<1x1024xf32, #tpu.memory_space<vmem>>
          %dma_start3A_674 = arith.constant 0 : i32
          %dma_start3A_675 = tpu.memref_slice %arg4[%sub3A_670, %dma_start3A_674] : memref<100x1024xf32, #tpu.memory_space<hbm>> -> memref<1x1024xf32, #tpu.memory_space<hbm>>
          %dma_start3A_676 = arith.constant 9 : i32
          %dma_start3A_677 = arith.constant 0 : i32
          %dma_start3A_678 = tpu.memref_slice %arg8[%dma_start3A_676, %dma_start3A_677] : memref<16x1024xf32, #tpu.memory_space<vmem>> -> memref<1x1024xf32, #tpu.memory_space<vmem>>
          %dma_start3A_679 = arith.constant 0 : i32
          %dma_start3A_680 = tpu.memref_slice %arg4[%sub3A_670, %dma_start3A_679] : memref<100x1024xf32, #tpu.memory_space<hbm>> -> memref<1x1024xf32, #tpu.memory_space<hbm>>
          tpu.enqueue_dma source(%dma_start3A_680 : memref<1x1024xf32, #tpu.memory_space<hbm>>) target(%dma_start3A_678 : memref<1x1024xf32, #tpu.memory_space<vmem>>) target_semaphore(%run_scoped3A : memref<!tpu.dma_semaphore, #tpu.memory_space<semaphore_mem>>)
          %dma_wait3A_681 = arith.constant 9 : i32
          %dma_wait3A_682 = arith.constant 0 : i32
          %dma_wait3A_683 = tpu.memref_slice %arg8[%dma_wait3A_681, %dma_wait3A_682] : memref<16x1024xf32, #tpu.memory_space<vmem>> -> memref<1x1024xf32, #tpu.memory_space<vmem>>
          %dma_wait3A_684 = arith.constant 0 : i32
          %dma_wait3A_685 = tpu.memref_slice %arg4[%sub3A_670, %dma_wait3A_684] : memref<100x1024xf32, #tpu.memory_space<hbm>> -> memref<1x1024xf32, #tpu.memory_space<hbm>>
          %dma_wait3A_686 = arith.constant 9 : i32
          %dma_wait3A_687 = arith.constant 0 : i32
          %dma_wait3A_688 = tpu.memref_slice %arg8[%dma_wait3A_686, %dma_wait3A_687] : memref<16x1024xf32, #tpu.memory_space<vmem>> -> memref<1x1024xf32, #tpu.memory_space<vmem>>
          %dma_wait3A_689 = arith.constant 0 : i32
          %dma_wait3A_690 = tpu.memref_slice %arg4[%sub3A_670, %dma_wait3A_689] : memref<100x1024xf32, #tpu.memory_space<hbm>> -> memref<1x1024xf32, #tpu.memory_space<hbm>>
          tpu.wait_dma2 semaphore(%run_scoped3A : memref<!tpu.dma_semaphore, #tpu.memory_space<semaphore_mem>>) src(%dma_wait3A_690 : memref<1x1024xf32, #tpu.memory_space<hbm>>) dst(%dma_wait3A_688 : memref<1x1024xf32, #tpu.memory_space<vmem>>)
          tpu.yield
        }) : () -> ()
      } else {
      }
      %slice3A_194 = vector.extract_strided_slice %get3A_125 {offsets = [10], sizes = [1], strides = [1]} : vector<16xi32> to vector<1xi32>
      %squeeze3A_195 = vector.extract %slice3A_194[0] : i32 from vector<1xi32>
      %ge3A_196 = arith.constant 100000 : i32
      %ge3A_197 = arith.cmpi sge, %squeeze3A_195, %ge3A_196 : i32
      %convert_element_type3A_198 = arith.extui %ge3A_197 : i1 to i32
      %cond3A_199 = arith.constant 0 : i32
      %cond3A_200 = arith.cmpi ne, %convert_element_type3A_198, %cond3A_199 : i32
      scf.if %cond3A_200 {
        %sub3A_669 = arith.constant 100000 : i32
        %sub3A_670 = arith.subi %squeeze3A_195, %sub3A_669 : i32
        "tpu.region"() ({
          %run_scoped3A = tpu.sem_alloc : memref<!tpu.dma_semaphore, #tpu.memory_space<semaphore_mem>>
          %dma_start3A_671 = arith.constant 10 : i32
          %dma_start3A_672 = arith.constant 0 : i32
          %dma_start3A_673 = tpu.memref_slice %arg8[%dma_start3A_671, %dma_start3A_672] : memref<16x1024xf32, #tpu.memory_space<vmem>> -> memref<1x1024xf32, #tpu.memory_space<vmem>>
          %dma_start3A_674 = arith.constant 0 : i32
          %dma_start3A_675 = tpu.memref_slice %arg4[%sub3A_670, %dma_start3A_674] : memref<100x1024xf32, #tpu.memory_space<hbm>> -> memref<1x1024xf32, #tpu.memory_space<hbm>>
          %dma_start3A_676 = arith.constant 10 : i32
          %dma_start3A_677 = arith.constant 0 : i32
          %dma_start3A_678 = tpu.memref_slice %arg8[%dma_start3A_676, %dma_start3A_677] : memref<16x1024xf32, #tpu.memory_space<vmem>> -> memref<1x1024xf32, #tpu.memory_space<vmem>>
          %dma_start3A_679 = arith.constant 0 : i32
          %dma_start3A_680 = tpu.memref_slice %arg4[%sub3A_670, %dma_start3A_679] : memref<100x1024xf32, #tpu.memory_space<hbm>> -> memref<1x1024xf32, #tpu.memory_space<hbm>>
          tpu.enqueue_dma source(%dma_start3A_680 : memref<1x1024xf32, #tpu.memory_space<hbm>>) target(%dma_start3A_678 : memref<1x1024xf32, #tpu.memory_space<vmem>>) target_semaphore(%run_scoped3A : memref<!tpu.dma_semaphore, #tpu.memory_space<semaphore_mem>>)
          %dma_wait3A_681 = arith.constant 10 : i32
          %dma_wait3A_682 = arith.constant 0 : i32
          %dma_wait3A_683 = tpu.memref_slice %arg8[%dma_wait3A_681, %dma_wait3A_682] : memref<16x1024xf32, #tpu.memory_space<vmem>> -> memref<1x1024xf32, #tpu.memory_space<vmem>>
          %dma_wait3A_684 = arith.constant 0 : i32
          %dma_wait3A_685 = tpu.memref_slice %arg4[%sub3A_670, %dma_wait3A_684] : memref<100x1024xf32, #tpu.memory_space<hbm>> -> memref<1x1024xf32, #tpu.memory_space<hbm>>
          %dma_wait3A_686 = arith.constant 10 : i32
          %dma_wait3A_687 = arith.constant 0 : i32
          %dma_wait3A_688 = tpu.memref_slice %arg8[%dma_wait3A_686, %dma_wait3A_687] : memref<16x1024xf32, #tpu.memory_space<vmem>> -> memref<1x1024xf32, #tpu.memory_space<vmem>>
          %dma_wait3A_689 = arith.constant 0 : i32
          %dma_wait3A_690 = tpu.memref_slice %arg4[%sub3A_670, %dma_wait3A_689] : memref<100x1024xf32, #tpu.memory_space<hbm>> -> memref<1x1024xf32, #tpu.memory_space<hbm>>
          tpu.wait_dma2 semaphore(%run_scoped3A : memref<!tpu.dma_semaphore, #tpu.memory_space<semaphore_mem>>) src(%dma_wait3A_690 : memref<1x1024xf32, #tpu.memory_space<hbm>>) dst(%dma_wait3A_688 : memref<1x1024xf32, #tpu.memory_space<vmem>>)
          tpu.yield
        }) : () -> ()
      } else {
      }
      %slice3A_201 = vector.extract_strided_slice %get3A_125 {offsets = [11], sizes = [1], strides = [1]} : vector<16xi32> to vector<1xi32>
      %squeeze3A_202 = vector.extract %slice3A_201[0] : i32 from vector<1xi32>
      %ge3A_203 = arith.constant 100000 : i32
      %ge3A_204 = arith.cmpi sge, %squeeze3A_202, %ge3A_203 : i32
      %convert_element_type3A_205 = arith.extui %ge3A_204 : i1 to i32
      %cond3A_206 = arith.constant 0 : i32
      %cond3A_207 = arith.cmpi ne, %convert_element_type3A_205, %cond3A_206 : i32
      scf.if %cond3A_207 {
        %sub3A_669 = arith.constant 100000 : i32
        %sub3A_670 = arith.subi %squeeze3A_202, %sub3A_669 : i32
        "tpu.region"() ({
          %run_scoped3A = tpu.sem_alloc : memref<!tpu.dma_semaphore, #tpu.memory_space<semaphore_mem>>
          %dma_start3A_671 = arith.constant 11 : i32
          %dma_start3A_672 = arith.constant 0 : i32
          %dma_start3A_673 = tpu.memref_slice %arg8[%dma_start3A_671, %dma_start3A_672] : memref<16x1024xf32, #tpu.memory_space<vmem>> -> memref<1x1024xf32, #tpu.memory_space<vmem>>
          %dma_start3A_674 = arith.constant 0 : i32
          %dma_start3A_675 = tpu.memref_slice %arg4[%sub3A_670, %dma_start3A_674] : memref<100x1024xf32, #tpu.memory_space<hbm>> -> memref<1x1024xf32, #tpu.memory_space<hbm>>
          %dma_start3A_676 = arith.constant 11 : i32
          %dma_start3A_677 = arith.constant 0 : i32
          %dma_start3A_678 = tpu.memref_slice %arg8[%dma_start3A_676, %dma_start3A_677] : memref<16x1024xf32, #tpu.memory_space<vmem>> -> memref<1x1024xf32, #tpu.memory_space<vmem>>
          %dma_start3A_679 = arith.constant 0 : i32
          %dma_start3A_680 = tpu.memref_slice %arg4[%sub3A_670, %dma_start3A_679] : memref<100x1024xf32, #tpu.memory_space<hbm>> -> memref<1x1024xf32, #tpu.memory_space<hbm>>
          tpu.enqueue_dma source(%dma_start3A_680 : memref<1x1024xf32, #tpu.memory_space<hbm>>) target(%dma_start3A_678 : memref<1x1024xf32, #tpu.memory_space<vmem>>) target_semaphore(%run_scoped3A : memref<!tpu.dma_semaphore, #tpu.memory_space<semaphore_mem>>)
          %dma_wait3A_681 = arith.constant 11 : i32
          %dma_wait3A_682 = arith.constant 0 : i32
          %dma_wait3A_683 = tpu.memref_slice %arg8[%dma_wait3A_681, %dma_wait3A_682] : memref<16x1024xf32, #tpu.memory_space<vmem>> -> memref<1x1024xf32, #tpu.memory_space<vmem>>
          %dma_wait3A_684 = arith.constant 0 : i32
          %dma_wait3A_685 = tpu.memref_slice %arg4[%sub3A_670, %dma_wait3A_684] : memref<100x1024xf32, #tpu.memory_space<hbm>> -> memref<1x1024xf32, #tpu.memory_space<hbm>>
          %dma_wait3A_686 = arith.constant 11 : i32
          %dma_wait3A_687 = arith.constant 0 : i32
          %dma_wait3A_688 = tpu.memref_slice %arg8[%dma_wait3A_686, %dma_wait3A_687] : memref<16x1024xf32, #tpu.memory_space<vmem>> -> memref<1x1024xf32, #tpu.memory_space<vmem>>
          %dma_wait3A_689 = arith.constant 0 : i32
          %dma_wait3A_690 = tpu.memref_slice %arg4[%sub3A_670, %dma_wait3A_689] : memref<100x1024xf32, #tpu.memory_space<hbm>> -> memref<1x1024xf32, #tpu.memory_space<hbm>>
          tpu.wait_dma2 semaphore(%run_scoped3A : memref<!tpu.dma_semaphore, #tpu.memory_space<semaphore_mem>>) src(%dma_wait3A_690 : memref<1x1024xf32, #tpu.memory_space<hbm>>) dst(%dma_wait3A_688 : memref<1x1024xf32, #tpu.memory_space<vmem>>)
          tpu.yield
        }) : () -> ()
      } else {
      }
      %slice3A_208 = vector.extract_strided_slice %get3A_125 {offsets = [12], sizes = [1], strides = [1]} : vector<16xi32> to vector<1xi32>
      %squeeze3A_209 = vector.extract %slice3A_208[0] : i32 from vector<1xi32>
      %ge3A_210 = arith.constant 100000 : i32
      %ge3A_211 = arith.cmpi sge, %squeeze3A_209, %ge3A_210 : i32
      %convert_element_type3A_212 = arith.extui %ge3A_211 : i1 to i32
      %cond3A_213 = arith.constant 0 : i32
      %cond3A_214 = arith.cmpi ne, %convert_element_type3A_212, %cond3A_213 : i32
      scf.if %cond3A_214 {
        %sub3A_669 = arith.constant 100000 : i32
        %sub3A_670 = arith.subi %squeeze3A_209, %sub3A_669 : i32
        "tpu.region"() ({
          %run_scoped3A = tpu.sem_alloc : memref<!tpu.dma_semaphore, #tpu.memory_space<semaphore_mem>>
          %dma_start3A_671 = arith.constant 12 : i32
          %dma_start3A_672 = arith.constant 0 : i32
          %dma_start3A_673 = tpu.memref_slice %arg8[%dma_start3A_671, %dma_start3A_672] : memref<16x1024xf32, #tpu.memory_space<vmem>> -> memref<1x1024xf32, #tpu.memory_space<vmem>>
          %dma_start3A_674 = arith.constant 0 : i32
          %dma_start3A_675 = tpu.memref_slice %arg4[%sub3A_670, %dma_start3A_674] : memref<100x1024xf32, #tpu.memory_space<hbm>> -> memref<1x1024xf32, #tpu.memory_space<hbm>>
          %dma_start3A_676 = arith.constant 12 : i32
          %dma_start3A_677 = arith.constant 0 : i32
          %dma_start3A_678 = tpu.memref_slice %arg8[%dma_start3A_676, %dma_start3A_677] : memref<16x1024xf32, #tpu.memory_space<vmem>> -> memref<1x1024xf32, #tpu.memory_space<vmem>>
          %dma_start3A_679 = arith.constant 0 : i32
          %dma_start3A_680 = tpu.memref_slice %arg4[%sub3A_670, %dma_start3A_679] : memref<100x1024xf32, #tpu.memory_space<hbm>> -> memref<1x1024xf32, #tpu.memory_space<hbm>>
          tpu.enqueue_dma source(%dma_start3A_680 : memref<1x1024xf32, #tpu.memory_space<hbm>>) target(%dma_start3A_678 : memref<1x1024xf32, #tpu.memory_space<vmem>>) target_semaphore(%run_scoped3A : memref<!tpu.dma_semaphore, #tpu.memory_space<semaphore_mem>>)
          %dma_wait3A_681 = arith.constant 12 : i32
          %dma_wait3A_682 = arith.constant 0 : i32
          %dma_wait3A_683 = tpu.memref_slice %arg8[%dma_wait3A_681, %dma_wait3A_682] : memref<16x1024xf32, #tpu.memory_space<vmem>> -> memref<1x1024xf32, #tpu.memory_space<vmem>>
          %dma_wait3A_684 = arith.constant 0 : i32
          %dma_wait3A_685 = tpu.memref_slice %arg4[%sub3A_670, %dma_wait3A_684] : memref<100x1024xf32, #tpu.memory_space<hbm>> -> memref<1x1024xf32, #tpu.memory_space<hbm>>
          %dma_wait3A_686 = arith.constant 12 : i32
          %dma_wait3A_687 = arith.constant 0 : i32
          %dma_wait3A_688 = tpu.memref_slice %arg8[%dma_wait3A_686, %dma_wait3A_687] : memref<16x1024xf32, #tpu.memory_space<vmem>> -> memref<1x1024xf32, #tpu.memory_space<vmem>>
          %dma_wait3A_689 = arith.constant 0 : i32
          %dma_wait3A_690 = tpu.memref_slice %arg4[%sub3A_670, %dma_wait3A_689] : memref<100x1024xf32, #tpu.memory_space<hbm>> -> memref<1x1024xf32, #tpu.memory_space<hbm>>
          tpu.wait_dma2 semaphore(%run_scoped3A : memref<!tpu.dma_semaphore, #tpu.memory_space<semaphore_mem>>) src(%dma_wait3A_690 : memref<1x1024xf32, #tpu.memory_space<hbm>>) dst(%dma_wait3A_688 : memref<1x1024xf32, #tpu.memory_space<vmem>>)
          tpu.yield
        }) : () -> ()
      } else {
      }
      %slice3A_215 = vector.extract_strided_slice %get3A_125 {offsets = [13], sizes = [1], strides = [1]} : vector<16xi32> to vector<1xi32>
      %squeeze3A_216 = vector.extract %slice3A_215[0] : i32 from vector<1xi32>
      %ge3A_217 = arith.constant 100000 : i32
      %ge3A_218 = arith.cmpi sge, %squeeze3A_216, %ge3A_217 : i32
      %convert_element_type3A_219 = arith.extui %ge3A_218 : i1 to i32
      %cond3A_220 = arith.constant 0 : i32
      %cond3A_221 = arith.cmpi ne, %convert_element_type3A_219, %cond3A_220 : i32
      scf.if %cond3A_221 {
        %sub3A_669 = arith.constant 100000 : i32
        %sub3A_670 = arith.subi %squeeze3A_216, %sub3A_669 : i32
        "tpu.region"() ({
          %run_scoped3A = tpu.sem_alloc : memref<!tpu.dma_semaphore, #tpu.memory_space<semaphore_mem>>
          %dma_start3A_671 = arith.constant 13 : i32
          %dma_start3A_672 = arith.constant 0 : i32
          %dma_start3A_673 = tpu.memref_slice %arg8[%dma_start3A_671, %dma_start3A_672] : memref<16x1024xf32, #tpu.memory_space<vmem>> -> memref<1x1024xf32, #tpu.memory_space<vmem>>
          %dma_start3A_674 = arith.constant 0 : i32
          %dma_start3A_675 = tpu.memref_slice %arg4[%sub3A_670, %dma_start3A_674] : memref<100x1024xf32, #tpu.memory_space<hbm>> -> memref<1x1024xf32, #tpu.memory_space<hbm>>
          %dma_start3A_676 = arith.constant 13 : i32
          %dma_start3A_677 = arith.constant 0 : i32
          %dma_start3A_678 = tpu.memref_slice %arg8[%dma_start3A_676, %dma_start3A_677] : memref<16x1024xf32, #tpu.memory_space<vmem>> -> memref<1x1024xf32, #tpu.memory_space<vmem>>
          %dma_start3A_679 = arith.constant 0 : i32
          %dma_start3A_680 = tpu.memref_slice %arg4[%sub3A_670, %dma_start3A_679] : memref<100x1024xf32, #tpu.memory_space<hbm>> -> memref<1x1024xf32, #tpu.memory_space<hbm>>
          tpu.enqueue_dma source(%dma_start3A_680 : memref<1x1024xf32, #tpu.memory_space<hbm>>) target(%dma_start3A_678 : memref<1x1024xf32, #tpu.memory_space<vmem>>) target_semaphore(%run_scoped3A : memref<!tpu.dma_semaphore, #tpu.memory_space<semaphore_mem>>)
          %dma_wait3A_681 = arith.constant 13 : i32
          %dma_wait3A_682 = arith.constant 0 : i32
          %dma_wait3A_683 = tpu.memref_slice %arg8[%dma_wait3A_681, %dma_wait3A_682] : memref<16x1024xf32, #tpu.memory_space<vmem>> -> memref<1x1024xf32, #tpu.memory_space<vmem>>
          %dma_wait3A_684 = arith.constant 0 : i32
          %dma_wait3A_685 = tpu.memref_slice %arg4[%sub3A_670, %dma_wait3A_684] : memref<100x1024xf32, #tpu.memory_space<hbm>> -> memref<1x1024xf32, #tpu.memory_space<hbm>>
          %dma_wait3A_686 = arith.constant 13 : i32
          %dma_wait3A_687 = arith.constant 0 : i32
          %dma_wait3A_688 = tpu.memref_slice %arg8[%dma_wait3A_686, %dma_wait3A_687] : memref<16x1024xf32, #tpu.memory_space<vmem>> -> memref<1x1024xf32, #tpu.memory_space<vmem>>
          %dma_wait3A_689 = arith.constant 0 : i32
          %dma_wait3A_690 = tpu.memref_slice %arg4[%sub3A_670, %dma_wait3A_689] : memref<100x1024xf32, #tpu.memory_space<hbm>> -> memref<1x1024xf32, #tpu.memory_space<hbm>>
          tpu.wait_dma2 semaphore(%run_scoped3A : memref<!tpu.dma_semaphore, #tpu.memory_space<semaphore_mem>>) src(%dma_wait3A_690 : memref<1x1024xf32, #tpu.memory_space<hbm>>) dst(%dma_wait3A_688 : memref<1x1024xf32, #tpu.memory_space<vmem>>)
          tpu.yield
        }) : () -> ()
      } else {
      }
      %slice3A_222 = vector.extract_strided_slice %get3A_125 {offsets = [14], sizes = [1], strides = [1]} : vector<16xi32> to vector<1xi32>
      %squeeze3A_223 = vector.extract %slice3A_222[0] : i32 from vector<1xi32>
      %ge3A_224 = arith.constant 100000 : i32
      %ge3A_225 = arith.cmpi sge, %squeeze3A_223, %ge3A_224 : i32
      %convert_element_type3A_226 = arith.extui %ge3A_225 : i1 to i32
      %cond3A_227 = arith.constant 0 : i32
      %cond3A_228 = arith.cmpi ne, %convert_element_type3A_226, %cond3A_227 : i32
      scf.if %cond3A_228 {
        %sub3A_669 = arith.constant 100000 : i32
        %sub3A_670 = arith.subi %squeeze3A_223, %sub3A_669 : i32
        "tpu.region"() ({
          %run_scoped3A = tpu.sem_alloc : memref<!tpu.dma_semaphore, #tpu.memory_space<semaphore_mem>>
          %dma_start3A_671 = arith.constant 14 : i32
          %dma_start3A_672 = arith.constant 0 : i32
          %dma_start3A_673 = tpu.memref_slice %arg8[%dma_start3A_671, %dma_start3A_672] : memref<16x1024xf32, #tpu.memory_space<vmem>> -> memref<1x1024xf32, #tpu.memory_space<vmem>>
          %dma_start3A_674 = arith.constant 0 : i32
          %dma_start3A_675 = tpu.memref_slice %arg4[%sub3A_670, %dma_start3A_674] : memref<100x1024xf32, #tpu.memory_space<hbm>> -> memref<1x1024xf32, #tpu.memory_space<hbm>>
          %dma_start3A_676 = arith.constant 14 : i32
          %dma_start3A_677 = arith.constant 0 : i32
          %dma_start3A_678 = tpu.memref_slice %arg8[%dma_start3A_676, %dma_start3A_677] : memref<16x1024xf32, #tpu.memory_space<vmem>> -> memref<1x1024xf32, #tpu.memory_space<vmem>>
          %dma_start3A_679 = arith.constant 0 : i32
          %dma_start3A_680 = tpu.memref_slice %arg4[%sub3A_670, %dma_start3A_679] : memref<100x1024xf32, #tpu.memory_space<hbm>> -> memref<1x1024xf32, #tpu.memory_space<hbm>>
          tpu.enqueue_dma source(%dma_start3A_680 : memref<1x1024xf32, #tpu.memory_space<hbm>>) target(%dma_start3A_678 : memref<1x1024xf32, #tpu.memory_space<vmem>>) target_semaphore(%run_scoped3A : memref<!tpu.dma_semaphore, #tpu.memory_space<semaphore_mem>>)
          %dma_wait3A_681 = arith.constant 14 : i32
          %dma_wait3A_682 = arith.constant 0 : i32
          %dma_wait3A_683 = tpu.memref_slice %arg8[%dma_wait3A_681, %dma_wait3A_682] : memref<16x1024xf32, #tpu.memory_space<vmem>> -> memref<1x1024xf32, #tpu.memory_space<vmem>>
          %dma_wait3A_684 = arith.constant 0 : i32
          %dma_wait3A_685 = tpu.memref_slice %arg4[%sub3A_670, %dma_wait3A_684] : memref<100x1024xf32, #tpu.memory_space<hbm>> -> memref<1x1024xf32, #tpu.memory_space<hbm>>
          %dma_wait3A_686 = arith.constant 14 : i32
          %dma_wait3A_687 = arith.constant 0 : i32
          %dma_wait3A_688 = tpu.memref_slice %arg8[%dma_wait3A_686, %dma_wait3A_687] : memref<16x1024xf32, #tpu.memory_space<vmem>> -> memref<1x1024xf32, #tpu.memory_space<vmem>>
          %dma_wait3A_689 = arith.constant 0 : i32
          %dma_wait3A_690 = tpu.memref_slice %arg4[%sub3A_670, %dma_wait3A_689] : memref<100x1024xf32, #tpu.memory_space<hbm>> -> memref<1x1024xf32, #tpu.memory_space<hbm>>
          tpu.wait_dma2 semaphore(%run_scoped3A : memref<!tpu.dma_semaphore, #tpu.memory_space<semaphore_mem>>) src(%dma_wait3A_690 : memref<1x1024xf32, #tpu.memory_space<hbm>>) dst(%dma_wait3A_688 : memref<1x1024xf32, #tpu.memory_space<vmem>>)
          tpu.yield
        }) : () -> ()
      } else {
      }
      %slice3A_229 = vector.extract_strided_slice %get3A_125 {offsets = [15], sizes = [1], strides = [1]} : vector<16xi32> to vector<1xi32>
      %squeeze3A_230 = vector.extract %slice3A_229[0] : i32 from vector<1xi32>
      %ge3A_231 = arith.constant 100000 : i32
      %ge3A_232 = arith.cmpi sge, %squeeze3A_230, %ge3A_231 : i32
      %convert_element_type3A_233 = arith.extui %ge3A_232 : i1 to i32
      %cond3A_234 = arith.constant 0 : i32
      %cond3A_235 = arith.cmpi ne, %convert_element_type3A_233, %cond3A_234 : i32
      scf.if %cond3A_235 {
        %sub3A_669 = arith.constant 100000 : i32
        %sub3A_670 = arith.subi %squeeze3A_230, %sub3A_669 : i32
        "tpu.region"() ({
          %run_scoped3A = tpu.sem_alloc : memref<!tpu.dma_semaphore, #tpu.memory_space<semaphore_mem>>
          %dma_start3A_671 = arith.constant 15 : i32
          %dma_start3A_672 = arith.constant 0 : i32
          %dma_start3A_673 = tpu.memref_slice %arg8[%dma_start3A_671, %dma_start3A_672] : memref<16x1024xf32, #tpu.memory_space<vmem>> -> memref<1x1024xf32, #tpu.memory_space<vmem>>
          %dma_start3A_674 = arith.constant 0 : i32
          %dma_start3A_675 = tpu.memref_slice %arg4[%sub3A_670, %dma_start3A_674] : memref<100x1024xf32, #tpu.memory_space<hbm>> -> memref<1x1024xf32, #tpu.memory_space<hbm>>
          %dma_start3A_676 = arith.constant 15 : i32
          %dma_start3A_677 = arith.constant 0 : i32
          %dma_start3A_678 = tpu.memref_slice %arg8[%dma_start3A_676, %dma_start3A_677] : memref<16x1024xf32, #tpu.memory_space<vmem>> -> memref<1x1024xf32, #tpu.memory_space<vmem>>
          %dma_start3A_679 = arith.constant 0 : i32
          %dma_start3A_680 = tpu.memref_slice %arg4[%sub3A_670, %dma_start3A_679] : memref<100x1024xf32, #tpu.memory_space<hbm>> -> memref<1x1024xf32, #tpu.memory_space<hbm>>
          tpu.enqueue_dma source(%dma_start3A_680 : memref<1x1024xf32, #tpu.memory_space<hbm>>) target(%dma_start3A_678 : memref<1x1024xf32, #tpu.memory_space<vmem>>) target_semaphore(%run_scoped3A : memref<!tpu.dma_semaphore, #tpu.memory_space<semaphore_mem>>)
          %dma_wait3A_681 = arith.constant 15 : i32
          %dma_wait3A_682 = arith.constant 0 : i32
          %dma_wait3A_683 = tpu.memref_slice %arg8[%dma_wait3A_681, %dma_wait3A_682] : memref<16x1024xf32, #tpu.memory_space<vmem>> -> memref<1x1024xf32, #tpu.memory_space<vmem>>
          %dma_wait3A_684 = arith.constant 0 : i32
          %dma_wait3A_685 = tpu.memref_slice %arg4[%sub3A_670, %dma_wait3A_684] : memref<100x1024xf32, #tpu.memory_space<hbm>> -> memref<1x1024xf32, #tpu.memory_space<hbm>>
          %dma_wait3A_686 = arith.constant 15 : i32
          %dma_wait3A_687 = arith.constant 0 : i32
          %dma_wait3A_688 = tpu.memref_slice %arg8[%dma_wait3A_686, %dma_wait3A_687] : memref<16x1024xf32, #tpu.memory_space<vmem>> -> memref<1x1024xf32, #tpu.memory_space<vmem>>
          %dma_wait3A_689 = arith.constant 0 : i32
          %dma_wait3A_690 = tpu.memref_slice %arg4[%sub3A_670, %dma_wait3A_689] : memref<100x1024xf32, #tpu.memory_space<hbm>> -> memref<1x1024xf32, #tpu.memory_space<hbm>>
          tpu.wait_dma2 semaphore(%run_scoped3A : memref<!tpu.dma_semaphore, #tpu.memory_space<semaphore_mem>>) src(%dma_wait3A_690 : memref<1x1024xf32, #tpu.memory_space<hbm>>) dst(%dma_wait3A_688 : memref<1x1024xf32, #tpu.memory_space<vmem>>)
          tpu.yield
        }) : () -> ()
      } else {
      }
      %add3A_236 = arith.addi %mul3A_32, %mul3A_110 : i32
      %dma_start3A_237 = arith.constant 0 : i32
      %dma_start3A_238 = tpu.memref_slice %arg5[%select_n3A, %add3A_236, %dma_start3A_237] : memref<4x2048x1024xf32, #tpu.memory_space<hbm>> -> memref<1x16x1024xf32, #tpu.memory_space<hbm>>
      %dma_start3A_239 = tpu.memref_squeeze %dma_start3A_238 : memref<1x16x1024xf32, #tpu.memory_space<hbm>> -> memref<16x1024xf32, #tpu.memory_space<hbm>>
      %dma_start3A_240 = arith.constant 0 : i32
      %dma_start3A_241 = tpu.memref_slice %arg5[%select_n3A, %add3A_236, %dma_start3A_240] : memref<4x2048x1024xf32, #tpu.memory_space<hbm>> -> memref<1x16x1024xf32, #tpu.memory_space<hbm>>
      %dma_start3A_242 = tpu.memref_squeeze %dma_start3A_241 : memref<1x16x1024xf32, #tpu.memory_space<hbm>> -> memref<16x1024xf32, #tpu.memory_space<hbm>>
      tpu.enqueue_dma source(%arg8 : memref<16x1024xf32, #tpu.memory_space<vmem>>) target(%dma_start3A_242 : memref<16x1024xf32, #tpu.memory_space<hbm>>) target_semaphore(%arg16 : memref<!tpu.dma_semaphore, #tpu.memory_space<semaphore_mem>>)
      %mul3A_243 = arith.constant 4 : i32
      %mul3A_244 = arith.muli %scan3A_104, %mul3A_243 : i32
      %add3A_245 = arith.constant 1 : i32
      %add3A_246 = arith.addi %mul3A_244, %add3A_245 : i32
      %mul3A_247 = arith.constant 16 : i32
      %mul3A_248 = arith.muli %add3A_246, %mul3A_247 : i32
      %add3A_249 = arith.constant 2 : i32
      %add3A_250 = arith.addi %add3A_246, %add3A_249 : i32
      %lt3A_251 = arith.constant 16 : i32
      %lt3A_252 = arith.cmpi slt, %add3A_250, %lt3A_251 : i32
      %convert_element_type3A_253 = arith.extui %lt3A_252 : i1 to i32
      %cond3A_254 = arith.constant 0 : i32
      %cond3A_255 = arith.cmpi ne, %convert_element_type3A_253, %cond3A_254 : i32
      scf.if %cond3A_255 {
        %add3A_669 = arith.constant 2 : i32
        %add3A_670 = arith.addi %add3A_246, %add3A_669 : i32
        %mul3A_671 = arith.constant 16 : i32
        %mul3A_672 = arith.muli %add3A_670, %mul3A_671 : i32
        %ge3A_673 = arith.constant 2 : i32
        %ge3A_674 = arith.cmpi sge, %add3A_246, %ge3A_673 : i32
        %convert_element_type3A_675 = arith.extui %ge3A_674 : i1 to i32
        %cond3A_676 = arith.constant 0 : i32
        %cond3A_677 = arith.cmpi ne, %convert_element_type3A_675, %cond3A_676 : i32
        scf.if %cond3A_677 {
          %add3A_696 = arith.constant 2 : i32
          %add3A_697 = arith.addi %add3A_246, %add3A_696 : i32
          %sub3A_698 = arith.constant 4 : i32
          %sub3A_699 = arith.subi %add3A_697, %sub3A_698 : i32
          %mul3A_700 = arith.constant 16 : i32
          %mul3A_701 = arith.muli %sub3A_699, %mul3A_700 : i32
          %add3A_702 = arith.addi %mul3A_32, %mul3A_701 : i32
          %dma_wait3A_703 = arith.constant 0 : i32
          %dma_wait3A_704 = tpu.memref_slice %arg5[%select_n3A, %add3A_702, %dma_wait3A_703] : memref<4x2048x1024xf32, #tpu.memory_space<hbm>> -> memref<1x16x1024xf32, #tpu.memory_space<hbm>>
          %dma_wait3A_705 = tpu.memref_squeeze %dma_wait3A_704 : memref<1x16x1024xf32, #tpu.memory_space<hbm>> -> memref<16x1024xf32, #tpu.memory_space<hbm>>
          %dma_wait3A_706 = arith.constant 0 : i32
          %dma_wait3A_707 = tpu.memref_slice %arg5[%select_n3A, %add3A_702, %dma_wait3A_706] : memref<4x2048x1024xf32, #tpu.memory_space<hbm>> -> memref<1x16x1024xf32, #tpu.memory_space<hbm>>
          %dma_wait3A_708 = tpu.memref_squeeze %dma_wait3A_707 : memref<1x16x1024xf32, #tpu.memory_space<hbm>> -> memref<16x1024xf32, #tpu.memory_space<hbm>>
          tpu.wait_dma2 semaphore(%arg19 : memref<!tpu.dma_semaphore, #tpu.memory_space<semaphore_mem>>) src(%arg11 : memref<16x1024xf32, #tpu.memory_space<vmem>>) dst(%dma_wait3A_708 : memref<16x1024xf32, #tpu.memory_space<hbm>>)
        } else {
        }
        %get3A_678 = arith.index_cast %mul3A_672 : i32 to index
        %get3A_679 = tpu.vector_load %arg6[%get3A_678] {strides = array<i32>} : memref<256xi32, #tpu.memory_space<vmem>>, vector<16xi32>,
        %get3A_680 = vector.shape_cast %get3A_679 : vector<16xi32> to vector<16xi32>
        %ge3A_681 = arith.cmpi sge, %get3A_680, %broadcast_in_dim3A_35 : vector<16xi32>
        %select_n3A_682 = arith.select %ge3A_681, %broadcast_in_dim3A_33, %get3A_680 : vector<16xi1>, vector<16xi32>
        %swap3A_683 = arith.constant 3 : i32
        %swap3A_684 = arith.index_cast %swap3A_683 : i32 to index
        %swap3A_685 = arith.constant 0 : index
        %swap3A_686 = tpu.vector_load %arg7[%swap3A_684, %swap3A_685] {strides = array<i32>} : memref<4x16xi32, #tpu.memory_space<vmem>>, vector<1x16xi32>,
        %swap3A_687 = vector.shape_cast %swap3A_686 : vector<1x16xi32> to vector<16xi32>
        %swap3A_688 = vector.shape_cast %select_n3A_682 : vector<16xi32> to vector<1x16xi32>
        tpu.vector_store %arg7[%swap3A_684, %swap3A_685], %swap3A_688 {strides = array<i32>} : memref<4x16xi32, #tpu.memory_space<vmem>>, vector<1x16xi32>,
        %dma_start3A_689 = arith.constant 3 : i32
        %dma_start3A_690 = arith.constant 0 : i32
        %dma_start3A_691 = tpu.memref_slice %arg7[%dma_start3A_689, %dma_start3A_690] : memref<4x16xi32, #tpu.memory_space<vmem>> -> memref<1x16xi32, #tpu.memory_space<vmem>>
        %dma_start3A_692 = tpu.memref_squeeze %dma_start3A_691 : memref<1x16xi32, #tpu.memory_space<vmem>> -> memref<16xi32, #tpu.memory_space<vmem>>
        %dma_start3A_693 = arith.constant 0 : i32
        %dma_start3A_694 = arith.constant 0 : i32
        %dma_start3A_695 = tpu.memref_slice %arg3[%dma_start3A_693, %dma_start3A_694] : memref<100000x1024xf32, #tpu.memory_space<hbm>> -> memref<100000x1024xf32, #tpu.memory_space<hbm>>
        tpu.enqueue_indirect_dma source(%dma_start3A_695 : memref<100000x1024xf32, #tpu.memory_space<hbm>>) target(%arg11 : memref<16x1024xf32, #tpu.memory_space<vmem>>) offsets(%dma_start3A_692 : memref<16xi32, #tpu.memory_space<vmem>>) semaphore(%arg15 : memref<!tpu.dma_semaphore, #tpu.memory_space<semaphore_mem>>)
      } else {
      }
      %dma_wait3A_256 = arith.constant 1 : i32
      %dma_wait3A_257 = arith.constant 0 : i32
      %dma_wait3A_258 = tpu.memref_slice %arg7[%dma_wait3A_256, %dma_wait3A_257] : memref<4x16xi32, #tpu.memory_space<vmem>> -> memref<1x16xi32, #tpu.memory_space<vmem>>
      %dma_wait3A_259 = tpu.memref_squeeze %dma_wait3A_258 : memref<1x16xi32, #tpu.memory_space<vmem>> -> memref<16xi32, #tpu.memory_space<vmem>>
      %dma_wait3A_260 = arith.constant 0 : i32
      %dma_wait3A_261 = arith.constant 0 : i32
      %dma_wait3A_262 = tpu.memref_slice %arg3[%dma_wait3A_260, %dma_wait3A_261] : memref<100000x1024xf32, #tpu.memory_space<hbm>> -> memref<100000x1024xf32, #tpu.memory_space<hbm>>
      tpu.wait_indirect_dma semaphore(%arg13 : memref<!tpu.dma_semaphore, #tpu.memory_space<semaphore_mem>>) src(%dma_wait3A_262 : memref<100000x1024xf32, #tpu.memory_space<hbm>>) dst(%arg9 : memref<16x1024xf32, #tpu.memory_space<vmem>>)
      %get3A_263 = arith.index_cast %mul3A_248 : i32 to index
      %get3A_264 = tpu.vector_load %arg6[%get3A_263] {strides = array<i32>} : memref<256xi32, #tpu.memory_space<vmem>>, vector<16xi32>,
      %get3A_265 = vector.shape_cast %get3A_264 : vector<16xi32> to vector<16xi32>
      %slice3A_266 = vector.extract_strided_slice %get3A_265 {offsets = [0], sizes = [1], strides = [1]} : vector<16xi32> to vector<1xi32>
      %squeeze3A_267 = vector.extract %slice3A_266[0] : i32 from vector<1xi32>
      %ge3A_268 = arith.constant 100000 : i32
      %ge3A_269 = arith.cmpi sge, %squeeze3A_267, %ge3A_268 : i32
      %convert_element_type3A_270 = arith.extui %ge3A_269 : i1 to i32
      %cond3A_271 = arith.constant 0 : i32
      %cond3A_272 = arith.cmpi ne, %convert_element_type3A_270, %cond3A_271 : i32
      scf.if %cond3A_272 {
        %sub3A_669 = arith.constant 100000 : i32
        %sub3A_670 = arith.subi %squeeze3A_267, %sub3A_669 : i32
        "tpu.region"() ({
          %run_scoped3A = tpu.sem_alloc : memref<!tpu.dma_semaphore, #tpu.memory_space<semaphore_mem>>
          %dma_start3A_671 = arith.constant 0 : i32
          %dma_start3A_672 = arith.constant 0 : i32
          %dma_start3A_673 = tpu.memref_slice %arg9[%dma_start3A_671, %dma_start3A_672] : memref<16x1024xf32, #tpu.memory_space<vmem>> -> memref<1x1024xf32, #tpu.memory_space<vmem>>
          %dma_start3A_674 = arith.constant 0 : i32
          %dma_start3A_675 = tpu.memref_slice %arg4[%sub3A_670, %dma_start3A_674] : memref<100x1024xf32, #tpu.memory_space<hbm>> -> memref<1x1024xf32, #tpu.memory_space<hbm>>
          %dma_start3A_676 = arith.constant 0 : i32
          %dma_start3A_677 = arith.constant 0 : i32
          %dma_start3A_678 = tpu.memref_slice %arg9[%dma_start3A_676, %dma_start3A_677] : memref<16x1024xf32, #tpu.memory_space<vmem>> -> memref<1x1024xf32, #tpu.memory_space<vmem>>
          %dma_start3A_679 = arith.constant 0 : i32
          %dma_start3A_680 = tpu.memref_slice %arg4[%sub3A_670, %dma_start3A_679] : memref<100x1024xf32, #tpu.memory_space<hbm>> -> memref<1x1024xf32, #tpu.memory_space<hbm>>
          tpu.enqueue_dma source(%dma_start3A_680 : memref<1x1024xf32, #tpu.memory_space<hbm>>) target(%dma_start3A_678 : memref<1x1024xf32, #tpu.memory_space<vmem>>) target_semaphore(%run_scoped3A : memref<!tpu.dma_semaphore, #tpu.memory_space<semaphore_mem>>)
          %dma_wait3A_681 = arith.constant 0 : i32
          %dma_wait3A_682 = arith.constant 0 : i32
          %dma_wait3A_683 = tpu.memref_slice %arg9[%dma_wait3A_681, %dma_wait3A_682] : memref<16x1024xf32, #tpu.memory_space<vmem>> -> memref<1x1024xf32, #tpu.memory_space<vmem>>
          %dma_wait3A_684 = arith.constant 0 : i32
          %dma_wait3A_685 = tpu.memref_slice %arg4[%sub3A_670, %dma_wait3A_684] : memref<100x1024xf32, #tpu.memory_space<hbm>> -> memref<1x1024xf32, #tpu.memory_space<hbm>>
          %dma_wait3A_686 = arith.constant 0 : i32
          %dma_wait3A_687 = arith.constant 0 : i32
          %dma_wait3A_688 = tpu.memref_slice %arg9[%dma_wait3A_686, %dma_wait3A_687] : memref<16x1024xf32, #tpu.memory_space<vmem>> -> memref<1x1024xf32, #tpu.memory_space<vmem>>
          %dma_wait3A_689 = arith.constant 0 : i32
          %dma_wait3A_690 = tpu.memref_slice %arg4[%sub3A_670, %dma_wait3A_689] : memref<100x1024xf32, #tpu.memory_space<hbm>> -> memref<1x1024xf32, #tpu.memory_space<hbm>>
          tpu.wait_dma2 semaphore(%run_scoped3A : memref<!tpu.dma_semaphore, #tpu.memory_space<semaphore_mem>>) src(%dma_wait3A_690 : memref<1x1024xf32, #tpu.memory_space<hbm>>) dst(%dma_wait3A_688 : memref<1x1024xf32, #tpu.memory_space<vmem>>)
          tpu.yield
        }) : () -> ()
      } else {
      }
      %slice3A_273 = vector.extract_strided_slice %get3A_265 {offsets = [1], sizes = [1], strides = [1]} : vector<16xi32> to vector<1xi32>
      %squeeze3A_274 = vector.extract %slice3A_273[0] : i32 from vector<1xi32>
      %ge3A_275 = arith.constant 100000 : i32
      %ge3A_276 = arith.cmpi sge, %squeeze3A_274, %ge3A_275 : i32
      %convert_element_type3A_277 = arith.extui %ge3A_276 : i1 to i32
      %cond3A_278 = arith.constant 0 : i32
      %cond3A_279 = arith.cmpi ne, %convert_element_type3A_277, %cond3A_278 : i32
      scf.if %cond3A_279 {
        %sub3A_669 = arith.constant 100000 : i32
        %sub3A_670 = arith.subi %squeeze3A_274, %sub3A_669 : i32
        "tpu.region"() ({
          %run_scoped3A = tpu.sem_alloc : memref<!tpu.dma_semaphore, #tpu.memory_space<semaphore_mem>>
          %dma_start3A_671 = arith.constant 1 : i32
          %dma_start3A_672 = arith.constant 0 : i32
          %dma_start3A_673 = tpu.memref_slice %arg9[%dma_start3A_671, %dma_start3A_672] : memref<16x1024xf32, #tpu.memory_space<vmem>> -> memref<1x1024xf32, #tpu.memory_space<vmem>>
          %dma_start3A_674 = arith.constant 0 : i32
          %dma_start3A_675 = tpu.memref_slice %arg4[%sub3A_670, %dma_start3A_674] : memref<100x1024xf32, #tpu.memory_space<hbm>> -> memref<1x1024xf32, #tpu.memory_space<hbm>>
          %dma_start3A_676 = arith.constant 1 : i32
          %dma_start3A_677 = arith.constant 0 : i32
          %dma_start3A_678 = tpu.memref_slice %arg9[%dma_start3A_676, %dma_start3A_677] : memref<16x1024xf32, #tpu.memory_space<vmem>> -> memref<1x1024xf32, #tpu.memory_space<vmem>>
          %dma_start3A_679 = arith.constant 0 : i32
          %dma_start3A_680 = tpu.memref_slice %arg4[%sub3A_670, %dma_start3A_679] : memref<100x1024xf32, #tpu.memory_space<hbm>> -> memref<1x1024xf32, #tpu.memory_space<hbm>>
          tpu.enqueue_dma source(%dma_start3A_680 : memref<1x1024xf32, #tpu.memory_space<hbm>>) target(%dma_start3A_678 : memref<1x1024xf32, #tpu.memory_space<vmem>>) target_semaphore(%run_scoped3A : memref<!tpu.dma_semaphore, #tpu.memory_space<semaphore_mem>>)
          %dma_wait3A_681 = arith.constant 1 : i32
          %dma_wait3A_682 = arith.constant 0 : i32
          %dma_wait3A_683 = tpu.memref_slice %arg9[%dma_wait3A_681, %dma_wait3A_682] : memref<16x1024xf32, #tpu.memory_space<vmem>> -> memref<1x1024xf32, #tpu.memory_space<vmem>>
          %dma_wait3A_684 = arith.constant 0 : i32
          %dma_wait3A_685 = tpu.memref_slice %arg4[%sub3A_670, %dma_wait3A_684] : memref<100x1024xf32, #tpu.memory_space<hbm>> -> memref<1x1024xf32, #tpu.memory_space<hbm>>
          %dma_wait3A_686 = arith.constant 1 : i32
          %dma_wait3A_687 = arith.constant 0 : i32
          %dma_wait3A_688 = tpu.memref_slice %arg9[%dma_wait3A_686, %dma_wait3A_687] : memref<16x1024xf32, #tpu.memory_space<vmem>> -> memref<1x1024xf32, #tpu.memory_space<vmem>>
          %dma_wait3A_689 = arith.constant 0 : i32
          %dma_wait3A_690 = tpu.memref_slice %arg4[%sub3A_670, %dma_wait3A_689] : memref<100x1024xf32, #tpu.memory_space<hbm>> -> memref<1x1024xf32, #tpu.memory_space<hbm>>
          tpu.wait_dma2 semaphore(%run_scoped3A : memref<!tpu.dma_semaphore, #tpu.memory_space<semaphore_mem>>) src(%dma_wait3A_690 : memref<1x1024xf32, #tpu.memory_space<hbm>>) dst(%dma_wait3A_688 : memref<1x1024xf32, #tpu.memory_space<vmem>>)
          tpu.yield
        }) : () -> ()
      } else {
      }
      %slice3A_280 = vector.extract_strided_slice %get3A_265 {offsets = [2], sizes = [1], strides = [1]} : vector<16xi32> to vector<1xi32>
      %squeeze3A_281 = vector.extract %slice3A_280[0] : i32 from vector<1xi32>
      %ge3A_282 = arith.constant 100000 : i32
      %ge3A_283 = arith.cmpi sge, %squeeze3A_281, %ge3A_282 : i32
      %convert_element_type3A_284 = arith.extui %ge3A_283 : i1 to i32
      %cond3A_285 = arith.constant 0 : i32
      %cond3A_286 = arith.cmpi ne, %convert_element_type3A_284, %cond3A_285 : i32
      scf.if %cond3A_286 {
        %sub3A_669 = arith.constant 100000 : i32
        %sub3A_670 = arith.subi %squeeze3A_281, %sub3A_669 : i32
        "tpu.region"() ({
          %run_scoped3A = tpu.sem_alloc : memref<!tpu.dma_semaphore, #tpu.memory_space<semaphore_mem>>
          %dma_start3A_671 = arith.constant 2 : i32
          %dma_start3A_672 = arith.constant 0 : i32
          %dma_start3A_673 = tpu.memref_slice %arg9[%dma_start3A_671, %dma_start3A_672] : memref<16x1024xf32, #tpu.memory_space<vmem>> -> memref<1x1024xf32, #tpu.memory_space<vmem>>
          %dma_start3A_674 = arith.constant 0 : i32
          %dma_start3A_675 = tpu.memref_slice %arg4[%sub3A_670, %dma_start3A_674] : memref<100x1024xf32, #tpu.memory_space<hbm>> -> memref<1x1024xf32, #tpu.memory_space<hbm>>
          %dma_start3A_676 = arith.constant 2 : i32
          %dma_start3A_677 = arith.constant 0 : i32
          %dma_start3A_678 = tpu.memref_slice %arg9[%dma_start3A_676, %dma_start3A_677] : memref<16x1024xf32, #tpu.memory_space<vmem>> -> memref<1x1024xf32, #tpu.memory_space<vmem>>
          %dma_start3A_679 = arith.constant 0 : i32
          %dma_start3A_680 = tpu.memref_slice %arg4[%sub3A_670, %dma_start3A_679] : memref<100x1024xf32, #tpu.memory_space<hbm>> -> memref<1x1024xf32, #tpu.memory_space<hbm>>
          tpu.enqueue_dma source(%dma_start3A_680 : memref<1x1024xf32, #tpu.memory_space<hbm>>) target(%dma_start3A_678 : memref<1x1024xf32, #tpu.memory_space<vmem>>) target_semaphore(%run_scoped3A : memref<!tpu.dma_semaphore, #tpu.memory_space<semaphore_mem>>)
          %dma_wait3A_681 = arith.constant 2 : i32
          %dma_wait3A_682 = arith.constant 0 : i32
          %dma_wait3A_683 = tpu.memref_slice %arg9[%dma_wait3A_681, %dma_wait3A_682] : memref<16x1024xf32, #tpu.memory_space<vmem>> -> memref<1x1024xf32, #tpu.memory_space<vmem>>
          %dma_wait3A_684 = arith.constant 0 : i32
          %dma_wait3A_685 = tpu.memref_slice %arg4[%sub3A_670, %dma_wait3A_684] : memref<100x1024xf32, #tpu.memory_space<hbm>> -> memref<1x1024xf32, #tpu.memory_space<hbm>>
          %dma_wait3A_686 = arith.constant 2 : i32
          %dma_wait3A_687 = arith.constant 0 : i32
          %dma_wait3A_688 = tpu.memref_slice %arg9[%dma_wait3A_686, %dma_wait3A_687] : memref<16x1024xf32, #tpu.memory_space<vmem>> -> memref<1x1024xf32, #tpu.memory_space<vmem>>
          %dma_wait3A_689 = arith.constant 0 : i32
          %dma_wait3A_690 = tpu.memref_slice %arg4[%sub3A_670, %dma_wait3A_689] : memref<100x1024xf32, #tpu.memory_space<hbm>> -> memref<1x1024xf32, #tpu.memory_space<hbm>>
          tpu.wait_dma2 semaphore(%run_scoped3A : memref<!tpu.dma_semaphore, #tpu.memory_space<semaphore_mem>>) src(%dma_wait3A_690 : memref<1x1024xf32, #tpu.memory_space<hbm>>) dst(%dma_wait3A_688 : memref<1x1024xf32, #tpu.memory_space<vmem>>)
          tpu.yield
        }) : () -> ()
      } else {
      }
      %slice3A_287 = vector.extract_strided_slice %get3A_265 {offsets = [3], sizes = [1], strides = [1]} : vector<16xi32> to vector<1xi32>
      %squeeze3A_288 = vector.extract %slice3A_287[0] : i32 from vector<1xi32>
      %ge3A_289 = arith.constant 100000 : i32
      %ge3A_290 = arith.cmpi sge, %squeeze3A_288, %ge3A_289 : i32
      %convert_element_type3A_291 = arith.extui %ge3A_290 : i1 to i32
      %cond3A_292 = arith.constant 0 : i32
      %cond3A_293 = arith.cmpi ne, %convert_element_type3A_291, %cond3A_292 : i32
      scf.if %cond3A_293 {
        %sub3A_669 = arith.constant 100000 : i32
        %sub3A_670 = arith.subi %squeeze3A_288, %sub3A_669 : i32
        "tpu.region"() ({
          %run_scoped3A = tpu.sem_alloc : memref<!tpu.dma_semaphore, #tpu.memory_space<semaphore_mem>>
          %dma_start3A_671 = arith.constant 3 : i32
          %dma_start3A_672 = arith.constant 0 : i32
          %dma_start3A_673 = tpu.memref_slice %arg9[%dma_start3A_671, %dma_start3A_672] : memref<16x1024xf32, #tpu.memory_space<vmem>> -> memref<1x1024xf32, #tpu.memory_space<vmem>>
          %dma_start3A_674 = arith.constant 0 : i32
          %dma_start3A_675 = tpu.memref_slice %arg4[%sub3A_670, %dma_start3A_674] : memref<100x1024xf32, #tpu.memory_space<hbm>> -> memref<1x1024xf32, #tpu.memory_space<hbm>>
          %dma_start3A_676 = arith.constant 3 : i32
          %dma_start3A_677 = arith.constant 0 : i32
          %dma_start3A_678 = tpu.memref_slice %arg9[%dma_start3A_676, %dma_start3A_677] : memref<16x1024xf32, #tpu.memory_space<vmem>> -> memref<1x1024xf32, #tpu.memory_space<vmem>>
          %dma_start3A_679 = arith.constant 0 : i32
          %dma_start3A_680 = tpu.memref_slice %arg4[%sub3A_670, %dma_start3A_679] : memref<100x1024xf32, #tpu.memory_space<hbm>> -> memref<1x1024xf32, #tpu.memory_space<hbm>>
          tpu.enqueue_dma source(%dma_start3A_680 : memref<1x1024xf32, #tpu.memory_space<hbm>>) target(%dma_start3A_678 : memref<1x1024xf32, #tpu.memory_space<vmem>>) target_semaphore(%run_scoped3A : memref<!tpu.dma_semaphore, #tpu.memory_space<semaphore_mem>>)
          %dma_wait3A_681 = arith.constant 3 : i32
          %dma_wait3A_682 = arith.constant 0 : i32
          %dma_wait3A_683 = tpu.memref_slice %arg9[%dma_wait3A_681, %dma_wait3A_682] : memref<16x1024xf32, #tpu.memory_space<vmem>> -> memref<1x1024xf32, #tpu.memory_space<vmem>>
          %dma_wait3A_684 = arith.constant 0 : i32
          %dma_wait3A_685 = tpu.memref_slice %arg4[%sub3A_670, %dma_wait3A_684] : memref<100x1024xf32, #tpu.memory_space<hbm>> -> memref<1x1024xf32, #tpu.memory_space<hbm>>
          %dma_wait3A_686 = arith.constant 3 : i32
          %dma_wait3A_687 = arith.constant 0 : i32
          %dma_wait3A_688 = tpu.memref_slice %arg9[%dma_wait3A_686, %dma_wait3A_687] : memref<16x1024xf32, #tpu.memory_space<vmem>> -> memref<1x1024xf32, #tpu.memory_space<vmem>>
          %dma_wait3A_689 = arith.constant 0 : i32
          %dma_wait3A_690 = tpu.memref_slice %arg4[%sub3A_670, %dma_wait3A_689] : memref<100x1024xf32, #tpu.memory_space<hbm>> -> memref<1x1024xf32, #tpu.memory_space<hbm>>
          tpu.wait_dma2 semaphore(%run_scoped3A : memref<!tpu.dma_semaphore, #tpu.memory_space<semaphore_mem>>) src(%dma_wait3A_690 : memref<1x1024xf32, #tpu.memory_space<hbm>>) dst(%dma_wait3A_688 : memref<1x1024xf32, #tpu.memory_space<vmem>>)
          tpu.yield
        }) : () -> ()
      } else {
      }
      %slice3A_294 = vector.extract_strided_slice %get3A_265 {offsets = [4], sizes = [1], strides = [1]} : vector<16xi32> to vector<1xi32>
      %squeeze3A_295 = vector.extract %slice3A_294[0] : i32 from vector<1xi32>
      %ge3A_296 = arith.constant 100000 : i32
      %ge3A_297 = arith.cmpi sge, %squeeze3A_295, %ge3A_296 : i32
      %convert_element_type3A_298 = arith.extui %ge3A_297 : i1 to i32
      %cond3A_299 = arith.constant 0 : i32
      %cond3A_300 = arith.cmpi ne, %convert_element_type3A_298, %cond3A_299 : i32
      scf.if %cond3A_300 {
        %sub3A_669 = arith.constant 100000 : i32
        %sub3A_670 = arith.subi %squeeze3A_295, %sub3A_669 : i32
        "tpu.region"() ({
          %run_scoped3A = tpu.sem_alloc : memref<!tpu.dma_semaphore, #tpu.memory_space<semaphore_mem>>
          %dma_start3A_671 = arith.constant 4 : i32
          %dma_start3A_672 = arith.constant 0 : i32
          %dma_start3A_673 = tpu.memref_slice %arg9[%dma_start3A_671, %dma_start3A_672] : memref<16x1024xf32, #tpu.memory_space<vmem>> -> memref<1x1024xf32, #tpu.memory_space<vmem>>
          %dma_start3A_674 = arith.constant 0 : i32
          %dma_start3A_675 = tpu.memref_slice %arg4[%sub3A_670, %dma_start3A_674] : memref<100x1024xf32, #tpu.memory_space<hbm>> -> memref<1x1024xf32, #tpu.memory_space<hbm>>
          %dma_start3A_676 = arith.constant 4 : i32
          %dma_start3A_677 = arith.constant 0 : i32
          %dma_start3A_678 = tpu.memref_slice %arg9[%dma_start3A_676, %dma_start3A_677] : memref<16x1024xf32, #tpu.memory_space<vmem>> -> memref<1x1024xf32, #tpu.memory_space<vmem>>
          %dma_start3A_679 = arith.constant 0 : i32
          %dma_start3A_680 = tpu.memref_slice %arg4[%sub3A_670, %dma_start3A_679] : memref<100x1024xf32, #tpu.memory_space<hbm>> -> memref<1x1024xf32, #tpu.memory_space<hbm>>
          tpu.enqueue_dma source(%dma_start3A_680 : memref<1x1024xf32, #tpu.memory_space<hbm>>) target(%dma_start3A_678 : memref<1x1024xf32, #tpu.memory_space<vmem>>) target_semaphore(%run_scoped3A : memref<!tpu.dma_semaphore, #tpu.memory_space<semaphore_mem>>)
          %dma_wait3A_681 = arith.constant 4 : i32
          %dma_wait3A_682 = arith.constant 0 : i32
          %dma_wait3A_683 = tpu.memref_slice %arg9[%dma_wait3A_681, %dma_wait3A_682] : memref<16x1024xf32, #tpu.memory_space<vmem>> -> memref<1x1024xf32, #tpu.memory_space<vmem>>
          %dma_wait3A_684 = arith.constant 0 : i32
          %dma_wait3A_685 = tpu.memref_slice %arg4[%sub3A_670, %dma_wait3A_684] : memref<100x1024xf32, #tpu.memory_space<hbm>> -> memref<1x1024xf32, #tpu.memory_space<hbm>>
          %dma_wait3A_686 = arith.constant 4 : i32
          %dma_wait3A_687 = arith.constant 0 : i32
          %dma_wait3A_688 = tpu.memref_slice %arg9[%dma_wait3A_686, %dma_wait3A_687] : memref<16x1024xf32, #tpu.memory_space<vmem>> -> memref<1x1024xf32, #tpu.memory_space<vmem>>
          %dma_wait3A_689 = arith.constant 0 : i32
          %dma_wait3A_690 = tpu.memref_slice %arg4[%sub3A_670, %dma_wait3A_689] : memref<100x1024xf32, #tpu.memory_space<hbm>> -> memref<1x1024xf32, #tpu.memory_space<hbm>>
          tpu.wait_dma2 semaphore(%run_scoped3A : memref<!tpu.dma_semaphore, #tpu.memory_space<semaphore_mem>>) src(%dma_wait3A_690 : memref<1x1024xf32, #tpu.memory_space<hbm>>) dst(%dma_wait3A_688 : memref<1x1024xf32, #tpu.memory_space<vmem>>)
          tpu.yield
        }) : () -> ()
      } else {
      }
      %slice3A_301 = vector.extract_strided_slice %get3A_265 {offsets = [5], sizes = [1], strides = [1]} : vector<16xi32> to vector<1xi32>
      %squeeze3A_302 = vector.extract %slice3A_301[0] : i32 from vector<1xi32>
      %ge3A_303 = arith.constant 100000 : i32
      %ge3A_304 = arith.cmpi sge, %squeeze3A_302, %ge3A_303 : i32
      %convert_element_type3A_305 = arith.extui %ge3A_304 : i1 to i32
      %cond3A_306 = arith.constant 0 : i32
      %cond3A_307 = arith.cmpi ne, %convert_element_type3A_305, %cond3A_306 : i32
      scf.if %cond3A_307 {
        %sub3A_669 = arith.constant 100000 : i32
        %sub3A_670 = arith.subi %squeeze3A_302, %sub3A_669 : i32
        "tpu.region"() ({
          %run_scoped3A = tpu.sem_alloc : memref<!tpu.dma_semaphore, #tpu.memory_space<semaphore_mem>>
          %dma_start3A_671 = arith.constant 5 : i32
          %dma_start3A_672 = arith.constant 0 : i32
          %dma_start3A_673 = tpu.memref_slice %arg9[%dma_start3A_671, %dma_start3A_672] : memref<16x1024xf32, #tpu.memory_space<vmem>> -> memref<1x1024xf32, #tpu.memory_space<vmem>>
          %dma_start3A_674 = arith.constant 0 : i32
          %dma_start3A_675 = tpu.memref_slice %arg4[%sub3A_670, %dma_start3A_674] : memref<100x1024xf32, #tpu.memory_space<hbm>> -> memref<1x1024xf32, #tpu.memory_space<hbm>>
          %dma_start3A_676 = arith.constant 5 : i32
          %dma_start3A_677 = arith.constant 0 : i32
          %dma_start3A_678 = tpu.memref_slice %arg9[%dma_start3A_676, %dma_start3A_677] : memref<16x1024xf32, #tpu.memory_space<vmem>> -> memref<1x1024xf32, #tpu.memory_space<vmem>>
          %dma_start3A_679 = arith.constant 0 : i32
          %dma_start3A_680 = tpu.memref_slice %arg4[%sub3A_670, %dma_start3A_679] : memref<100x1024xf32, #tpu.memory_space<hbm>> -> memref<1x1024xf32, #tpu.memory_space<hbm>>
          tpu.enqueue_dma source(%dma_start3A_680 : memref<1x1024xf32, #tpu.memory_space<hbm>>) target(%dma_start3A_678 : memref<1x1024xf32, #tpu.memory_space<vmem>>) target_semaphore(%run_scoped3A : memref<!tpu.dma_semaphore, #tpu.memory_space<semaphore_mem>>)
          %dma_wait3A_681 = arith.constant 5 : i32
          %dma_wait3A_682 = arith.constant 0 : i32
          %dma_wait3A_683 = tpu.memref_slice %arg9[%dma_wait3A_681, %dma_wait3A_682] : memref<16x1024xf32, #tpu.memory_space<vmem>> -> memref<1x1024xf32, #tpu.memory_space<vmem>>
          %dma_wait3A_684 = arith.constant 0 : i32
          %dma_wait3A_685 = tpu.memref_slice %arg4[%sub3A_670, %dma_wait3A_684] : memref<100x1024xf32, #tpu.memory_space<hbm>> -> memref<1x1024xf32, #tpu.memory_space<hbm>>
          %dma_wait3A_686 = arith.constant 5 : i32
          %dma_wait3A_687 = arith.constant 0 : i32
          %dma_wait3A_688 = tpu.memref_slice %arg9[%dma_wait3A_686, %dma_wait3A_687] : memref<16x1024xf32, #tpu.memory_space<vmem>> -> memref<1x1024xf32, #tpu.memory_space<vmem>>
          %dma_wait3A_689 = arith.constant 0 : i32
          %dma_wait3A_690 = tpu.memref_slice %arg4[%sub3A_670, %dma_wait3A_689] : memref<100x1024xf32, #tpu.memory_space<hbm>> -> memref<1x1024xf32, #tpu.memory_space<hbm>>
          tpu.wait_dma2 semaphore(%run_scoped3A : memref<!tpu.dma_semaphore, #tpu.memory_space<semaphore_mem>>) src(%dma_wait3A_690 : memref<1x1024xf32, #tpu.memory_space<hbm>>) dst(%dma_wait3A_688 : memref<1x1024xf32, #tpu.memory_space<vmem>>)
          tpu.yield
        }) : () -> ()
      } else {
      }
      %slice3A_308 = vector.extract_strided_slice %get3A_265 {offsets = [6], sizes = [1], strides = [1]} : vector<16xi32> to vector<1xi32>
      %squeeze3A_309 = vector.extract %slice3A_308[0] : i32 from vector<1xi32>
      %ge3A_310 = arith.constant 100000 : i32
      %ge3A_311 = arith.cmpi sge, %squeeze3A_309, %ge3A_310 : i32
      %convert_element_type3A_312 = arith.extui %ge3A_311 : i1 to i32
      %cond3A_313 = arith.constant 0 : i32
      %cond3A_314 = arith.cmpi ne, %convert_element_type3A_312, %cond3A_313 : i32
      scf.if %cond3A_314 {
        %sub3A_669 = arith.constant 100000 : i32
        %sub3A_670 = arith.subi %squeeze3A_309, %sub3A_669 : i32
        "tpu.region"() ({
          %run_scoped3A = tpu.sem_alloc : memref<!tpu.dma_semaphore, #tpu.memory_space<semaphore_mem>>
          %dma_start3A_671 = arith.constant 6 : i32
          %dma_start3A_672 = arith.constant 0 : i32
          %dma_start3A_673 = tpu.memref_slice %arg9[%dma_start3A_671, %dma_start3A_672] : memref<16x1024xf32, #tpu.memory_space<vmem>> -> memref<1x1024xf32, #tpu.memory_space<vmem>>
          %dma_start3A_674 = arith.constant 0 : i32
          %dma_start3A_675 = tpu.memref_slice %arg4[%sub3A_670, %dma_start3A_674] : memref<100x1024xf32, #tpu.memory_space<hbm>> -> memref<1x1024xf32, #tpu.memory_space<hbm>>
          %dma_start3A_676 = arith.constant 6 : i32
          %dma_start3A_677 = arith.constant 0 : i32
          %dma_start3A_678 = tpu.memref_slice %arg9[%dma_start3A_676, %dma_start3A_677] : memref<16x1024xf32, #tpu.memory_space<vmem>> -> memref<1x1024xf32, #tpu.memory_space<vmem>>
          %dma_start3A_679 = arith.constant 0 : i32
          %dma_start3A_680 = tpu.memref_slice %arg4[%sub3A_670, %dma_start3A_679] : memref<100x1024xf32, #tpu.memory_space<hbm>> -> memref<1x1024xf32, #tpu.memory_space<hbm>>
          tpu.enqueue_dma source(%dma_start3A_680 : memref<1x1024xf32, #tpu.memory_space<hbm>>) target(%dma_start3A_678 : memref<1x1024xf32, #tpu.memory_space<vmem>>) target_semaphore(%run_scoped3A : memref<!tpu.dma_semaphore, #tpu.memory_space<semaphore_mem>>)
          %dma_wait3A_681 = arith.constant 6 : i32
          %dma_wait3A_682 = arith.constant 0 : i32
          %dma_wait3A_683 = tpu.memref_slice %arg9[%dma_wait3A_681, %dma_wait3A_682] : memref<16x1024xf32, #tpu.memory_space<vmem>> -> memref<1x1024xf32, #tpu.memory_space<vmem>>
          %dma_wait3A_684 = arith.constant 0 : i32
          %dma_wait3A_685 = tpu.memref_slice %arg4[%sub3A_670, %dma_wait3A_684] : memref<100x1024xf32, #tpu.memory_space<hbm>> -> memref<1x1024xf32, #tpu.memory_space<hbm>>
          %dma_wait3A_686 = arith.constant 6 : i32
          %dma_wait3A_687 = arith.constant 0 : i32
          %dma_wait3A_688 = tpu.memref_slice %arg9[%dma_wait3A_686, %dma_wait3A_687] : memref<16x1024xf32, #tpu.memory_space<vmem>> -> memref<1x1024xf32, #tpu.memory_space<vmem>>
          %dma_wait3A_689 = arith.constant 0 : i32
          %dma_wait3A_690 = tpu.memref_slice %arg4[%sub3A_670, %dma_wait3A_689] : memref<100x1024xf32, #tpu.memory_space<hbm>> -> memref<1x1024xf32, #tpu.memory_space<hbm>>
          tpu.wait_dma2 semaphore(%run_scoped3A : memref<!tpu.dma_semaphore, #tpu.memory_space<semaphore_mem>>) src(%dma_wait3A_690 : memref<1x1024xf32, #tpu.memory_space<hbm>>) dst(%dma_wait3A_688 : memref<1x1024xf32, #tpu.memory_space<vmem>>)
          tpu.yield
        }) : () -> ()
      } else {
      }
      %slice3A_315 = vector.extract_strided_slice %get3A_265 {offsets = [7], sizes = [1], strides = [1]} : vector<16xi32> to vector<1xi32>
      %squeeze3A_316 = vector.extract %slice3A_315[0] : i32 from vector<1xi32>
      %ge3A_317 = arith.constant 100000 : i32
      %ge3A_318 = arith.cmpi sge, %squeeze3A_316, %ge3A_317 : i32
      %convert_element_type3A_319 = arith.extui %ge3A_318 : i1 to i32
      %cond3A_320 = arith.constant 0 : i32
      %cond3A_321 = arith.cmpi ne, %convert_element_type3A_319, %cond3A_320 : i32
      scf.if %cond3A_321 {
        %sub3A_669 = arith.constant 100000 : i32
        %sub3A_670 = arith.subi %squeeze3A_316, %sub3A_669 : i32
        "tpu.region"() ({
          %run_scoped3A = tpu.sem_alloc : memref<!tpu.dma_semaphore, #tpu.memory_space<semaphore_mem>>
          %dma_start3A_671 = arith.constant 7 : i32
          %dma_start3A_672 = arith.constant 0 : i32
          %dma_start3A_673 = tpu.memref_slice %arg9[%dma_start3A_671, %dma_start3A_672] : memref<16x1024xf32, #tpu.memory_space<vmem>> -> memref<1x1024xf32, #tpu.memory_space<vmem>>
          %dma_start3A_674 = arith.constant 0 : i32
          %dma_start3A_675 = tpu.memref_slice %arg4[%sub3A_670, %dma_start3A_674] : memref<100x1024xf32, #tpu.memory_space<hbm>> -> memref<1x1024xf32, #tpu.memory_space<hbm>>
          %dma_start3A_676 = arith.constant 7 : i32
          %dma_start3A_677 = arith.constant 0 : i32
          %dma_start3A_678 = tpu.memref_slice %arg9[%dma_start3A_676, %dma_start3A_677] : memref<16x1024xf32, #tpu.memory_space<vmem>> -> memref<1x1024xf32, #tpu.memory_space<vmem>>
          %dma_start3A_679 = arith.constant 0 : i32
          %dma_start3A_680 = tpu.memref_slice %arg4[%sub3A_670, %dma_start3A_679] : memref<100x1024xf32, #tpu.memory_space<hbm>> -> memref<1x1024xf32, #tpu.memory_space<hbm>>
          tpu.enqueue_dma source(%dma_start3A_680 : memref<1x1024xf32, #tpu.memory_space<hbm>>) target(%dma_start3A_678 : memref<1x1024xf32, #tpu.memory_space<vmem>>) target_semaphore(%run_scoped3A : memref<!tpu.dma_semaphore, #tpu.memory_space<semaphore_mem>>)
          %dma_wait3A_681 = arith.constant 7 : i32
          %dma_wait3A_682 = arith.constant 0 : i32
          %dma_wait3A_683 = tpu.memref_slice %arg9[%dma_wait3A_681, %dma_wait3A_682] : memref<16x1024xf32, #tpu.memory_space<vmem>> -> memref<1x1024xf32, #tpu.memory_space<vmem>>
          %dma_wait3A_684 = arith.constant 0 : i32
          %dma_wait3A_685 = tpu.memref_slice %arg4[%sub3A_670, %dma_wait3A_684] : memref<100x1024xf32, #tpu.memory_space<hbm>> -> memref<1x1024xf32, #tpu.memory_space<hbm>>
          %dma_wait3A_686 = arith.constant 7 : i32
          %dma_wait3A_687 = arith.constant 0 : i32
          %dma_wait3A_688 = tpu.memref_slice %arg9[%dma_wait3A_686, %dma_wait3A_687] : memref<16x1024xf32, #tpu.memory_space<vmem>> -> memref<1x1024xf32, #tpu.memory_space<vmem>>
          %dma_wait3A_689 = arith.constant 0 : i32
          %dma_wait3A_690 = tpu.memref_slice %arg4[%sub3A_670, %dma_wait3A_689] : memref<100x1024xf32, #tpu.memory_space<hbm>> -> memref<1x1024xf32, #tpu.memory_space<hbm>>
          tpu.wait_dma2 semaphore(%run_scoped3A : memref<!tpu.dma_semaphore, #tpu.memory_space<semaphore_mem>>) src(%dma_wait3A_690 : memref<1x1024xf32, #tpu.memory_space<hbm>>) dst(%dma_wait3A_688 : memref<1x1024xf32, #tpu.memory_space<vmem>>)
          tpu.yield
        }) : () -> ()
      } else {
      }
      %slice3A_322 = vector.extract_strided_slice %get3A_265 {offsets = [8], sizes = [1], strides = [1]} : vector<16xi32> to vector<1xi32>
      %squeeze3A_323 = vector.extract %slice3A_322[0] : i32 from vector<1xi32>
      %ge3A_324 = arith.constant 100000 : i32
      %ge3A_325 = arith.cmpi sge, %squeeze3A_323, %ge3A_324 : i32
      %convert_element_type3A_326 = arith.extui %ge3A_325 : i1 to i32
      %cond3A_327 = arith.constant 0 : i32
      %cond3A_328 = arith.cmpi ne, %convert_element_type3A_326, %cond3A_327 : i32
      scf.if %cond3A_328 {
        %sub3A_669 = arith.constant 100000 : i32
        %sub3A_670 = arith.subi %squeeze3A_323, %sub3A_669 : i32
        "tpu.region"() ({
          %run_scoped3A = tpu.sem_alloc : memref<!tpu.dma_semaphore, #tpu.memory_space<semaphore_mem>>
          %dma_start3A_671 = arith.constant 8 : i32
          %dma_start3A_672 = arith.constant 0 : i32
          %dma_start3A_673 = tpu.memref_slice %arg9[%dma_start3A_671, %dma_start3A_672] : memref<16x1024xf32, #tpu.memory_space<vmem>> -> memref<1x1024xf32, #tpu.memory_space<vmem>>
          %dma_start3A_674 = arith.constant 0 : i32
          %dma_start3A_675 = tpu.memref_slice %arg4[%sub3A_670, %dma_start3A_674] : memref<100x1024xf32, #tpu.memory_space<hbm>> -> memref<1x1024xf32, #tpu.memory_space<hbm>>
          %dma_start3A_676 = arith.constant 8 : i32
          %dma_start3A_677 = arith.constant 0 : i32
          %dma_start3A_678 = tpu.memref_slice %arg9[%dma_start3A_676, %dma_start3A_677] : memref<16x1024xf32, #tpu.memory_space<vmem>> -> memref<1x1024xf32, #tpu.memory_space<vmem>>
          %dma_start3A_679 = arith.constant 0 : i32
          %dma_start3A_680 = tpu.memref_slice %arg4[%sub3A_670, %dma_start3A_679] : memref<100x1024xf32, #tpu.memory_space<hbm>> -> memref<1x1024xf32, #tpu.memory_space<hbm>>
          tpu.enqueue_dma source(%dma_start3A_680 : memref<1x1024xf32, #tpu.memory_space<hbm>>) target(%dma_start3A_678 : memref<1x1024xf32, #tpu.memory_space<vmem>>) target_semaphore(%run_scoped3A : memref<!tpu.dma_semaphore, #tpu.memory_space<semaphore_mem>>)
          %dma_wait3A_681 = arith.constant 8 : i32
          %dma_wait3A_682 = arith.constant 0 : i32
          %dma_wait3A_683 = tpu.memref_slice %arg9[%dma_wait3A_681, %dma_wait3A_682] : memref<16x1024xf32, #tpu.memory_space<vmem>> -> memref<1x1024xf32, #tpu.memory_space<vmem>>
          %dma_wait3A_684 = arith.constant 0 : i32
          %dma_wait3A_685 = tpu.memref_slice %arg4[%sub3A_670, %dma_wait3A_684] : memref<100x1024xf32, #tpu.memory_space<hbm>> -> memref<1x1024xf32, #tpu.memory_space<hbm>>
          %dma_wait3A_686 = arith.constant 8 : i32
          %dma_wait3A_687 = arith.constant 0 : i32
          %dma_wait3A_688 = tpu.memref_slice %arg9[%dma_wait3A_686, %dma_wait3A_687] : memref<16x1024xf32, #tpu.memory_space<vmem>> -> memref<1x1024xf32, #tpu.memory_space<vmem>>
          %dma_wait3A_689 = arith.constant 0 : i32
          %dma_wait3A_690 = tpu.memref_slice %arg4[%sub3A_670, %dma_wait3A_689] : memref<100x1024xf32, #tpu.memory_space<hbm>> -> memref<1x1024xf32, #tpu.memory_space<hbm>>
          tpu.wait_dma2 semaphore(%run_scoped3A : memref<!tpu.dma_semaphore, #tpu.memory_space<semaphore_mem>>) src(%dma_wait3A_690 : memref<1x1024xf32, #tpu.memory_space<hbm>>) dst(%dma_wait3A_688 : memref<1x1024xf32, #tpu.memory_space<vmem>>)
          tpu.yield
        }) : () -> ()
      } else {
      }
      %slice3A_329 = vector.extract_strided_slice %get3A_265 {offsets = [9], sizes = [1], strides = [1]} : vector<16xi32> to vector<1xi32>
      %squeeze3A_330 = vector.extract %slice3A_329[0] : i32 from vector<1xi32>
      %ge3A_331 = arith.constant 100000 : i32
      %ge3A_332 = arith.cmpi sge, %squeeze3A_330, %ge3A_331 : i32
      %convert_element_type3A_333 = arith.extui %ge3A_332 : i1 to i32
      %cond3A_334 = arith.constant 0 : i32
      %cond3A_335 = arith.cmpi ne, %convert_element_type3A_333, %cond3A_334 : i32
      scf.if %cond3A_335 {
        %sub3A_669 = arith.constant 100000 : i32
        %sub3A_670 = arith.subi %squeeze3A_330, %sub3A_669 : i32
        "tpu.region"() ({
          %run_scoped3A = tpu.sem_alloc : memref<!tpu.dma_semaphore, #tpu.memory_space<semaphore_mem>>
          %dma_start3A_671 = arith.constant 9 : i32
          %dma_start3A_672 = arith.constant 0 : i32
          %dma_start3A_673 = tpu.memref_slice %arg9[%dma_start3A_671, %dma_start3A_672] : memref<16x1024xf32, #tpu.memory_space<vmem>> -> memref<1x1024xf32, #tpu.memory_space<vmem>>
          %dma_start3A_674 = arith.constant 0 : i32
          %dma_start3A_675 = tpu.memref_slice %arg4[%sub3A_670, %dma_start3A_674] : memref<100x1024xf32, #tpu.memory_space<hbm>> -> memref<1x1024xf32, #tpu.memory_space<hbm>>
          %dma_start3A_676 = arith.constant 9 : i32
          %dma_start3A_677 = arith.constant 0 : i32
          %dma_start3A_678 = tpu.memref_slice %arg9[%dma_start3A_676, %dma_start3A_677] : memref<16x1024xf32, #tpu.memory_space<vmem>> -> memref<1x1024xf32, #tpu.memory_space<vmem>>
          %dma_start3A_679 = arith.constant 0 : i32
          %dma_start3A_680 = tpu.memref_slice %arg4[%sub3A_670, %dma_start3A_679] : memref<100x1024xf32, #tpu.memory_space<hbm>> -> memref<1x1024xf32, #tpu.memory_space<hbm>>
          tpu.enqueue_dma source(%dma_start3A_680 : memref<1x1024xf32, #tpu.memory_space<hbm>>) target(%dma_start3A_678 : memref<1x1024xf32, #tpu.memory_space<vmem>>) target_semaphore(%run_scoped3A : memref<!tpu.dma_semaphore, #tpu.memory_space<semaphore_mem>>)
          %dma_wait3A_681 = arith.constant 9 : i32
          %dma_wait3A_682 = arith.constant 0 : i32
          %dma_wait3A_683 = tpu.memref_slice %arg9[%dma_wait3A_681, %dma_wait3A_682] : memref<16x1024xf32, #tpu.memory_space<vmem>> -> memref<1x1024xf32, #tpu.memory_space<vmem>>
          %dma_wait3A_684 = arith.constant 0 : i32
          %dma_wait3A_685 = tpu.memref_slice %arg4[%sub3A_670, %dma_wait3A_684] : memref<100x1024xf32, #tpu.memory_space<hbm>> -> memref<1x1024xf32, #tpu.memory_space<hbm>>
          %dma_wait3A_686 = arith.constant 9 : i32
          %dma_wait3A_687 = arith.constant 0 : i32
          %dma_wait3A_688 = tpu.memref_slice %arg9[%dma_wait3A_686, %dma_wait3A_687] : memref<16x1024xf32, #tpu.memory_space<vmem>> -> memref<1x1024xf32, #tpu.memory_space<vmem>>
          %dma_wait3A_689 = arith.constant 0 : i32
          %dma_wait3A_690 = tpu.memref_slice %arg4[%sub3A_670, %dma_wait3A_689] : memref<100x1024xf32, #tpu.memory_space<hbm>> -> memref<1x1024xf32, #tpu.memory_space<hbm>>
          tpu.wait_dma2 semaphore(%run_scoped3A : memref<!tpu.dma_semaphore, #tpu.memory_space<semaphore_mem>>) src(%dma_wait3A_690 : memref<1x1024xf32, #tpu.memory_space<hbm>>) dst(%dma_wait3A_688 : memref<1x1024xf32, #tpu.memory_space<vmem>>)
          tpu.yield
        }) : () -> ()
      } else {
      }
      %slice3A_336 = vector.extract_strided_slice %get3A_265 {offsets = [10], sizes = [1], strides = [1]} : vector<16xi32> to vector<1xi32>
      %squeeze3A_337 = vector.extract %slice3A_336[0] : i32 from vector<1xi32>
      %ge3A_338 = arith.constant 100000 : i32
      %ge3A_339 = arith.cmpi sge, %squeeze3A_337, %ge3A_338 : i32
      %convert_element_type3A_340 = arith.extui %ge3A_339 : i1 to i32
      %cond3A_341 = arith.constant 0 : i32
      %cond3A_342 = arith.cmpi ne, %convert_element_type3A_340, %cond3A_341 : i32
      scf.if %cond3A_342 {
        %sub3A_669 = arith.constant 100000 : i32
        %sub3A_670 = arith.subi %squeeze3A_337, %sub3A_669 : i32
        "tpu.region"() ({
          %run_scoped3A = tpu.sem_alloc : memref<!tpu.dma_semaphore, #tpu.memory_space<semaphore_mem>>
          %dma_start3A_671 = arith.constant 10 : i32
          %dma_start3A_672 = arith.constant 0 : i32
          %dma_start3A_673 = tpu.memref_slice %arg9[%dma_start3A_671, %dma_start3A_672] : memref<16x1024xf32, #tpu.memory_space<vmem>> -> memref<1x1024xf32, #tpu.memory_space<vmem>>
          %dma_start3A_674 = arith.constant 0 : i32
          %dma_start3A_675 = tpu.memref_slice %arg4[%sub3A_670, %dma_start3A_674] : memref<100x1024xf32, #tpu.memory_space<hbm>> -> memref<1x1024xf32, #tpu.memory_space<hbm>>
          %dma_start3A_676 = arith.constant 10 : i32
          %dma_start3A_677 = arith.constant 0 : i32
          %dma_start3A_678 = tpu.memref_slice %arg9[%dma_start3A_676, %dma_start3A_677] : memref<16x1024xf32, #tpu.memory_space<vmem>> -> memref<1x1024xf32, #tpu.memory_space<vmem>>
          %dma_start3A_679 = arith.constant 0 : i32
          %dma_start3A_680 = tpu.memref_slice %arg4[%sub3A_670, %dma_start3A_679] : memref<100x1024xf32, #tpu.memory_space<hbm>> -> memref<1x1024xf32, #tpu.memory_space<hbm>>
          tpu.enqueue_dma source(%dma_start3A_680 : memref<1x1024xf32, #tpu.memory_space<hbm>>) target(%dma_start3A_678 : memref<1x1024xf32, #tpu.memory_space<vmem>>) target_semaphore(%run_scoped3A : memref<!tpu.dma_semaphore, #tpu.memory_space<semaphore_mem>>)
          %dma_wait3A_681 = arith.constant 10 : i32
          %dma_wait3A_682 = arith.constant 0 : i32
          %dma_wait3A_683 = tpu.memref_slice %arg9[%dma_wait3A_681, %dma_wait3A_682] : memref<16x1024xf32, #tpu.memory_space<vmem>> -> memref<1x1024xf32, #tpu.memory_space<vmem>>
          %dma_wait3A_684 = arith.constant 0 : i32
          %dma_wait3A_685 = tpu.memref_slice %arg4[%sub3A_670, %dma_wait3A_684] : memref<100x1024xf32, #tpu.memory_space<hbm>> -> memref<1x1024xf32, #tpu.memory_space<hbm>>
          %dma_wait3A_686 = arith.constant 10 : i32
          %dma_wait3A_687 = arith.constant 0 : i32
          %dma_wait3A_688 = tpu.memref_slice %arg9[%dma_wait3A_686, %dma_wait3A_687] : memref<16x1024xf32, #tpu.memory_space<vmem>> -> memref<1x1024xf32, #tpu.memory_space<vmem>>
          %dma_wait3A_689 = arith.constant 0 : i32
          %dma_wait3A_690 = tpu.memref_slice %arg4[%sub3A_670, %dma_wait3A_689] : memref<100x1024xf32, #tpu.memory_space<hbm>> -> memref<1x1024xf32, #tpu.memory_space<hbm>>
          tpu.wait_dma2 semaphore(%run_scoped3A : memref<!tpu.dma_semaphore, #tpu.memory_space<semaphore_mem>>) src(%dma_wait3A_690 : memref<1x1024xf32, #tpu.memory_space<hbm>>) dst(%dma_wait3A_688 : memref<1x1024xf32, #tpu.memory_space<vmem>>)
          tpu.yield
        }) : () -> ()
      } else {
      }
      %slice3A_343 = vector.extract_strided_slice %get3A_265 {offsets = [11], sizes = [1], strides = [1]} : vector<16xi32> to vector<1xi32>
      %squeeze3A_344 = vector.extract %slice3A_343[0] : i32 from vector<1xi32>
      %ge3A_345 = arith.constant 100000 : i32
      %ge3A_346 = arith.cmpi sge, %squeeze3A_344, %ge3A_345 : i32
      %convert_element_type3A_347 = arith.extui %ge3A_346 : i1 to i32
      %cond3A_348 = arith.constant 0 : i32
      %cond3A_349 = arith.cmpi ne, %convert_element_type3A_347, %cond3A_348 : i32
      scf.if %cond3A_349 {
        %sub3A_669 = arith.constant 100000 : i32
        %sub3A_670 = arith.subi %squeeze3A_344, %sub3A_669 : i32
        "tpu.region"() ({
          %run_scoped3A = tpu.sem_alloc : memref<!tpu.dma_semaphore, #tpu.memory_space<semaphore_mem>>
          %dma_start3A_671 = arith.constant 11 : i32
          %dma_start3A_672 = arith.constant 0 : i32
          %dma_start3A_673 = tpu.memref_slice %arg9[%dma_start3A_671, %dma_start3A_672] : memref<16x1024xf32, #tpu.memory_space<vmem>> -> memref<1x1024xf32, #tpu.memory_space<vmem>>
          %dma_start3A_674 = arith.constant 0 : i32
          %dma_start3A_675 = tpu.memref_slice %arg4[%sub3A_670, %dma_start3A_674] : memref<100x1024xf32, #tpu.memory_space<hbm>> -> memref<1x1024xf32, #tpu.memory_space<hbm>>
          %dma_start3A_676 = arith.constant 11 : i32
          %dma_start3A_677 = arith.constant 0 : i32
          %dma_start3A_678 = tpu.memref_slice %arg9[%dma_start3A_676, %dma_start3A_677] : memref<16x1024xf32, #tpu.memory_space<vmem>> -> memref<1x1024xf32, #tpu.memory_space<vmem>>
          %dma_start3A_679 = arith.constant 0 : i32
          %dma_start3A_680 = tpu.memref_slice %arg4[%sub3A_670, %dma_start3A_679] : memref<100x1024xf32, #tpu.memory_space<hbm>> -> memref<1x1024xf32, #tpu.memory_space<hbm>>
          tpu.enqueue_dma source(%dma_start3A_680 : memref<1x1024xf32, #tpu.memory_space<hbm>>) target(%dma_start3A_678 : memref<1x1024xf32, #tpu.memory_space<vmem>>) target_semaphore(%run_scoped3A : memref<!tpu.dma_semaphore, #tpu.memory_space<semaphore_mem>>)
          %dma_wait3A_681 = arith.constant 11 : i32
          %dma_wait3A_682 = arith.constant 0 : i32
          %dma_wait3A_683 = tpu.memref_slice %arg9[%dma_wait3A_681, %dma_wait3A_682] : memref<16x1024xf32, #tpu.memory_space<vmem>> -> memref<1x1024xf32, #tpu.memory_space<vmem>>
          %dma_wait3A_684 = arith.constant 0 : i32
          %dma_wait3A_685 = tpu.memref_slice %arg4[%sub3A_670, %dma_wait3A_684] : memref<100x1024xf32, #tpu.memory_space<hbm>> -> memref<1x1024xf32, #tpu.memory_space<hbm>>
          %dma_wait3A_686 = arith.constant 11 : i32
          %dma_wait3A_687 = arith.constant 0 : i32
          %dma_wait3A_688 = tpu.memref_slice %arg9[%dma_wait3A_686, %dma_wait3A_687] : memref<16x1024xf32, #tpu.memory_space<vmem>> -> memref<1x1024xf32, #tpu.memory_space<vmem>>
          %dma_wait3A_689 = arith.constant 0 : i32
          %dma_wait3A_690 = tpu.memref_slice %arg4[%sub3A_670, %dma_wait3A_689] : memref<100x1024xf32, #tpu.memory_space<hbm>> -> memref<1x1024xf32, #tpu.memory_space<hbm>>
          tpu.wait_dma2 semaphore(%run_scoped3A : memref<!tpu.dma_semaphore, #tpu.memory_space<semaphore_mem>>) src(%dma_wait3A_690 : memref<1x1024xf32, #tpu.memory_space<hbm>>) dst(%dma_wait3A_688 : memref<1x1024xf32, #tpu.memory_space<vmem>>)
          tpu.yield
        }) : () -> ()
      } else {
      }
      %slice3A_350 = vector.extract_strided_slice %get3A_265 {offsets = [12], sizes = [1], strides = [1]} : vector<16xi32> to vector<1xi32>
      %squeeze3A_351 = vector.extract %slice3A_350[0] : i32 from vector<1xi32>
      %ge3A_352 = arith.constant 100000 : i32
      %ge3A_353 = arith.cmpi sge, %squeeze3A_351, %ge3A_352 : i32
      %convert_element_type3A_354 = arith.extui %ge3A_353 : i1 to i32
      %cond3A_355 = arith.constant 0 : i32
      %cond3A_356 = arith.cmpi ne, %convert_element_type3A_354, %cond3A_355 : i32
      scf.if %cond3A_356 {
        %sub3A_669 = arith.constant 100000 : i32
        %sub3A_670 = arith.subi %squeeze3A_351, %sub3A_669 : i32
        "tpu.region"() ({
          %run_scoped3A = tpu.sem_alloc : memref<!tpu.dma_semaphore, #tpu.memory_space<semaphore_mem>>
          %dma_start3A_671 = arith.constant 12 : i32
          %dma_start3A_672 = arith.constant 0 : i32
          %dma_start3A_673 = tpu.memref_slice %arg9[%dma_start3A_671, %dma_start3A_672] : memref<16x1024xf32, #tpu.memory_space<vmem>> -> memref<1x1024xf32, #tpu.memory_space<vmem>>
          %dma_start3A_674 = arith.constant 0 : i32
          %dma_start3A_675 = tpu.memref_slice %arg4[%sub3A_670, %dma_start3A_674] : memref<100x1024xf32, #tpu.memory_space<hbm>> -> memref<1x1024xf32, #tpu.memory_space<hbm>>
          %dma_start3A_676 = arith.constant 12 : i32
          %dma_start3A_677 = arith.constant 0 : i32
          %dma_start3A_678 = tpu.memref_slice %arg9[%dma_start3A_676, %dma_start3A_677] : memref<16x1024xf32, #tpu.memory_space<vmem>> -> memref<1x1024xf32, #tpu.memory_space<vmem>>
          %dma_start3A_679 = arith.constant 0 : i32
          %dma_start3A_680 = tpu.memref_slice %arg4[%sub3A_670, %dma_start3A_679] : memref<100x1024xf32, #tpu.memory_space<hbm>> -> memref<1x1024xf32, #tpu.memory_space<hbm>>
          tpu.enqueue_dma source(%dma_start3A_680 : memref<1x1024xf32, #tpu.memory_space<hbm>>) target(%dma_start3A_678 : memref<1x1024xf32, #tpu.memory_space<vmem>>) target_semaphore(%run_scoped3A : memref<!tpu.dma_semaphore, #tpu.memory_space<semaphore_mem>>)
          %dma_wait3A_681 = arith.constant 12 : i32
          %dma_wait3A_682 = arith.constant 0 : i32
          %dma_wait3A_683 = tpu.memref_slice %arg9[%dma_wait3A_681, %dma_wait3A_682] : memref<16x1024xf32, #tpu.memory_space<vmem>> -> memref<1x1024xf32, #tpu.memory_space<vmem>>
          %dma_wait3A_684 = arith.constant 0 : i32
          %dma_wait3A_685 = tpu.memref_slice %arg4[%sub3A_670, %dma_wait3A_684] : memref<100x1024xf32, #tpu.memory_space<hbm>> -> memref<1x1024xf32, #tpu.memory_space<hbm>>
          %dma_wait3A_686 = arith.constant 12 : i32
          %dma_wait3A_687 = arith.constant 0 : i32
          %dma_wait3A_688 = tpu.memref_slice %arg9[%dma_wait3A_686, %dma_wait3A_687] : memref<16x1024xf32, #tpu.memory_space<vmem>> -> memref<1x1024xf32, #tpu.memory_space<vmem>>
          %dma_wait3A_689 = arith.constant 0 : i32
          %dma_wait3A_690 = tpu.memref_slice %arg4[%sub3A_670, %dma_wait3A_689] : memref<100x1024xf32, #tpu.memory_space<hbm>> -> memref<1x1024xf32, #tpu.memory_space<hbm>>
          tpu.wait_dma2 semaphore(%run_scoped3A : memref<!tpu.dma_semaphore, #tpu.memory_space<semaphore_mem>>) src(%dma_wait3A_690 : memref<1x1024xf32, #tpu.memory_space<hbm>>) dst(%dma_wait3A_688 : memref<1x1024xf32, #tpu.memory_space<vmem>>)
          tpu.yield
        }) : () -> ()
      } else {
      }
      %slice3A_357 = vector.extract_strided_slice %get3A_265 {offsets = [13], sizes = [1], strides = [1]} : vector<16xi32> to vector<1xi32>
      %squeeze3A_358 = vector.extract %slice3A_357[0] : i32 from vector<1xi32>
      %ge3A_359 = arith.constant 100000 : i32
      %ge3A_360 = arith.cmpi sge, %squeeze3A_358, %ge3A_359 : i32
      %convert_element_type3A_361 = arith.extui %ge3A_360 : i1 to i32
      %cond3A_362 = arith.constant 0 : i32
      %cond3A_363 = arith.cmpi ne, %convert_element_type3A_361, %cond3A_362 : i32
      scf.if %cond3A_363 {
        %sub3A_669 = arith.constant 100000 : i32
        %sub3A_670 = arith.subi %squeeze3A_358, %sub3A_669 : i32
        "tpu.region"() ({
          %run_scoped3A = tpu.sem_alloc : memref<!tpu.dma_semaphore, #tpu.memory_space<semaphore_mem>>
          %dma_start3A_671 = arith.constant 13 : i32
          %dma_start3A_672 = arith.constant 0 : i32
          %dma_start3A_673 = tpu.memref_slice %arg9[%dma_start3A_671, %dma_start3A_672] : memref<16x1024xf32, #tpu.memory_space<vmem>> -> memref<1x1024xf32, #tpu.memory_space<vmem>>
          %dma_start3A_674 = arith.constant 0 : i32
          %dma_start3A_675 = tpu.memref_slice %arg4[%sub3A_670, %dma_start3A_674] : memref<100x1024xf32, #tpu.memory_space<hbm>> -> memref<1x1024xf32, #tpu.memory_space<hbm>>
          %dma_start3A_676 = arith.constant 13 : i32
          %dma_start3A_677 = arith.constant 0 : i32
          %dma_start3A_678 = tpu.memref_slice %arg9[%dma_start3A_676, %dma_start3A_677] : memref<16x1024xf32, #tpu.memory_space<vmem>> -> memref<1x1024xf32, #tpu.memory_space<vmem>>
          %dma_start3A_679 = arith.constant 0 : i32
          %dma_start3A_680 = tpu.memref_slice %arg4[%sub3A_670, %dma_start3A_679] : memref<100x1024xf32, #tpu.memory_space<hbm>> -> memref<1x1024xf32, #tpu.memory_space<hbm>>
          tpu.enqueue_dma source(%dma_start3A_680 : memref<1x1024xf32, #tpu.memory_space<hbm>>) target(%dma_start3A_678 : memref<1x1024xf32, #tpu.memory_space<vmem>>) target_semaphore(%run_scoped3A : memref<!tpu.dma_semaphore, #tpu.memory_space<semaphore_mem>>)
          %dma_wait3A_681 = arith.constant 13 : i32
          %dma_wait3A_682 = arith.constant 0 : i32
          %dma_wait3A_683 = tpu.memref_slice %arg9[%dma_wait3A_681, %dma_wait3A_682] : memref<16x1024xf32, #tpu.memory_space<vmem>> -> memref<1x1024xf32, #tpu.memory_space<vmem>>
          %dma_wait3A_684 = arith.constant 0 : i32
          %dma_wait3A_685 = tpu.memref_slice %arg4[%sub3A_670, %dma_wait3A_684] : memref<100x1024xf32, #tpu.memory_space<hbm>> -> memref<1x1024xf32, #tpu.memory_space<hbm>>
          %dma_wait3A_686 = arith.constant 13 : i32
          %dma_wait3A_687 = arith.constant 0 : i32
          %dma_wait3A_688 = tpu.memref_slice %arg9[%dma_wait3A_686, %dma_wait3A_687] : memref<16x1024xf32, #tpu.memory_space<vmem>> -> memref<1x1024xf32, #tpu.memory_space<vmem>>
          %dma_wait3A_689 = arith.constant 0 : i32
          %dma_wait3A_690 = tpu.memref_slice %arg4[%sub3A_670, %dma_wait3A_689] : memref<100x1024xf32, #tpu.memory_space<hbm>> -> memref<1x1024xf32, #tpu.memory_space<hbm>>
          tpu.wait_dma2 semaphore(%run_scoped3A : memref<!tpu.dma_semaphore, #tpu.memory_space<semaphore_mem>>) src(%dma_wait3A_690 : memref<1x1024xf32, #tpu.memory_space<hbm>>) dst(%dma_wait3A_688 : memref<1x1024xf32, #tpu.memory_space<vmem>>)
          tpu.yield
        }) : () -> ()
      } else {
      }
      %slice3A_364 = vector.extract_strided_slice %get3A_265 {offsets = [14], sizes = [1], strides = [1]} : vector<16xi32> to vector<1xi32>
      %squeeze3A_365 = vector.extract %slice3A_364[0] : i32 from vector<1xi32>
      %ge3A_366 = arith.constant 100000 : i32
      %ge3A_367 = arith.cmpi sge, %squeeze3A_365, %ge3A_366 : i32
      %convert_element_type3A_368 = arith.extui %ge3A_367 : i1 to i32
      %cond3A_369 = arith.constant 0 : i32
      %cond3A_370 = arith.cmpi ne, %convert_element_type3A_368, %cond3A_369 : i32
      scf.if %cond3A_370 {
        %sub3A_669 = arith.constant 100000 : i32
        %sub3A_670 = arith.subi %squeeze3A_365, %sub3A_669 : i32
        "tpu.region"() ({
          %run_scoped3A = tpu.sem_alloc : memref<!tpu.dma_semaphore, #tpu.memory_space<semaphore_mem>>
          %dma_start3A_671 = arith.constant 14 : i32
          %dma_start3A_672 = arith.constant 0 : i32
          %dma_start3A_673 = tpu.memref_slice %arg9[%dma_start3A_671, %dma_start3A_672] : memref<16x1024xf32, #tpu.memory_space<vmem>> -> memref<1x1024xf32, #tpu.memory_space<vmem>>
          %dma_start3A_674 = arith.constant 0 : i32
          %dma_start3A_675 = tpu.memref_slice %arg4[%sub3A_670, %dma_start3A_674] : memref<100x1024xf32, #tpu.memory_space<hbm>> -> memref<1x1024xf32, #tpu.memory_space<hbm>>
          %dma_start3A_676 = arith.constant 14 : i32
          %dma_start3A_677 = arith.constant 0 : i32
          %dma_start3A_678 = tpu.memref_slice %arg9[%dma_start3A_676, %dma_start3A_677] : memref<16x1024xf32, #tpu.memory_space<vmem>> -> memref<1x1024xf32, #tpu.memory_space<vmem>>
          %dma_start3A_679 = arith.constant 0 : i32
          %dma_start3A_680 = tpu.memref_slice %arg4[%sub3A_670, %dma_start3A_679] : memref<100x1024xf32, #tpu.memory_space<hbm>> -> memref<1x1024xf32, #tpu.memory_space<hbm>>
          tpu.enqueue_dma source(%dma_start3A_680 : memref<1x1024xf32, #tpu.memory_space<hbm>>) target(%dma_start3A_678 : memref<1x1024xf32, #tpu.memory_space<vmem>>) target_semaphore(%run_scoped3A : memref<!tpu.dma_semaphore, #tpu.memory_space<semaphore_mem>>)
          %dma_wait3A_681 = arith.constant 14 : i32
          %dma_wait3A_682 = arith.constant 0 : i32
          %dma_wait3A_683 = tpu.memref_slice %arg9[%dma_wait3A_681, %dma_wait3A_682] : memref<16x1024xf32, #tpu.memory_space<vmem>> -> memref<1x1024xf32, #tpu.memory_space<vmem>>
          %dma_wait3A_684 = arith.constant 0 : i32
          %dma_wait3A_685 = tpu.memref_slice %arg4[%sub3A_670, %dma_wait3A_684] : memref<100x1024xf32, #tpu.memory_space<hbm>> -> memref<1x1024xf32, #tpu.memory_space<hbm>>
          %dma_wait3A_686 = arith.constant 14 : i32
          %dma_wait3A_687 = arith.constant 0 : i32
          %dma_wait3A_688 = tpu.memref_slice %arg9[%dma_wait3A_686, %dma_wait3A_687] : memref<16x1024xf32, #tpu.memory_space<vmem>> -> memref<1x1024xf32, #tpu.memory_space<vmem>>
          %dma_wait3A_689 = arith.constant 0 : i32
          %dma_wait3A_690 = tpu.memref_slice %arg4[%sub3A_670, %dma_wait3A_689] : memref<100x1024xf32, #tpu.memory_space<hbm>> -> memref<1x1024xf32, #tpu.memory_space<hbm>>
          tpu.wait_dma2 semaphore(%run_scoped3A : memref<!tpu.dma_semaphore, #tpu.memory_space<semaphore_mem>>) src(%dma_wait3A_690 : memref<1x1024xf32, #tpu.memory_space<hbm>>) dst(%dma_wait3A_688 : memref<1x1024xf32, #tpu.memory_space<vmem>>)
          tpu.yield
        }) : () -> ()
      } else {
      }
      %slice3A_371 = vector.extract_strided_slice %get3A_265 {offsets = [15], sizes = [1], strides = [1]} : vector<16xi32> to vector<1xi32>
      %squeeze3A_372 = vector.extract %slice3A_371[0] : i32 from vector<1xi32>
      %ge3A_373 = arith.constant 100000 : i32
      %ge3A_374 = arith.cmpi sge, %squeeze3A_372, %ge3A_373 : i32
      %convert_element_type3A_375 = arith.extui %ge3A_374 : i1 to i32
      %cond3A_376 = arith.constant 0 : i32
      %cond3A_377 = arith.cmpi ne, %convert_element_type3A_375, %cond3A_376 : i32
      scf.if %cond3A_377 {
        %sub3A_669 = arith.constant 100000 : i32
        %sub3A_670 = arith.subi %squeeze3A_372, %sub3A_669 : i32
        "tpu.region"() ({
          %run_scoped3A = tpu.sem_alloc : memref<!tpu.dma_semaphore, #tpu.memory_space<semaphore_mem>>
          %dma_start3A_671 = arith.constant 15 : i32
          %dma_start3A_672 = arith.constant 0 : i32
          %dma_start3A_673 = tpu.memref_slice %arg9[%dma_start3A_671, %dma_start3A_672] : memref<16x1024xf32, #tpu.memory_space<vmem>> -> memref<1x1024xf32, #tpu.memory_space<vmem>>
          %dma_start3A_674 = arith.constant 0 : i32
          %dma_start3A_675 = tpu.memref_slice %arg4[%sub3A_670, %dma_start3A_674] : memref<100x1024xf32, #tpu.memory_space<hbm>> -> memref<1x1024xf32, #tpu.memory_space<hbm>>
          %dma_start3A_676 = arith.constant 15 : i32
          %dma_start3A_677 = arith.constant 0 : i32
          %dma_start3A_678 = tpu.memref_slice %arg9[%dma_start3A_676, %dma_start3A_677] : memref<16x1024xf32, #tpu.memory_space<vmem>> -> memref<1x1024xf32, #tpu.memory_space<vmem>>
          %dma_start3A_679 = arith.constant 0 : i32
          %dma_start3A_680 = tpu.memref_slice %arg4[%sub3A_670, %dma_start3A_679] : memref<100x1024xf32, #tpu.memory_space<hbm>> -> memref<1x1024xf32, #tpu.memory_space<hbm>>
          tpu.enqueue_dma source(%dma_start3A_680 : memref<1x1024xf32, #tpu.memory_space<hbm>>) target(%dma_start3A_678 : memref<1x1024xf32, #tpu.memory_space<vmem>>) target_semaphore(%run_scoped3A : memref<!tpu.dma_semaphore, #tpu.memory_space<semaphore_mem>>)
          %dma_wait3A_681 = arith.constant 15 : i32
          %dma_wait3A_682 = arith.constant 0 : i32
          %dma_wait3A_683 = tpu.memref_slice %arg9[%dma_wait3A_681, %dma_wait3A_682] : memref<16x1024xf32, #tpu.memory_space<vmem>> -> memref<1x1024xf32, #tpu.memory_space<vmem>>
          %dma_wait3A_684 = arith.constant 0 : i32
          %dma_wait3A_685 = tpu.memref_slice %arg4[%sub3A_670, %dma_wait3A_684] : memref<100x1024xf32, #tpu.memory_space<hbm>> -> memref<1x1024xf32, #tpu.memory_space<hbm>>
          %dma_wait3A_686 = arith.constant 15 : i32
          %dma_wait3A_687 = arith.constant 0 : i32
          %dma_wait3A_688 = tpu.memref_slice %arg9[%dma_wait3A_686, %dma_wait3A_687] : memref<16x1024xf32, #tpu.memory_space<vmem>> -> memref<1x1024xf32, #tpu.memory_space<vmem>>
          %dma_wait3A_689 = arith.constant 0 : i32
          %dma_wait3A_690 = tpu.memref_slice %arg4[%sub3A_670, %dma_wait3A_689] : memref<100x1024xf32, #tpu.memory_space<hbm>> -> memref<1x1024xf32, #tpu.memory_space<hbm>>
          tpu.wait_dma2 semaphore(%run_scoped3A : memref<!tpu.dma_semaphore, #tpu.memory_space<semaphore_mem>>) src(%dma_wait3A_690 : memref<1x1024xf32, #tpu.memory_space<hbm>>) dst(%dma_wait3A_688 : memref<1x1024xf32, #tpu.memory_space<vmem>>)
          tpu.yield
        }) : () -> ()
      } else {
      }
      %add3A_378 = arith.addi %mul3A_32, %mul3A_248 : i32
      %dma_start3A_379 = arith.constant 0 : i32
      %dma_start3A_380 = tpu.memref_slice %arg5[%select_n3A, %add3A_378, %dma_start3A_379] : memref<4x2048x1024xf32, #tpu.memory_space<hbm>> -> memref<1x16x1024xf32, #tpu.memory_space<hbm>>
      %dma_start3A_381 = tpu.memref_squeeze %dma_start3A_380 : memref<1x16x1024xf32, #tpu.memory_space<hbm>> -> memref<16x1024xf32, #tpu.memory_space<hbm>>
      %dma_start3A_382 = arith.constant 0 : i32
      %dma_start3A_383 = tpu.memref_slice %arg5[%select_n3A, %add3A_378, %dma_start3A_382] : memref<4x2048x1024xf32, #tpu.memory_space<hbm>> -> memref<1x16x1024xf32, #tpu.memory_space<hbm>>
      %dma_start3A_384 = tpu.memref_squeeze %dma_start3A_383 : memref<1x16x1024xf32, #tpu.memory_space<hbm>> -> memref<16x1024xf32, #tpu.memory_space<hbm>>
      tpu.enqueue_dma source(%arg9 : memref<16x1024xf32, #tpu.memory_space<vmem>>) target(%dma_start3A_384 : memref<16x1024xf32, #tpu.memory_space<hbm>>) target_semaphore(%arg17 : memref<!tpu.dma_semaphore, #tpu.memory_space<semaphore_mem>>)
      %mul3A_385 = arith.constant 4 : i32
      %mul3A_386 = arith.muli %scan3A_104, %mul3A_385 : i32
      %add3A_387 = arith.constant 2 : i32
      %add3A_388 = arith.addi %mul3A_386, %add3A_387 : i32
      %mul3A_389 = arith.constant 16 : i32
      %mul3A_390 = arith.muli %add3A_388, %mul3A_389 : i32
      %add3A_391 = arith.constant 2 : i32
      %add3A_392 = arith.addi %add3A_388, %add3A_391 : i32
      %lt3A_393 = arith.constant 16 : i32
      %lt3A_394 = arith.cmpi slt, %add3A_392, %lt3A_393 : i32
      %convert_element_type3A_395 = arith.extui %lt3A_394 : i1 to i32
      %cond3A_396 = arith.constant 0 : i32
      %cond3A_397 = arith.cmpi ne, %convert_element_type3A_395, %cond3A_396 : i32
      scf.if %cond3A_397 {
        %add3A_669 = arith.constant 2 : i32
        %add3A_670 = arith.addi %add3A_388, %add3A_669 : i32
        %mul3A_671 = arith.constant 16 : i32
        %mul3A_672 = arith.muli %add3A_670, %mul3A_671 : i32
        %ge3A_673 = arith.constant 2 : i32
        %ge3A_674 = arith.cmpi sge, %add3A_388, %ge3A_673 : i32
        %convert_element_type3A_675 = arith.extui %ge3A_674 : i1 to i32
        %cond3A_676 = arith.constant 0 : i32
        %cond3A_677 = arith.cmpi ne, %convert_element_type3A_675, %cond3A_676 : i32
        scf.if %cond3A_677 {
          %add3A_696 = arith.constant 2 : i32
          %add3A_697 = arith.addi %add3A_388, %add3A_696 : i32
          %sub3A_698 = arith.constant 4 : i32
          %sub3A_699 = arith.subi %add3A_697, %sub3A_698 : i32
          %mul3A_700 = arith.constant 16 : i32
          %mul3A_701 = arith.muli %sub3A_699, %mul3A_700 : i32
          %add3A_702 = arith.addi %mul3A_32, %mul3A_701 : i32
          %dma_wait3A_703 = arith.constant 0 : i32
          %dma_wait3A_704 = tpu.memref_slice %arg5[%select_n3A, %add3A_702, %dma_wait3A_703] : memref<4x2048x1024xf32, #tpu.memory_space<hbm>> -> memref<1x16x1024xf32, #tpu.memory_space<hbm>>
          %dma_wait3A_705 = tpu.memref_squeeze %dma_wait3A_704 : memref<1x16x1024xf32, #tpu.memory_space<hbm>> -> memref<16x1024xf32, #tpu.memory_space<hbm>>
          %dma_wait3A_706 = arith.constant 0 : i32
          %dma_wait3A_707 = tpu.memref_slice %arg5[%select_n3A, %add3A_702, %dma_wait3A_706] : memref<4x2048x1024xf32, #tpu.memory_space<hbm>> -> memref<1x16x1024xf32, #tpu.memory_space<hbm>>
          %dma_wait3A_708 = tpu.memref_squeeze %dma_wait3A_707 : memref<1x16x1024xf32, #tpu.memory_space<hbm>> -> memref<16x1024xf32, #tpu.memory_space<hbm>>
          tpu.wait_dma2 semaphore(%arg16 : memref<!tpu.dma_semaphore, #tpu.memory_space<semaphore_mem>>) src(%arg8 : memref<16x1024xf32, #tpu.memory_space<vmem>>) dst(%dma_wait3A_708 : memref<16x1024xf32, #tpu.memory_space<hbm>>)
        } else {
        }
        %get3A_678 = arith.index_cast %mul3A_672 : i32 to index
        %get3A_679 = tpu.vector_load %arg6[%get3A_678] {strides = array<i32>} : memref<256xi32, #tpu.memory_space<vmem>>, vector<16xi32>,
        %get3A_680 = vector.shape_cast %get3A_679 : vector<16xi32> to vector<16xi32>
        %ge3A_681 = arith.cmpi sge, %get3A_680, %broadcast_in_dim3A_35 : vector<16xi32>
        %select_n3A_682 = arith.select %ge3A_681, %broadcast_in_dim3A_33, %get3A_680 : vector<16xi1>, vector<16xi32>
        %swap3A_683 = arith.constant 0 : i32
        %swap3A_684 = arith.index_cast %swap3A_683 : i32 to index
        %swap3A_685 = arith.constant 0 : index
        %swap3A_686 = tpu.vector_load %arg7[%swap3A_684, %swap3A_685] {strides = array<i32>} : memref<4x16xi32, #tpu.memory_space<vmem>>, vector<1x16xi32>,
        %swap3A_687 = vector.shape_cast %swap3A_686 : vector<1x16xi32> to vector<16xi32>
        %swap3A_688 = vector.shape_cast %select_n3A_682 : vector<16xi32> to vector<1x16xi32>
        tpu.vector_store %arg7[%swap3A_684, %swap3A_685], %swap3A_688 {strides = array<i32>} : memref<4x16xi32, #tpu.memory_space<vmem>>, vector<1x16xi32>,
        %dma_start3A_689 = arith.constant 0 : i32
        %dma_start3A_690 = arith.constant 0 : i32
        %dma_start3A_691 = tpu.memref_slice %arg7[%dma_start3A_689, %dma_start3A_690] : memref<4x16xi32, #tpu.memory_space<vmem>> -> memref<1x16xi32, #tpu.memory_space<vmem>>
        %dma_start3A_692 = tpu.memref_squeeze %dma_start3A_691 : memref<1x16xi32, #tpu.memory_space<vmem>> -> memref<16xi32, #tpu.memory_space<vmem>>
        %dma_start3A_693 = arith.constant 0 : i32
        %dma_start3A_694 = arith.constant 0 : i32
        %dma_start3A_695 = tpu.memref_slice %arg3[%dma_start3A_693, %dma_start3A_694] : memref<100000x1024xf32, #tpu.memory_space<hbm>> -> memref<100000x1024xf32, #tpu.memory_space<hbm>>
        tpu.enqueue_indirect_dma source(%dma_start3A_695 : memref<100000x1024xf32, #tpu.memory_space<hbm>>) target(%arg8 : memref<16x1024xf32, #tpu.memory_space<vmem>>) offsets(%dma_start3A_692 : memref<16xi32, #tpu.memory_space<vmem>>) semaphore(%arg12 : memref<!tpu.dma_semaphore, #tpu.memory_space<semaphore_mem>>)
      } else {
      }
      %dma_wait3A_398 = arith.constant 2 : i32
      %dma_wait3A_399 = arith.constant 0 : i32
      %dma_wait3A_400 = tpu.memref_slice %arg7[%dma_wait3A_398, %dma_wait3A_399] : memref<4x16xi32, #tpu.memory_space<vmem>> -> memref<1x16xi32, #tpu.memory_space<vmem>>
      %dma_wait3A_401 = tpu.memref_squeeze %dma_wait3A_400 : memref<1x16xi32, #tpu.memory_space<vmem>> -> memref<16xi32, #tpu.memory_space<vmem>>
      %dma_wait3A_402 = arith.constant 0 : i32
      %dma_wait3A_403 = arith.constant 0 : i32
      %dma_wait3A_404 = tpu.memref_slice %arg3[%dma_wait3A_402, %dma_wait3A_403] : memref<100000x1024xf32, #tpu.memory_space<hbm>> -> memref<100000x1024xf32, #tpu.memory_space<hbm>>
      tpu.wait_indirect_dma semaphore(%arg14 : memref<!tpu.dma_semaphore, #tpu.memory_space<semaphore_mem>>) src(%dma_wait3A_404 : memref<100000x1024xf32, #tpu.memory_space<hbm>>) dst(%arg10 : memref<16x1024xf32, #tpu.memory_space<vmem>>)
      %get3A_405 = arith.index_cast %mul3A_390 : i32 to index
      %get3A_406 = tpu.vector_load %arg6[%get3A_405] {strides = array<i32>} : memref<256xi32, #tpu.memory_space<vmem>>, vector<16xi32>,
      %get3A_407 = vector.shape_cast %get3A_406 : vector<16xi32> to vector<16xi32>
      %slice3A_408 = vector.extract_strided_slice %get3A_407 {offsets = [0], sizes = [1], strides = [1]} : vector<16xi32> to vector<1xi32>
      %squeeze3A_409 = vector.extract %slice3A_408[0] : i32 from vector<1xi32>
      %ge3A_410 = arith.constant 100000 : i32
      %ge3A_411 = arith.cmpi sge, %squeeze3A_409, %ge3A_410 : i32
      %convert_element_type3A_412 = arith.extui %ge3A_411 : i1 to i32
      %cond3A_413 = arith.constant 0 : i32
      %cond3A_414 = arith.cmpi ne, %convert_element_type3A_412, %cond3A_413 : i32
      scf.if %cond3A_414 {
        %sub3A_669 = arith.constant 100000 : i32
        %sub3A_670 = arith.subi %squeeze3A_409, %sub3A_669 : i32
        "tpu.region"() ({
          %run_scoped3A = tpu.sem_alloc : memref<!tpu.dma_semaphore, #tpu.memory_space<semaphore_mem>>
          %dma_start3A_671 = arith.constant 0 : i32
          %dma_start3A_672 = arith.constant 0 : i32
          %dma_start3A_673 = tpu.memref_slice %arg10[%dma_start3A_671, %dma_start3A_672] : memref<16x1024xf32, #tpu.memory_space<vmem>> -> memref<1x1024xf32, #tpu.memory_space<vmem>>
          %dma_start3A_674 = arith.constant 0 : i32
          %dma_start3A_675 = tpu.memref_slice %arg4[%sub3A_670, %dma_start3A_674] : memref<100x1024xf32, #tpu.memory_space<hbm>> -> memref<1x1024xf32, #tpu.memory_space<hbm>>
          %dma_start3A_676 = arith.constant 0 : i32
          %dma_start3A_677 = arith.constant 0 : i32
          %dma_start3A_678 = tpu.memref_slice %arg10[%dma_start3A_676, %dma_start3A_677] : memref<16x1024xf32, #tpu.memory_space<vmem>> -> memref<1x1024xf32, #tpu.memory_space<vmem>>
          %dma_start3A_679 = arith.constant 0 : i32
          %dma_start3A_680 = tpu.memref_slice %arg4[%sub3A_670, %dma_start3A_679] : memref<100x1024xf32, #tpu.memory_space<hbm>> -> memref<1x1024xf32, #tpu.memory_space<hbm>>
          tpu.enqueue_dma source(%dma_start3A_680 : memref<1x1024xf32, #tpu.memory_space<hbm>>) target(%dma_start3A_678 : memref<1x1024xf32, #tpu.memory_space<vmem>>) target_semaphore(%run_scoped3A : memref<!tpu.dma_semaphore, #tpu.memory_space<semaphore_mem>>)
          %dma_wait3A_681 = arith.constant 0 : i32
          %dma_wait3A_682 = arith.constant 0 : i32
          %dma_wait3A_683 = tpu.memref_slice %arg10[%dma_wait3A_681, %dma_wait3A_682] : memref<16x1024xf32, #tpu.memory_space<vmem>> -> memref<1x1024xf32, #tpu.memory_space<vmem>>
          %dma_wait3A_684 = arith.constant 0 : i32
          %dma_wait3A_685 = tpu.memref_slice %arg4[%sub3A_670, %dma_wait3A_684] : memref<100x1024xf32, #tpu.memory_space<hbm>> -> memref<1x1024xf32, #tpu.memory_space<hbm>>
          %dma_wait3A_686 = arith.constant 0 : i32
          %dma_wait3A_687 = arith.constant 0 : i32
          %dma_wait3A_688 = tpu.memref_slice %arg10[%dma_wait3A_686, %dma_wait3A_687] : memref<16x1024xf32, #tpu.memory_space<vmem>> -> memref<1x1024xf32, #tpu.memory_space<vmem>>
          %dma_wait3A_689 = arith.constant 0 : i32
          %dma_wait3A_690 = tpu.memref_slice %arg4[%sub3A_670, %dma_wait3A_689] : memref<100x1024xf32, #tpu.memory_space<hbm>> -> memref<1x1024xf32, #tpu.memory_space<hbm>>
          tpu.wait_dma2 semaphore(%run_scoped3A : memref<!tpu.dma_semaphore, #tpu.memory_space<semaphore_mem>>) src(%dma_wait3A_690 : memref<1x1024xf32, #tpu.memory_space<hbm>>) dst(%dma_wait3A_688 : memref<1x1024xf32, #tpu.memory_space<vmem>>)
          tpu.yield
        }) : () -> ()
      } else {
      }
      %slice3A_415 = vector.extract_strided_slice %get3A_407 {offsets = [1], sizes = [1], strides = [1]} : vector<16xi32> to vector<1xi32>
      %squeeze3A_416 = vector.extract %slice3A_415[0] : i32 from vector<1xi32>
      %ge3A_417 = arith.constant 100000 : i32
      %ge3A_418 = arith.cmpi sge, %squeeze3A_416, %ge3A_417 : i32
      %convert_element_type3A_419 = arith.extui %ge3A_418 : i1 to i32
      %cond3A_420 = arith.constant 0 : i32
      %cond3A_421 = arith.cmpi ne, %convert_element_type3A_419, %cond3A_420 : i32
      scf.if %cond3A_421 {
        %sub3A_669 = arith.constant 100000 : i32
        %sub3A_670 = arith.subi %squeeze3A_416, %sub3A_669 : i32
        "tpu.region"() ({
          %run_scoped3A = tpu.sem_alloc : memref<!tpu.dma_semaphore, #tpu.memory_space<semaphore_mem>>
          %dma_start3A_671 = arith.constant 1 : i32
          %dma_start3A_672 = arith.constant 0 : i32
          %dma_start3A_673 = tpu.memref_slice %arg10[%dma_start3A_671, %dma_start3A_672] : memref<16x1024xf32, #tpu.memory_space<vmem>> -> memref<1x1024xf32, #tpu.memory_space<vmem>>
          %dma_start3A_674 = arith.constant 0 : i32
          %dma_start3A_675 = tpu.memref_slice %arg4[%sub3A_670, %dma_start3A_674] : memref<100x1024xf32, #tpu.memory_space<hbm>> -> memref<1x1024xf32, #tpu.memory_space<hbm>>
          %dma_start3A_676 = arith.constant 1 : i32
          %dma_start3A_677 = arith.constant 0 : i32
          %dma_start3A_678 = tpu.memref_slice %arg10[%dma_start3A_676, %dma_start3A_677] : memref<16x1024xf32, #tpu.memory_space<vmem>> -> memref<1x1024xf32, #tpu.memory_space<vmem>>
          %dma_start3A_679 = arith.constant 0 : i32
          %dma_start3A_680 = tpu.memref_slice %arg4[%sub3A_670, %dma_start3A_679] : memref<100x1024xf32, #tpu.memory_space<hbm>> -> memref<1x1024xf32, #tpu.memory_space<hbm>>
          tpu.enqueue_dma source(%dma_start3A_680 : memref<1x1024xf32, #tpu.memory_space<hbm>>) target(%dma_start3A_678 : memref<1x1024xf32, #tpu.memory_space<vmem>>) target_semaphore(%run_scoped3A : memref<!tpu.dma_semaphore, #tpu.memory_space<semaphore_mem>>)
          %dma_wait3A_681 = arith.constant 1 : i32
          %dma_wait3A_682 = arith.constant 0 : i32
          %dma_wait3A_683 = tpu.memref_slice %arg10[%dma_wait3A_681, %dma_wait3A_682] : memref<16x1024xf32, #tpu.memory_space<vmem>> -> memref<1x1024xf32, #tpu.memory_space<vmem>>
          %dma_wait3A_684 = arith.constant 0 : i32
          %dma_wait3A_685 = tpu.memref_slice %arg4[%sub3A_670, %dma_wait3A_684] : memref<100x1024xf32, #tpu.memory_space<hbm>> -> memref<1x1024xf32, #tpu.memory_space<hbm>>
          %dma_wait3A_686 = arith.constant 1 : i32
          %dma_wait3A_687 = arith.constant 0 : i32
          %dma_wait3A_688 = tpu.memref_slice %arg10[%dma_wait3A_686, %dma_wait3A_687] : memref<16x1024xf32, #tpu.memory_space<vmem>> -> memref<1x1024xf32, #tpu.memory_space<vmem>>
          %dma_wait3A_689 = arith.constant 0 : i32
          %dma_wait3A_690 = tpu.memref_slice %arg4[%sub3A_670, %dma_wait3A_689] : memref<100x1024xf32, #tpu.memory_space<hbm>> -> memref<1x1024xf32, #tpu.memory_space<hbm>>
          tpu.wait_dma2 semaphore(%run_scoped3A : memref<!tpu.dma_semaphore, #tpu.memory_space<semaphore_mem>>) src(%dma_wait3A_690 : memref<1x1024xf32, #tpu.memory_space<hbm>>) dst(%dma_wait3A_688 : memref<1x1024xf32, #tpu.memory_space<vmem>>)
          tpu.yield
        }) : () -> ()
      } else {
      }
      %slice3A_422 = vector.extract_strided_slice %get3A_407 {offsets = [2], sizes = [1], strides = [1]} : vector<16xi32> to vector<1xi32>
      %squeeze3A_423 = vector.extract %slice3A_422[0] : i32 from vector<1xi32>
      %ge3A_424 = arith.constant 100000 : i32
      %ge3A_425 = arith.cmpi sge, %squeeze3A_423, %ge3A_424 : i32
      %convert_element_type3A_426 = arith.extui %ge3A_425 : i1 to i32
      %cond3A_427 = arith.constant 0 : i32
      %cond3A_428 = arith.cmpi ne, %convert_element_type3A_426, %cond3A_427 : i32
      scf.if %cond3A_428 {
        %sub3A_669 = arith.constant 100000 : i32
        %sub3A_670 = arith.subi %squeeze3A_423, %sub3A_669 : i32
        "tpu.region"() ({
          %run_scoped3A = tpu.sem_alloc : memref<!tpu.dma_semaphore, #tpu.memory_space<semaphore_mem>>
          %dma_start3A_671 = arith.constant 2 : i32
          %dma_start3A_672 = arith.constant 0 : i32
          %dma_start3A_673 = tpu.memref_slice %arg10[%dma_start3A_671, %dma_start3A_672] : memref<16x1024xf32, #tpu.memory_space<vmem>> -> memref<1x1024xf32, #tpu.memory_space<vmem>>
          %dma_start3A_674 = arith.constant 0 : i32
          %dma_start3A_675 = tpu.memref_slice %arg4[%sub3A_670, %dma_start3A_674] : memref<100x1024xf32, #tpu.memory_space<hbm>> -> memref<1x1024xf32, #tpu.memory_space<hbm>>
          %dma_start3A_676 = arith.constant 2 : i32
          %dma_start3A_677 = arith.constant 0 : i32
          %dma_start3A_678 = tpu.memref_slice %arg10[%dma_start3A_676, %dma_start3A_677] : memref<16x1024xf32, #tpu.memory_space<vmem>> -> memref<1x1024xf32, #tpu.memory_space<vmem>>
          %dma_start3A_679 = arith.constant 0 : i32
          %dma_start3A_680 = tpu.memref_slice %arg4[%sub3A_670, %dma_start3A_679] : memref<100x1024xf32, #tpu.memory_space<hbm>> -> memref<1x1024xf32, #tpu.memory_space<hbm>>
          tpu.enqueue_dma source(%dma_start3A_680 : memref<1x1024xf32, #tpu.memory_space<hbm>>) target(%dma_start3A_678 : memref<1x1024xf32, #tpu.memory_space<vmem>>) target_semaphore(%run_scoped3A : memref<!tpu.dma_semaphore, #tpu.memory_space<semaphore_mem>>)
          %dma_wait3A_681 = arith.constant 2 : i32
          %dma_wait3A_682 = arith.constant 0 : i32
          %dma_wait3A_683 = tpu.memref_slice %arg10[%dma_wait3A_681, %dma_wait3A_682] : memref<16x1024xf32, #tpu.memory_space<vmem>> -> memref<1x1024xf32, #tpu.memory_space<vmem>>
          %dma_wait3A_684 = arith.constant 0 : i32
          %dma_wait3A_685 = tpu.memref_slice %arg4[%sub3A_670, %dma_wait3A_684] : memref<100x1024xf32, #tpu.memory_space<hbm>> -> memref<1x1024xf32, #tpu.memory_space<hbm>>
          %dma_wait3A_686 = arith.constant 2 : i32
          %dma_wait3A_687 = arith.constant 0 : i32
          %dma_wait3A_688 = tpu.memref_slice %arg10[%dma_wait3A_686, %dma_wait3A_687] : memref<16x1024xf32, #tpu.memory_space<vmem>> -> memref<1x1024xf32, #tpu.memory_space<vmem>>
          %dma_wait3A_689 = arith.constant 0 : i32
          %dma_wait3A_690 = tpu.memref_slice %arg4[%sub3A_670, %dma_wait3A_689] : memref<100x1024xf32, #tpu.memory_space<hbm>> -> memref<1x1024xf32, #tpu.memory_space<hbm>>
          tpu.wait_dma2 semaphore(%run_scoped3A : memref<!tpu.dma_semaphore, #tpu.memory_space<semaphore_mem>>) src(%dma_wait3A_690 : memref<1x1024xf32, #tpu.memory_space<hbm>>) dst(%dma_wait3A_688 : memref<1x1024xf32, #tpu.memory_space<vmem>>)
          tpu.yield
        }) : () -> ()
      } else {
      }
      %slice3A_429 = vector.extract_strided_slice %get3A_407 {offsets = [3], sizes = [1], strides = [1]} : vector<16xi32> to vector<1xi32>
      %squeeze3A_430 = vector.extract %slice3A_429[0] : i32 from vector<1xi32>
      %ge3A_431 = arith.constant 100000 : i32
      %ge3A_432 = arith.cmpi sge, %squeeze3A_430, %ge3A_431 : i32
      %convert_element_type3A_433 = arith.extui %ge3A_432 : i1 to i32
      %cond3A_434 = arith.constant 0 : i32
      %cond3A_435 = arith.cmpi ne, %convert_element_type3A_433, %cond3A_434 : i32
      scf.if %cond3A_435 {
        %sub3A_669 = arith.constant 100000 : i32
        %sub3A_670 = arith.subi %squeeze3A_430, %sub3A_669 : i32
        "tpu.region"() ({
          %run_scoped3A = tpu.sem_alloc : memref<!tpu.dma_semaphore, #tpu.memory_space<semaphore_mem>>
          %dma_start3A_671 = arith.constant 3 : i32
          %dma_start3A_672 = arith.constant 0 : i32
          %dma_start3A_673 = tpu.memref_slice %arg10[%dma_start3A_671, %dma_start3A_672] : memref<16x1024xf32, #tpu.memory_space<vmem>> -> memref<1x1024xf32, #tpu.memory_space<vmem>>
          %dma_start3A_674 = arith.constant 0 : i32
          %dma_start3A_675 = tpu.memref_slice %arg4[%sub3A_670, %dma_start3A_674] : memref<100x1024xf32, #tpu.memory_space<hbm>> -> memref<1x1024xf32, #tpu.memory_space<hbm>>
          %dma_start3A_676 = arith.constant 3 : i32
          %dma_start3A_677 = arith.constant 0 : i32
          %dma_start3A_678 = tpu.memref_slice %arg10[%dma_start3A_676, %dma_start3A_677] : memref<16x1024xf32, #tpu.memory_space<vmem>> -> memref<1x1024xf32, #tpu.memory_space<vmem>>
          %dma_start3A_679 = arith.constant 0 : i32
          %dma_start3A_680 = tpu.memref_slice %arg4[%sub3A_670, %dma_start3A_679] : memref<100x1024xf32, #tpu.memory_space<hbm>> -> memref<1x1024xf32, #tpu.memory_space<hbm>>
          tpu.enqueue_dma source(%dma_start3A_680 : memref<1x1024xf32, #tpu.memory_space<hbm>>) target(%dma_start3A_678 : memref<1x1024xf32, #tpu.memory_space<vmem>>) target_semaphore(%run_scoped3A : memref<!tpu.dma_semaphore, #tpu.memory_space<semaphore_mem>>)
          %dma_wait3A_681 = arith.constant 3 : i32
          %dma_wait3A_682 = arith.constant 0 : i32
          %dma_wait3A_683 = tpu.memref_slice %arg10[%dma_wait3A_681, %dma_wait3A_682] : memref<16x1024xf32, #tpu.memory_space<vmem>> -> memref<1x1024xf32, #tpu.memory_space<vmem>>
          %dma_wait3A_684 = arith.constant 0 : i32
          %dma_wait3A_685 = tpu.memref_slice %arg4[%sub3A_670, %dma_wait3A_684] : memref<100x1024xf32, #tpu.memory_space<hbm>> -> memref<1x1024xf32, #tpu.memory_space<hbm>>
          %dma_wait3A_686 = arith.constant 3 : i32
          %dma_wait3A_687 = arith.constant 0 : i32
          %dma_wait3A_688 = tpu.memref_slice %arg10[%dma_wait3A_686, %dma_wait3A_687] : memref<16x1024xf32, #tpu.memory_space<vmem>> -> memref<1x1024xf32, #tpu.memory_space<vmem>>
          %dma_wait3A_689 = arith.constant 0 : i32
          %dma_wait3A_690 = tpu.memref_slice %arg4[%sub3A_670, %dma_wait3A_689] : memref<100x1024xf32, #tpu.memory_space<hbm>> -> memref<1x1024xf32, #tpu.memory_space<hbm>>
          tpu.wait_dma2 semaphore(%run_scoped3A : memref<!tpu.dma_semaphore, #tpu.memory_space<semaphore_mem>>) src(%dma_wait3A_690 : memref<1x1024xf32, #tpu.memory_space<hbm>>) dst(%dma_wait3A_688 : memref<1x1024xf32, #tpu.memory_space<vmem>>)
          tpu.yield
        }) : () -> ()
      } else {
      }
      %slice3A_436 = vector.extract_strided_slice %get3A_407 {offsets = [4], sizes = [1], strides = [1]} : vector<16xi32> to vector<1xi32>
      %squeeze3A_437 = vector.extract %slice3A_436[0] : i32 from vector<1xi32>
      %ge3A_438 = arith.constant 100000 : i32
      %ge3A_439 = arith.cmpi sge, %squeeze3A_437, %ge3A_438 : i32
      %convert_element_type3A_440 = arith.extui %ge3A_439 : i1 to i32
      %cond3A_441 = arith.constant 0 : i32
      %cond3A_442 = arith.cmpi ne, %convert_element_type3A_440, %cond3A_441 : i32
      scf.if %cond3A_442 {
        %sub3A_669 = arith.constant 100000 : i32
        %sub3A_670 = arith.subi %squeeze3A_437, %sub3A_669 : i32
        "tpu.region"() ({
          %run_scoped3A = tpu.sem_alloc : memref<!tpu.dma_semaphore, #tpu.memory_space<semaphore_mem>>
          %dma_start3A_671 = arith.constant 4 : i32
          %dma_start3A_672 = arith.constant 0 : i32
          %dma_start3A_673 = tpu.memref_slice %arg10[%dma_start3A_671, %dma_start3A_672] : memref<16x1024xf32, #tpu.memory_space<vmem>> -> memref<1x1024xf32, #tpu.memory_space<vmem>>
          %dma_start3A_674 = arith.constant 0 : i32
          %dma_start3A_675 = tpu.memref_slice %arg4[%sub3A_670, %dma_start3A_674] : memref<100x1024xf32, #tpu.memory_space<hbm>> -> memref<1x1024xf32, #tpu.memory_space<hbm>>
          %dma_start3A_676 = arith.constant 4 : i32
          %dma_start3A_677 = arith.constant 0 : i32
          %dma_start3A_678 = tpu.memref_slice %arg10[%dma_start3A_676, %dma_start3A_677] : memref<16x1024xf32, #tpu.memory_space<vmem>> -> memref<1x1024xf32, #tpu.memory_space<vmem>>
          %dma_start3A_679 = arith.constant 0 : i32
          %dma_start3A_680 = tpu.memref_slice %arg4[%sub3A_670, %dma_start3A_679] : memref<100x1024xf32, #tpu.memory_space<hbm>> -> memref<1x1024xf32, #tpu.memory_space<hbm>>
          tpu.enqueue_dma source(%dma_start3A_680 : memref<1x1024xf32, #tpu.memory_space<hbm>>) target(%dma_start3A_678 : memref<1x1024xf32, #tpu.memory_space<vmem>>) target_semaphore(%run_scoped3A : memref<!tpu.dma_semaphore, #tpu.memory_space<semaphore_mem>>)
          %dma_wait3A_681 = arith.constant 4 : i32
          %dma_wait3A_682 = arith.constant 0 : i32
          %dma_wait3A_683 = tpu.memref_slice %arg10[%dma_wait3A_681, %dma_wait3A_682] : memref<16x1024xf32, #tpu.memory_space<vmem>> -> memref<1x1024xf32, #tpu.memory_space<vmem>>
          %dma_wait3A_684 = arith.constant 0 : i32
          %dma_wait3A_685 = tpu.memref_slice %arg4[%sub3A_670, %dma_wait3A_684] : memref<100x1024xf32, #tpu.memory_space<hbm>> -> memref<1x1024xf32, #tpu.memory_space<hbm>>
          %dma_wait3A_686 = arith.constant 4 : i32
          %dma_wait3A_687 = arith.constant 0 : i32
          %dma_wait3A_688 = tpu.memref_slice %arg10[%dma_wait3A_686, %dma_wait3A_687] : memref<16x1024xf32, #tpu.memory_space<vmem>> -> memref<1x1024xf32, #tpu.memory_space<vmem>>
          %dma_wait3A_689 = arith.constant 0 : i32
          %dma_wait3A_690 = tpu.memref_slice %arg4[%sub3A_670, %dma_wait3A_689] : memref<100x1024xf32, #tpu.memory_space<hbm>> -> memref<1x1024xf32, #tpu.memory_space<hbm>>
          tpu.wait_dma2 semaphore(%run_scoped3A : memref<!tpu.dma_semaphore, #tpu.memory_space<semaphore_mem>>) src(%dma_wait3A_690 : memref<1x1024xf32, #tpu.memory_space<hbm>>) dst(%dma_wait3A_688 : memref<1x1024xf32, #tpu.memory_space<vmem>>)
          tpu.yield
        }) : () -> ()
      } else {
      }
      %slice3A_443 = vector.extract_strided_slice %get3A_407 {offsets = [5], sizes = [1], strides = [1]} : vector<16xi32> to vector<1xi32>
      %squeeze3A_444 = vector.extract %slice3A_443[0] : i32 from vector<1xi32>
      %ge3A_445 = arith.constant 100000 : i32
      %ge3A_446 = arith.cmpi sge, %squeeze3A_444, %ge3A_445 : i32
      %convert_element_type3A_447 = arith.extui %ge3A_446 : i1 to i32
      %cond3A_448 = arith.constant 0 : i32
      %cond3A_449 = arith.cmpi ne, %convert_element_type3A_447, %cond3A_448 : i32
      scf.if %cond3A_449 {
        %sub3A_669 = arith.constant 100000 : i32
        %sub3A_670 = arith.subi %squeeze3A_444, %sub3A_669 : i32
        "tpu.region"() ({
          %run_scoped3A = tpu.sem_alloc : memref<!tpu.dma_semaphore, #tpu.memory_space<semaphore_mem>>
          %dma_start3A_671 = arith.constant 5 : i32
          %dma_start3A_672 = arith.constant 0 : i32
          %dma_start3A_673 = tpu.memref_slice %arg10[%dma_start3A_671, %dma_start3A_672] : memref<16x1024xf32, #tpu.memory_space<vmem>> -> memref<1x1024xf32, #tpu.memory_space<vmem>>
          %dma_start3A_674 = arith.constant 0 : i32
          %dma_start3A_675 = tpu.memref_slice %arg4[%sub3A_670, %dma_start3A_674] : memref<100x1024xf32, #tpu.memory_space<hbm>> -> memref<1x1024xf32, #tpu.memory_space<hbm>>
          %dma_start3A_676 = arith.constant 5 : i32
          %dma_start3A_677 = arith.constant 0 : i32
          %dma_start3A_678 = tpu.memref_slice %arg10[%dma_start3A_676, %dma_start3A_677] : memref<16x1024xf32, #tpu.memory_space<vmem>> -> memref<1x1024xf32, #tpu.memory_space<vmem>>
          %dma_start3A_679 = arith.constant 0 : i32
          %dma_start3A_680 = tpu.memref_slice %arg4[%sub3A_670, %dma_start3A_679] : memref<100x1024xf32, #tpu.memory_space<hbm>> -> memref<1x1024xf32, #tpu.memory_space<hbm>>
          tpu.enqueue_dma source(%dma_start3A_680 : memref<1x1024xf32, #tpu.memory_space<hbm>>) target(%dma_start3A_678 : memref<1x1024xf32, #tpu.memory_space<vmem>>) target_semaphore(%run_scoped3A : memref<!tpu.dma_semaphore, #tpu.memory_space<semaphore_mem>>)
          %dma_wait3A_681 = arith.constant 5 : i32
          %dma_wait3A_682 = arith.constant 0 : i32
          %dma_wait3A_683 = tpu.memref_slice %arg10[%dma_wait3A_681, %dma_wait3A_682] : memref<16x1024xf32, #tpu.memory_space<vmem>> -> memref<1x1024xf32, #tpu.memory_space<vmem>>
          %dma_wait3A_684 = arith.constant 0 : i32
          %dma_wait3A_685 = tpu.memref_slice %arg4[%sub3A_670, %dma_wait3A_684] : memref<100x1024xf32, #tpu.memory_space<hbm>> -> memref<1x1024xf32, #tpu.memory_space<hbm>>
          %dma_wait3A_686 = arith.constant 5 : i32
          %dma_wait3A_687 = arith.constant 0 : i32
          %dma_wait3A_688 = tpu.memref_slice %arg10[%dma_wait3A_686, %dma_wait3A_687] : memref<16x1024xf32, #tpu.memory_space<vmem>> -> memref<1x1024xf32, #tpu.memory_space<vmem>>
          %dma_wait3A_689 = arith.constant 0 : i32
          %dma_wait3A_690 = tpu.memref_slice %arg4[%sub3A_670, %dma_wait3A_689] : memref<100x1024xf32, #tpu.memory_space<hbm>> -> memref<1x1024xf32, #tpu.memory_space<hbm>>
          tpu.wait_dma2 semaphore(%run_scoped3A : memref<!tpu.dma_semaphore, #tpu.memory_space<semaphore_mem>>) src(%dma_wait3A_690 : memref<1x1024xf32, #tpu.memory_space<hbm>>) dst(%dma_wait3A_688 : memref<1x1024xf32, #tpu.memory_space<vmem>>)
          tpu.yield
        }) : () -> ()
      } else {
      }
      %slice3A_450 = vector.extract_strided_slice %get3A_407 {offsets = [6], sizes = [1], strides = [1]} : vector<16xi32> to vector<1xi32>
      %squeeze3A_451 = vector.extract %slice3A_450[0] : i32 from vector<1xi32>
      %ge3A_452 = arith.constant 100000 : i32
      %ge3A_453 = arith.cmpi sge, %squeeze3A_451, %ge3A_452 : i32
      %convert_element_type3A_454 = arith.extui %ge3A_453 : i1 to i32
      %cond3A_455 = arith.constant 0 : i32
      %cond3A_456 = arith.cmpi ne, %convert_element_type3A_454, %cond3A_455 : i32
      scf.if %cond3A_456 {
        %sub3A_669 = arith.constant 100000 : i32
        %sub3A_670 = arith.subi %squeeze3A_451, %sub3A_669 : i32
        "tpu.region"() ({
          %run_scoped3A = tpu.sem_alloc : memref<!tpu.dma_semaphore, #tpu.memory_space<semaphore_mem>>
          %dma_start3A_671 = arith.constant 6 : i32
          %dma_start3A_672 = arith.constant 0 : i32
          %dma_start3A_673 = tpu.memref_slice %arg10[%dma_start3A_671, %dma_start3A_672] : memref<16x1024xf32, #tpu.memory_space<vmem>> -> memref<1x1024xf32, #tpu.memory_space<vmem>>
          %dma_start3A_674 = arith.constant 0 : i32
          %dma_start3A_675 = tpu.memref_slice %arg4[%sub3A_670, %dma_start3A_674] : memref<100x1024xf32, #tpu.memory_space<hbm>> -> memref<1x1024xf32, #tpu.memory_space<hbm>>
          %dma_start3A_676 = arith.constant 6 : i32
          %dma_start3A_677 = arith.constant 0 : i32
          %dma_start3A_678 = tpu.memref_slice %arg10[%dma_start3A_676, %dma_start3A_677] : memref<16x1024xf32, #tpu.memory_space<vmem>> -> memref<1x1024xf32, #tpu.memory_space<vmem>>
          %dma_start3A_679 = arith.constant 0 : i32
          %dma_start3A_680 = tpu.memref_slice %arg4[%sub3A_670, %dma_start3A_679] : memref<100x1024xf32, #tpu.memory_space<hbm>> -> memref<1x1024xf32, #tpu.memory_space<hbm>>
          tpu.enqueue_dma source(%dma_start3A_680 : memref<1x1024xf32, #tpu.memory_space<hbm>>) target(%dma_start3A_678 : memref<1x1024xf32, #tpu.memory_space<vmem>>) target_semaphore(%run_scoped3A : memref<!tpu.dma_semaphore, #tpu.memory_space<semaphore_mem>>)
          %dma_wait3A_681 = arith.constant 6 : i32
          %dma_wait3A_682 = arith.constant 0 : i32
          %dma_wait3A_683 = tpu.memref_slice %arg10[%dma_wait3A_681, %dma_wait3A_682] : memref<16x1024xf32, #tpu.memory_space<vmem>> -> memref<1x1024xf32, #tpu.memory_space<vmem>>
          %dma_wait3A_684 = arith.constant 0 : i32
          %dma_wait3A_685 = tpu.memref_slice %arg4[%sub3A_670, %dma_wait3A_684] : memref<100x1024xf32, #tpu.memory_space<hbm>> -> memref<1x1024xf32, #tpu.memory_space<hbm>>
          %dma_wait3A_686 = arith.constant 6 : i32
          %dma_wait3A_687 = arith.constant 0 : i32
          %dma_wait3A_688 = tpu.memref_slice %arg10[%dma_wait3A_686, %dma_wait3A_687] : memref<16x1024xf32, #tpu.memory_space<vmem>> -> memref<1x1024xf32, #tpu.memory_space<vmem>>
          %dma_wait3A_689 = arith.constant 0 : i32
          %dma_wait3A_690 = tpu.memref_slice %arg4[%sub3A_670, %dma_wait3A_689] : memref<100x1024xf32, #tpu.memory_space<hbm>> -> memref<1x1024xf32, #tpu.memory_space<hbm>>
          tpu.wait_dma2 semaphore(%run_scoped3A : memref<!tpu.dma_semaphore, #tpu.memory_space<semaphore_mem>>) src(%dma_wait3A_690 : memref<1x1024xf32, #tpu.memory_space<hbm>>) dst(%dma_wait3A_688 : memref<1x1024xf32, #tpu.memory_space<vmem>>)
          tpu.yield
        }) : () -> ()
      } else {
      }
      %slice3A_457 = vector.extract_strided_slice %get3A_407 {offsets = [7], sizes = [1], strides = [1]} : vector<16xi32> to vector<1xi32>
      %squeeze3A_458 = vector.extract %slice3A_457[0] : i32 from vector<1xi32>
      %ge3A_459 = arith.constant 100000 : i32
      %ge3A_460 = arith.cmpi sge, %squeeze3A_458, %ge3A_459 : i32
      %convert_element_type3A_461 = arith.extui %ge3A_460 : i1 to i32
      %cond3A_462 = arith.constant 0 : i32
      %cond3A_463 = arith.cmpi ne, %convert_element_type3A_461, %cond3A_462 : i32
      scf.if %cond3A_463 {
        %sub3A_669 = arith.constant 100000 : i32
        %sub3A_670 = arith.subi %squeeze3A_458, %sub3A_669 : i32
        "tpu.region"() ({
          %run_scoped3A = tpu.sem_alloc : memref<!tpu.dma_semaphore, #tpu.memory_space<semaphore_mem>>
          %dma_start3A_671 = arith.constant 7 : i32
          %dma_start3A_672 = arith.constant 0 : i32
          %dma_start3A_673 = tpu.memref_slice %arg10[%dma_start3A_671, %dma_start3A_672] : memref<16x1024xf32, #tpu.memory_space<vmem>> -> memref<1x1024xf32, #tpu.memory_space<vmem>>
          %dma_start3A_674 = arith.constant 0 : i32
          %dma_start3A_675 = tpu.memref_slice %arg4[%sub3A_670, %dma_start3A_674] : memref<100x1024xf32, #tpu.memory_space<hbm>> -> memref<1x1024xf32, #tpu.memory_space<hbm>>
          %dma_start3A_676 = arith.constant 7 : i32
          %dma_start3A_677 = arith.constant 0 : i32
          %dma_start3A_678 = tpu.memref_slice %arg10[%dma_start3A_676, %dma_start3A_677] : memref<16x1024xf32, #tpu.memory_space<vmem>> -> memref<1x1024xf32, #tpu.memory_space<vmem>>
          %dma_start3A_679 = arith.constant 0 : i32
          %dma_start3A_680 = tpu.memref_slice %arg4[%sub3A_670, %dma_start3A_679] : memref<100x1024xf32, #tpu.memory_space<hbm>> -> memref<1x1024xf32, #tpu.memory_space<hbm>>
          tpu.enqueue_dma source(%dma_start3A_680 : memref<1x1024xf32, #tpu.memory_space<hbm>>) target(%dma_start3A_678 : memref<1x1024xf32, #tpu.memory_space<vmem>>) target_semaphore(%run_scoped3A : memref<!tpu.dma_semaphore, #tpu.memory_space<semaphore_mem>>)
          %dma_wait3A_681 = arith.constant 7 : i32
          %dma_wait3A_682 = arith.constant 0 : i32
          %dma_wait3A_683 = tpu.memref_slice %arg10[%dma_wait3A_681, %dma_wait3A_682] : memref<16x1024xf32, #tpu.memory_space<vmem>> -> memref<1x1024xf32, #tpu.memory_space<vmem>>
          %dma_wait3A_684 = arith.constant 0 : i32
          %dma_wait3A_685 = tpu.memref_slice %arg4[%sub3A_670, %dma_wait3A_684] : memref<100x1024xf32, #tpu.memory_space<hbm>> -> memref<1x1024xf32, #tpu.memory_space<hbm>>
          %dma_wait3A_686 = arith.constant 7 : i32
          %dma_wait3A_687 = arith.constant 0 : i32
          %dma_wait3A_688 = tpu.memref_slice %arg10[%dma_wait3A_686, %dma_wait3A_687] : memref<16x1024xf32, #tpu.memory_space<vmem>> -> memref<1x1024xf32, #tpu.memory_space<vmem>>
          %dma_wait3A_689 = arith.constant 0 : i32
          %dma_wait3A_690 = tpu.memref_slice %arg4[%sub3A_670, %dma_wait3A_689] : memref<100x1024xf32, #tpu.memory_space<hbm>> -> memref<1x1024xf32, #tpu.memory_space<hbm>>
          tpu.wait_dma2 semaphore(%run_scoped3A : memref<!tpu.dma_semaphore, #tpu.memory_space<semaphore_mem>>) src(%dma_wait3A_690 : memref<1x1024xf32, #tpu.memory_space<hbm>>) dst(%dma_wait3A_688 : memref<1x1024xf32, #tpu.memory_space<vmem>>)
          tpu.yield
        }) : () -> ()
      } else {
      }
      %slice3A_464 = vector.extract_strided_slice %get3A_407 {offsets = [8], sizes = [1], strides = [1]} : vector<16xi32> to vector<1xi32>
      %squeeze3A_465 = vector.extract %slice3A_464[0] : i32 from vector<1xi32>
      %ge3A_466 = arith.constant 100000 : i32
      %ge3A_467 = arith.cmpi sge, %squeeze3A_465, %ge3A_466 : i32
      %convert_element_type3A_468 = arith.extui %ge3A_467 : i1 to i32
      %cond3A_469 = arith.constant 0 : i32
      %cond3A_470 = arith.cmpi ne, %convert_element_type3A_468, %cond3A_469 : i32
      scf.if %cond3A_470 {
        %sub3A_669 = arith.constant 100000 : i32
        %sub3A_670 = arith.subi %squeeze3A_465, %sub3A_669 : i32
        "tpu.region"() ({
          %run_scoped3A = tpu.sem_alloc : memref<!tpu.dma_semaphore, #tpu.memory_space<semaphore_mem>>
          %dma_start3A_671 = arith.constant 8 : i32
          %dma_start3A_672 = arith.constant 0 : i32
          %dma_start3A_673 = tpu.memref_slice %arg10[%dma_start3A_671, %dma_start3A_672] : memref<16x1024xf32, #tpu.memory_space<vmem>> -> memref<1x1024xf32, #tpu.memory_space<vmem>>
          %dma_start3A_674 = arith.constant 0 : i32
          %dma_start3A_675 = tpu.memref_slice %arg4[%sub3A_670, %dma_start3A_674] : memref<100x1024xf32, #tpu.memory_space<hbm>> -> memref<1x1024xf32, #tpu.memory_space<hbm>>
          %dma_start3A_676 = arith.constant 8 : i32
          %dma_start3A_677 = arith.constant 0 : i32
          %dma_start3A_678 = tpu.memref_slice %arg10[%dma_start3A_676, %dma_start3A_677] : memref<16x1024xf32, #tpu.memory_space<vmem>> -> memref<1x1024xf32, #tpu.memory_space<vmem>>
          %dma_start3A_679 = arith.constant 0 : i32
          %dma_start3A_680 = tpu.memref_slice %arg4[%sub3A_670, %dma_start3A_679] : memref<100x1024xf32, #tpu.memory_space<hbm>> -> memref<1x1024xf32, #tpu.memory_space<hbm>>
          tpu.enqueue_dma source(%dma_start3A_680 : memref<1x1024xf32, #tpu.memory_space<hbm>>) target(%dma_start3A_678 : memref<1x1024xf32, #tpu.memory_space<vmem>>) target_semaphore(%run_scoped3A : memref<!tpu.dma_semaphore, #tpu.memory_space<semaphore_mem>>)
          %dma_wait3A_681 = arith.constant 8 : i32
          %dma_wait3A_682 = arith.constant 0 : i32
          %dma_wait3A_683 = tpu.memref_slice %arg10[%dma_wait3A_681, %dma_wait3A_682] : memref<16x1024xf32, #tpu.memory_space<vmem>> -> memref<1x1024xf32, #tpu.memory_space<vmem>>
          %dma_wait3A_684 = arith.constant 0 : i32
          %dma_wait3A_685 = tpu.memref_slice %arg4[%sub3A_670, %dma_wait3A_684] : memref<100x1024xf32, #tpu.memory_space<hbm>> -> memref<1x1024xf32, #tpu.memory_space<hbm>>
          %dma_wait3A_686 = arith.constant 8 : i32
          %dma_wait3A_687 = arith.constant 0 : i32
          %dma_wait3A_688 = tpu.memref_slice %arg10[%dma_wait3A_686, %dma_wait3A_687] : memref<16x1024xf32, #tpu.memory_space<vmem>> -> memref<1x1024xf32, #tpu.memory_space<vmem>>
          %dma_wait3A_689 = arith.constant 0 : i32
          %dma_wait3A_690 = tpu.memref_slice %arg4[%sub3A_670, %dma_wait3A_689] : memref<100x1024xf32, #tpu.memory_space<hbm>> -> memref<1x1024xf32, #tpu.memory_space<hbm>>
          tpu.wait_dma2 semaphore(%run_scoped3A : memref<!tpu.dma_semaphore, #tpu.memory_space<semaphore_mem>>) src(%dma_wait3A_690 : memref<1x1024xf32, #tpu.memory_space<hbm>>) dst(%dma_wait3A_688 : memref<1x1024xf32, #tpu.memory_space<vmem>>)
          tpu.yield
        }) : () -> ()
      } else {
      }
      %slice3A_471 = vector.extract_strided_slice %get3A_407 {offsets = [9], sizes = [1], strides = [1]} : vector<16xi32> to vector<1xi32>
      %squeeze3A_472 = vector.extract %slice3A_471[0] : i32 from vector<1xi32>
      %ge3A_473 = arith.constant 100000 : i32
      %ge3A_474 = arith.cmpi sge, %squeeze3A_472, %ge3A_473 : i32
      %convert_element_type3A_475 = arith.extui %ge3A_474 : i1 to i32
      %cond3A_476 = arith.constant 0 : i32
      %cond3A_477 = arith.cmpi ne, %convert_element_type3A_475, %cond3A_476 : i32
      scf.if %cond3A_477 {
        %sub3A_669 = arith.constant 100000 : i32
        %sub3A_670 = arith.subi %squeeze3A_472, %sub3A_669 : i32
        "tpu.region"() ({
          %run_scoped3A = tpu.sem_alloc : memref<!tpu.dma_semaphore, #tpu.memory_space<semaphore_mem>>
          %dma_start3A_671 = arith.constant 9 : i32
          %dma_start3A_672 = arith.constant 0 : i32
          %dma_start3A_673 = tpu.memref_slice %arg10[%dma_start3A_671, %dma_start3A_672] : memref<16x1024xf32, #tpu.memory_space<vmem>> -> memref<1x1024xf32, #tpu.memory_space<vmem>>
          %dma_start3A_674 = arith.constant 0 : i32
          %dma_start3A_675 = tpu.memref_slice %arg4[%sub3A_670, %dma_start3A_674] : memref<100x1024xf32, #tpu.memory_space<hbm>> -> memref<1x1024xf32, #tpu.memory_space<hbm>>
          %dma_start3A_676 = arith.constant 9 : i32
          %dma_start3A_677 = arith.constant 0 : i32
          %dma_start3A_678 = tpu.memref_slice %arg10[%dma_start3A_676, %dma_start3A_677] : memref<16x1024xf32, #tpu.memory_space<vmem>> -> memref<1x1024xf32, #tpu.memory_space<vmem>>
          %dma_start3A_679 = arith.constant 0 : i32
          %dma_start3A_680 = tpu.memref_slice %arg4[%sub3A_670, %dma_start3A_679] : memref<100x1024xf32, #tpu.memory_space<hbm>> -> memref<1x1024xf32, #tpu.memory_space<hbm>>
          tpu.enqueue_dma source(%dma_start3A_680 : memref<1x1024xf32, #tpu.memory_space<hbm>>) target(%dma_start3A_678 : memref<1x1024xf32, #tpu.memory_space<vmem>>) target_semaphore(%run_scoped3A : memref<!tpu.dma_semaphore, #tpu.memory_space<semaphore_mem>>)
          %dma_wait3A_681 = arith.constant 9 : i32
          %dma_wait3A_682 = arith.constant 0 : i32
          %dma_wait3A_683 = tpu.memref_slice %arg10[%dma_wait3A_681, %dma_wait3A_682] : memref<16x1024xf32, #tpu.memory_space<vmem>> -> memref<1x1024xf32, #tpu.memory_space<vmem>>
          %dma_wait3A_684 = arith.constant 0 : i32
          %dma_wait3A_685 = tpu.memref_slice %arg4[%sub3A_670, %dma_wait3A_684] : memref<100x1024xf32, #tpu.memory_space<hbm>> -> memref<1x1024xf32, #tpu.memory_space<hbm>>
          %dma_wait3A_686 = arith.constant 9 : i32
          %dma_wait3A_687 = arith.constant 0 : i32
          %dma_wait3A_688 = tpu.memref_slice %arg10[%dma_wait3A_686, %dma_wait3A_687] : memref<16x1024xf32, #tpu.memory_space<vmem>> -> memref<1x1024xf32, #tpu.memory_space<vmem>>
          %dma_wait3A_689 = arith.constant 0 : i32
          %dma_wait3A_690 = tpu.memref_slice %arg4[%sub3A_670, %dma_wait3A_689] : memref<100x1024xf32, #tpu.memory_space<hbm>> -> memref<1x1024xf32, #tpu.memory_space<hbm>>
          tpu.wait_dma2 semaphore(%run_scoped3A : memref<!tpu.dma_semaphore, #tpu.memory_space<semaphore_mem>>) src(%dma_wait3A_690 : memref<1x1024xf32, #tpu.memory_space<hbm>>) dst(%dma_wait3A_688 : memref<1x1024xf32, #tpu.memory_space<vmem>>)
          tpu.yield
        }) : () -> ()
      } else {
      }
      %slice3A_478 = vector.extract_strided_slice %get3A_407 {offsets = [10], sizes = [1], strides = [1]} : vector<16xi32> to vector<1xi32>
      %squeeze3A_479 = vector.extract %slice3A_478[0] : i32 from vector<1xi32>
      %ge3A_480 = arith.constant 100000 : i32
      %ge3A_481 = arith.cmpi sge, %squeeze3A_479, %ge3A_480 : i32
      %convert_element_type3A_482 = arith.extui %ge3A_481 : i1 to i32
      %cond3A_483 = arith.constant 0 : i32
      %cond3A_484 = arith.cmpi ne, %convert_element_type3A_482, %cond3A_483 : i32
      scf.if %cond3A_484 {
        %sub3A_669 = arith.constant 100000 : i32
        %sub3A_670 = arith.subi %squeeze3A_479, %sub3A_669 : i32
        "tpu.region"() ({
          %run_scoped3A = tpu.sem_alloc : memref<!tpu.dma_semaphore, #tpu.memory_space<semaphore_mem>>
          %dma_start3A_671 = arith.constant 10 : i32
          %dma_start3A_672 = arith.constant 0 : i32
          %dma_start3A_673 = tpu.memref_slice %arg10[%dma_start3A_671, %dma_start3A_672] : memref<16x1024xf32, #tpu.memory_space<vmem>> -> memref<1x1024xf32, #tpu.memory_space<vmem>>
          %dma_start3A_674 = arith.constant 0 : i32
          %dma_start3A_675 = tpu.memref_slice %arg4[%sub3A_670, %dma_start3A_674] : memref<100x1024xf32, #tpu.memory_space<hbm>> -> memref<1x1024xf32, #tpu.memory_space<hbm>>
          %dma_start3A_676 = arith.constant 10 : i32
          %dma_start3A_677 = arith.constant 0 : i32
          %dma_start3A_678 = tpu.memref_slice %arg10[%dma_start3A_676, %dma_start3A_677] : memref<16x1024xf32, #tpu.memory_space<vmem>> -> memref<1x1024xf32, #tpu.memory_space<vmem>>
          %dma_start3A_679 = arith.constant 0 : i32
          %dma_start3A_680 = tpu.memref_slice %arg4[%sub3A_670, %dma_start3A_679] : memref<100x1024xf32, #tpu.memory_space<hbm>> -> memref<1x1024xf32, #tpu.memory_space<hbm>>
          tpu.enqueue_dma source(%dma_start3A_680 : memref<1x1024xf32, #tpu.memory_space<hbm>>) target(%dma_start3A_678 : memref<1x1024xf32, #tpu.memory_space<vmem>>) target_semaphore(%run_scoped3A : memref<!tpu.dma_semaphore, #tpu.memory_space<semaphore_mem>>)
          %dma_wait3A_681 = arith.constant 10 : i32
          %dma_wait3A_682 = arith.constant 0 : i32
          %dma_wait3A_683 = tpu.memref_slice %arg10[%dma_wait3A_681, %dma_wait3A_682] : memref<16x1024xf32, #tpu.memory_space<vmem>> -> memref<1x1024xf32, #tpu.memory_space<vmem>>
          %dma_wait3A_684 = arith.constant 0 : i32
          %dma_wait3A_685 = tpu.memref_slice %arg4[%sub3A_670, %dma_wait3A_684] : memref<100x1024xf32, #tpu.memory_space<hbm>> -> memref<1x1024xf32, #tpu.memory_space<hbm>>
          %dma_wait3A_686 = arith.constant 10 : i32
          %dma_wait3A_687 = arith.constant 0 : i32
          %dma_wait3A_688 = tpu.memref_slice %arg10[%dma_wait3A_686, %dma_wait3A_687] : memref<16x1024xf32, #tpu.memory_space<vmem>> -> memref<1x1024xf32, #tpu.memory_space<vmem>>
          %dma_wait3A_689 = arith.constant 0 : i32
          %dma_wait3A_690 = tpu.memref_slice %arg4[%sub3A_670, %dma_wait3A_689] : memref<100x1024xf32, #tpu.memory_space<hbm>> -> memref<1x1024xf32, #tpu.memory_space<hbm>>
          tpu.wait_dma2 semaphore(%run_scoped3A : memref<!tpu.dma_semaphore, #tpu.memory_space<semaphore_mem>>) src(%dma_wait3A_690 : memref<1x1024xf32, #tpu.memory_space<hbm>>) dst(%dma_wait3A_688 : memref<1x1024xf32, #tpu.memory_space<vmem>>)
          tpu.yield
        }) : () -> ()
      } else {
      }
      %slice3A_485 = vector.extract_strided_slice %get3A_407 {offsets = [11], sizes = [1], strides = [1]} : vector<16xi32> to vector<1xi32>
      %squeeze3A_486 = vector.extract %slice3A_485[0] : i32 from vector<1xi32>
      %ge3A_487 = arith.constant 100000 : i32
      %ge3A_488 = arith.cmpi sge, %squeeze3A_486, %ge3A_487 : i32
      %convert_element_type3A_489 = arith.extui %ge3A_488 : i1 to i32
      %cond3A_490 = arith.constant 0 : i32
      %cond3A_491 = arith.cmpi ne, %convert_element_type3A_489, %cond3A_490 : i32
      scf.if %cond3A_491 {
        %sub3A_669 = arith.constant 100000 : i32
        %sub3A_670 = arith.subi %squeeze3A_486, %sub3A_669 : i32
        "tpu.region"() ({
          %run_scoped3A = tpu.sem_alloc : memref<!tpu.dma_semaphore, #tpu.memory_space<semaphore_mem>>
          %dma_start3A_671 = arith.constant 11 : i32
          %dma_start3A_672 = arith.constant 0 : i32
          %dma_start3A_673 = tpu.memref_slice %arg10[%dma_start3A_671, %dma_start3A_672] : memref<16x1024xf32, #tpu.memory_space<vmem>> -> memref<1x1024xf32, #tpu.memory_space<vmem>>
          %dma_start3A_674 = arith.constant 0 : i32
          %dma_start3A_675 = tpu.memref_slice %arg4[%sub3A_670, %dma_start3A_674] : memref<100x1024xf32, #tpu.memory_space<hbm>> -> memref<1x1024xf32, #tpu.memory_space<hbm>>
          %dma_start3A_676 = arith.constant 11 : i32
          %dma_start3A_677 = arith.constant 0 : i32
          %dma_start3A_678 = tpu.memref_slice %arg10[%dma_start3A_676, %dma_start3A_677] : memref<16x1024xf32, #tpu.memory_space<vmem>> -> memref<1x1024xf32, #tpu.memory_space<vmem>>
          %dma_start3A_679 = arith.constant 0 : i32
          %dma_start3A_680 = tpu.memref_slice %arg4[%sub3A_670, %dma_start3A_679] : memref<100x1024xf32, #tpu.memory_space<hbm>> -> memref<1x1024xf32, #tpu.memory_space<hbm>>
          tpu.enqueue_dma source(%dma_start3A_680 : memref<1x1024xf32, #tpu.memory_space<hbm>>) target(%dma_start3A_678 : memref<1x1024xf32, #tpu.memory_space<vmem>>) target_semaphore(%run_scoped3A : memref<!tpu.dma_semaphore, #tpu.memory_space<semaphore_mem>>)
          %dma_wait3A_681 = arith.constant 11 : i32
          %dma_wait3A_682 = arith.constant 0 : i32
          %dma_wait3A_683 = tpu.memref_slice %arg10[%dma_wait3A_681, %dma_wait3A_682] : memref<16x1024xf32, #tpu.memory_space<vmem>> -> memref<1x1024xf32, #tpu.memory_space<vmem>>
          %dma_wait3A_684 = arith.constant 0 : i32
          %dma_wait3A_685 = tpu.memref_slice %arg4[%sub3A_670, %dma_wait3A_684] : memref<100x1024xf32, #tpu.memory_space<hbm>> -> memref<1x1024xf32, #tpu.memory_space<hbm>>
          %dma_wait3A_686 = arith.constant 11 : i32
          %dma_wait3A_687 = arith.constant 0 : i32
          %dma_wait3A_688 = tpu.memref_slice %arg10[%dma_wait3A_686, %dma_wait3A_687] : memref<16x1024xf32, #tpu.memory_space<vmem>> -> memref<1x1024xf32, #tpu.memory_space<vmem>>
          %dma_wait3A_689 = arith.constant 0 : i32
          %dma_wait3A_690 = tpu.memref_slice %arg4[%sub3A_670, %dma_wait3A_689] : memref<100x1024xf32, #tpu.memory_space<hbm>> -> memref<1x1024xf32, #tpu.memory_space<hbm>>
          tpu.wait_dma2 semaphore(%run_scoped3A : memref<!tpu.dma_semaphore, #tpu.memory_space<semaphore_mem>>) src(%dma_wait3A_690 : memref<1x1024xf32, #tpu.memory_space<hbm>>) dst(%dma_wait3A_688 : memref<1x1024xf32, #tpu.memory_space<vmem>>)
          tpu.yield
        }) : () -> ()
      } else {
      }
      %slice3A_492 = vector.extract_strided_slice %get3A_407 {offsets = [12], sizes = [1], strides = [1]} : vector<16xi32> to vector<1xi32>
      %squeeze3A_493 = vector.extract %slice3A_492[0] : i32 from vector<1xi32>
      %ge3A_494 = arith.constant 100000 : i32
      %ge3A_495 = arith.cmpi sge, %squeeze3A_493, %ge3A_494 : i32
      %convert_element_type3A_496 = arith.extui %ge3A_495 : i1 to i32
      %cond3A_497 = arith.constant 0 : i32
      %cond3A_498 = arith.cmpi ne, %convert_element_type3A_496, %cond3A_497 : i32
      scf.if %cond3A_498 {
        %sub3A_669 = arith.constant 100000 : i32
        %sub3A_670 = arith.subi %squeeze3A_493, %sub3A_669 : i32
        "tpu.region"() ({
          %run_scoped3A = tpu.sem_alloc : memref<!tpu.dma_semaphore, #tpu.memory_space<semaphore_mem>>
          %dma_start3A_671 = arith.constant 12 : i32
          %dma_start3A_672 = arith.constant 0 : i32
          %dma_start3A_673 = tpu.memref_slice %arg10[%dma_start3A_671, %dma_start3A_672] : memref<16x1024xf32, #tpu.memory_space<vmem>> -> memref<1x1024xf32, #tpu.memory_space<vmem>>
          %dma_start3A_674 = arith.constant 0 : i32
          %dma_start3A_675 = tpu.memref_slice %arg4[%sub3A_670, %dma_start3A_674] : memref<100x1024xf32, #tpu.memory_space<hbm>> -> memref<1x1024xf32, #tpu.memory_space<hbm>>
          %dma_start3A_676 = arith.constant 12 : i32
          %dma_start3A_677 = arith.constant 0 : i32
          %dma_start3A_678 = tpu.memref_slice %arg10[%dma_start3A_676, %dma_start3A_677] : memref<16x1024xf32, #tpu.memory_space<vmem>> -> memref<1x1024xf32, #tpu.memory_space<vmem>>
          %dma_start3A_679 = arith.constant 0 : i32
          %dma_start3A_680 = tpu.memref_slice %arg4[%sub3A_670, %dma_start3A_679] : memref<100x1024xf32, #tpu.memory_space<hbm>> -> memref<1x1024xf32, #tpu.memory_space<hbm>>
          tpu.enqueue_dma source(%dma_start3A_680 : memref<1x1024xf32, #tpu.memory_space<hbm>>) target(%dma_start3A_678 : memref<1x1024xf32, #tpu.memory_space<vmem>>) target_semaphore(%run_scoped3A : memref<!tpu.dma_semaphore, #tpu.memory_space<semaphore_mem>>)
          %dma_wait3A_681 = arith.constant 12 : i32
          %dma_wait3A_682 = arith.constant 0 : i32
          %dma_wait3A_683 = tpu.memref_slice %arg10[%dma_wait3A_681, %dma_wait3A_682] : memref<16x1024xf32, #tpu.memory_space<vmem>> -> memref<1x1024xf32, #tpu.memory_space<vmem>>
          %dma_wait3A_684 = arith.constant 0 : i32
          %dma_wait3A_685 = tpu.memref_slice %arg4[%sub3A_670, %dma_wait3A_684] : memref<100x1024xf32, #tpu.memory_space<hbm>> -> memref<1x1024xf32, #tpu.memory_space<hbm>>
          %dma_wait3A_686 = arith.constant 12 : i32
          %dma_wait3A_687 = arith.constant 0 : i32
          %dma_wait3A_688 = tpu.memref_slice %arg10[%dma_wait3A_686, %dma_wait3A_687] : memref<16x1024xf32, #tpu.memory_space<vmem>> -> memref<1x1024xf32, #tpu.memory_space<vmem>>
          %dma_wait3A_689 = arith.constant 0 : i32
          %dma_wait3A_690 = tpu.memref_slice %arg4[%sub3A_670, %dma_wait3A_689] : memref<100x1024xf32, #tpu.memory_space<hbm>> -> memref<1x1024xf32, #tpu.memory_space<hbm>>
          tpu.wait_dma2 semaphore(%run_scoped3A : memref<!tpu.dma_semaphore, #tpu.memory_space<semaphore_mem>>) src(%dma_wait3A_690 : memref<1x1024xf32, #tpu.memory_space<hbm>>) dst(%dma_wait3A_688 : memref<1x1024xf32, #tpu.memory_space<vmem>>)
          tpu.yield
        }) : () -> ()
      } else {
      }
      %slice3A_499 = vector.extract_strided_slice %get3A_407 {offsets = [13], sizes = [1], strides = [1]} : vector<16xi32> to vector<1xi32>
      %squeeze3A_500 = vector.extract %slice3A_499[0] : i32 from vector<1xi32>
      %ge3A_501 = arith.constant 100000 : i32
      %ge3A_502 = arith.cmpi sge, %squeeze3A_500, %ge3A_501 : i32
      %convert_element_type3A_503 = arith.extui %ge3A_502 : i1 to i32
      %cond3A_504 = arith.constant 0 : i32
      %cond3A_505 = arith.cmpi ne, %convert_element_type3A_503, %cond3A_504 : i32
      scf.if %cond3A_505 {
        %sub3A_669 = arith.constant 100000 : i32
        %sub3A_670 = arith.subi %squeeze3A_500, %sub3A_669 : i32
        "tpu.region"() ({
          %run_scoped3A = tpu.sem_alloc : memref<!tpu.dma_semaphore, #tpu.memory_space<semaphore_mem>>
          %dma_start3A_671 = arith.constant 13 : i32
          %dma_start3A_672 = arith.constant 0 : i32
          %dma_start3A_673 = tpu.memref_slice %arg10[%dma_start3A_671, %dma_start3A_672] : memref<16x1024xf32, #tpu.memory_space<vmem>> -> memref<1x1024xf32, #tpu.memory_space<vmem>>
          %dma_start3A_674 = arith.constant 0 : i32
          %dma_start3A_675 = tpu.memref_slice %arg4[%sub3A_670, %dma_start3A_674] : memref<100x1024xf32, #tpu.memory_space<hbm>> -> memref<1x1024xf32, #tpu.memory_space<hbm>>
          %dma_start3A_676 = arith.constant 13 : i32
          %dma_start3A_677 = arith.constant 0 : i32
          %dma_start3A_678 = tpu.memref_slice %arg10[%dma_start3A_676, %dma_start3A_677] : memref<16x1024xf32, #tpu.memory_space<vmem>> -> memref<1x1024xf32, #tpu.memory_space<vmem>>
          %dma_start3A_679 = arith.constant 0 : i32
          %dma_start3A_680 = tpu.memref_slice %arg4[%sub3A_670, %dma_start3A_679] : memref<100x1024xf32, #tpu.memory_space<hbm>> -> memref<1x1024xf32, #tpu.memory_space<hbm>>
          tpu.enqueue_dma source(%dma_start3A_680 : memref<1x1024xf32, #tpu.memory_space<hbm>>) target(%dma_start3A_678 : memref<1x1024xf32, #tpu.memory_space<vmem>>) target_semaphore(%run_scoped3A : memref<!tpu.dma_semaphore, #tpu.memory_space<semaphore_mem>>)
          %dma_wait3A_681 = arith.constant 13 : i32
          %dma_wait3A_682 = arith.constant 0 : i32
          %dma_wait3A_683 = tpu.memref_slice %arg10[%dma_wait3A_681, %dma_wait3A_682] : memref<16x1024xf32, #tpu.memory_space<vmem>> -> memref<1x1024xf32, #tpu.memory_space<vmem>>
          %dma_wait3A_684 = arith.constant 0 : i32
          %dma_wait3A_685 = tpu.memref_slice %arg4[%sub3A_670, %dma_wait3A_684] : memref<100x1024xf32, #tpu.memory_space<hbm>> -> memref<1x1024xf32, #tpu.memory_space<hbm>>
          %dma_wait3A_686 = arith.constant 13 : i32
          %dma_wait3A_687 = arith.constant 0 : i32
          %dma_wait3A_688 = tpu.memref_slice %arg10[%dma_wait3A_686, %dma_wait3A_687] : memref<16x1024xf32, #tpu.memory_space<vmem>> -> memref<1x1024xf32, #tpu.memory_space<vmem>>
          %dma_wait3A_689 = arith.constant 0 : i32
          %dma_wait3A_690 = tpu.memref_slice %arg4[%sub3A_670, %dma_wait3A_689] : memref<100x1024xf32, #tpu.memory_space<hbm>> -> memref<1x1024xf32, #tpu.memory_space<hbm>>
          tpu.wait_dma2 semaphore(%run_scoped3A : memref<!tpu.dma_semaphore, #tpu.memory_space<semaphore_mem>>) src(%dma_wait3A_690 : memref<1x1024xf32, #tpu.memory_space<hbm>>) dst(%dma_wait3A_688 : memref<1x1024xf32, #tpu.memory_space<vmem>>)
          tpu.yield
        }) : () -> ()
      } else {
      }
      %slice3A_506 = vector.extract_strided_slice %get3A_407 {offsets = [14], sizes = [1], strides = [1]} : vector<16xi32> to vector<1xi32>
      %squeeze3A_507 = vector.extract %slice3A_506[0] : i32 from vector<1xi32>
      %ge3A_508 = arith.constant 100000 : i32
      %ge3A_509 = arith.cmpi sge, %squeeze3A_507, %ge3A_508 : i32
      %convert_element_type3A_510 = arith.extui %ge3A_509 : i1 to i32
      %cond3A_511 = arith.constant 0 : i32
      %cond3A_512 = arith.cmpi ne, %convert_element_type3A_510, %cond3A_511 : i32
      scf.if %cond3A_512 {
        %sub3A_669 = arith.constant 100000 : i32
        %sub3A_670 = arith.subi %squeeze3A_507, %sub3A_669 : i32
        "tpu.region"() ({
          %run_scoped3A = tpu.sem_alloc : memref<!tpu.dma_semaphore, #tpu.memory_space<semaphore_mem>>
          %dma_start3A_671 = arith.constant 14 : i32
          %dma_start3A_672 = arith.constant 0 : i32
          %dma_start3A_673 = tpu.memref_slice %arg10[%dma_start3A_671, %dma_start3A_672] : memref<16x1024xf32, #tpu.memory_space<vmem>> -> memref<1x1024xf32, #tpu.memory_space<vmem>>
          %dma_start3A_674 = arith.constant 0 : i32
          %dma_start3A_675 = tpu.memref_slice %arg4[%sub3A_670, %dma_start3A_674] : memref<100x1024xf32, #tpu.memory_space<hbm>> -> memref<1x1024xf32, #tpu.memory_space<hbm>>
          %dma_start3A_676 = arith.constant 14 : i32
          %dma_start3A_677 = arith.constant 0 : i32
          %dma_start3A_678 = tpu.memref_slice %arg10[%dma_start3A_676, %dma_start3A_677] : memref<16x1024xf32, #tpu.memory_space<vmem>> -> memref<1x1024xf32, #tpu.memory_space<vmem>>
          %dma_start3A_679 = arith.constant 0 : i32
          %dma_start3A_680 = tpu.memref_slice %arg4[%sub3A_670, %dma_start3A_679] : memref<100x1024xf32, #tpu.memory_space<hbm>> -> memref<1x1024xf32, #tpu.memory_space<hbm>>
          tpu.enqueue_dma source(%dma_start3A_680 : memref<1x1024xf32, #tpu.memory_space<hbm>>) target(%dma_start3A_678 : memref<1x1024xf32, #tpu.memory_space<vmem>>) target_semaphore(%run_scoped3A : memref<!tpu.dma_semaphore, #tpu.memory_space<semaphore_mem>>)
          %dma_wait3A_681 = arith.constant 14 : i32
          %dma_wait3A_682 = arith.constant 0 : i32
          %dma_wait3A_683 = tpu.memref_slice %arg10[%dma_wait3A_681, %dma_wait3A_682] : memref<16x1024xf32, #tpu.memory_space<vmem>> -> memref<1x1024xf32, #tpu.memory_space<vmem>>
          %dma_wait3A_684 = arith.constant 0 : i32
          %dma_wait3A_685 = tpu.memref_slice %arg4[%sub3A_670, %dma_wait3A_684] : memref<100x1024xf32, #tpu.memory_space<hbm>> -> memref<1x1024xf32, #tpu.memory_space<hbm>>
          %dma_wait3A_686 = arith.constant 14 : i32
          %dma_wait3A_687 = arith.constant 0 : i32
          %dma_wait3A_688 = tpu.memref_slice %arg10[%dma_wait3A_686, %dma_wait3A_687] : memref<16x1024xf32, #tpu.memory_space<vmem>> -> memref<1x1024xf32, #tpu.memory_space<vmem>>
          %dma_wait3A_689 = arith.constant 0 : i32
          %dma_wait3A_690 = tpu.memref_slice %arg4[%sub3A_670, %dma_wait3A_689] : memref<100x1024xf32, #tpu.memory_space<hbm>> -> memref<1x1024xf32, #tpu.memory_space<hbm>>
          tpu.wait_dma2 semaphore(%run_scoped3A : memref<!tpu.dma_semaphore, #tpu.memory_space<semaphore_mem>>) src(%dma_wait3A_690 : memref<1x1024xf32, #tpu.memory_space<hbm>>) dst(%dma_wait3A_688 : memref<1x1024xf32, #tpu.memory_space<vmem>>)
          tpu.yield
        }) : () -> ()
      } else {
      }
      %slice3A_513 = vector.extract_strided_slice %get3A_407 {offsets = [15], sizes = [1], strides = [1]} : vector<16xi32> to vector<1xi32>
      %squeeze3A_514 = vector.extract %slice3A_513[0] : i32 from vector<1xi32>
      %ge3A_515 = arith.constant 100000 : i32
      %ge3A_516 = arith.cmpi sge, %squeeze3A_514, %ge3A_515 : i32
      %convert_element_type3A_517 = arith.extui %ge3A_516 : i1 to i32
      %cond3A_518 = arith.constant 0 : i32
      %cond3A_519 = arith.cmpi ne, %convert_element_type3A_517, %cond3A_518 : i32
      scf.if %cond3A_519 {
        %sub3A_669 = arith.constant 100000 : i32
        %sub3A_670 = arith.subi %squeeze3A_514, %sub3A_669 : i32
        "tpu.region"() ({
          %run_scoped3A = tpu.sem_alloc : memref<!tpu.dma_semaphore, #tpu.memory_space<semaphore_mem>>
          %dma_start3A_671 = arith.constant 15 : i32
          %dma_start3A_672 = arith.constant 0 : i32
          %dma_start3A_673 = tpu.memref_slice %arg10[%dma_start3A_671, %dma_start3A_672] : memref<16x1024xf32, #tpu.memory_space<vmem>> -> memref<1x1024xf32, #tpu.memory_space<vmem>>
          %dma_start3A_674 = arith.constant 0 : i32
          %dma_start3A_675 = tpu.memref_slice %arg4[%sub3A_670, %dma_start3A_674] : memref<100x1024xf32, #tpu.memory_space<hbm>> -> memref<1x1024xf32, #tpu.memory_space<hbm>>
          %dma_start3A_676 = arith.constant 15 : i32
          %dma_start3A_677 = arith.constant 0 : i32
          %dma_start3A_678 = tpu.memref_slice %arg10[%dma_start3A_676, %dma_start3A_677] : memref<16x1024xf32, #tpu.memory_space<vmem>> -> memref<1x1024xf32, #tpu.memory_space<vmem>>
          %dma_start3A_679 = arith.constant 0 : i32
          %dma_start3A_680 = tpu.memref_slice %arg4[%sub3A_670, %dma_start3A_679] : memref<100x1024xf32, #tpu.memory_space<hbm>> -> memref<1x1024xf32, #tpu.memory_space<hbm>>
          tpu.enqueue_dma source(%dma_start3A_680 : memref<1x1024xf32, #tpu.memory_space<hbm>>) target(%dma_start3A_678 : memref<1x1024xf32, #tpu.memory_space<vmem>>) target_semaphore(%run_scoped3A : memref<!tpu.dma_semaphore, #tpu.memory_space<semaphore_mem>>)
          %dma_wait3A_681 = arith.constant 15 : i32
          %dma_wait3A_682 = arith.constant 0 : i32
          %dma_wait3A_683 = tpu.memref_slice %arg10[%dma_wait3A_681, %dma_wait3A_682] : memref<16x1024xf32, #tpu.memory_space<vmem>> -> memref<1x1024xf32, #tpu.memory_space<vmem>>
          %dma_wait3A_684 = arith.constant 0 : i32
          %dma_wait3A_685 = tpu.memref_slice %arg4[%sub3A_670, %dma_wait3A_684] : memref<100x1024xf32, #tpu.memory_space<hbm>> -> memref<1x1024xf32, #tpu.memory_space<hbm>>
          %dma_wait3A_686 = arith.constant 15 : i32
          %dma_wait3A_687 = arith.constant 0 : i32
          %dma_wait3A_688 = tpu.memref_slice %arg10[%dma_wait3A_686, %dma_wait3A_687] : memref<16x1024xf32, #tpu.memory_space<vmem>> -> memref<1x1024xf32, #tpu.memory_space<vmem>>
          %dma_wait3A_689 = arith.constant 0 : i32
          %dma_wait3A_690 = tpu.memref_slice %arg4[%sub3A_670, %dma_wait3A_689] : memref<100x1024xf32, #tpu.memory_space<hbm>> -> memref<1x1024xf32, #tpu.memory_space<hbm>>
          tpu.wait_dma2 semaphore(%run_scoped3A : memref<!tpu.dma_semaphore, #tpu.memory_space<semaphore_mem>>) src(%dma_wait3A_690 : memref<1x1024xf32, #tpu.memory_space<hbm>>) dst(%dma_wait3A_688 : memref<1x1024xf32, #tpu.memory_space<vmem>>)
          tpu.yield
        }) : () -> ()
      } else {
      }
      %add3A_520 = arith.addi %mul3A_32, %mul3A_390 : i32
      %dma_start3A_521 = arith.constant 0 : i32
      %dma_start3A_522 = tpu.memref_slice %arg5[%select_n3A, %add3A_520, %dma_start3A_521] : memref<4x2048x1024xf32, #tpu.memory_space<hbm>> -> memref<1x16x1024xf32, #tpu.memory_space<hbm>>
      %dma_start3A_523 = tpu.memref_squeeze %dma_start3A_522 : memref<1x16x1024xf32, #tpu.memory_space<hbm>> -> memref<16x1024xf32, #tpu.memory_space<hbm>>
      %dma_start3A_524 = arith.constant 0 : i32
      %dma_start3A_525 = tpu.memref_slice %arg5[%select_n3A, %add3A_520, %dma_start3A_524] : memref<4x2048x1024xf32, #tpu.memory_space<hbm>> -> memref<1x16x1024xf32, #tpu.memory_space<hbm>>
      %dma_start3A_526 = tpu.memref_squeeze %dma_start3A_525 : memref<1x16x1024xf32, #tpu.memory_space<hbm>> -> memref<16x1024xf32, #tpu.memory_space<hbm>>
      tpu.enqueue_dma source(%arg10 : memref<16x1024xf32, #tpu.memory_space<vmem>>) target(%dma_start3A_526 : memref<16x1024xf32, #tpu.memory_space<hbm>>) target_semaphore(%arg18 : memref<!tpu.dma_semaphore, #tpu.memory_space<semaphore_mem>>)
      %mul3A_527 = arith.constant 4 : i32
      %mul3A_528 = arith.muli %scan3A_104, %mul3A_527 : i32
      %add3A_529 = arith.constant 3 : i32
      %add3A_530 = arith.addi %mul3A_528, %add3A_529 : i32
      %mul3A_531 = arith.constant 16 : i32
      %mul3A_532 = arith.muli %add3A_530, %mul3A_531 : i32
      %add3A_533 = arith.constant 2 : i32
      %add3A_534 = arith.addi %add3A_530, %add3A_533 : i32
      %lt3A_535 = arith.constant 16 : i32
      %lt3A_536 = arith.cmpi slt, %add3A_534, %lt3A_535 : i32
      %convert_element_type3A_537 = arith.extui %lt3A_536 : i1 to i32
      %cond3A_538 = arith.constant 0 : i32
      %cond3A_539 = arith.cmpi ne, %convert_element_type3A_537, %cond3A_538 : i32
      scf.if %cond3A_539 {
        %add3A_669 = arith.constant 2 : i32
        %add3A_670 = arith.addi %add3A_530, %add3A_669 : i32
        %mul3A_671 = arith.constant 16 : i32
        %mul3A_672 = arith.muli %add3A_670, %mul3A_671 : i32
        %ge3A_673 = arith.constant 2 : i32
        %ge3A_674 = arith.cmpi sge, %add3A_530, %ge3A_673 : i32
        %convert_element_type3A_675 = arith.extui %ge3A_674 : i1 to i32
        %cond3A_676 = arith.constant 0 : i32
        %cond3A_677 = arith.cmpi ne, %convert_element_type3A_675, %cond3A_676 : i32
        scf.if %cond3A_677 {
          %add3A_696 = arith.constant 2 : i32
          %add3A_697 = arith.addi %add3A_530, %add3A_696 : i32
          %sub3A_698 = arith.constant 4 : i32
          %sub3A_699 = arith.subi %add3A_697, %sub3A_698 : i32
          %mul3A_700 = arith.constant 16 : i32
          %mul3A_701 = arith.muli %sub3A_699, %mul3A_700 : i32
          %add3A_702 = arith.addi %mul3A_32, %mul3A_701 : i32
          %dma_wait3A_703 = arith.constant 0 : i32
          %dma_wait3A_704 = tpu.memref_slice %arg5[%select_n3A, %add3A_702, %dma_wait3A_703] : memref<4x2048x1024xf32, #tpu.memory_space<hbm>> -> memref<1x16x1024xf32, #tpu.memory_space<hbm>>
          %dma_wait3A_705 = tpu.memref_squeeze %dma_wait3A_704 : memref<1x16x1024xf32, #tpu.memory_space<hbm>> -> memref<16x1024xf32, #tpu.memory_space<hbm>>
          %dma_wait3A_706 = arith.constant 0 : i32
          %dma_wait3A_707 = tpu.memref_slice %arg5[%select_n3A, %add3A_702, %dma_wait3A_706] : memref<4x2048x1024xf32, #tpu.memory_space<hbm>> -> memref<1x16x1024xf32, #tpu.memory_space<hbm>>
          %dma_wait3A_708 = tpu.memref_squeeze %dma_wait3A_707 : memref<1x16x1024xf32, #tpu.memory_space<hbm>> -> memref<16x1024xf32, #tpu.memory_space<hbm>>
          tpu.wait_dma2 semaphore(%arg17 : memref<!tpu.dma_semaphore, #tpu.memory_space<semaphore_mem>>) src(%arg9 : memref<16x1024xf32, #tpu.memory_space<vmem>>) dst(%dma_wait3A_708 : memref<16x1024xf32, #tpu.memory_space<hbm>>)
        } else {
        }
        %get3A_678 = arith.index_cast %mul3A_672 : i32 to index
        %get3A_679 = tpu.vector_load %arg6[%get3A_678] {strides = array<i32>} : memref<256xi32, #tpu.memory_space<vmem>>, vector<16xi32>,
        %get3A_680 = vector.shape_cast %get3A_679 : vector<16xi32> to vector<16xi32>
        %ge3A_681 = arith.cmpi sge, %get3A_680, %broadcast_in_dim3A_35 : vector<16xi32>
        %select_n3A_682 = arith.select %ge3A_681, %broadcast_in_dim3A_33, %get3A_680 : vector<16xi1>, vector<16xi32>
        %swap3A_683 = arith.constant 1 : i32
        %swap3A_684 = arith.index_cast %swap3A_683 : i32 to index
        %swap3A_685 = arith.constant 0 : index
        %swap3A_686 = tpu.vector_load %arg7[%swap3A_684, %swap3A_685] {strides = array<i32>} : memref<4x16xi32, #tpu.memory_space<vmem>>, vector<1x16xi32>,
        %swap3A_687 = vector.shape_cast %swap3A_686 : vector<1x16xi32> to vector<16xi32>
        %swap3A_688 = vector.shape_cast %select_n3A_682 : vector<16xi32> to vector<1x16xi32>
        tpu.vector_store %arg7[%swap3A_684, %swap3A_685], %swap3A_688 {strides = array<i32>} : memref<4x16xi32, #tpu.memory_space<vmem>>, vector<1x16xi32>,
        %dma_start3A_689 = arith.constant 1 : i32
        %dma_start3A_690 = arith.constant 0 : i32
        %dma_start3A_691 = tpu.memref_slice %arg7[%dma_start3A_689, %dma_start3A_690] : memref<4x16xi32, #tpu.memory_space<vmem>> -> memref<1x16xi32, #tpu.memory_space<vmem>>
        %dma_start3A_692 = tpu.memref_squeeze %dma_start3A_691 : memref<1x16xi32, #tpu.memory_space<vmem>> -> memref<16xi32, #tpu.memory_space<vmem>>
        %dma_start3A_693 = arith.constant 0 : i32
        %dma_start3A_694 = arith.constant 0 : i32
        %dma_start3A_695 = tpu.memref_slice %arg3[%dma_start3A_693, %dma_start3A_694] : memref<100000x1024xf32, #tpu.memory_space<hbm>> -> memref<100000x1024xf32, #tpu.memory_space<hbm>>
        tpu.enqueue_indirect_dma source(%dma_start3A_695 : memref<100000x1024xf32, #tpu.memory_space<hbm>>) target(%arg9 : memref<16x1024xf32, #tpu.memory_space<vmem>>) offsets(%dma_start3A_692 : memref<16xi32, #tpu.memory_space<vmem>>) semaphore(%arg13 : memref<!tpu.dma_semaphore, #tpu.memory_space<semaphore_mem>>)
      } else {
      }
      %dma_wait3A_540 = arith.constant 3 : i32
      %dma_wait3A_541 = arith.constant 0 : i32
      %dma_wait3A_542 = tpu.memref_slice %arg7[%dma_wait3A_540, %dma_wait3A_541] : memref<4x16xi32, #tpu.memory_space<vmem>> -> memref<1x16xi32, #tpu.memory_space<vmem>>
      %dma_wait3A_543 = tpu.memref_squeeze %dma_wait3A_542 : memref<1x16xi32, #tpu.memory_space<vmem>> -> memref<16xi32, #tpu.memory_space<vmem>>
      %dma_wait3A_544 = arith.constant 0 : i32
      %dma_wait3A_545 = arith.constant 0 : i32
      %dma_wait3A_546 = tpu.memref_slice %arg3[%dma_wait3A_544, %dma_wait3A_545] : memref<100000x1024xf32, #tpu.memory_space<hbm>> -> memref<100000x1024xf32, #tpu.memory_space<hbm>>
      tpu.wait_indirect_dma semaphore(%arg15 : memref<!tpu.dma_semaphore, #tpu.memory_space<semaphore_mem>>) src(%dma_wait3A_546 : memref<100000x1024xf32, #tpu.memory_space<hbm>>) dst(%arg11 : memref<16x1024xf32, #tpu.memory_space<vmem>>)
      %get3A_547 = arith.index_cast %mul3A_532 : i32 to index
      %get3A_548 = tpu.vector_load %arg6[%get3A_547] {strides = array<i32>} : memref<256xi32, #tpu.memory_space<vmem>>, vector<16xi32>,
      %get3A_549 = vector.shape_cast %get3A_548 : vector<16xi32> to vector<16xi32>
      %slice3A_550 = vector.extract_strided_slice %get3A_549 {offsets = [0], sizes = [1], strides = [1]} : vector<16xi32> to vector<1xi32>
      %squeeze3A_551 = vector.extract %slice3A_550[0] : i32 from vector<1xi32>
      %ge3A_552 = arith.constant 100000 : i32
      %ge3A_553 = arith.cmpi sge, %squeeze3A_551, %ge3A_552 : i32
      %convert_element_type3A_554 = arith.extui %ge3A_553 : i1 to i32
      %cond3A_555 = arith.constant 0 : i32
      %cond3A_556 = arith.cmpi ne, %convert_element_type3A_554, %cond3A_555 : i32
      scf.if %cond3A_556 {
        %sub3A_669 = arith.constant 100000 : i32
        %sub3A_670 = arith.subi %squeeze3A_551, %sub3A_669 : i32
        "tpu.region"() ({
          %run_scoped3A = tpu.sem_alloc : memref<!tpu.dma_semaphore, #tpu.memory_space<semaphore_mem>>
          %dma_start3A_671 = arith.constant 0 : i32
          %dma_start3A_672 = arith.constant 0 : i32
          %dma_start3A_673 = tpu.memref_slice %arg11[%dma_start3A_671, %dma_start3A_672] : memref<16x1024xf32, #tpu.memory_space<vmem>> -> memref<1x1024xf32, #tpu.memory_space<vmem>>
          %dma_start3A_674 = arith.constant 0 : i32
          %dma_start3A_675 = tpu.memref_slice %arg4[%sub3A_670, %dma_start3A_674] : memref<100x1024xf32, #tpu.memory_space<hbm>> -> memref<1x1024xf32, #tpu.memory_space<hbm>>
          %dma_start3A_676 = arith.constant 0 : i32
          %dma_start3A_677 = arith.constant 0 : i32
          %dma_start3A_678 = tpu.memref_slice %arg11[%dma_start3A_676, %dma_start3A_677] : memref<16x1024xf32, #tpu.memory_space<vmem>> -> memref<1x1024xf32, #tpu.memory_space<vmem>>
          %dma_start3A_679 = arith.constant 0 : i32
          %dma_start3A_680 = tpu.memref_slice %arg4[%sub3A_670, %dma_start3A_679] : memref<100x1024xf32, #tpu.memory_space<hbm>> -> memref<1x1024xf32, #tpu.memory_space<hbm>>
          tpu.enqueue_dma source(%dma_start3A_680 : memref<1x1024xf32, #tpu.memory_space<hbm>>) target(%dma_start3A_678 : memref<1x1024xf32, #tpu.memory_space<vmem>>) target_semaphore(%run_scoped3A : memref<!tpu.dma_semaphore, #tpu.memory_space<semaphore_mem>>)
          %dma_wait3A_681 = arith.constant 0 : i32
          %dma_wait3A_682 = arith.constant 0 : i32
          %dma_wait3A_683 = tpu.memref_slice %arg11[%dma_wait3A_681, %dma_wait3A_682] : memref<16x1024xf32, #tpu.memory_space<vmem>> -> memref<1x1024xf32, #tpu.memory_space<vmem>>
          %dma_wait3A_684 = arith.constant 0 : i32
          %dma_wait3A_685 = tpu.memref_slice %arg4[%sub3A_670, %dma_wait3A_684] : memref<100x1024xf32, #tpu.memory_space<hbm>> -> memref<1x1024xf32, #tpu.memory_space<hbm>>
          %dma_wait3A_686 = arith.constant 0 : i32
          %dma_wait3A_687 = arith.constant 0 : i32
          %dma_wait3A_688 = tpu.memref_slice %arg11[%dma_wait3A_686, %dma_wait3A_687] : memref<16x1024xf32, #tpu.memory_space<vmem>> -> memref<1x1024xf32, #tpu.memory_space<vmem>>
          %dma_wait3A_689 = arith.constant 0 : i32
          %dma_wait3A_690 = tpu.memref_slice %arg4[%sub3A_670, %dma_wait3A_689] : memref<100x1024xf32, #tpu.memory_space<hbm>> -> memref<1x1024xf32, #tpu.memory_space<hbm>>
          tpu.wait_dma2 semaphore(%run_scoped3A : memref<!tpu.dma_semaphore, #tpu.memory_space<semaphore_mem>>) src(%dma_wait3A_690 : memref<1x1024xf32, #tpu.memory_space<hbm>>) dst(%dma_wait3A_688 : memref<1x1024xf32, #tpu.memory_space<vmem>>)
          tpu.yield
        }) : () -> ()
      } else {
      }
      %slice3A_557 = vector.extract_strided_slice %get3A_549 {offsets = [1], sizes = [1], strides = [1]} : vector<16xi32> to vector<1xi32>
      %squeeze3A_558 = vector.extract %slice3A_557[0] : i32 from vector<1xi32>
      %ge3A_559 = arith.constant 100000 : i32
      %ge3A_560 = arith.cmpi sge, %squeeze3A_558, %ge3A_559 : i32
      %convert_element_type3A_561 = arith.extui %ge3A_560 : i1 to i32
      %cond3A_562 = arith.constant 0 : i32
      %cond3A_563 = arith.cmpi ne, %convert_element_type3A_561, %cond3A_562 : i32
      scf.if %cond3A_563 {
        %sub3A_669 = arith.constant 100000 : i32
        %sub3A_670 = arith.subi %squeeze3A_558, %sub3A_669 : i32
        "tpu.region"() ({
          %run_scoped3A = tpu.sem_alloc : memref<!tpu.dma_semaphore, #tpu.memory_space<semaphore_mem>>
          %dma_start3A_671 = arith.constant 1 : i32
          %dma_start3A_672 = arith.constant 0 : i32
          %dma_start3A_673 = tpu.memref_slice %arg11[%dma_start3A_671, %dma_start3A_672] : memref<16x1024xf32, #tpu.memory_space<vmem>> -> memref<1x1024xf32, #tpu.memory_space<vmem>>
          %dma_start3A_674 = arith.constant 0 : i32
          %dma_start3A_675 = tpu.memref_slice %arg4[%sub3A_670, %dma_start3A_674] : memref<100x1024xf32, #tpu.memory_space<hbm>> -> memref<1x1024xf32, #tpu.memory_space<hbm>>
          %dma_start3A_676 = arith.constant 1 : i32
          %dma_start3A_677 = arith.constant 0 : i32
          %dma_start3A_678 = tpu.memref_slice %arg11[%dma_start3A_676, %dma_start3A_677] : memref<16x1024xf32, #tpu.memory_space<vmem>> -> memref<1x1024xf32, #tpu.memory_space<vmem>>
          %dma_start3A_679 = arith.constant 0 : i32
          %dma_start3A_680 = tpu.memref_slice %arg4[%sub3A_670, %dma_start3A_679] : memref<100x1024xf32, #tpu.memory_space<hbm>> -> memref<1x1024xf32, #tpu.memory_space<hbm>>
          tpu.enqueue_dma source(%dma_start3A_680 : memref<1x1024xf32, #tpu.memory_space<hbm>>) target(%dma_start3A_678 : memref<1x1024xf32, #tpu.memory_space<vmem>>) target_semaphore(%run_scoped3A : memref<!tpu.dma_semaphore, #tpu.memory_space<semaphore_mem>>)
          %dma_wait3A_681 = arith.constant 1 : i32
          %dma_wait3A_682 = arith.constant 0 : i32
          %dma_wait3A_683 = tpu.memref_slice %arg11[%dma_wait3A_681, %dma_wait3A_682] : memref<16x1024xf32, #tpu.memory_space<vmem>> -> memref<1x1024xf32, #tpu.memory_space<vmem>>
          %dma_wait3A_684 = arith.constant 0 : i32
          %dma_wait3A_685 = tpu.memref_slice %arg4[%sub3A_670, %dma_wait3A_684] : memref<100x1024xf32, #tpu.memory_space<hbm>> -> memref<1x1024xf32, #tpu.memory_space<hbm>>
          %dma_wait3A_686 = arith.constant 1 : i32
          %dma_wait3A_687 = arith.constant 0 : i32
          %dma_wait3A_688 = tpu.memref_slice %arg11[%dma_wait3A_686, %dma_wait3A_687] : memref<16x1024xf32, #tpu.memory_space<vmem>> -> memref<1x1024xf32, #tpu.memory_space<vmem>>
          %dma_wait3A_689 = arith.constant 0 : i32
          %dma_wait3A_690 = tpu.memref_slice %arg4[%sub3A_670, %dma_wait3A_689] : memref<100x1024xf32, #tpu.memory_space<hbm>> -> memref<1x1024xf32, #tpu.memory_space<hbm>>
          tpu.wait_dma2 semaphore(%run_scoped3A : memref<!tpu.dma_semaphore, #tpu.memory_space<semaphore_mem>>) src(%dma_wait3A_690 : memref<1x1024xf32, #tpu.memory_space<hbm>>) dst(%dma_wait3A_688 : memref<1x1024xf32, #tpu.memory_space<vmem>>)
          tpu.yield
        }) : () -> ()
      } else {
      }
      %slice3A_564 = vector.extract_strided_slice %get3A_549 {offsets = [2], sizes = [1], strides = [1]} : vector<16xi32> to vector<1xi32>
      %squeeze3A_565 = vector.extract %slice3A_564[0] : i32 from vector<1xi32>
      %ge3A_566 = arith.constant 100000 : i32
      %ge3A_567 = arith.cmpi sge, %squeeze3A_565, %ge3A_566 : i32
      %convert_element_type3A_568 = arith.extui %ge3A_567 : i1 to i32
      %cond3A_569 = arith.constant 0 : i32
      %cond3A_570 = arith.cmpi ne, %convert_element_type3A_568, %cond3A_569 : i32
      scf.if %cond3A_570 {
        %sub3A_669 = arith.constant 100000 : i32
        %sub3A_670 = arith.subi %squeeze3A_565, %sub3A_669 : i32
        "tpu.region"() ({
          %run_scoped3A = tpu.sem_alloc : memref<!tpu.dma_semaphore, #tpu.memory_space<semaphore_mem>>
          %dma_start3A_671 = arith.constant 2 : i32
          %dma_start3A_672 = arith.constant 0 : i32
          %dma_start3A_673 = tpu.memref_slice %arg11[%dma_start3A_671, %dma_start3A_672] : memref<16x1024xf32, #tpu.memory_space<vmem>> -> memref<1x1024xf32, #tpu.memory_space<vmem>>
          %dma_start3A_674 = arith.constant 0 : i32
          %dma_start3A_675 = tpu.memref_slice %arg4[%sub3A_670, %dma_start3A_674] : memref<100x1024xf32, #tpu.memory_space<hbm>> -> memref<1x1024xf32, #tpu.memory_space<hbm>>
          %dma_start3A_676 = arith.constant 2 : i32
          %dma_start3A_677 = arith.constant 0 : i32
          %dma_start3A_678 = tpu.memref_slice %arg11[%dma_start3A_676, %dma_start3A_677] : memref<16x1024xf32, #tpu.memory_space<vmem>> -> memref<1x1024xf32, #tpu.memory_space<vmem>>
          %dma_start3A_679 = arith.constant 0 : i32
          %dma_start3A_680 = tpu.memref_slice %arg4[%sub3A_670, %dma_start3A_679] : memref<100x1024xf32, #tpu.memory_space<hbm>> -> memref<1x1024xf32, #tpu.memory_space<hbm>>
          tpu.enqueue_dma source(%dma_start3A_680 : memref<1x1024xf32, #tpu.memory_space<hbm>>) target(%dma_start3A_678 : memref<1x1024xf32, #tpu.memory_space<vmem>>) target_semaphore(%run_scoped3A : memref<!tpu.dma_semaphore, #tpu.memory_space<semaphore_mem>>)
          %dma_wait3A_681 = arith.constant 2 : i32
          %dma_wait3A_682 = arith.constant 0 : i32
          %dma_wait3A_683 = tpu.memref_slice %arg11[%dma_wait3A_681, %dma_wait3A_682] : memref<16x1024xf32, #tpu.memory_space<vmem>> -> memref<1x1024xf32, #tpu.memory_space<vmem>>
          %dma_wait3A_684 = arith.constant 0 : i32
          %dma_wait3A_685 = tpu.memref_slice %arg4[%sub3A_670, %dma_wait3A_684] : memref<100x1024xf32, #tpu.memory_space<hbm>> -> memref<1x1024xf32, #tpu.memory_space<hbm>>
          %dma_wait3A_686 = arith.constant 2 : i32
          %dma_wait3A_687 = arith.constant 0 : i32
          %dma_wait3A_688 = tpu.memref_slice %arg11[%dma_wait3A_686, %dma_wait3A_687] : memref<16x1024xf32, #tpu.memory_space<vmem>> -> memref<1x1024xf32, #tpu.memory_space<vmem>>
          %dma_wait3A_689 = arith.constant 0 : i32
          %dma_wait3A_690 = tpu.memref_slice %arg4[%sub3A_670, %dma_wait3A_689] : memref<100x1024xf32, #tpu.memory_space<hbm>> -> memref<1x1024xf32, #tpu.memory_space<hbm>>
          tpu.wait_dma2 semaphore(%run_scoped3A : memref<!tpu.dma_semaphore, #tpu.memory_space<semaphore_mem>>) src(%dma_wait3A_690 : memref<1x1024xf32, #tpu.memory_space<hbm>>) dst(%dma_wait3A_688 : memref<1x1024xf32, #tpu.memory_space<vmem>>)
          tpu.yield
        }) : () -> ()
      } else {
      }
      %slice3A_571 = vector.extract_strided_slice %get3A_549 {offsets = [3], sizes = [1], strides = [1]} : vector<16xi32> to vector<1xi32>
      %squeeze3A_572 = vector.extract %slice3A_571[0] : i32 from vector<1xi32>
      %ge3A_573 = arith.constant 100000 : i32
      %ge3A_574 = arith.cmpi sge, %squeeze3A_572, %ge3A_573 : i32
      %convert_element_type3A_575 = arith.extui %ge3A_574 : i1 to i32
      %cond3A_576 = arith.constant 0 : i32
      %cond3A_577 = arith.cmpi ne, %convert_element_type3A_575, %cond3A_576 : i32
      scf.if %cond3A_577 {
        %sub3A_669 = arith.constant 100000 : i32
        %sub3A_670 = arith.subi %squeeze3A_572, %sub3A_669 : i32
        "tpu.region"() ({
          %run_scoped3A = tpu.sem_alloc : memref<!tpu.dma_semaphore, #tpu.memory_space<semaphore_mem>>
          %dma_start3A_671 = arith.constant 3 : i32
          %dma_start3A_672 = arith.constant 0 : i32
          %dma_start3A_673 = tpu.memref_slice %arg11[%dma_start3A_671, %dma_start3A_672] : memref<16x1024xf32, #tpu.memory_space<vmem>> -> memref<1x1024xf32, #tpu.memory_space<vmem>>
          %dma_start3A_674 = arith.constant 0 : i32
          %dma_start3A_675 = tpu.memref_slice %arg4[%sub3A_670, %dma_start3A_674] : memref<100x1024xf32, #tpu.memory_space<hbm>> -> memref<1x1024xf32, #tpu.memory_space<hbm>>
          %dma_start3A_676 = arith.constant 3 : i32
          %dma_start3A_677 = arith.constant 0 : i32
          %dma_start3A_678 = tpu.memref_slice %arg11[%dma_start3A_676, %dma_start3A_677] : memref<16x1024xf32, #tpu.memory_space<vmem>> -> memref<1x1024xf32, #tpu.memory_space<vmem>>
          %dma_start3A_679 = arith.constant 0 : i32
          %dma_start3A_680 = tpu.memref_slice %arg4[%sub3A_670, %dma_start3A_679] : memref<100x1024xf32, #tpu.memory_space<hbm>> -> memref<1x1024xf32, #tpu.memory_space<hbm>>
          tpu.enqueue_dma source(%dma_start3A_680 : memref<1x1024xf32, #tpu.memory_space<hbm>>) target(%dma_start3A_678 : memref<1x1024xf32, #tpu.memory_space<vmem>>) target_semaphore(%run_scoped3A : memref<!tpu.dma_semaphore, #tpu.memory_space<semaphore_mem>>)
          %dma_wait3A_681 = arith.constant 3 : i32
          %dma_wait3A_682 = arith.constant 0 : i32
          %dma_wait3A_683 = tpu.memref_slice %arg11[%dma_wait3A_681, %dma_wait3A_682] : memref<16x1024xf32, #tpu.memory_space<vmem>> -> memref<1x1024xf32, #tpu.memory_space<vmem>>
          %dma_wait3A_684 = arith.constant 0 : i32
          %dma_wait3A_685 = tpu.memref_slice %arg4[%sub3A_670, %dma_wait3A_684] : memref<100x1024xf32, #tpu.memory_space<hbm>> -> memref<1x1024xf32, #tpu.memory_space<hbm>>
          %dma_wait3A_686 = arith.constant 3 : i32
          %dma_wait3A_687 = arith.constant 0 : i32
          %dma_wait3A_688 = tpu.memref_slice %arg11[%dma_wait3A_686, %dma_wait3A_687] : memref<16x1024xf32, #tpu.memory_space<vmem>> -> memref<1x1024xf32, #tpu.memory_space<vmem>>
          %dma_wait3A_689 = arith.constant 0 : i32
          %dma_wait3A_690 = tpu.memref_slice %arg4[%sub3A_670, %dma_wait3A_689] : memref<100x1024xf32, #tpu.memory_space<hbm>> -> memref<1x1024xf32, #tpu.memory_space<hbm>>
          tpu.wait_dma2 semaphore(%run_scoped3A : memref<!tpu.dma_semaphore, #tpu.memory_space<semaphore_mem>>) src(%dma_wait3A_690 : memref<1x1024xf32, #tpu.memory_space<hbm>>) dst(%dma_wait3A_688 : memref<1x1024xf32, #tpu.memory_space<vmem>>)
          tpu.yield
        }) : () -> ()
      } else {
      }
      %slice3A_578 = vector.extract_strided_slice %get3A_549 {offsets = [4], sizes = [1], strides = [1]} : vector<16xi32> to vector<1xi32>
      %squeeze3A_579 = vector.extract %slice3A_578[0] : i32 from vector<1xi32>
      %ge3A_580 = arith.constant 100000 : i32
      %ge3A_581 = arith.cmpi sge, %squeeze3A_579, %ge3A_580 : i32
      %convert_element_type3A_582 = arith.extui %ge3A_581 : i1 to i32
      %cond3A_583 = arith.constant 0 : i32
      %cond3A_584 = arith.cmpi ne, %convert_element_type3A_582, %cond3A_583 : i32
      scf.if %cond3A_584 {
        %sub3A_669 = arith.constant 100000 : i32
        %sub3A_670 = arith.subi %squeeze3A_579, %sub3A_669 : i32
        "tpu.region"() ({
          %run_scoped3A = tpu.sem_alloc : memref<!tpu.dma_semaphore, #tpu.memory_space<semaphore_mem>>
          %dma_start3A_671 = arith.constant 4 : i32
          %dma_start3A_672 = arith.constant 0 : i32
          %dma_start3A_673 = tpu.memref_slice %arg11[%dma_start3A_671, %dma_start3A_672] : memref<16x1024xf32, #tpu.memory_space<vmem>> -> memref<1x1024xf32, #tpu.memory_space<vmem>>
          %dma_start3A_674 = arith.constant 0 : i32
          %dma_start3A_675 = tpu.memref_slice %arg4[%sub3A_670, %dma_start3A_674] : memref<100x1024xf32, #tpu.memory_space<hbm>> -> memref<1x1024xf32, #tpu.memory_space<hbm>>
          %dma_start3A_676 = arith.constant 4 : i32
          %dma_start3A_677 = arith.constant 0 : i32
          %dma_start3A_678 = tpu.memref_slice %arg11[%dma_start3A_676, %dma_start3A_677] : memref<16x1024xf32, #tpu.memory_space<vmem>> -> memref<1x1024xf32, #tpu.memory_space<vmem>>
          %dma_start3A_679 = arith.constant 0 : i32
          %dma_start3A_680 = tpu.memref_slice %arg4[%sub3A_670, %dma_start3A_679] : memref<100x1024xf32, #tpu.memory_space<hbm>> -> memref<1x1024xf32, #tpu.memory_space<hbm>>
          tpu.enqueue_dma source(%dma_start3A_680 : memref<1x1024xf32, #tpu.memory_space<hbm>>) target(%dma_start3A_678 : memref<1x1024xf32, #tpu.memory_space<vmem>>) target_semaphore(%run_scoped3A : memref<!tpu.dma_semaphore, #tpu.memory_space<semaphore_mem>>)
          %dma_wait3A_681 = arith.constant 4 : i32
          %dma_wait3A_682 = arith.constant 0 : i32
          %dma_wait3A_683 = tpu.memref_slice %arg11[%dma_wait3A_681, %dma_wait3A_682] : memref<16x1024xf32, #tpu.memory_space<vmem>> -> memref<1x1024xf32, #tpu.memory_space<vmem>>
          %dma_wait3A_684 = arith.constant 0 : i32
          %dma_wait3A_685 = tpu.memref_slice %arg4[%sub3A_670, %dma_wait3A_684] : memref<100x1024xf32, #tpu.memory_space<hbm>> -> memref<1x1024xf32, #tpu.memory_space<hbm>>
          %dma_wait3A_686 = arith.constant 4 : i32
          %dma_wait3A_687 = arith.constant 0 : i32
          %dma_wait3A_688 = tpu.memref_slice %arg11[%dma_wait3A_686, %dma_wait3A_687] : memref<16x1024xf32, #tpu.memory_space<vmem>> -> memref<1x1024xf32, #tpu.memory_space<vmem>>
          %dma_wait3A_689 = arith.constant 0 : i32
          %dma_wait3A_690 = tpu.memref_slice %arg4[%sub3A_670, %dma_wait3A_689] : memref<100x1024xf32, #tpu.memory_space<hbm>> -> memref<1x1024xf32, #tpu.memory_space<hbm>>
          tpu.wait_dma2 semaphore(%run_scoped3A : memref<!tpu.dma_semaphore, #tpu.memory_space<semaphore_mem>>) src(%dma_wait3A_690 : memref<1x1024xf32, #tpu.memory_space<hbm>>) dst(%dma_wait3A_688 : memref<1x1024xf32, #tpu.memory_space<vmem>>)
          tpu.yield
        }) : () -> ()
      } else {
      }
      %slice3A_585 = vector.extract_strided_slice %get3A_549 {offsets = [5], sizes = [1], strides = [1]} : vector<16xi32> to vector<1xi32>
      %squeeze3A_586 = vector.extract %slice3A_585[0] : i32 from vector<1xi32>
      %ge3A_587 = arith.constant 100000 : i32
      %ge3A_588 = arith.cmpi sge, %squeeze3A_586, %ge3A_587 : i32
      %convert_element_type3A_589 = arith.extui %ge3A_588 : i1 to i32
      %cond3A_590 = arith.constant 0 : i32
      %cond3A_591 = arith.cmpi ne, %convert_element_type3A_589, %cond3A_590 : i32
      scf.if %cond3A_591 {
        %sub3A_669 = arith.constant 100000 : i32
        %sub3A_670 = arith.subi %squeeze3A_586, %sub3A_669 : i32
        "tpu.region"() ({
          %run_scoped3A = tpu.sem_alloc : memref<!tpu.dma_semaphore, #tpu.memory_space<semaphore_mem>>
          %dma_start3A_671 = arith.constant 5 : i32
          %dma_start3A_672 = arith.constant 0 : i32
          %dma_start3A_673 = tpu.memref_slice %arg11[%dma_start3A_671, %dma_start3A_672] : memref<16x1024xf32, #tpu.memory_space<vmem>> -> memref<1x1024xf32, #tpu.memory_space<vmem>>
          %dma_start3A_674 = arith.constant 0 : i32
          %dma_start3A_675 = tpu.memref_slice %arg4[%sub3A_670, %dma_start3A_674] : memref<100x1024xf32, #tpu.memory_space<hbm>> -> memref<1x1024xf32, #tpu.memory_space<hbm>>
          %dma_start3A_676 = arith.constant 5 : i32
          %dma_start3A_677 = arith.constant 0 : i32
          %dma_start3A_678 = tpu.memref_slice %arg11[%dma_start3A_676, %dma_start3A_677] : memref<16x1024xf32, #tpu.memory_space<vmem>> -> memref<1x1024xf32, #tpu.memory_space<vmem>>
          %dma_start3A_679 = arith.constant 0 : i32
          %dma_start3A_680 = tpu.memref_slice %arg4[%sub3A_670, %dma_start3A_679] : memref<100x1024xf32, #tpu.memory_space<hbm>> -> memref<1x1024xf32, #tpu.memory_space<hbm>>
          tpu.enqueue_dma source(%dma_start3A_680 : memref<1x1024xf32, #tpu.memory_space<hbm>>) target(%dma_start3A_678 : memref<1x1024xf32, #tpu.memory_space<vmem>>) target_semaphore(%run_scoped3A : memref<!tpu.dma_semaphore, #tpu.memory_space<semaphore_mem>>)
          %dma_wait3A_681 = arith.constant 5 : i32
          %dma_wait3A_682 = arith.constant 0 : i32
          %dma_wait3A_683 = tpu.memref_slice %arg11[%dma_wait3A_681, %dma_wait3A_682] : memref<16x1024xf32, #tpu.memory_space<vmem>> -> memref<1x1024xf32, #tpu.memory_space<vmem>>
          %dma_wait3A_684 = arith.constant 0 : i32
          %dma_wait3A_685 = tpu.memref_slice %arg4[%sub3A_670, %dma_wait3A_684] : memref<100x1024xf32, #tpu.memory_space<hbm>> -> memref<1x1024xf32, #tpu.memory_space<hbm>>
          %dma_wait3A_686 = arith.constant 5 : i32
          %dma_wait3A_687 = arith.constant 0 : i32
          %dma_wait3A_688 = tpu.memref_slice %arg11[%dma_wait3A_686, %dma_wait3A_687] : memref<16x1024xf32, #tpu.memory_space<vmem>> -> memref<1x1024xf32, #tpu.memory_space<vmem>>
          %dma_wait3A_689 = arith.constant 0 : i32
          %dma_wait3A_690 = tpu.memref_slice %arg4[%sub3A_670, %dma_wait3A_689] : memref<100x1024xf32, #tpu.memory_space<hbm>> -> memref<1x1024xf32, #tpu.memory_space<hbm>>
          tpu.wait_dma2 semaphore(%run_scoped3A : memref<!tpu.dma_semaphore, #tpu.memory_space<semaphore_mem>>) src(%dma_wait3A_690 : memref<1x1024xf32, #tpu.memory_space<hbm>>) dst(%dma_wait3A_688 : memref<1x1024xf32, #tpu.memory_space<vmem>>)
          tpu.yield
        }) : () -> ()
      } else {
      }
      %slice3A_592 = vector.extract_strided_slice %get3A_549 {offsets = [6], sizes = [1], strides = [1]} : vector<16xi32> to vector<1xi32>
      %squeeze3A_593 = vector.extract %slice3A_592[0] : i32 from vector<1xi32>
      %ge3A_594 = arith.constant 100000 : i32
      %ge3A_595 = arith.cmpi sge, %squeeze3A_593, %ge3A_594 : i32
      %convert_element_type3A_596 = arith.extui %ge3A_595 : i1 to i32
      %cond3A_597 = arith.constant 0 : i32
      %cond3A_598 = arith.cmpi ne, %convert_element_type3A_596, %cond3A_597 : i32
      scf.if %cond3A_598 {
        %sub3A_669 = arith.constant 100000 : i32
        %sub3A_670 = arith.subi %squeeze3A_593, %sub3A_669 : i32
        "tpu.region"() ({
          %run_scoped3A = tpu.sem_alloc : memref<!tpu.dma_semaphore, #tpu.memory_space<semaphore_mem>>
          %dma_start3A_671 = arith.constant 6 : i32
          %dma_start3A_672 = arith.constant 0 : i32
          %dma_start3A_673 = tpu.memref_slice %arg11[%dma_start3A_671, %dma_start3A_672] : memref<16x1024xf32, #tpu.memory_space<vmem>> -> memref<1x1024xf32, #tpu.memory_space<vmem>>
          %dma_start3A_674 = arith.constant 0 : i32
          %dma_start3A_675 = tpu.memref_slice %arg4[%sub3A_670, %dma_start3A_674] : memref<100x1024xf32, #tpu.memory_space<hbm>> -> memref<1x1024xf32, #tpu.memory_space<hbm>>
          %dma_start3A_676 = arith.constant 6 : i32
          %dma_start3A_677 = arith.constant 0 : i32
          %dma_start3A_678 = tpu.memref_slice %arg11[%dma_start3A_676, %dma_start3A_677] : memref<16x1024xf32, #tpu.memory_space<vmem>> -> memref<1x1024xf32, #tpu.memory_space<vmem>>
          %dma_start3A_679 = arith.constant 0 : i32
          %dma_start3A_680 = tpu.memref_slice %arg4[%sub3A_670, %dma_start3A_679] : memref<100x1024xf32, #tpu.memory_space<hbm>> -> memref<1x1024xf32, #tpu.memory_space<hbm>>
          tpu.enqueue_dma source(%dma_start3A_680 : memref<1x1024xf32, #tpu.memory_space<hbm>>) target(%dma_start3A_678 : memref<1x1024xf32, #tpu.memory_space<vmem>>) target_semaphore(%run_scoped3A : memref<!tpu.dma_semaphore, #tpu.memory_space<semaphore_mem>>)
          %dma_wait3A_681 = arith.constant 6 : i32
          %dma_wait3A_682 = arith.constant 0 : i32
          %dma_wait3A_683 = tpu.memref_slice %arg11[%dma_wait3A_681, %dma_wait3A_682] : memref<16x1024xf32, #tpu.memory_space<vmem>> -> memref<1x1024xf32, #tpu.memory_space<vmem>>
          %dma_wait3A_684 = arith.constant 0 : i32
          %dma_wait3A_685 = tpu.memref_slice %arg4[%sub3A_670, %dma_wait3A_684] : memref<100x1024xf32, #tpu.memory_space<hbm>> -> memref<1x1024xf32, #tpu.memory_space<hbm>>
          %dma_wait3A_686 = arith.constant 6 : i32
          %dma_wait3A_687 = arith.constant 0 : i32
          %dma_wait3A_688 = tpu.memref_slice %arg11[%dma_wait3A_686, %dma_wait3A_687] : memref<16x1024xf32, #tpu.memory_space<vmem>> -> memref<1x1024xf32, #tpu.memory_space<vmem>>
          %dma_wait3A_689 = arith.constant 0 : i32
          %dma_wait3A_690 = tpu.memref_slice %arg4[%sub3A_670, %dma_wait3A_689] : memref<100x1024xf32, #tpu.memory_space<hbm>> -> memref<1x1024xf32, #tpu.memory_space<hbm>>
          tpu.wait_dma2 semaphore(%run_scoped3A : memref<!tpu.dma_semaphore, #tpu.memory_space<semaphore_mem>>) src(%dma_wait3A_690 : memref<1x1024xf32, #tpu.memory_space<hbm>>) dst(%dma_wait3A_688 : memref<1x1024xf32, #tpu.memory_space<vmem>>)
          tpu.yield
        }) : () -> ()
      } else {
      }
      %slice3A_599 = vector.extract_strided_slice %get3A_549 {offsets = [7], sizes = [1], strides = [1]} : vector<16xi32> to vector<1xi32>
      %squeeze3A_600 = vector.extract %slice3A_599[0] : i32 from vector<1xi32>
      %ge3A_601 = arith.constant 100000 : i32
      %ge3A_602 = arith.cmpi sge, %squeeze3A_600, %ge3A_601 : i32
      %convert_element_type3A_603 = arith.extui %ge3A_602 : i1 to i32
      %cond3A_604 = arith.constant 0 : i32
      %cond3A_605 = arith.cmpi ne, %convert_element_type3A_603, %cond3A_604 : i32
      scf.if %cond3A_605 {
        %sub3A_669 = arith.constant 100000 : i32
        %sub3A_670 = arith.subi %squeeze3A_600, %sub3A_669 : i32
        "tpu.region"() ({
          %run_scoped3A = tpu.sem_alloc : memref<!tpu.dma_semaphore, #tpu.memory_space<semaphore_mem>>
          %dma_start3A_671 = arith.constant 7 : i32
          %dma_start3A_672 = arith.constant 0 : i32
          %dma_start3A_673 = tpu.memref_slice %arg11[%dma_start3A_671, %dma_start3A_672] : memref<16x1024xf32, #tpu.memory_space<vmem>> -> memref<1x1024xf32, #tpu.memory_space<vmem>>
          %dma_start3A_674 = arith.constant 0 : i32
          %dma_start3A_675 = tpu.memref_slice %arg4[%sub3A_670, %dma_start3A_674] : memref<100x1024xf32, #tpu.memory_space<hbm>> -> memref<1x1024xf32, #tpu.memory_space<hbm>>
          %dma_start3A_676 = arith.constant 7 : i32
          %dma_start3A_677 = arith.constant 0 : i32
          %dma_start3A_678 = tpu.memref_slice %arg11[%dma_start3A_676, %dma_start3A_677] : memref<16x1024xf32, #tpu.memory_space<vmem>> -> memref<1x1024xf32, #tpu.memory_space<vmem>>
          %dma_start3A_679 = arith.constant 0 : i32
          %dma_start3A_680 = tpu.memref_slice %arg4[%sub3A_670, %dma_start3A_679] : memref<100x1024xf32, #tpu.memory_space<hbm>> -> memref<1x1024xf32, #tpu.memory_space<hbm>>
          tpu.enqueue_dma source(%dma_start3A_680 : memref<1x1024xf32, #tpu.memory_space<hbm>>) target(%dma_start3A_678 : memref<1x1024xf32, #tpu.memory_space<vmem>>) target_semaphore(%run_scoped3A : memref<!tpu.dma_semaphore, #tpu.memory_space<semaphore_mem>>)
          %dma_wait3A_681 = arith.constant 7 : i32
          %dma_wait3A_682 = arith.constant 0 : i32
          %dma_wait3A_683 = tpu.memref_slice %arg11[%dma_wait3A_681, %dma_wait3A_682] : memref<16x1024xf32, #tpu.memory_space<vmem>> -> memref<1x1024xf32, #tpu.memory_space<vmem>>
          %dma_wait3A_684 = arith.constant 0 : i32
          %dma_wait3A_685 = tpu.memref_slice %arg4[%sub3A_670, %dma_wait3A_684] : memref<100x1024xf32, #tpu.memory_space<hbm>> -> memref<1x1024xf32, #tpu.memory_space<hbm>>
          %dma_wait3A_686 = arith.constant 7 : i32
          %dma_wait3A_687 = arith.constant 0 : i32
          %dma_wait3A_688 = tpu.memref_slice %arg11[%dma_wait3A_686, %dma_wait3A_687] : memref<16x1024xf32, #tpu.memory_space<vmem>> -> memref<1x1024xf32, #tpu.memory_space<vmem>>
          %dma_wait3A_689 = arith.constant 0 : i32
          %dma_wait3A_690 = tpu.memref_slice %arg4[%sub3A_670, %dma_wait3A_689] : memref<100x1024xf32, #tpu.memory_space<hbm>> -> memref<1x1024xf32, #tpu.memory_space<hbm>>
          tpu.wait_dma2 semaphore(%run_scoped3A : memref<!tpu.dma_semaphore, #tpu.memory_space<semaphore_mem>>) src(%dma_wait3A_690 : memref<1x1024xf32, #tpu.memory_space<hbm>>) dst(%dma_wait3A_688 : memref<1x1024xf32, #tpu.memory_space<vmem>>)
          tpu.yield
        }) : () -> ()
      } else {
      }
      %slice3A_606 = vector.extract_strided_slice %get3A_549 {offsets = [8], sizes = [1], strides = [1]} : vector<16xi32> to vector<1xi32>
      %squeeze3A_607 = vector.extract %slice3A_606[0] : i32 from vector<1xi32>
      %ge3A_608 = arith.constant 100000 : i32
      %ge3A_609 = arith.cmpi sge, %squeeze3A_607, %ge3A_608 : i32
      %convert_element_type3A_610 = arith.extui %ge3A_609 : i1 to i32
      %cond3A_611 = arith.constant 0 : i32
      %cond3A_612 = arith.cmpi ne, %convert_element_type3A_610, %cond3A_611 : i32
      scf.if %cond3A_612 {
        %sub3A_669 = arith.constant 100000 : i32
        %sub3A_670 = arith.subi %squeeze3A_607, %sub3A_669 : i32
        "tpu.region"() ({
          %run_scoped3A = tpu.sem_alloc : memref<!tpu.dma_semaphore, #tpu.memory_space<semaphore_mem>>
          %dma_start3A_671 = arith.constant 8 : i32
          %dma_start3A_672 = arith.constant 0 : i32
          %dma_start3A_673 = tpu.memref_slice %arg11[%dma_start3A_671, %dma_start3A_672] : memref<16x1024xf32, #tpu.memory_space<vmem>> -> memref<1x1024xf32, #tpu.memory_space<vmem>>
          %dma_start3A_674 = arith.constant 0 : i32
          %dma_start3A_675 = tpu.memref_slice %arg4[%sub3A_670, %dma_start3A_674] : memref<100x1024xf32, #tpu.memory_space<hbm>> -> memref<1x1024xf32, #tpu.memory_space<hbm>>
          %dma_start3A_676 = arith.constant 8 : i32
          %dma_start3A_677 = arith.constant 0 : i32
          %dma_start3A_678 = tpu.memref_slice %arg11[%dma_start3A_676, %dma_start3A_677] : memref<16x1024xf32, #tpu.memory_space<vmem>> -> memref<1x1024xf32, #tpu.memory_space<vmem>>
          %dma_start3A_679 = arith.constant 0 : i32
          %dma_start3A_680 = tpu.memref_slice %arg4[%sub3A_670, %dma_start3A_679] : memref<100x1024xf32, #tpu.memory_space<hbm>> -> memref<1x1024xf32, #tpu.memory_space<hbm>>
          tpu.enqueue_dma source(%dma_start3A_680 : memref<1x1024xf32, #tpu.memory_space<hbm>>) target(%dma_start3A_678 : memref<1x1024xf32, #tpu.memory_space<vmem>>) target_semaphore(%run_scoped3A : memref<!tpu.dma_semaphore, #tpu.memory_space<semaphore_mem>>)
          %dma_wait3A_681 = arith.constant 8 : i32
          %dma_wait3A_682 = arith.constant 0 : i32
          %dma_wait3A_683 = tpu.memref_slice %arg11[%dma_wait3A_681, %dma_wait3A_682] : memref<16x1024xf32, #tpu.memory_space<vmem>> -> memref<1x1024xf32, #tpu.memory_space<vmem>>
          %dma_wait3A_684 = arith.constant 0 : i32
          %dma_wait3A_685 = tpu.memref_slice %arg4[%sub3A_670, %dma_wait3A_684] : memref<100x1024xf32, #tpu.memory_space<hbm>> -> memref<1x1024xf32, #tpu.memory_space<hbm>>
          %dma_wait3A_686 = arith.constant 8 : i32
          %dma_wait3A_687 = arith.constant 0 : i32
          %dma_wait3A_688 = tpu.memref_slice %arg11[%dma_wait3A_686, %dma_wait3A_687] : memref<16x1024xf32, #tpu.memory_space<vmem>> -> memref<1x1024xf32, #tpu.memory_space<vmem>>
          %dma_wait3A_689 = arith.constant 0 : i32
          %dma_wait3A_690 = tpu.memref_slice %arg4[%sub3A_670, %dma_wait3A_689] : memref<100x1024xf32, #tpu.memory_space<hbm>> -> memref<1x1024xf32, #tpu.memory_space<hbm>>
          tpu.wait_dma2 semaphore(%run_scoped3A : memref<!tpu.dma_semaphore, #tpu.memory_space<semaphore_mem>>) src(%dma_wait3A_690 : memref<1x1024xf32, #tpu.memory_space<hbm>>) dst(%dma_wait3A_688 : memref<1x1024xf32, #tpu.memory_space<vmem>>)
          tpu.yield
        }) : () -> ()
      } else {
      }
      %slice3A_613 = vector.extract_strided_slice %get3A_549 {offsets = [9], sizes = [1], strides = [1]} : vector<16xi32> to vector<1xi32>
      %squeeze3A_614 = vector.extract %slice3A_613[0] : i32 from vector<1xi32>
      %ge3A_615 = arith.constant 100000 : i32
      %ge3A_616 = arith.cmpi sge, %squeeze3A_614, %ge3A_615 : i32
      %convert_element_type3A_617 = arith.extui %ge3A_616 : i1 to i32
      %cond3A_618 = arith.constant 0 : i32
      %cond3A_619 = arith.cmpi ne, %convert_element_type3A_617, %cond3A_618 : i32
      scf.if %cond3A_619 {
        %sub3A_669 = arith.constant 100000 : i32
        %sub3A_670 = arith.subi %squeeze3A_614, %sub3A_669 : i32
        "tpu.region"() ({
          %run_scoped3A = tpu.sem_alloc : memref<!tpu.dma_semaphore, #tpu.memory_space<semaphore_mem>>
          %dma_start3A_671 = arith.constant 9 : i32
          %dma_start3A_672 = arith.constant 0 : i32
          %dma_start3A_673 = tpu.memref_slice %arg11[%dma_start3A_671, %dma_start3A_672] : memref<16x1024xf32, #tpu.memory_space<vmem>> -> memref<1x1024xf32, #tpu.memory_space<vmem>>
          %dma_start3A_674 = arith.constant 0 : i32
          %dma_start3A_675 = tpu.memref_slice %arg4[%sub3A_670, %dma_start3A_674] : memref<100x1024xf32, #tpu.memory_space<hbm>> -> memref<1x1024xf32, #tpu.memory_space<hbm>>
          %dma_start3A_676 = arith.constant 9 : i32
          %dma_start3A_677 = arith.constant 0 : i32
          %dma_start3A_678 = tpu.memref_slice %arg11[%dma_start3A_676, %dma_start3A_677] : memref<16x1024xf32, #tpu.memory_space<vmem>> -> memref<1x1024xf32, #tpu.memory_space<vmem>>
          %dma_start3A_679 = arith.constant 0 : i32
          %dma_start3A_680 = tpu.memref_slice %arg4[%sub3A_670, %dma_start3A_679] : memref<100x1024xf32, #tpu.memory_space<hbm>> -> memref<1x1024xf32, #tpu.memory_space<hbm>>
          tpu.enqueue_dma source(%dma_start3A_680 : memref<1x1024xf32, #tpu.memory_space<hbm>>) target(%dma_start3A_678 : memref<1x1024xf32, #tpu.memory_space<vmem>>) target_semaphore(%run_scoped3A : memref<!tpu.dma_semaphore, #tpu.memory_space<semaphore_mem>>)
          %dma_wait3A_681 = arith.constant 9 : i32
          %dma_wait3A_682 = arith.constant 0 : i32
          %dma_wait3A_683 = tpu.memref_slice %arg11[%dma_wait3A_681, %dma_wait3A_682] : memref<16x1024xf32, #tpu.memory_space<vmem>> -> memref<1x1024xf32, #tpu.memory_space<vmem>>
          %dma_wait3A_684 = arith.constant 0 : i32
          %dma_wait3A_685 = tpu.memref_slice %arg4[%sub3A_670, %dma_wait3A_684] : memref<100x1024xf32, #tpu.memory_space<hbm>> -> memref<1x1024xf32, #tpu.memory_space<hbm>>
          %dma_wait3A_686 = arith.constant 9 : i32
          %dma_wait3A_687 = arith.constant 0 : i32
          %dma_wait3A_688 = tpu.memref_slice %arg11[%dma_wait3A_686, %dma_wait3A_687] : memref<16x1024xf32, #tpu.memory_space<vmem>> -> memref<1x1024xf32, #tpu.memory_space<vmem>>
          %dma_wait3A_689 = arith.constant 0 : i32
          %dma_wait3A_690 = tpu.memref_slice %arg4[%sub3A_670, %dma_wait3A_689] : memref<100x1024xf32, #tpu.memory_space<hbm>> -> memref<1x1024xf32, #tpu.memory_space<hbm>>
          tpu.wait_dma2 semaphore(%run_scoped3A : memref<!tpu.dma_semaphore, #tpu.memory_space<semaphore_mem>>) src(%dma_wait3A_690 : memref<1x1024xf32, #tpu.memory_space<hbm>>) dst(%dma_wait3A_688 : memref<1x1024xf32, #tpu.memory_space<vmem>>)
          tpu.yield
        }) : () -> ()
      } else {
      }
      %slice3A_620 = vector.extract_strided_slice %get3A_549 {offsets = [10], sizes = [1], strides = [1]} : vector<16xi32> to vector<1xi32>
      %squeeze3A_621 = vector.extract %slice3A_620[0] : i32 from vector<1xi32>
      %ge3A_622 = arith.constant 100000 : i32
      %ge3A_623 = arith.cmpi sge, %squeeze3A_621, %ge3A_622 : i32
      %convert_element_type3A_624 = arith.extui %ge3A_623 : i1 to i32
      %cond3A_625 = arith.constant 0 : i32
      %cond3A_626 = arith.cmpi ne, %convert_element_type3A_624, %cond3A_625 : i32
      scf.if %cond3A_626 {
        %sub3A_669 = arith.constant 100000 : i32
        %sub3A_670 = arith.subi %squeeze3A_621, %sub3A_669 : i32
        "tpu.region"() ({
          %run_scoped3A = tpu.sem_alloc : memref<!tpu.dma_semaphore, #tpu.memory_space<semaphore_mem>>
          %dma_start3A_671 = arith.constant 10 : i32
          %dma_start3A_672 = arith.constant 0 : i32
          %dma_start3A_673 = tpu.memref_slice %arg11[%dma_start3A_671, %dma_start3A_672] : memref<16x1024xf32, #tpu.memory_space<vmem>> -> memref<1x1024xf32, #tpu.memory_space<vmem>>
          %dma_start3A_674 = arith.constant 0 : i32
          %dma_start3A_675 = tpu.memref_slice %arg4[%sub3A_670, %dma_start3A_674] : memref<100x1024xf32, #tpu.memory_space<hbm>> -> memref<1x1024xf32, #tpu.memory_space<hbm>>
          %dma_start3A_676 = arith.constant 10 : i32
          %dma_start3A_677 = arith.constant 0 : i32
          %dma_start3A_678 = tpu.memref_slice %arg11[%dma_start3A_676, %dma_start3A_677] : memref<16x1024xf32, #tpu.memory_space<vmem>> -> memref<1x1024xf32, #tpu.memory_space<vmem>>
          %dma_start3A_679 = arith.constant 0 : i32
          %dma_start3A_680 = tpu.memref_slice %arg4[%sub3A_670, %dma_start3A_679] : memref<100x1024xf32, #tpu.memory_space<hbm>> -> memref<1x1024xf32, #tpu.memory_space<hbm>>
          tpu.enqueue_dma source(%dma_start3A_680 : memref<1x1024xf32, #tpu.memory_space<hbm>>) target(%dma_start3A_678 : memref<1x1024xf32, #tpu.memory_space<vmem>>) target_semaphore(%run_scoped3A : memref<!tpu.dma_semaphore, #tpu.memory_space<semaphore_mem>>)
          %dma_wait3A_681 = arith.constant 10 : i32
          %dma_wait3A_682 = arith.constant 0 : i32
          %dma_wait3A_683 = tpu.memref_slice %arg11[%dma_wait3A_681, %dma_wait3A_682] : memref<16x1024xf32, #tpu.memory_space<vmem>> -> memref<1x1024xf32, #tpu.memory_space<vmem>>
          %dma_wait3A_684 = arith.constant 0 : i32
          %dma_wait3A_685 = tpu.memref_slice %arg4[%sub3A_670, %dma_wait3A_684] : memref<100x1024xf32, #tpu.memory_space<hbm>> -> memref<1x1024xf32, #tpu.memory_space<hbm>>
          %dma_wait3A_686 = arith.constant 10 : i32
          %dma_wait3A_687 = arith.constant 0 : i32
          %dma_wait3A_688 = tpu.memref_slice %arg11[%dma_wait3A_686, %dma_wait3A_687] : memref<16x1024xf32, #tpu.memory_space<vmem>> -> memref<1x1024xf32, #tpu.memory_space<vmem>>
          %dma_wait3A_689 = arith.constant 0 : i32
          %dma_wait3A_690 = tpu.memref_slice %arg4[%sub3A_670, %dma_wait3A_689] : memref<100x1024xf32, #tpu.memory_space<hbm>> -> memref<1x1024xf32, #tpu.memory_space<hbm>>
          tpu.wait_dma2 semaphore(%run_scoped3A : memref<!tpu.dma_semaphore, #tpu.memory_space<semaphore_mem>>) src(%dma_wait3A_690 : memref<1x1024xf32, #tpu.memory_space<hbm>>) dst(%dma_wait3A_688 : memref<1x1024xf32, #tpu.memory_space<vmem>>)
          tpu.yield
        }) : () -> ()
      } else {
      }
      %slice3A_627 = vector.extract_strided_slice %get3A_549 {offsets = [11], sizes = [1], strides = [1]} : vector<16xi32> to vector<1xi32>
      %squeeze3A_628 = vector.extract %slice3A_627[0] : i32 from vector<1xi32>
      %ge3A_629 = arith.constant 100000 : i32
      %ge3A_630 = arith.cmpi sge, %squeeze3A_628, %ge3A_629 : i32
      %convert_element_type3A_631 = arith.extui %ge3A_630 : i1 to i32
      %cond3A_632 = arith.constant 0 : i32
      %cond3A_633 = arith.cmpi ne, %convert_element_type3A_631, %cond3A_632 : i32
      scf.if %cond3A_633 {
        %sub3A_669 = arith.constant 100000 : i32
        %sub3A_670 = arith.subi %squeeze3A_628, %sub3A_669 : i32
        "tpu.region"() ({
          %run_scoped3A = tpu.sem_alloc : memref<!tpu.dma_semaphore, #tpu.memory_space<semaphore_mem>>
          %dma_start3A_671 = arith.constant 11 : i32
          %dma_start3A_672 = arith.constant 0 : i32
          %dma_start3A_673 = tpu.memref_slice %arg11[%dma_start3A_671, %dma_start3A_672] : memref<16x1024xf32, #tpu.memory_space<vmem>> -> memref<1x1024xf32, #tpu.memory_space<vmem>>
          %dma_start3A_674 = arith.constant 0 : i32
          %dma_start3A_675 = tpu.memref_slice %arg4[%sub3A_670, %dma_start3A_674] : memref<100x1024xf32, #tpu.memory_space<hbm>> -> memref<1x1024xf32, #tpu.memory_space<hbm>>
          %dma_start3A_676 = arith.constant 11 : i32
          %dma_start3A_677 = arith.constant 0 : i32
          %dma_start3A_678 = tpu.memref_slice %arg11[%dma_start3A_676, %dma_start3A_677] : memref<16x1024xf32, #tpu.memory_space<vmem>> -> memref<1x1024xf32, #tpu.memory_space<vmem>>
          %dma_start3A_679 = arith.constant 0 : i32
          %dma_start3A_680 = tpu.memref_slice %arg4[%sub3A_670, %dma_start3A_679] : memref<100x1024xf32, #tpu.memory_space<hbm>> -> memref<1x1024xf32, #tpu.memory_space<hbm>>
          tpu.enqueue_dma source(%dma_start3A_680 : memref<1x1024xf32, #tpu.memory_space<hbm>>) target(%dma_start3A_678 : memref<1x1024xf32, #tpu.memory_space<vmem>>) target_semaphore(%run_scoped3A : memref<!tpu.dma_semaphore, #tpu.memory_space<semaphore_mem>>)
          %dma_wait3A_681 = arith.constant 11 : i32
          %dma_wait3A_682 = arith.constant 0 : i32
          %dma_wait3A_683 = tpu.memref_slice %arg11[%dma_wait3A_681, %dma_wait3A_682] : memref<16x1024xf32, #tpu.memory_space<vmem>> -> memref<1x1024xf32, #tpu.memory_space<vmem>>
          %dma_wait3A_684 = arith.constant 0 : i32
          %dma_wait3A_685 = tpu.memref_slice %arg4[%sub3A_670, %dma_wait3A_684] : memref<100x1024xf32, #tpu.memory_space<hbm>> -> memref<1x1024xf32, #tpu.memory_space<hbm>>
          %dma_wait3A_686 = arith.constant 11 : i32
          %dma_wait3A_687 = arith.constant 0 : i32
          %dma_wait3A_688 = tpu.memref_slice %arg11[%dma_wait3A_686, %dma_wait3A_687] : memref<16x1024xf32, #tpu.memory_space<vmem>> -> memref<1x1024xf32, #tpu.memory_space<vmem>>
          %dma_wait3A_689 = arith.constant 0 : i32
          %dma_wait3A_690 = tpu.memref_slice %arg4[%sub3A_670, %dma_wait3A_689] : memref<100x1024xf32, #tpu.memory_space<hbm>> -> memref<1x1024xf32, #tpu.memory_space<hbm>>
          tpu.wait_dma2 semaphore(%run_scoped3A : memref<!tpu.dma_semaphore, #tpu.memory_space<semaphore_mem>>) src(%dma_wait3A_690 : memref<1x1024xf32, #tpu.memory_space<hbm>>) dst(%dma_wait3A_688 : memref<1x1024xf32, #tpu.memory_space<vmem>>)
          tpu.yield
        }) : () -> ()
      } else {
      }
      %slice3A_634 = vector.extract_strided_slice %get3A_549 {offsets = [12], sizes = [1], strides = [1]} : vector<16xi32> to vector<1xi32>
      %squeeze3A_635 = vector.extract %slice3A_634[0] : i32 from vector<1xi32>
      %ge3A_636 = arith.constant 100000 : i32
      %ge3A_637 = arith.cmpi sge, %squeeze3A_635, %ge3A_636 : i32
      %convert_element_type3A_638 = arith.extui %ge3A_637 : i1 to i32
      %cond3A_639 = arith.constant 0 : i32
      %cond3A_640 = arith.cmpi ne, %convert_element_type3A_638, %cond3A_639 : i32
      scf.if %cond3A_640 {
        %sub3A_669 = arith.constant 100000 : i32
        %sub3A_670 = arith.subi %squeeze3A_635, %sub3A_669 : i32
        "tpu.region"() ({
          %run_scoped3A = tpu.sem_alloc : memref<!tpu.dma_semaphore, #tpu.memory_space<semaphore_mem>>
          %dma_start3A_671 = arith.constant 12 : i32
          %dma_start3A_672 = arith.constant 0 : i32
          %dma_start3A_673 = tpu.memref_slice %arg11[%dma_start3A_671, %dma_start3A_672] : memref<16x1024xf32, #tpu.memory_space<vmem>> -> memref<1x1024xf32, #tpu.memory_space<vmem>>
          %dma_start3A_674 = arith.constant 0 : i32
          %dma_start3A_675 = tpu.memref_slice %arg4[%sub3A_670, %dma_start3A_674] : memref<100x1024xf32, #tpu.memory_space<hbm>> -> memref<1x1024xf32, #tpu.memory_space<hbm>>
          %dma_start3A_676 = arith.constant 12 : i32
          %dma_start3A_677 = arith.constant 0 : i32
          %dma_start3A_678 = tpu.memref_slice %arg11[%dma_start3A_676, %dma_start3A_677] : memref<16x1024xf32, #tpu.memory_space<vmem>> -> memref<1x1024xf32, #tpu.memory_space<vmem>>
          %dma_start3A_679 = arith.constant 0 : i32
          %dma_start3A_680 = tpu.memref_slice %arg4[%sub3A_670, %dma_start3A_679] : memref<100x1024xf32, #tpu.memory_space<hbm>> -> memref<1x1024xf32, #tpu.memory_space<hbm>>
          tpu.enqueue_dma source(%dma_start3A_680 : memref<1x1024xf32, #tpu.memory_space<hbm>>) target(%dma_start3A_678 : memref<1x1024xf32, #tpu.memory_space<vmem>>) target_semaphore(%run_scoped3A : memref<!tpu.dma_semaphore, #tpu.memory_space<semaphore_mem>>)
          %dma_wait3A_681 = arith.constant 12 : i32
          %dma_wait3A_682 = arith.constant 0 : i32
          %dma_wait3A_683 = tpu.memref_slice %arg11[%dma_wait3A_681, %dma_wait3A_682] : memref<16x1024xf32, #tpu.memory_space<vmem>> -> memref<1x1024xf32, #tpu.memory_space<vmem>>
          %dma_wait3A_684 = arith.constant 0 : i32
          %dma_wait3A_685 = tpu.memref_slice %arg4[%sub3A_670, %dma_wait3A_684] : memref<100x1024xf32, #tpu.memory_space<hbm>> -> memref<1x1024xf32, #tpu.memory_space<hbm>>
          %dma_wait3A_686 = arith.constant 12 : i32
          %dma_wait3A_687 = arith.constant 0 : i32
          %dma_wait3A_688 = tpu.memref_slice %arg11[%dma_wait3A_686, %dma_wait3A_687] : memref<16x1024xf32, #tpu.memory_space<vmem>> -> memref<1x1024xf32, #tpu.memory_space<vmem>>
          %dma_wait3A_689 = arith.constant 0 : i32
          %dma_wait3A_690 = tpu.memref_slice %arg4[%sub3A_670, %dma_wait3A_689] : memref<100x1024xf32, #tpu.memory_space<hbm>> -> memref<1x1024xf32, #tpu.memory_space<hbm>>
          tpu.wait_dma2 semaphore(%run_scoped3A : memref<!tpu.dma_semaphore, #tpu.memory_space<semaphore_mem>>) src(%dma_wait3A_690 : memref<1x1024xf32, #tpu.memory_space<hbm>>) dst(%dma_wait3A_688 : memref<1x1024xf32, #tpu.memory_space<vmem>>)
          tpu.yield
        }) : () -> ()
      } else {
      }
      %slice3A_641 = vector.extract_strided_slice %get3A_549 {offsets = [13], sizes = [1], strides = [1]} : vector<16xi32> to vector<1xi32>
      %squeeze3A_642 = vector.extract %slice3A_641[0] : i32 from vector<1xi32>
      %ge3A_643 = arith.constant 100000 : i32
      %ge3A_644 = arith.cmpi sge, %squeeze3A_642, %ge3A_643 : i32
      %convert_element_type3A_645 = arith.extui %ge3A_644 : i1 to i32
      %cond3A_646 = arith.constant 0 : i32
      %cond3A_647 = arith.cmpi ne, %convert_element_type3A_645, %cond3A_646 : i32
      scf.if %cond3A_647 {
        %sub3A_669 = arith.constant 100000 : i32
        %sub3A_670 = arith.subi %squeeze3A_642, %sub3A_669 : i32
        "tpu.region"() ({
          %run_scoped3A = tpu.sem_alloc : memref<!tpu.dma_semaphore, #tpu.memory_space<semaphore_mem>>
          %dma_start3A_671 = arith.constant 13 : i32
          %dma_start3A_672 = arith.constant 0 : i32
          %dma_start3A_673 = tpu.memref_slice %arg11[%dma_start3A_671, %dma_start3A_672] : memref<16x1024xf32, #tpu.memory_space<vmem>> -> memref<1x1024xf32, #tpu.memory_space<vmem>>
          %dma_start3A_674 = arith.constant 0 : i32
          %dma_start3A_675 = tpu.memref_slice %arg4[%sub3A_670, %dma_start3A_674] : memref<100x1024xf32, #tpu.memory_space<hbm>> -> memref<1x1024xf32, #tpu.memory_space<hbm>>
          %dma_start3A_676 = arith.constant 13 : i32
          %dma_start3A_677 = arith.constant 0 : i32
          %dma_start3A_678 = tpu.memref_slice %arg11[%dma_start3A_676, %dma_start3A_677] : memref<16x1024xf32, #tpu.memory_space<vmem>> -> memref<1x1024xf32, #tpu.memory_space<vmem>>
          %dma_start3A_679 = arith.constant 0 : i32
          %dma_start3A_680 = tpu.memref_slice %arg4[%sub3A_670, %dma_start3A_679] : memref<100x1024xf32, #tpu.memory_space<hbm>> -> memref<1x1024xf32, #tpu.memory_space<hbm>>
          tpu.enqueue_dma source(%dma_start3A_680 : memref<1x1024xf32, #tpu.memory_space<hbm>>) target(%dma_start3A_678 : memref<1x1024xf32, #tpu.memory_space<vmem>>) target_semaphore(%run_scoped3A : memref<!tpu.dma_semaphore, #tpu.memory_space<semaphore_mem>>)
          %dma_wait3A_681 = arith.constant 13 : i32
          %dma_wait3A_682 = arith.constant 0 : i32
          %dma_wait3A_683 = tpu.memref_slice %arg11[%dma_wait3A_681, %dma_wait3A_682] : memref<16x1024xf32, #tpu.memory_space<vmem>> -> memref<1x1024xf32, #tpu.memory_space<vmem>>
          %dma_wait3A_684 = arith.constant 0 : i32
          %dma_wait3A_685 = tpu.memref_slice %arg4[%sub3A_670, %dma_wait3A_684] : memref<100x1024xf32, #tpu.memory_space<hbm>> -> memref<1x1024xf32, #tpu.memory_space<hbm>>
          %dma_wait3A_686 = arith.constant 13 : i32
          %dma_wait3A_687 = arith.constant 0 : i32
          %dma_wait3A_688 = tpu.memref_slice %arg11[%dma_wait3A_686, %dma_wait3A_687] : memref<16x1024xf32, #tpu.memory_space<vmem>> -> memref<1x1024xf32, #tpu.memory_space<vmem>>
          %dma_wait3A_689 = arith.constant 0 : i32
          %dma_wait3A_690 = tpu.memref_slice %arg4[%sub3A_670, %dma_wait3A_689] : memref<100x1024xf32, #tpu.memory_space<hbm>> -> memref<1x1024xf32, #tpu.memory_space<hbm>>
          tpu.wait_dma2 semaphore(%run_scoped3A : memref<!tpu.dma_semaphore, #tpu.memory_space<semaphore_mem>>) src(%dma_wait3A_690 : memref<1x1024xf32, #tpu.memory_space<hbm>>) dst(%dma_wait3A_688 : memref<1x1024xf32, #tpu.memory_space<vmem>>)
          tpu.yield
        }) : () -> ()
      } else {
      }
      %slice3A_648 = vector.extract_strided_slice %get3A_549 {offsets = [14], sizes = [1], strides = [1]} : vector<16xi32> to vector<1xi32>
      %squeeze3A_649 = vector.extract %slice3A_648[0] : i32 from vector<1xi32>
      %ge3A_650 = arith.constant 100000 : i32
      %ge3A_651 = arith.cmpi sge, %squeeze3A_649, %ge3A_650 : i32
      %convert_element_type3A_652 = arith.extui %ge3A_651 : i1 to i32
      %cond3A_653 = arith.constant 0 : i32
      %cond3A_654 = arith.cmpi ne, %convert_element_type3A_652, %cond3A_653 : i32
      scf.if %cond3A_654 {
        %sub3A_669 = arith.constant 100000 : i32
        %sub3A_670 = arith.subi %squeeze3A_649, %sub3A_669 : i32
        "tpu.region"() ({
          %run_scoped3A = tpu.sem_alloc : memref<!tpu.dma_semaphore, #tpu.memory_space<semaphore_mem>>
          %dma_start3A_671 = arith.constant 14 : i32
          %dma_start3A_672 = arith.constant 0 : i32
          %dma_start3A_673 = tpu.memref_slice %arg11[%dma_start3A_671, %dma_start3A_672] : memref<16x1024xf32, #tpu.memory_space<vmem>> -> memref<1x1024xf32, #tpu.memory_space<vmem>>
          %dma_start3A_674 = arith.constant 0 : i32
          %dma_start3A_675 = tpu.memref_slice %arg4[%sub3A_670, %dma_start3A_674] : memref<100x1024xf32, #tpu.memory_space<hbm>> -> memref<1x1024xf32, #tpu.memory_space<hbm>>
          %dma_start3A_676 = arith.constant 14 : i32
          %dma_start3A_677 = arith.constant 0 : i32
          %dma_start3A_678 = tpu.memref_slice %arg11[%dma_start3A_676, %dma_start3A_677] : memref<16x1024xf32, #tpu.memory_space<vmem>> -> memref<1x1024xf32, #tpu.memory_space<vmem>>
          %dma_start3A_679 = arith.constant 0 : i32
          %dma_start3A_680 = tpu.memref_slice %arg4[%sub3A_670, %dma_start3A_679] : memref<100x1024xf32, #tpu.memory_space<hbm>> -> memref<1x1024xf32, #tpu.memory_space<hbm>>
          tpu.enqueue_dma source(%dma_start3A_680 : memref<1x1024xf32, #tpu.memory_space<hbm>>) target(%dma_start3A_678 : memref<1x1024xf32, #tpu.memory_space<vmem>>) target_semaphore(%run_scoped3A : memref<!tpu.dma_semaphore, #tpu.memory_space<semaphore_mem>>)
          %dma_wait3A_681 = arith.constant 14 : i32
          %dma_wait3A_682 = arith.constant 0 : i32
          %dma_wait3A_683 = tpu.memref_slice %arg11[%dma_wait3A_681, %dma_wait3A_682] : memref<16x1024xf32, #tpu.memory_space<vmem>> -> memref<1x1024xf32, #tpu.memory_space<vmem>>
          %dma_wait3A_684 = arith.constant 0 : i32
          %dma_wait3A_685 = tpu.memref_slice %arg4[%sub3A_670, %dma_wait3A_684] : memref<100x1024xf32, #tpu.memory_space<hbm>> -> memref<1x1024xf32, #tpu.memory_space<hbm>>
          %dma_wait3A_686 = arith.constant 14 : i32
          %dma_wait3A_687 = arith.constant 0 : i32
          %dma_wait3A_688 = tpu.memref_slice %arg11[%dma_wait3A_686, %dma_wait3A_687] : memref<16x1024xf32, #tpu.memory_space<vmem>> -> memref<1x1024xf32, #tpu.memory_space<vmem>>
          %dma_wait3A_689 = arith.constant 0 : i32
          %dma_wait3A_690 = tpu.memref_slice %arg4[%sub3A_670, %dma_wait3A_689] : memref<100x1024xf32, #tpu.memory_space<hbm>> -> memref<1x1024xf32, #tpu.memory_space<hbm>>
          tpu.wait_dma2 semaphore(%run_scoped3A : memref<!tpu.dma_semaphore, #tpu.memory_space<semaphore_mem>>) src(%dma_wait3A_690 : memref<1x1024xf32, #tpu.memory_space<hbm>>) dst(%dma_wait3A_688 : memref<1x1024xf32, #tpu.memory_space<vmem>>)
          tpu.yield
        }) : () -> ()
      } else {
      }
      %slice3A_655 = vector.extract_strided_slice %get3A_549 {offsets = [15], sizes = [1], strides = [1]} : vector<16xi32> to vector<1xi32>
      %squeeze3A_656 = vector.extract %slice3A_655[0] : i32 from vector<1xi32>
      %ge3A_657 = arith.constant 100000 : i32
      %ge3A_658 = arith.cmpi sge, %squeeze3A_656, %ge3A_657 : i32
      %convert_element_type3A_659 = arith.extui %ge3A_658 : i1 to i32
      %cond3A_660 = arith.constant 0 : i32
      %cond3A_661 = arith.cmpi ne, %convert_element_type3A_659, %cond3A_660 : i32
      scf.if %cond3A_661 {
        %sub3A_669 = arith.constant 100000 : i32
        %sub3A_670 = arith.subi %squeeze3A_656, %sub3A_669 : i32
        "tpu.region"() ({
          %run_scoped3A = tpu.sem_alloc : memref<!tpu.dma_semaphore, #tpu.memory_space<semaphore_mem>>
          %dma_start3A_671 = arith.constant 15 : i32
          %dma_start3A_672 = arith.constant 0 : i32
          %dma_start3A_673 = tpu.memref_slice %arg11[%dma_start3A_671, %dma_start3A_672] : memref<16x1024xf32, #tpu.memory_space<vmem>> -> memref<1x1024xf32, #tpu.memory_space<vmem>>
          %dma_start3A_674 = arith.constant 0 : i32
          %dma_start3A_675 = tpu.memref_slice %arg4[%sub3A_670, %dma_start3A_674] : memref<100x1024xf32, #tpu.memory_space<hbm>> -> memref<1x1024xf32, #tpu.memory_space<hbm>>
          %dma_start3A_676 = arith.constant 15 : i32
          %dma_start3A_677 = arith.constant 0 : i32
          %dma_start3A_678 = tpu.memref_slice %arg11[%dma_start3A_676, %dma_start3A_677] : memref<16x1024xf32, #tpu.memory_space<vmem>> -> memref<1x1024xf32, #tpu.memory_space<vmem>>
          %dma_start3A_679 = arith.constant 0 : i32
          %dma_start3A_680 = tpu.memref_slice %arg4[%sub3A_670, %dma_start3A_679] : memref<100x1024xf32, #tpu.memory_space<hbm>> -> memref<1x1024xf32, #tpu.memory_space<hbm>>
          tpu.enqueue_dma source(%dma_start3A_680 : memref<1x1024xf32, #tpu.memory_space<hbm>>) target(%dma_start3A_678 : memref<1x1024xf32, #tpu.memory_space<vmem>>) target_semaphore(%run_scoped3A : memref<!tpu.dma_semaphore, #tpu.memory_space<semaphore_mem>>)
          %dma_wait3A_681 = arith.constant 15 : i32
          %dma_wait3A_682 = arith.constant 0 : i32
          %dma_wait3A_683 = tpu.memref_slice %arg11[%dma_wait3A_681, %dma_wait3A_682] : memref<16x1024xf32, #tpu.memory_space<vmem>> -> memref<1x1024xf32, #tpu.memory_space<vmem>>
          %dma_wait3A_684 = arith.constant 0 : i32
          %dma_wait3A_685 = tpu.memref_slice %arg4[%sub3A_670, %dma_wait3A_684] : memref<100x1024xf32, #tpu.memory_space<hbm>> -> memref<1x1024xf32, #tpu.memory_space<hbm>>
          %dma_wait3A_686 = arith.constant 15 : i32
          %dma_wait3A_687 = arith.constant 0 : i32
          %dma_wait3A_688 = tpu.memref_slice %arg11[%dma_wait3A_686, %dma_wait3A_687] : memref<16x1024xf32, #tpu.memory_space<vmem>> -> memref<1x1024xf32, #tpu.memory_space<vmem>>
          %dma_wait3A_689 = arith.constant 0 : i32
          %dma_wait3A_690 = tpu.memref_slice %arg4[%sub3A_670, %dma_wait3A_689] : memref<100x1024xf32, #tpu.memory_space<hbm>> -> memref<1x1024xf32, #tpu.memory_space<hbm>>
          tpu.wait_dma2 semaphore(%run_scoped3A : memref<!tpu.dma_semaphore, #tpu.memory_space<semaphore_mem>>) src(%dma_wait3A_690 : memref<1x1024xf32, #tpu.memory_space<hbm>>) dst(%dma_wait3A_688 : memref<1x1024xf32, #tpu.memory_space<vmem>>)
          tpu.yield
        }) : () -> ()
      } else {
      }
      %add3A_662 = arith.addi %mul3A_32, %mul3A_532 : i32
      %dma_start3A_663 = arith.constant 0 : i32
      %dma_start3A_664 = tpu.memref_slice %arg5[%select_n3A, %add3A_662, %dma_start3A_663] : memref<4x2048x1024xf32, #tpu.memory_space<hbm>> -> memref<1x16x1024xf32, #tpu.memory_space<hbm>>
      %dma_start3A_665 = tpu.memref_squeeze %dma_start3A_664 : memref<1x16x1024xf32, #tpu.memory_space<hbm>> -> memref<16x1024xf32, #tpu.memory_space<hbm>>
      %dma_start3A_666 = arith.constant 0 : i32
      %dma_start3A_667 = tpu.memref_slice %arg5[%select_n3A, %add3A_662, %dma_start3A_666] : memref<4x2048x1024xf32, #tpu.memory_space<hbm>> -> memref<1x16x1024xf32, #tpu.memory_space<hbm>>
      %dma_start3A_668 = tpu.memref_squeeze %dma_start3A_667 : memref<1x16x1024xf32, #tpu.memory_space<hbm>> -> memref<16x1024xf32, #tpu.memory_space<hbm>>
      tpu.enqueue_dma source(%arg11 : memref<16x1024xf32, #tpu.memory_space<vmem>>) target(%dma_start3A_668 : memref<16x1024xf32, #tpu.memory_space<hbm>>) target_semaphore(%arg19 : memref<!tpu.dma_semaphore, #tpu.memory_space<semaphore_mem>>)
    }
    %scan3A_72 = arith.constant 4 : i32
    %add3A_73 = arith.constant 192 : i32
    %add3A_74 = arith.addi %mul3A_32, %add3A_73 : i32
    %dma_wait3A = arith.constant 0 : i32
    %dma_wait3A_75 = tpu.memref_slice %arg5[%select_n3A, %add3A_74, %dma_wait3A] : memref<4x2048x1024xf32, #tpu.memory_space<hbm>> -> memref<1x16x1024xf32, #tpu.memory_space<hbm>>
    %dma_wait3A_76 = tpu.memref_squeeze %dma_wait3A_75 : memref<1x16x1024xf32, #tpu.memory_space<hbm>> -> memref<16x1024xf32, #tpu.memory_space<hbm>>
    %dma_wait3A_77 = arith.constant 0 : i32
    %dma_wait3A_78 = tpu.memref_slice %arg5[%select_n3A, %add3A_74, %dma_wait3A_77] : memref<4x2048x1024xf32, #tpu.memory_space<hbm>> -> memref<1x16x1024xf32, #tpu.memory_space<hbm>>
    %dma_wait3A_79 = tpu.memref_squeeze %dma_wait3A_78 : memref<1x16x1024xf32, #tpu.memory_space<hbm>> -> memref<16x1024xf32, #tpu.memory_space<hbm>>
    tpu.wait_dma2 semaphore(%arg16 : memref<!tpu.dma_semaphore, #tpu.memory_space<semaphore_mem>>) src(%arg8 : memref<16x1024xf32, #tpu.memory_space<vmem>>) dst(%dma_wait3A_79 : memref<16x1024xf32, #tpu.memory_space<hbm>>)
    %add3A_80 = arith.constant 208 : i32
    %add3A_81 = arith.addi %mul3A_32, %add3A_80 : i32
    %dma_wait3A_82 = arith.constant 0 : i32
    %dma_wait3A_83 = tpu.memref_slice %arg5[%select_n3A, %add3A_81, %dma_wait3A_82] : memref<4x2048x1024xf32, #tpu.memory_space<hbm>> -> memref<1x16x1024xf32, #tpu.memory_space<hbm>>
    %dma_wait3A_84 = tpu.memref_squeeze %dma_wait3A_83 : memref<1x16x1024xf32, #tpu.memory_space<hbm>> -> memref<16x1024xf32, #tpu.memory_space<hbm>>
    %dma_wait3A_85 = arith.constant 0 : i32
    %dma_wait3A_86 = tpu.memref_slice %arg5[%select_n3A, %add3A_81, %dma_wait3A_85] : memref<4x2048x1024xf32, #tpu.memory_space<hbm>> -> memref<1x16x1024xf32, #tpu.memory_space<hbm>>
    %dma_wait3A_87 = tpu.memref_squeeze %dma_wait3A_86 : memref<1x16x1024xf32, #tpu.memory_space<hbm>> -> memref<16x1024xf32, #tpu.memory_space<hbm>>
    tpu.wait_dma2 semaphore(%arg17 : memref<!tpu.dma_semaphore, #tpu.memory_space<semaphore_mem>>) src(%arg9 : memref<16x1024xf32, #tpu.memory_space<vmem>>) dst(%dma_wait3A_87 : memref<16x1024xf32, #tpu.memory_space<hbm>>)
    %add3A_88 = arith.constant 224 : i32
    %add3A_89 = arith.addi %mul3A_32, %add3A_88 : i32
    %dma_wait3A_90 = arith.constant 0 : i32
    %dma_wait3A_91 = tpu.memref_slice %arg5[%select_n3A, %add3A_89, %dma_wait3A_90] : memref<4x2048x1024xf32, #tpu.memory_space<hbm>> -> memref<1x16x1024xf32, #tpu.memory_space<hbm>>
    %dma_wait3A_92 = tpu.memref_squeeze %dma_wait3A_91 : memref<1x16x1024xf32, #tpu.memory_space<hbm>> -> memref<16x1024xf32, #tpu.memory_space<hbm>>
    %dma_wait3A_93 = arith.constant 0 : i32
    %dma_wait3A_94 = tpu.memref_slice %arg5[%select_n3A, %add3A_89, %dma_wait3A_93] : memref<4x2048x1024xf32, #tpu.memory_space<hbm>> -> memref<1x16x1024xf32, #tpu.memory_space<hbm>>
    %dma_wait3A_95 = tpu.memref_squeeze %dma_wait3A_94 : memref<1x16x1024xf32, #tpu.memory_space<hbm>> -> memref<16x1024xf32, #tpu.memory_space<hbm>>
    tpu.wait_dma2 semaphore(%arg18 : memref<!tpu.dma_semaphore, #tpu.memory_space<semaphore_mem>>) src(%arg10 : memref<16x1024xf32, #tpu.memory_space<vmem>>) dst(%dma_wait3A_95 : memref<16x1024xf32, #tpu.memory_space<hbm>>)
    %add3A_96 = arith.constant 240 : i32
    %add3A_97 = arith.addi %mul3A_32, %add3A_96 : i32
    %dma_wait3A_98 = arith.constant 0 : i32
    %dma_wait3A_99 = tpu.memref_slice %arg5[%select_n3A, %add3A_97, %dma_wait3A_98] : memref<4x2048x1024xf32, #tpu.memory_space<hbm>> -> memref<1x16x1024xf32, #tpu.memory_space<hbm>>
    %dma_wait3A_100 = tpu.memref_squeeze %dma_wait3A_99 : memref<1x16x1024xf32, #tpu.memory_space<hbm>> -> memref<16x1024xf32, #tpu.memory_space<hbm>>
    %dma_wait3A_101 = arith.constant 0 : i32
    %dma_wait3A_102 = tpu.memref_slice %arg5[%select_n3A, %add3A_97, %dma_wait3A_101] : memref<4x2048x1024xf32, #tpu.memory_space<hbm>> -> memref<1x16x1024xf32, #tpu.memory_space<hbm>>
    %dma_wait3A_103 = tpu.memref_squeeze %dma_wait3A_102 : memref<1x16x1024xf32, #tpu.memory_space<hbm>> -> memref<16x1024xf32, #tpu.memory_space<hbm>>
    tpu.wait_dma2 semaphore(%arg19 : memref<!tpu.dma_semaphore, #tpu.memory_space<semaphore_mem>>) src(%arg11 : memref<16x1024xf32, #tpu.memory_space<vmem>>) dst(%dma_wait3A_103 : memref<16x1024xf32, #tpu.memory_space<hbm>>)
    return
  }
}

</mosaic_0001>

<sc_bundles>
// kernel: kernel.3.cloned.1.call-start
scs
__scs_entry_jumppad:
0x0: {  	(pc) =	sbr.rel $0x88, $3  }
0x1: {  	(tag) =	ssettag $0x0;
	lr =	simm.s32 $0x1  }
0x2: {  	[smem:$0x3F9E] =	sst lr;
	_ =	strace $0xD0000000  }
0x3: {  	_ = 	snop  }
0x4: {  	_ = 	snop  }
0x5: {  	_ = 	snop  }
0x6: {  	_ = 	snop  }
0x7: {  	_ = 	snop  }
__scs_overlays_trampoline_lowered:
0x8: {  	[smem:$0x3FAD] =	sst s0  }
0x9: {  	[smem:$0x3FAE] =	sst s1  }
0xa: {  	[smem:$0x3FAF] =	sst s2  }
0xb: {  	[smem:$0x3FB0] =	sst s3  }
0xc: {  	[smem:$0x3FB1] =	sst s4  }
0xd: {  	[smem:$0x3FB2] =	sst s5  }
0xe: {  	[smem:$0x3FB3] =	sst s6  }
0xf: {  	[smem:$0x3FB4] =	sst s7  }
0x10: {  	[smem:$0x3FB5] =	sst s8  }
0x11: {  	[smem:$0x3FB6] =	sst s9;
	s0 =	simm.s32 @!p0 $0x0  }
0x12: {  	s1 =	sld [smem:$0x3F9C];
	s0 =	simm.s32 @p0 $0x1  }
0x13: {  	[smem:$0x3FB7] =	sst s0;
	s0 =	simm.s32 @!p1 $0x0  }
0x14: {  	s2 =	sld [smem:$0x3F9B];
	s0 =	simm.s32 @p1 $0x1  }
0x15: {  	[smem:$0x3FB8] =	sst s0;
	s0 =	simm.s32 @!p2 $0x0  }
0x16: {  	s3 =	sld [smem:$0x3FDB];
	s0 =	simm.s32 @p2 $0x1  }
0x17: {  	s4 =	simm.s32 $0x1BF5;
	[smem:$0x3FBA] =	sst s0  }
0x18: {  	s0 =	sld [smem:$0x3F9D];
	_ =	swait.ge [sflag:s4], $0x0  }
0x19: {  	s7 =	sld [smem:$0x3F9E]  }
0x1a: {  	s8 =	sadd.s32 $0xFFFFE003, lr  }
0x1b: {  	s9 =	sadd.s32 $0xFFFFFEF7, lr;
	s5 =	simm.s32 $0xFFFFFFFF;
	p2 =	slt.u32 s8, $0xFFFFF086  }
0x1c: {  	p1 =	slt.u32 s9, $0xF7A;
	s5 =	simm.s32 @!p2 $0x0  }
0x1d: {  	s5 =	simm.s32 @p1 $0x1;
	p0 =	seq.s32 s7, s2  }
0x1e: {  	s7 =	smul.u32 @!p0 $0xF7A, s2;
	p2 =	seq.s32 @!p0 s5, $0x0  }
0x1f: {  	s9 =	smul.u32 $0xF7A, s1;
	s8 =	simm.s32 @!p0 $0x1BF5;
	p2 =	por !p2, p0  }
0x20: {  	[sflag:s8] =	ssyncset.s32 @!p0 $0xFFFFF086;
	s6 =	sadd.s32 @!p0 s3, s7;
	s7 =	simm.s32 @!p0 $0x108  }
0x21: {  	s3 =	sadd.s32 s3, s9;
	s6 =	sadd.s32 @!p0 $0x88, s6;
	s7 =	simm.s32 @p2 $0x1082  }
0x22: {  	[simem:s7], [sflag:s8] =	dma.local @!p0 [hbm:s6], $0xF7A  }
0x23: {  	s9 =	sor.u32 $0xD0000000, s2;
	s6 =	simm.s32 $0x108;
	_ =	swait.ge @!p0 [sflag:s8], $0x0  }
0x24: {  	s3 =	sadd.s32 $0x88, s3;
	s6 =	simm.s32 @!p1 $0x1082;
	[sflag:s4] =	ssyncset.s32 $0xFFFFF086  }
0x25: {  	[simem:s6], [sflag:s4] =	dma.local [hbm:s3], $0xF7A  }
0x26: {  	[smem:$0x3F9E] =	sst s1;
	(tag) =	ssettag s2;
	_ =	strace s9  }
0x27: {  	s1 =	sld [smem:$0x3FAE]  }
0x28: {  	s2 =	sld [smem:$0x3FAF]  }
0x29: {  	s4 =	sld [smem:$0x3FB1]  }
0x2a: {  	p0 =	seq.s32 s5, $0x0;
	s5 =	sld [smem:$0x3FB2]  }
0x2b: {  	s6 =	sld [smem:$0x3FB3]  }
0x2c: {  	s7 =	sld [smem:$0x3FB4]  }
0x2d: {  	s3 =	simm.s32 $0x108;
	s8 =	sld [smem:$0x3FB5]  }
0x2e: {  	s3 =	simm.s32 @!p0 $0x1082;
	s9 =	sld [smem:$0x3FB6]  }
0x2f: {  	lr =	sadd.s32 s0, s3;
	s0 =	sld [smem:$0x3FAD]  }
0x30: {  	s3 =	sld [smem:$0x3FB0]  }
0x31: {  	[smem:$0x3FB9] =	sst s10  }
0x32: {  	s10 =	sld [smem:$0x3FB7];
	_ =	sdelay $0x3  }
0x33: {  	p0 =	seq.s32 s10, $0x1;
	s10 =	sld [smem:$0x3FB9];
	_ =	sdelay $0x3  }
0x34: {  	[smem:$0x3FB9] =	sst s10  }
0x35: {  	s10 =	sld [smem:$0x3FB8];
	_ =	sdelay $0x3  }
0x36: {  	p1 =	seq.s32 s10, $0x1;
	s10 =	sld [smem:$0x3FB9];
	_ =	sdelay $0x3  }
0x37: {  	[smem:$0x3FB9] =	sst s10  }
0x38: {  	s10 =	sld [smem:$0x3FBA]  }
0x39: {  	_ = 	snop;
	(pc) =	sbr.ind lr, $3  }
0x3a: {  	_ = 	snop  }
0x3b: {  	_ = 	snop  }
0x3c: {  	p2 =	seq.s32 s10, $0x1;
	s10 =	sld [smem:$0x3FB9]  }
0x3d: {  	_ =	shalt  }
0x3e: {  	_ =	shalt  }
0x3f: {  	_ =	shalt  }
0x40: {  	_ =	shalt  }
0x41: {  	_ =	shalt  }
0x42: {  	_ =	shalt  }
0x43: {  	_ =	shalt  }
0x44: {  	_ =	shalt  }
0x45: {  	_ =	shalt  }
0x46: {  	_ =	shalt  }
0x47: {  	_ =	shalt  }
0x48: {  	_ =	shalt  }
0x49: {  	_ =	shalt  }
0x4a: {  	_ =	shalt  }
0x4b: {  	_ =	shalt  }
0x4c: {  	_ =	shalt  }
0x4d: {  	_ =	shalt  }
0x4e: {  	_ =	shalt  }
0x4f: {  	_ =	shalt  }
0x50: {  	_ =	shalt  }
0x51: {  	_ =	shalt  }
0x52: {  	_ =	shalt  }
0x53: {  	_ =	shalt  }
0x54: {  	_ =	shalt  }
0x55: {  	_ =	shalt  }
0x56: {  	_ =	shalt  }
0x57: {  	_ =	shalt  }
0x58: {  	_ =	shalt  }
0x59: {  	_ =	shalt  }
0x5a: {  	_ =	shalt  }
0x5b: {  	_ =	shalt  }
0x5c: {  	_ =	shalt  }
0x5d: {  	_ =	shalt  }
0x5e: {  	_ =	shalt  }
0x5f: {  	_ =	shalt  }
0x60: {  	_ =	shalt  }
0x61: {  	_ =	shalt  }
0x62: {  	_ =	shalt  }
0x63: {  	_ =	shalt  }
0x64: {  	_ =	shalt  }
0x65: {  	_ =	shalt  }
0x66: {  	_ =	shalt  }
0x67: {  	_ =	shalt  }
0x68: {  	_ =	shalt  }
0x69: {  	_ =	shalt  }
0x6a: {  	_ =	shalt  }
0x6b: {  	_ =	shalt  }
0x6c: {  	_ =	shalt  }
0x6d: {  	_ =	shalt  }
0x6e: {  	_ =	shalt  }
0x6f: {  	_ =	shalt  }
0x70: {  	_ =	shalt  }
0x71: {  	_ =	shalt  }
0x72: {  	_ =	shalt  }
0x73: {  	_ =	shalt  }
0x74: {  	_ =	shalt  }
0x75: {  	_ =	shalt  }
0x76: {  	_ =	shalt  }
0x77: {  	_ =	shalt  }
0x78: {  	_ =	shalt  }
0x79: {  	_ =	shalt  }
0x7a: {  	_ =	shalt  }
0x7b: {  	_ =	shalt  }
0x7c: {  	_ =	shalt  }
0x7d: {  	_ =	shalt  }
0x7e: {  	_ =	shalt  }
0x7f: {  	_ =	shalt  }
0x80: {  	_ =	shalt  }
0x81: {  	_ =	shalt  }
0x82: {  	_ =	shalt  }
0x83: {  	_ =	shalt  }
0x84: {  	_ =	shalt  }
0x85: {  	_ =	shalt  }
0x86: {  	_ =	shalt  }
0x87: {  	_ =	shalt  }
.Lfunc_end0:
.L_simem_size_0:
called_computation_lowered:
.L_overlay_start_0:
0x88: {  	s2 =	sld [smem:$0x3FD9]  }
0x89: {  	s3 =	sld [smem:$0x3FFE];
	_ =	sdelay $0x1  }
0x8a: {  	s1 =	srdreg.scid  }
0x8b: {  	s0 =	sand.u32 $0x1, s1  }
0x8c: {  	s18 =	sshll.u32 s0, $0xA;
	s2 =	sadd.s32 s3, s2  }
0x8d: {  	s2 =	sadd.s32 s2, s18  }
0x8e: {  	[smem:$0x3FC5] =	sst s2  }
0x8f: {  	_ = 	snop  }
0x90: {  	s2 =	sld [smem:$0x3FC9]  }
0x91: {  	s19 =	sld [smem:$0x3FC8]  }
0x92: {  	s4 =	sld [smem:$0x3FC7]  }
0x93: {  	s5 =	sld [smem:$0x3FD0];
	(tm) =	ssettm $0x1  }
0x94: {  	s6 =	sld [smem:$0x3FFB];
	_ =	sdelay $0x3  }
0x95: {  	_ =	strace s6  }
0x96: {  	s6 =	sld [smem:$0x3FFC];
	_ =	sdelay $0x3  }
0x97: {  	_ =	strace s6  }
0x98: {  	s6 =	sld [smem:$0x3FFD];
	_ =	sdelay $0x3  }
0x99: {  	_ =	strace s6  }
0x9a: {  	_ =	strace $0x8FFFFFFF  }
0x9b: {  	s20 =	sld [smem:$0x3FDB];
	_ =	sdelay $0x1  }
0x9c: {  	s7 =	simm.s32 $_scs_section_size  }
0x9d: {  	s8 =	simm.s32 $_size__tile_overlayer_lowered;
	s9 =	simm.s32 $_tile_overlayer_lowered  }
0x9e: {  	s23 =	simm.s32 $0x1BFF;
	s22 =	sshll.u32 s9, $0x1;
	s6 =	sadd.s32 s7, s20  }
0x9f: {  	s10 =	simm.s32 $0x0;
	s21 =	sshll.u32 s8, $0x1;
	s8 =	sadd.s32 s22, s6  }
0xa0: {  	[timem:s10], [sflag:s23] =	dma.local [hbm:s8], s21  }
0xa1: {  	_ =	swait.ge [sflag:s23], s21  }
0xa2: {  	s7 =	ssub.s32 $0x0, s21;
	[sflag:s23] =	ssyncset.done $0x0  }
0xa3: {  	[sflag:s23] =	ssyncadd.s32 s7;
	_ =	sdelay $0x1  }
0xa4: {  	s24 =	simm.s32 $0x1B8B  }
0xa5: {  	_ =	swait.ge [sflag:s24], $0x1  }
0xa6: {  	[sflag:s24] =	ssyncset.done $0x0  }
0xa7: {  	s25 =	simm.s32 $0x1B8E;
	[sflag:s24] =	ssyncadd.s32 $0xFFFFFFFF  }
0xa8: {  	s26 =	simm.s32 $execute0_lowered;
	[smem:$0x3FD2] =	sst s25  }
0xa9: {  	s7 =	sshll.u32 s26, $0x1;
	_ =	strace $0x80000046;
	[dreg:$0x1] =	wrdreg $0xFFFFFFFF  }
0xaa: {  	s28 =	simm.s32 $_size_execute0_lowered;
	s6 =	sadd.s32 s6, s7;
	[dreg:$0x0] =	wrdreg $0x0  }
0xab: {  	s7 =	sshll.u32 s28, $0x1;
	[dreg:$0x2] =	wrdreg s6  }
0xac: {  	[dreg:$0x3] =	wrdreg s7  }
0xad: {  	[dreg:$0x4] =	wrdreg $0xC0  }
0xae: {  	_ =	task [dreg:s10], $0x5FFFF  }
0xaf: {  	[dreg:$0x1] =	wrdreg $0xFFFFFFFF  }
0xb0: {  	[dreg:$0x0] =	wrdreg $0x60  }
0xb1: {  	[dreg:$0x2] =	wrdreg s2  }
0xb2: {  	[dreg:$0x3] =	wrdreg s19  }
0xb3: {  	[dreg:$0x4] =	wrdreg s4  }
0xb4: {  	[dreg:$0x5] =	wrdreg s5  }
0xb5: {  	[dreg:$0x6] =	wrdreg $0x9  }
0xb6: {  	_ =	task.clear_ibuf [dreg:s10], $0x7FFFF;
	_ =	strace $0x90000046  }
0xb7: {  	s29 =	simm.s32 $0x9;
	_ =	strace $0x80000048  }
0xb8: {  	_ =	swait.ge [sflag:s29], $0x1  }
0xb9: {  	[sflag:s29] =	ssyncadd.s32 $0xFFFFFFFF  }
0xba: {  	_ =	strace $0x90000048  }
0xbb: {  	_ =	sfence  }
0xbc: {  	s30 =	sld [smem:$0x0];
	_ =	sdelay $0x2  }
0xbd: {  	s31 =	sshll.u32 s1, $0xD;
	s1 =	sshrl.u32 s1, $0x2  }
0xbe: {  	s3 =	sand.u32 $0x4000, s31;
	s1 =	sadd.s32 s1, s30  }
0xbf: {  	s0 =	sor.u32 s3, s0;
	s1 =	sshll.u32 s1, $0x11  }
0xc0: {  	s0 =	sor.u32 s1, s0  }
0xc1: {  	s0 =	sadd.s32 $0x8F2B, s0  }
0xc2: {  	[sflag:s0] =	ssyncadd.remote.s32 $0x1  }
0xc3: {  	_ =	sfence.sel $0xFFFF  }
0xc4: {  	[dreg:$0x0] =	wrdreg $0xFFFFFFFF;
	(pc) =	sbr.abs _section_cstart, $3  }
0xc5: {  	[dreg:$0x1] =	wrdreg $0xFFFFFFFF  }
0xc6: {  	_ =	task.clear_ibuf [dreg:s10], $0x2FFFF;
	_ =	strace $0x9FFFFFFF  }
0xc7: {  	(tm) =	ssettm $0x7FFFFFFF  }
tec
execute0_lowered:
.L_overlay_start_1:
0x0: {  	(tag) =	ssettag $0x1  }
0x1: {  	s0 =	rddreg [dreg:$0x0]  }
0x2: {  	s1 =	rddreg [dreg:$0x1]  }
0x3: {  	s2 =	rddreg [dreg:$0x2]  }
0x4: {  	s3 =	srdreg.scid;
	s9 =	rddreg [dreg:$0x3];
	s4 =	simm.s32 $0x0  }
0x5: {  	s7 =	stileid.u32;
	s13 =	simm.s32 $0x8B00;
	s14 =	simm.s32 $0x9300  }
0x6: {  	s15 =	simm.s32 $0x9B00;
	s16 =	simm.s32 $0xA300;
	s17 =	simm.s32 $0xAB00  }
0x7: {  	s18 =	simm.s32 $0xB300;
	s19 =	simm.s32 $0xBB00;
	[smem:$0x7FF] =	sst s4  }
0x8: {  	s20 =	simm.s32 $0xCB00;
	_ =	strace $0x80000047;
	[dreg:$0x9] =	wrdreg s13  }
0x9: {  	s28 =	simm.s32 $0x7300;
	s29 =	simm.s32 $0x7B00;
	[dreg:$0xa] =	wrdreg s14  }
0xa: {  	s30 =	simm.s32 $0x8300;
	s31 =	simm.s32 $0x1;
	[dreg:$0xb] =	wrdreg s15  }
0xb: {  	s3 =	sand.u32 $0x1, s3;
	s21 =	sshll.u32 s7, $0x1;
	[dreg:$0xc] =	wrdreg s16  }
0xc: {  	s22 =	sshrl.u32 s7, $0x2;
	s7 =	sand.u32 $0x3, s7;
	[dreg:$0xd] =	wrdreg s17  }
0xd: {  	s5 =	ssub.s32 $0x2, s3;
	s8 =	sshll.u32 s22, $0x15;
	[dreg:$0xe] =	wrdreg s18  }
0xe: {  	s7 =	sshll.u32 s7, $0x13;
	s13 =	simm.s32 $0x300;
	[dreg:$0xf] =	wrdreg s19  }
0xf: {  	[dreg:$0x10] =	wrdreg s20;
	s14 =	simm.s32 $0x5;
	s15 =	simm.s32 $0x6  }
0x10: {  	s16 =	simm.s32 $0x7;
	s17 =	simm.s32 $0x8;
	s6 =	sshrl.u32 s5, $0x1  }
0x11: {  	s18 =	simm.s32 $0x0;
	s7 =	sor.u32 s7, s8;
	s10 =	ssub.s32 s5, s6  }
0x12: {  	s5 =	sand.u32 $0x6, s21;
	s6 =	sshll.u32 s22, $0x4;
	s21 =	simm.s32 $0xD300  }
0x13: {  	s22 =	simm.s32 $0xDB00;
	s5 =	sor.u32 s3, s5;
	s3 =	sshll.u32 s3, $0x12  }
0x14: {  	s0 =	sadd.s32 s0, s6;
	s6 =	sadd.s32 $0x100, s1;
	[dreg:$0x11] =	wrdreg s21  }
0x15: {  	[dreg:$0x12] =	wrdreg s22;
	s21 =	simm.s32 $0x4300;
	s5 =	sshll.u32 s5, $0x7  }
0x16: {  	s3 =	sor.u32 s3, s7;
	s7 =	sadd.s32 $0x200, s1;
	s5 =	sadd.s32 s5, s0  }
0x17: {  	s23 =	sshrl.u32 s3, $0x3;
	s24 =	sor.u32 $0x4000, s3;
	s26 =	sor.u32 $0x8000, s3  }
0x18: {  	s3 =	sor.u32 $0xC000, s3;
	s0 =	sadd.s32 s23, s9;
	s25 =	sshrl.u32 s24, $0x3  }
0x19: {  	s8 =	sshrl.u32 s26, $0x3;
	s23 =	simm.s32 $0xE300;
	[dreg:$0x5] =	wrdreg s0  }
0x1a: {  	s3 =	sshrl.u32 s3, $0x3;
	s24 =	simm.s32 $0xEB00;
	[dreg:$0x13] =	wrdreg s23  }
0x1b: {  	s26 =	simm.s32 $0xFB00;
	s0 =	sadd.s32 s25, s9;
	[dreg:$0x14] =	wrdreg s24  }
0x1c: {  	s11 =	sadd.s32 s8, s9;
	s8 =	sadd.s32 $0x300, s1;
	[dreg:$0x16] =	wrdreg s26  }
0x1d: {  	s12 =	sadd.s32 s3, s9;
	s9 =	smax.u32 s10, $0x1;
	[dreg:$0x6] =	wrdreg s0  }
0x1e: {  	v2 =	vlaneseq.u32;
	s25 =	simm.s32 $0xF300;
	s3 =	simm.s32 $0x2;
	[dreg:$0x7] =	wrdreg s11  }
0x1f: {  	vm0 =	vmmov $0xffff;
	v1 =	vshrl.u32 v2, $0x3;
	s10 =	simm.s32 $0x3;
	[dreg:$0x8] =	wrdreg s12;
	s12 =	simm.s32 $0x9  }
0x20: {  	v0 =	vand.u32 $0x7, v2;
	v2 =	vor.u32 $0x8, v2;
	v1 =	vmul.u32 $0x8, v1;
	[dreg:$0x15] =	wrdreg s25;
	s0 =	simm.s32 $0xC300;
	s11 =	simm.s32 $0x4  }
.LBB2_1:
0x21: {  	s19 =	simm.s32 $0x80;
	s20 =	simm.s32 $0x200  }
0x22: {  	[tilespmem:s4], [sflag:$0x9] =	stream.strided.gather [hbm4b:s5+s19], $0x100, s20, s19, $0x38;
	[tilespmem:$0x10300] =	vst v63  }
0x23: {  	_ =	swait.ge [sflag:s12], $0x100  }
0x24: {  	[sflag:s12] =	ssyncset.done $0x0  }
0x25: {  	[sflag:s12] =	ssyncadd.s32 $0xFFFFFF00  }
0x26: {  	v3 =	vld [tilespmem:$0x0];
	_ =	sdelay $0x4  }
0x27: {  	vm1 =	vgt.s32 v3, $0x1869F  }
0x28: {  	v3 =	vsel vm1, $0x0, v3  }
0x29: {  	v4 =	vshll.u32 v3, $0x3  }
0x2a: {  	v5 =	vand.u32 $0x7, v3;
	v4 =	vand.u32 $0xFFFFFFC0, v4  }
0x2b: {  	v4 =	vor.u32 v5, v4  }
0x2c: {  	v5 =	vperm.xlane v4, v0;
	_ =	sdelay $0x1  }
0x2d: {  	v5 =	vadd.s32 v1, v5;
	_ =	sdelay $0x3  }
0x2e: {  	[tilespmem:$0x100] =	vst v3  }
0x2f: {  	[tilespmem:s13], [sflag:$0x1] =	stream.indirect_vreg.gather [hbm4b:s1+s4], $0x80, v5, vm0, $0xb8;
	[tilespmem:$0x10300] =	vst v63  }
0x30: {  	s20 =	simm.s32 $0xB00;
	v3 =	vperm.xlane v4, v2  }
0x31: {  	[tilespmem:s20], [sflag:$0x1] =	stream.indirect_vreg.gather [hbm4b:s6+s4], $0x80, v5, vm0, $0xb8;
	[tilespmem:$0x10300] =	vst v63  }
0x32: {  	s22 =	simm.s32 $0x1300;
	v3 =	vadd.s32 v1, v3  }
0x33: {  	[tilespmem:s22], [sflag:$0x1] =	stream.indirect_vreg.gather [hbm4b:s7+s4], $0x80, v5, vm0, $0xb8;
	[tilespmem:$0x10300] =	vst v63  }
0x34: {  	s23 =	simm.s32 $0x1B00  }
0x35: {  	[tilespmem:s23], [sflag:$0x1] =	stream.indirect_vreg.gather [hbm4b:s8+s4], $0x80, v5, vm0, $0xb8;
	[tilespmem:$0x10300] =	vst v63  }
0x36: {  	s24 =	simm.s32 $0x2300  }
0x37: {  	[tilespmem:s24], [sflag:$0x1] =	stream.indirect_vreg.gather [hbm4b:s1+s4], $0x80, v3, vm0, $0xb8;
	[tilespmem:$0x10300] =	vst v63  }
0x38: {  	s25 =	simm.s32 $0x2B00  }
0x39: {  	[tilespmem:s25], [sflag:$0x1] =	stream.indirect_vreg.gather [hbm4b:s6+s4], $0x80, v3, vm0, $0xb8;
	[tilespmem:$0x10300] =	vst v63  }
0x3a: {  	s26 =	simm.s32 $0x3300  }
0x3b: {  	[tilespmem:s26], [sflag:$0x1] =	stream.indirect_vreg.gather [hbm4b:s7+s4], $0x80, v3, vm0, $0xb8;
	[tilespmem:$0x10300] =	vst v63  }
0x3c: {  	s20 =	simm.s32 $0x3B00  }
0x3d: {  	[tilespmem:s20], [sflag:$0x1] =	stream.indirect_vreg.gather [hbm4b:s8+s4], $0x80, v3, vm0, $0xb8;
	[tilespmem:$0x10300] =	vst v63  }
0x3e: {  	v3 =	vld [tilespmem:$0x10];
	_ =	sdelay $0x4  }
0x3f: {  	vm1 =	vgt.s32 v3, $0x1869F  }
0x40: {  	v3 =	vsel vm1, $0x0, v3  }
0x41: {  	v62 =	vshll.u32 v3, $0x3  }
0x42: {  	v63 =	vand.u32 $0x7, v3;
	v4 =	vand.u32 $0xFFFFFFC0, v62  }
0x43: {  	v4 =	vor.u32 v63, v4  }
0x44: {  	v5 =	vperm.xlane v4, v0;
	_ =	sdelay $0x1  }
0x45: {  	v5 =	vadd.s32 v1, v5;
	_ =	sdelay $0x3  }
0x46: {  	[tilespmem:$0x180] =	vst v3  }
0x47: {  	[tilespmem:s21], [sflag:$0x2] =	stream.indirect_vreg.gather [hbm4b:s1+s4], $0x80, v5, vm0, $0xb8;
	[tilespmem:$0x10300] =	vst v63  }
0x48: {  	s22 =	simm.s32 $0x4B00;
	v3 =	vperm.xlane v4, v2  }
0x49: {  	[tilespmem:s22], [sflag:$0x2] =	stream.indirect_vreg.gather [hbm4b:s6+s4], $0x80, v5, vm0, $0xb8;
	[tilespmem:$0x10300] =	vst v63  }
0x4a: {  	s23 =	simm.s32 $0x5300;
	v3 =	vadd.s32 v1, v3  }
0x4b: {  	[tilespmem:s23], [sflag:$0x2] =	stream.indirect_vreg.gather [hbm4b:s7+s4], $0x80, v5, vm0, $0xb8;
	[tilespmem:$0x10300] =	vst v63  }
0x4c: {  	s24 =	simm.s32 $0x5B00  }
0x4d: {  	[tilespmem:s24], [sflag:$0x2] =	stream.indirect_vreg.gather [hbm4b:s8+s4], $0x80, v5, vm0, $0xb8;
	[tilespmem:$0x10300] =	vst v63  }
0x4e: {  	s25 =	simm.s32 $0x6300  }
0x4f: {  	[tilespmem:s25], [sflag:$0x2] =	stream.indirect_vreg.gather [hbm4b:s1+s4], $0x80, v3, vm0, $0xb8;
	[tilespmem:$0x10300] =	vst v63  }
0x50: {  	s26 =	simm.s32 $0x6B00  }
0x51: {  	[tilespmem:s26], [sflag:$0x2] =	stream.indirect_vreg.gather [hbm4b:s6+s4], $0x80, v3, vm0, $0xb8;
	[tilespmem:$0x10300] =	vst v63  }
0x52: {  	_ = 	snop  }
0x53: {  	[tilespmem:s28], [sflag:$0x2] =	stream.indirect_vreg.gather [hbm4b:s7+s4], $0x80, v3, vm0, $0xb8;
	[tilespmem:$0x10300] =	vst v63  }
0x54: {  	s19 =	simm.s32 $0x30;
	s20 =	simm.s32 $0x0  }
0x55: {  	[tilespmem:s29], [sflag:$0x2] =	stream.indirect_vreg.gather [hbm4b:s8+s4], $0x80, v3, vm0, $0xb8;
	[tilespmem:$0x10300] =	vst v63  }
.LBB2_2:
0x56: {  	p0 =	seq.s32 s20, $0x0  }
0x57: {  	s22 =	simm.s32 @!p0 $0x7  }
0x58: {  	_ =	swait.ge @!p0 [sflag:s22], $0x4000  }
0x59: {  	[sflag:s22] =	ssyncset.done @!p0 $0x0  }
0x5a: {  	[sflag:s22] =	ssyncadd.s32 @!p0 $0xFFFFC000  }
0x5b: {  	v3 =	vld [tilespmem:s19+$0xFFFFFFF0];
	_ =	sdelay $0x4  }
0x5c: {  	vm1 =	vgt.s32 v3, $0x1869F  }
0x5d: {  	v3 =	vsel vm1, $0x0, v3  }
0x5e: {  	v4 =	vshll.u32 v3, $0x3  }
0x5f: {  	v5 =	vand.u32 $0x7, v3;
	v4 =	vand.u32 $0xFFFFFFC0, v4  }
0x60: {  	v4 =	vor.u32 v5, v4  }
0x61: {  	v5 =	vperm.xlane v4, v0;
	_ =	sdelay $0x1  }
0x62: {  	v5 =	vadd.s32 v1, v5;
	_ =	sdelay $0x3  }
0x63: {  	[tilespmem:$0x200] =	vst v3  }
0x64: {  	[tilespmem:s30], [sflag:$0x3] =	stream.indirect_vreg.gather [hbm4b:s1+s4], $0x80, v5, vm0, $0xb8;
	[tilespmem:$0x10300] =	vst v63  }
0x65: {  	s25 =	rddreg [dreg:$0x9];
	v3 =	vperm.xlane v4, v2  }
0x66: {  	[tilespmem:s25], [sflag:$0x3] =	stream.indirect_vreg.gather [hbm4b:s6+s4], $0x80, v5, vm0, $0xb8;
	[tilespmem:$0x10300] =	vst v63  }
0x67: {  	s23 =	rddreg [dreg:$0xa];
	v3 =	vadd.s32 v1, v3  }
0x68: {  	[tilespmem:s23], [sflag:$0x3] =	stream.indirect_vreg.gather [hbm4b:s7+s4], $0x80, v5, vm0, $0xb8;
	[tilespmem:$0x10300] =	vst v63  }
0x69: {  	s26 =	rddreg [dreg:$0xb]  }
0x6a: {  	[tilespmem:s26], [sflag:$0x3] =	stream.indirect_vreg.gather [hbm4b:s8+s4], $0x80, v5, vm0, $0xb8;
	[tilespmem:$0x10300] =	vst v63  }
0x6b: {  	s24 =	rddreg [dreg:$0xc]  }
0x6c: {  	[tilespmem:s24], [sflag:$0x3] =	stream.indirect_vreg.gather [hbm4b:s1+s4], $0x80, v3, vm0, $0xb8;
	[tilespmem:$0x10300] =	vst v63  }
0x6d: {  	s25 =	rddreg [dreg:$0xd]  }
0x6e: {  	[tilespmem:s25], [sflag:$0x3] =	stream.indirect_vreg.gather [hbm4b:s6+s4], $0x80, v3, vm0, $0xb8;
	[tilespmem:$0x10300] =	vst v63  }
0x6f: {  	s26 =	rddreg [dreg:$0xe]  }
0x70: {  	[tilespmem:s26], [sflag:$0x3] =	stream.indirect_vreg.gather [hbm4b:s7+s4], $0x80, v3, vm0, $0xb8;
	[tilespmem:$0x10300] =	vst v63  }
0x71: {  	s24 =	rddreg [dreg:$0xf]  }
0x72: {  	[tilespmem:s24], [sflag:$0x3] =	stream.indirect_vreg.gather [hbm4b:s8+s4], $0x80, v3, vm0, $0xb8;
	[tilespmem:$0x10300] =	vst v63  }
0x73: {  	_ =	swait.ge [sflag:s31], $0x4000  }
0x74: {  	[sflag:s31] =	ssyncset.done $0x0  }
0x75: {  	[sflag:s31] =	ssyncadd.s32 $0xFFFFC000  }
0x76: {  	v3 =	vld [tilespmem:s19+$0xFFFFFFD0];
	_ =	sdelay $0x4  }
0x77: {  	(v2sf) =	vpush v3, $0x0;
	_ =	sdelay $0xe  }
0x78: {  	s22 =	spop (v2sf)  }
0x79: {  	p2 =	slt.s32 s22, $0x186A0  }
0x7a: {  	s23 =	sshll.u32 @!p2 s22, $0xA;
	s22 =	sshll.u32 @!p2 s22, $0x7  }
0x7b: {  	s23 =	sand.u32 @!p2 $0xFFFFE000, s23;
	s22 =	sand.u32 @!p2 $0x380, s22  }
0x7c: {  	s22 =	sor.u32 @!p2 s22, s23  }
0x7d: {  	s22 =	sadd.s32 @!p2 $0xF9E58000, s22  }
0x7e: {  	s22 =	sshrl.u32 @!p2 s22, $0x3  }
0x7f: {  	s24 =	simm.s32 @!p2 $0x300;
	s23 =	simm.s32 @!p2 $0x0;
	s22 =	sadd.s32 @!p2 s2, s22  }
0x80: {  	[tilespmem:s24], [sflag:$0x9] =	stream.linear.gather @!p2 [hbm4b:s22+s23], $0x80, $0x38;
	[tilespmem:$0x10300] =	vst v63  }
0x81: {  	s25 =	simm.s32 @!p2 $0x700;
	s24 =	sadd.s32 @!p2 $0x80, s22  }
0x82: {  	[tilespmem:s25], [sflag:$0x9] =	stream.linear.gather @!p2 [hbm4b:s24+s23], $0x80, $0x38;
	[tilespmem:$0x10300] =	vst v63  }
0x83: {  	s24 =	sadd.s32 @!p2 $0x100, s22;
	s25 =	simm.s32 @!p2 $0xB00  }
0x84: {  	[tilespmem:s25], [sflag:$0x9] =	stream.linear.gather @!p2 [hbm4b:s24+s23], $0x80, $0x38;
	[tilespmem:$0x10300] =	vst v63  }
0x85: {  	s24 =	sadd.s32 @!p2 $0x180, s22;
	s25 =	simm.s32 @!p2 $0xF00  }
0x86: {  	[tilespmem:s25], [sflag:$0x9] =	stream.linear.gather @!p2 [hbm4b:s24+s23], $0x80, $0x38;
	[tilespmem:$0x10300] =	vst v63  }
0x87: {  	s24 =	sadd.s32 @!p2 $0x200, s22;
	s25 =	simm.s32 @!p2 $0x1300  }
0x88: {  	[tilespmem:s25], [sflag:$0x9] =	stream.linear.gather @!p2 [hbm4b:s24+s23], $0x80, $0x38;
	[tilespmem:$0x10300] =	vst v63  }
0x89: {  	s24 =	sadd.s32 @!p2 $0x280, s22;
	s25 =	simm.s32 @!p2 $0x1700  }
0x8a: {  	[tilespmem:s25], [sflag:$0x9] =	stream.linear.gather @!p2 [hbm4b:s24+s23], $0x80, $0x38;
	[tilespmem:$0x10300] =	vst v63  }
0x8b: {  	s24 =	sadd.s32 @!p2 $0x300, s22;
	s25 =	simm.s32 @!p2 $0x1B00  }
0x8c: {  	[tilespmem:s25], [sflag:$0x9] =	stream.linear.gather @!p2 [hbm4b:s24+s23], $0x80, $0x38;
	[tilespmem:$0x10300] =	vst v63  }
0x8d: {  	s22 =	sadd.s32 @!p2 $0x380, s22;
	s24 =	simm.s32 @!p2 $0x1F00  }
0x8e: {  	[tilespmem:s24], [sflag:$0x9] =	stream.linear.gather @!p2 [hbm4b:s22+s23], $0x80, $0x38;
	[tilespmem:$0x10300] =	vst v63  }
0x8f: {  	s22 =	simm.s32 @!p2 $0x9  }
0x90: {  	_ =	swait.ge @!p2 [sflag:s22], $0x400  }
0x91: {  	(v2sf) =	vpush v3, $0x1;
	_ =	sdelay $0xe  }
0x92: {  	s23 =	spop (v2sf)  }
0x93: {  	p1 =	slt.s32 s23, $0x186A0  }
0x94: {  	s24 =	sshll.u32 @!p1 s23, $0xA;
	s23 =	sshll.u32 @!p1 s23, $0x7  }
0x95: {  	s24 =	sand.u32 @!p1 $0xFFFFE000, s24;
	s23 =	sand.u32 @!p1 $0x380, s23  }
0x96: {  	s23 =	sor.u32 @!p1 s23, s24  }
0x97: {  	[sflag:s22] =	ssyncset.done @!p2 $0x0;
	s23 =	sadd.s32 @!p1 $0xF9E58000, s23  }
0x98: {  	[sflag:s22] =	ssyncadd.s32 @!p2 $0xFFFFFC00;
	s22 =	sshrl.u32 @!p1 s23, $0x3  }
0x99: {  	s24 =	simm.s32 @!p1 $0x380;
	s23 =	simm.s32 @!p1 $0x0;
	s22 =	sadd.s32 @!p1 s2, s22  }
0x9a: {  	[tilespmem:s24], [sflag:$0x9] =	stream.linear.gather @!p1 [hbm4b:s22+s23], $0x80, $0x38;
	[tilespmem:$0x10300] =	vst v63  }
0x9b: {  	s25 =	simm.s32 @!p1 $0x780;
	s24 =	sadd.s32 @!p1 $0x80, s22  }
0x9c: {  	[tilespmem:s25], [sflag:$0x9] =	stream.linear.gather @!p1 [hbm4b:s24+s23], $0x80, $0x38;
	[tilespmem:$0x10300] =	vst v63  }
0x9d: {  	s24 =	sadd.s32 @!p1 $0x100, s22;
	s25 =	simm.s32 @!p1 $0xB80  }
0x9e: {  	[tilespmem:s25], [sflag:$0x9] =	stream.linear.gather @!p1 [hbm4b:s24+s23], $0x80, $0x38;
	[tilespmem:$0x10300] =	vst v63  }
0x9f: {  	s24 =	sadd.s32 @!p1 $0x180, s22;
	s25 =	simm.s32 @!p1 $0xF80  }
0xa0: {  	[tilespmem:s25], [sflag:$0x9] =	stream.linear.gather @!p1 [hbm4b:s24+s23], $0x80, $0x38;
	[tilespmem:$0x10300] =	vst v63  }
0xa1: {  	s24 =	sadd.s32 @!p1 $0x200, s22;
	s25 =	simm.s32 @!p1 $0x1380  }
0xa2: {  	[tilespmem:s25], [sflag:$0x9] =	stream.linear.gather @!p1 [hbm4b:s24+s23], $0x80, $0x38;
	[tilespmem:$0x10300] =	vst v63  }
0xa3: {  	s24 =	sadd.s32 @!p1 $0x280, s22;
	s25 =	simm.s32 @!p1 $0x1780  }
0xa4: {  	[tilespmem:s25], [sflag:$0x9] =	stream.linear.gather @!p1 [hbm4b:s24+s23], $0x80, $0x38;
	[tilespmem:$0x10300] =	vst v63  }
0xa5: {  	s24 =	sadd.s32 @!p1 $0x300, s22;
	s25 =	simm.s32 @!p1 $0x1B80  }
0xa6: {  	[tilespmem:s25], [sflag:$0x9] =	stream.linear.gather @!p1 [hbm4b:s24+s23], $0x80, $0x38;
	[tilespmem:$0x10300] =	vst v63  }
0xa7: {  	s22 =	sadd.s32 @!p1 $0x380, s22;
	s24 =	simm.s32 @!p1 $0x1F80  }
0xa8: {  	[tilespmem:s24], [sflag:$0x9] =	stream.linear.gather @!p1 [hbm4b:s22+s23], $0x80, $0x38;
	[tilespmem:$0x10300] =	vst v63  }
0xa9: {  	s22 =	simm.s32 @!p1 $0x9  }
0xaa: {  	_ =	swait.ge @!p1 [sflag:s22], $0x400  }
0xab: {  	(v2sf) =	vpush v3, $0x2;
	_ =	sdelay $0xe  }
0xac: {  	s23 =	spop (v2sf)  }
0xad: {  	p2 =	slt.s32 s23, $0x186A0  }
0xae: {  	s24 =	sshll.u32 @!p2 s23, $0xA;
	s23 =	sshll.u32 @!p2 s23, $0x7  }
0xaf: {  	s24 =	sand.u32 @!p2 $0xFFFFE000, s24;
	s23 =	sand.u32 @!p2 $0x380, s23  }
0xb0: {  	s23 =	sor.u32 @!p2 s23, s24  }
0xb1: {  	[sflag:s22] =	ssyncset.done @!p1 $0x0;
	s23 =	sadd.s32 @!p2 $0xF9E58000, s23  }
0xb2: {  	[sflag:s22] =	ssyncadd.s32 @!p1 $0xFFFFFC00;
	s22 =	sshrl.u32 @!p2 s23, $0x3  }
0xb3: {  	s24 =	simm.s32 @!p2 $0x400;
	s23 =	simm.s32 @!p2 $0x0;
	s22 =	sadd.s32 @!p2 s2, s22  }
0xb4: {  	[tilespmem:s24], [sflag:$0x9] =	stream.linear.gather @!p2 [hbm4b:s22+s23], $0x80, $0x38;
	[tilespmem:$0x10300] =	vst v63  }
0xb5: {  	s25 =	simm.s32 @!p2 $0x800;
	s24 =	sadd.s32 @!p2 $0x80, s22  }
0xb6: {  	[tilespmem:s25], [sflag:$0x9] =	stream.linear.gather @!p2 [hbm4b:s24+s23], $0x80, $0x38;
	[tilespmem:$0x10300] =	vst v63  }
0xb7: {  	s24 =	sadd.s32 @!p2 $0x100, s22;
	s25 =	simm.s32 @!p2 $0xC00  }
0xb8: {  	[tilespmem:s25], [sflag:$0x9] =	stream.linear.gather @!p2 [hbm4b:s24+s23], $0x80, $0x38;
	[tilespmem:$0x10300] =	vst v63  }
0xb9: {  	s24 =	sadd.s32 @!p2 $0x180, s22;
	s25 =	simm.s32 @!p2 $0x1000  }
0xba: {  	[tilespmem:s25], [sflag:$0x9] =	stream.linear.gather @!p2 [hbm4b:s24+s23], $0x80, $0x38;
	[tilespmem:$0x10300] =	vst v63  }
0xbb: {  	s24 =	sadd.s32 @!p2 $0x200, s22;
	s25 =	simm.s32 @!p2 $0x1400  }
0xbc: {  	[tilespmem:s25], [sflag:$0x9] =	stream.linear.gather @!p2 [hbm4b:s24+s23], $0x80, $0x38;
	[tilespmem:$0x10300] =	vst v63  }
0xbd: {  	s24 =	sadd.s32 @!p2 $0x280, s22;
	s25 =	simm.s32 @!p2 $0x1800  }
0xbe: {  	[tilespmem:s25], [sflag:$0x9] =	stream.linear.gather @!p2 [hbm4b:s24+s23], $0x80, $0x38;
	[tilespmem:$0x10300] =	vst v63  }
0xbf: {  	s24 =	sadd.s32 @!p2 $0x300, s22;
	s25 =	simm.s32 @!p2 $0x1C00  }
0xc0: {  	[tilespmem:s25], [sflag:$0x9] =	stream.linear.gather @!p2 [hbm4b:s24+s23], $0x80, $0x38;
	[tilespmem:$0x10300] =	vst v63  }
0xc1: {  	s22 =	sadd.s32 @!p2 $0x380, s22;
	s24 =	simm.s32 @!p2 $0x2000  }
0xc2: {  	[tilespmem:s24], [sflag:$0x9] =	stream.linear.gather @!p2 [hbm4b:s22+s23], $0x80, $0x38;
	[tilespmem:$0x10300] =	vst v63  }
0xc3: {  	s22 =	simm.s32 @!p2 $0x9  }
0xc4: {  	_ =	swait.ge @!p2 [sflag:s22], $0x400  }
0xc5: {  	(v2sf) =	vpush v3, $0x3;
	_ =	sdelay $0xe  }
0xc6: {  	s23 =	spop (v2sf)  }
0xc7: {  	p1 =	slt.s32 s23, $0x186A0  }
0xc8: {  	s24 =	sshll.u32 @!p1 s23, $0xA;
	s23 =	sshll.u32 @!p1 s23, $0x7  }
0xc9: {  	s24 =	sand.u32 @!p1 $0xFFFFE000, s24;
	s23 =	sand.u32 @!p1 $0x380, s23  }
0xca: {  	s23 =	sor.u32 @!p1 s23, s24  }
0xcb: {  	[sflag:s22] =	ssyncset.done @!p2 $0x0;
	s23 =	sadd.s32 @!p1 $0xF9E58000, s23  }
0xcc: {  	[sflag:s22] =	ssyncadd.s32 @!p2 $0xFFFFFC00;
	s22 =	sshrl.u32 @!p1 s23, $0x3  }
0xcd: {  	s24 =	simm.s32 @!p1 $0x480;
	s23 =	simm.s32 @!p1 $0x0;
	s22 =	sadd.s32 @!p1 s2, s22  }
0xce: {  	[tilespmem:s24], [sflag:$0x9] =	stream.linear.gather @!p1 [hbm4b:s22+s23], $0x80, $0x38;
	[tilespmem:$0x10300] =	vst v63  }
0xcf: {  	s25 =	simm.s32 @!p1 $0x880;
	s24 =	sadd.s32 @!p1 $0x80, s22  }
0xd0: {  	[tilespmem:s25], [sflag:$0x9] =	stream.linear.gather @!p1 [hbm4b:s24+s23], $0x80, $0x38;
	[tilespmem:$0x10300] =	vst v63  }
0xd1: {  	s24 =	sadd.s32 @!p1 $0x100, s22;
	s25 =	simm.s32 @!p1 $0xC80  }
0xd2: {  	[tilespmem:s25], [sflag:$0x9] =	stream.linear.gather @!p1 [hbm4b:s24+s23], $0x80, $0x38;
	[tilespmem:$0x10300] =	vst v63  }
0xd3: {  	s24 =	sadd.s32 @!p1 $0x180, s22;
	s25 =	simm.s32 @!p1 $0x1080  }
0xd4: {  	[tilespmem:s25], [sflag:$0x9] =	stream.linear.gather @!p1 [hbm4b:s24+s23], $0x80, $0x38;
	[tilespmem:$0x10300] =	vst v63  }
0xd5: {  	s24 =	sadd.s32 @!p1 $0x200, s22;
	s25 =	simm.s32 @!p1 $0x1480  }
0xd6: {  	[tilespmem:s25], [sflag:$0x9] =	stream.linear.gather @!p1 [hbm4b:s24+s23], $0x80, $0x38;
	[tilespmem:$0x10300] =	vst v63  }
0xd7: {  	s24 =	sadd.s32 @!p1 $0x280, s22;
	s25 =	simm.s32 @!p1 $0x1880  }
0xd8: {  	[tilespmem:s25], [sflag:$0x9] =	stream.linear.gather @!p1 [hbm4b:s24+s23], $0x80, $0x38;
	[tilespmem:$0x10300] =	vst v63  }
0xd9: {  	s24 =	sadd.s32 @!p1 $0x300, s22;
	s25 =	simm.s32 @!p1 $0x1C80  }
0xda: {  	[tilespmem:s25], [sflag:$0x9] =	stream.linear.gather @!p1 [hbm4b:s24+s23], $0x80, $0x38;
	[tilespmem:$0x10300] =	vst v63  }
0xdb: {  	s22 =	sadd.s32 @!p1 $0x380, s22;
	s24 =	simm.s32 @!p1 $0x2080  }
0xdc: {  	[tilespmem:s24], [sflag:$0x9] =	stream.linear.gather @!p1 [hbm4b:s22+s23], $0x80, $0x38;
	[tilespmem:$0x10300] =	vst v63  }
0xdd: {  	s22 =	simm.s32 @!p1 $0x9  }
0xde: {  	_ =	swait.ge @!p1 [sflag:s22], $0x400  }
0xdf: {  	(v2sf) =	vpush v3, $0x4;
	_ =	sdelay $0xe  }
0xe0: {  	s23 =	spop (v2sf)  }
0xe1: {  	p2 =	slt.s32 s23, $0x186A0  }
0xe2: {  	s24 =	sshll.u32 @!p2 s23, $0xA;
	s23 =	sshll.u32 @!p2 s23, $0x7  }
0xe3: {  	s24 =	sand.u32 @!p2 $0xFFFFE000, s24;
	s23 =	sand.u32 @!p2 $0x380, s23  }
0xe4: {  	s23 =	sor.u32 @!p2 s23, s24  }
0xe5: {  	[sflag:s22] =	ssyncset.done @!p1 $0x0;
	s23 =	sadd.s32 @!p2 $0xF9E58000, s23  }
0xe6: {  	[sflag:s22] =	ssyncadd.s32 @!p1 $0xFFFFFC00;
	s22 =	sshrl.u32 @!p2 s23, $0x3  }
0xe7: {  	s24 =	simm.s32 @!p2 $0x500;
	s23 =	simm.s32 @!p2 $0x0;
	s22 =	sadd.s32 @!p2 s2, s22  }
0xe8: {  	[tilespmem:s24], [sflag:$0x9] =	stream.linear.gather @!p2 [hbm4b:s22+s23], $0x80, $0x38;
	[tilespmem:$0x10300] =	vst v63  }
0xe9: {  	s25 =	simm.s32 @!p2 $0x900;
	s24 =	sadd.s32 @!p2 $0x80, s22  }
0xea: {  	[tilespmem:s25], [sflag:$0x9] =	stream.linear.gather @!p2 [hbm4b:s24+s23], $0x80, $0x38;
	[tilespmem:$0x10300] =	vst v63  }
0xeb: {  	s24 =	sadd.s32 @!p2 $0x100, s22;
	s25 =	simm.s32 @!p2 $0xD00  }
0xec: {  	[tilespmem:s25], [sflag:$0x9] =	stream.linear.gather @!p2 [hbm4b:s24+s23], $0x80, $0x38;
	[tilespmem:$0x10300] =	vst v63  }
0xed: {  	s24 =	sadd.s32 @!p2 $0x180, s22;
	s25 =	simm.s32 @!p2 $0x1100  }
0xee: {  	[tilespmem:s25], [sflag:$0x9] =	stream.linear.gather @!p2 [hbm4b:s24+s23], $0x80, $0x38;
	[tilespmem:$0x10300] =	vst v63  }
0xef: {  	s24 =	sadd.s32 @!p2 $0x200, s22;
	s25 =	simm.s32 @!p2 $0x1500  }
0xf0: {  	[tilespmem:s25], [sflag:$0x9] =	stream.linear.gather @!p2 [hbm4b:s24+s23], $0x80, $0x38;
	[tilespmem:$0x10300] =	vst v63  }
0xf1: {  	s24 =	sadd.s32 @!p2 $0x280, s22;
	s25 =	simm.s32 @!p2 $0x1900  }
0xf2: {  	[tilespmem:s25], [sflag:$0x9] =	stream.linear.gather @!p2 [hbm4b:s24+s23], $0x80, $0x38;
	[tilespmem:$0x10300] =	vst v63  }
0xf3: {  	s24 =	sadd.s32 @!p2 $0x300, s22;
	s25 =	simm.s32 @!p2 $0x1D00  }
0xf4: {  	[tilespmem:s25], [sflag:$0x9] =	stream.linear.gather @!p2 [hbm4b:s24+s23], $0x80, $0x38;
	[tilespmem:$0x10300] =	vst v63  }
0xf5: {  	s22 =	sadd.s32 @!p2 $0x380, s22;
	s24 =	simm.s32 @!p2 $0x2100  }
0xf6: {  	[tilespmem:s24], [sflag:$0x9] =	stream.linear.gather @!p2 [hbm4b:s22+s23], $0x80, $0x38;
	[tilespmem:$0x10300] =	vst v63  }
0xf7: {  	s22 =	simm.s32 @!p2 $0x9  }
0xf8: {  	_ =	swait.ge @!p2 [sflag:s22], $0x400  }
0xf9: {  	(v2sf) =	vpush v3, $0x5;
	_ =	sdelay $0xe  }
0xfa: {  	s23 =	spop (v2sf)  }
0xfb: {  	p1 =	slt.s32 s23, $0x186A0  }
0xfc: {  	s24 =	sshll.u32 @!p1 s23, $0xA;
	s23 =	sshll.u32 @!p1 s23, $0x7  }
0xfd: {  	s24 =	sand.u32 @!p1 $0xFFFFE000, s24;
	s23 =	sand.u32 @!p1 $0x380, s23  }
0xfe: {  	s23 =	sor.u32 @!p1 s23, s24  }
0xff: {  	[sflag:s22] =	ssyncset.done @!p2 $0x0;
	s23 =	sadd.s32 @!p1 $0xF9E58000, s23  }
0x100: {  	[sflag:s22] =	ssyncadd.s32 @!p2 $0xFFFFFC00;
	s22 =	sshrl.u32 @!p1 s23, $0x3  }
0x101: {  	s24 =	simm.s32 @!p1 $0x580;
	s23 =	simm.s32 @!p1 $0x0;
	s22 =	sadd.s32 @!p1 s2, s22  }
0x102: {  	[tilespmem:s24], [sflag:$0x9] =	stream.linear.gather @!p1 [hbm4b:s22+s23], $0x80, $0x38;
	[tilespmem:$0x10300] =	vst v63  }
0x103: {  	s25 =	simm.s32 @!p1 $0x980;
	s24 =	sadd.s32 @!p1 $0x80, s22  }
0x104: {  	[tilespmem:s25], [sflag:$0x9] =	stream.linear.gather @!p1 [hbm4b:s24+s23], $0x80, $0x38;
	[tilespmem:$0x10300] =	vst v63  }
0x105: {  	s24 =	sadd.s32 @!p1 $0x100, s22;
	s25 =	simm.s32 @!p1 $0xD80  }
0x106: {  	[tilespmem:s25], [sflag:$0x9] =	stream.linear.gather @!p1 [hbm4b:s24+s23], $0x80, $0x38;
	[tilespmem:$0x10300] =	vst v63  }
0x107: {  	s24 =	sadd.s32 @!p1 $0x180, s22;
	s25 =	simm.s32 @!p1 $0x1180  }
0x108: {  	[tilespmem:s25], [sflag:$0x9] =	stream.linear.gather @!p1 [hbm4b:s24+s23], $0x80, $0x38;
	[tilespmem:$0x10300] =	vst v63  }
0x109: {  	s24 =	sadd.s32 @!p1 $0x200, s22;
	s25 =	simm.s32 @!p1 $0x1580  }
0x10a: {  	[tilespmem:s25], [sflag:$0x9] =	stream.linear.gather @!p1 [hbm4b:s24+s23], $0x80, $0x38;
	[tilespmem:$0x10300] =	vst v63  }
0x10b: {  	s24 =	sadd.s32 @!p1 $0x280, s22;
	s25 =	simm.s32 @!p1 $0x1980  }
0x10c: {  	[tilespmem:s25], [sflag:$0x9] =	stream.linear.gather @!p1 [hbm4b:s24+s23], $0x80, $0x38;
	[tilespmem:$0x10300] =	vst v63  }
0x10d: {  	s24 =	sadd.s32 @!p1 $0x300, s22;
	s25 =	simm.s32 @!p1 $0x1D80  }
0x10e: {  	[tilespmem:s25], [sflag:$0x9] =	stream.linear.gather @!p1 [hbm4b:s24+s23], $0x80, $0x38;
	[tilespmem:$0x10300] =	vst v63  }
0x10f: {  	s22 =	sadd.s32 @!p1 $0x380, s22;
	s24 =	simm.s32 @!p1 $0x2180  }
0x110: {  	[tilespmem:s24], [sflag:$0x9] =	stream.linear.gather @!p1 [hbm4b:s22+s23], $0x80, $0x38;
	[tilespmem:$0x10300] =	vst v63  }
0x111: {  	s22 =	simm.s32 @!p1 $0x9  }
0x112: {  	_ =	swait.ge @!p1 [sflag:s22], $0x400  }
0x113: {  	(v2sf) =	vpush v3, $0x6;
	_ =	sdelay $0xe  }
0x114: {  	s23 =	spop (v2sf)  }
0x115: {  	p2 =	slt.s32 s23, $0x186A0  }
0x116: {  	s24 =	sshll.u32 @!p2 s23, $0xA;
	s23 =	sshll.u32 @!p2 s23, $0x7  }
0x117: {  	s24 =	sand.u32 @!p2 $0xFFFFE000, s24;
	s23 =	sand.u32 @!p2 $0x380, s23  }
0x118: {  	s23 =	sor.u32 @!p2 s23, s24  }
0x119: {  	[sflag:s22] =	ssyncset.done @!p1 $0x0;
	s23 =	sadd.s32 @!p2 $0xF9E58000, s23  }
0x11a: {  	[sflag:s22] =	ssyncadd.s32 @!p1 $0xFFFFFC00;
	s22 =	sshrl.u32 @!p2 s23, $0x3  }
0x11b: {  	s24 =	simm.s32 @!p2 $0x600;
	s23 =	simm.s32 @!p2 $0x0;
	s22 =	sadd.s32 @!p2 s2, s22  }
0x11c: {  	[tilespmem:s24], [sflag:$0x9] =	stream.linear.gather @!p2 [hbm4b:s22+s23], $0x80, $0x38;
	[tilespmem:$0x10300] =	vst v63  }
0x11d: {  	s25 =	simm.s32 @!p2 $0xA00;
	s24 =	sadd.s32 @!p2 $0x80, s22  }
0x11e: {  	[tilespmem:s25], [sflag:$0x9] =	stream.linear.gather @!p2 [hbm4b:s24+s23], $0x80, $0x38;
	[tilespmem:$0x10300] =	vst v63  }
0x11f: {  	s24 =	sadd.s32 @!p2 $0x100, s22;
	s25 =	simm.s32 @!p2 $0xE00  }
0x120: {  	[tilespmem:s25], [sflag:$0x9] =	stream.linear.gather @!p2 [hbm4b:s24+s23], $0x80, $0x38;
	[tilespmem:$0x10300] =	vst v63  }
0x121: {  	s24 =	sadd.s32 @!p2 $0x180, s22;
	s25 =	simm.s32 @!p2 $0x1200  }
0x122: {  	[tilespmem:s25], [sflag:$0x9] =	stream.linear.gather @!p2 [hbm4b:s24+s23], $0x80, $0x38;
	[tilespmem:$0x10300] =	vst v63  }
0x123: {  	s24 =	sadd.s32 @!p2 $0x200, s22;
	s25 =	simm.s32 @!p2 $0x1600  }
0x124: {  	[tilespmem:s25], [sflag:$0x9] =	stream.linear.gather @!p2 [hbm4b:s24+s23], $0x80, $0x38;
	[tilespmem:$0x10300] =	vst v63  }
0x125: {  	s24 =	sadd.s32 @!p2 $0x280, s22;
	s25 =	simm.s32 @!p2 $0x1A00  }
0x126: {  	[tilespmem:s25], [sflag:$0x9] =	stream.linear.gather @!p2 [hbm4b:s24+s23], $0x80, $0x38;
	[tilespmem:$0x10300] =	vst v63  }
0x127: {  	s24 =	sadd.s32 @!p2 $0x300, s22;
	s25 =	simm.s32 @!p2 $0x1E00  }
0x128: {  	[tilespmem:s25], [sflag:$0x9] =	stream.linear.gather @!p2 [hbm4b:s24+s23], $0x80, $0x38;
	[tilespmem:$0x10300] =	vst v63  }
0x129: {  	s22 =	sadd.s32 @!p2 $0x380, s22;
	s24 =	simm.s32 @!p2 $0x2200  }
0x12a: {  	[tilespmem:s24], [sflag:$0x9] =	stream.linear.gather @!p2 [hbm4b:s22+s23], $0x80, $0x38;
	[tilespmem:$0x10300] =	vst v63  }
0x12b: {  	s22 =	simm.s32 @!p2 $0x9  }
0x12c: {  	_ =	swait.ge @!p2 [sflag:s22], $0x400  }
0x12d: {  	(v2sf) =	vpush v3, $0x7;
	_ =	sdelay $0xe  }
0x12e: {  	s23 =	spop (v2sf)  }
0x12f: {  	p1 =	slt.s32 s23, $0x186A0  }
0x130: {  	s24 =	sshll.u32 @!p1 s23, $0xA;
	s23 =	sshll.u32 @!p1 s23, $0x7  }
0x131: {  	s24 =	sand.u32 @!p1 $0xFFFFE000, s24;
	s23 =	sand.u32 @!p1 $0x380, s23  }
0x132: {  	s23 =	sor.u32 @!p1 s23, s24  }
0x133: {  	[sflag:s22] =	ssyncset.done @!p2 $0x0;
	s23 =	sadd.s32 @!p1 $0xF9E58000, s23  }
0x134: {  	[sflag:s22] =	ssyncadd.s32 @!p2 $0xFFFFFC00;
	s22 =	sshrl.u32 @!p1 s23, $0x3  }
0x135: {  	s24 =	simm.s32 @!p1 $0x680;
	s23 =	simm.s32 @!p1 $0x0;
	s22 =	sadd.s32 @!p1 s2, s22  }
0x136: {  	[tilespmem:s24], [sflag:$0x9] =	stream.linear.gather @!p1 [hbm4b:s22+s23], $0x80, $0x38;
	[tilespmem:$0x10300] =	vst v63  }
0x137: {  	s25 =	simm.s32 @!p1 $0xA80;
	s24 =	sadd.s32 @!p1 $0x80, s22  }
0x138: {  	[tilespmem:s25], [sflag:$0x9] =	stream.linear.gather @!p1 [hbm4b:s24+s23], $0x80, $0x38;
	[tilespmem:$0x10300] =	vst v63  }
0x139: {  	s24 =	sadd.s32 @!p1 $0x100, s22;
	s25 =	simm.s32 @!p1 $0xE80  }
0x13a: {  	[tilespmem:s25], [sflag:$0x9] =	stream.linear.gather @!p1 [hbm4b:s24+s23], $0x80, $0x38;
	[tilespmem:$0x10300] =	vst v63  }
0x13b: {  	s24 =	sadd.s32 @!p1 $0x180, s22;
	s25 =	simm.s32 @!p1 $0x1280  }
0x13c: {  	[tilespmem:s25], [sflag:$0x9] =	stream.linear.gather @!p1 [hbm4b:s24+s23], $0x80, $0x38;
	[tilespmem:$0x10300] =	vst v63  }
0x13d: {  	s24 =	sadd.s32 @!p1 $0x200, s22;
	s25 =	simm.s32 @!p1 $0x1680  }
0x13e: {  	[tilespmem:s25], [sflag:$0x9] =	stream.linear.gather @!p1 [hbm4b:s24+s23], $0x80, $0x38;
	[tilespmem:$0x10300] =	vst v63  }
0x13f: {  	s24 =	sadd.s32 @!p1 $0x280, s22;
	s25 =	simm.s32 @!p1 $0x1A80  }
0x140: {  	[tilespmem:s25], [sflag:$0x9] =	stream.linear.gather @!p1 [hbm4b:s24+s23], $0x80, $0x38;
	[tilespmem:$0x10300] =	vst v63  }
0x141: {  	s24 =	sadd.s32 @!p1 $0x300, s22;
	s25 =	simm.s32 @!p1 $0x1E80  }
0x142: {  	[tilespmem:s25], [sflag:$0x9] =	stream.linear.gather @!p1 [hbm4b:s24+s23], $0x80, $0x38;
	[tilespmem:$0x10300] =	vst v63  }
0x143: {  	s22 =	sadd.s32 @!p1 $0x380, s22;
	s24 =	simm.s32 @!p1 $0x2280  }
0x144: {  	[tilespmem:s24], [sflag:$0x9] =	stream.linear.gather @!p1 [hbm4b:s22+s23], $0x80, $0x38;
	[tilespmem:$0x10300] =	vst v63  }
0x145: {  	s22 =	simm.s32 @!p1 $0x9  }
0x146: {  	_ =	swait.ge @!p1 [sflag:s22], $0x400  }
0x147: {  	(v2sf) =	vpush v3, $0x8;
	_ =	sdelay $0xe  }
0x148: {  	s23 =	spop (v2sf)  }
0x149: {  	p2 =	slt.s32 s23, $0x186A0  }
0x14a: {  	s24 =	sshll.u32 @!p2 s23, $0xA;
	s23 =	sshll.u32 @!p2 s23, $0x7  }
0x14b: {  	s24 =	sand.u32 @!p2 $0xFFFFE000, s24;
	s23 =	sand.u32 @!p2 $0x380, s23  }
0x14c: {  	s23 =	sor.u32 @!p2 s23, s24  }
0x14d: {  	[sflag:s22] =	ssyncset.done @!p1 $0x0;
	s23 =	sadd.s32 @!p2 $0xF9E58000, s23  }
0x14e: {  	[sflag:s22] =	ssyncadd.s32 @!p1 $0xFFFFFC00;
	s22 =	sshrl.u32 @!p2 s23, $0x3  }
0x14f: {  	s24 =	simm.s32 @!p2 $0x2300;
	s23 =	simm.s32 @!p2 $0x0;
	s22 =	sadd.s32 @!p2 s2, s22  }
0x150: {  	[tilespmem:s24], [sflag:$0x9] =	stream.linear.gather @!p2 [hbm4b:s22+s23], $0x80, $0x38;
	[tilespmem:$0x10300] =	vst v63  }
0x151: {  	s25 =	simm.s32 @!p2 $0x2700;
	s24 =	sadd.s32 @!p2 $0x80, s22  }
0x152: {  	[tilespmem:s25], [sflag:$0x9] =	stream.linear.gather @!p2 [hbm4b:s24+s23], $0x80, $0x38;
	[tilespmem:$0x10300] =	vst v63  }
0x153: {  	s24 =	sadd.s32 @!p2 $0x100, s22;
	s25 =	simm.s32 @!p2 $0x2B00  }
0x154: {  	[tilespmem:s25], [sflag:$0x9] =	stream.linear.gather @!p2 [hbm4b:s24+s23], $0x80, $0x38;
	[tilespmem:$0x10300] =	vst v63  }
0x155: {  	s24 =	sadd.s32 @!p2 $0x180, s22;
	s25 =	simm.s32 @!p2 $0x2F00  }
0x156: {  	[tilespmem:s25], [sflag:$0x9] =	stream.linear.gather @!p2 [hbm4b:s24+s23], $0x80, $0x38;
	[tilespmem:$0x10300] =	vst v63  }
0x157: {  	s24 =	sadd.s32 @!p2 $0x200, s22;
	s25 =	simm.s32 @!p2 $0x3300  }
0x158: {  	[tilespmem:s25], [sflag:$0x9] =	stream.linear.gather @!p2 [hbm4b:s24+s23], $0x80, $0x38;
	[tilespmem:$0x10300] =	vst v63  }
0x159: {  	s24 =	sadd.s32 @!p2 $0x280, s22;
	s25 =	simm.s32 @!p2 $0x3700  }
0x15a: {  	[tilespmem:s25], [sflag:$0x9] =	stream.linear.gather @!p2 [hbm4b:s24+s23], $0x80, $0x38;
	[tilespmem:$0x10300] =	vst v63  }
0x15b: {  	s24 =	sadd.s32 @!p2 $0x300, s22;
	s25 =	simm.s32 @!p2 $0x3B00  }
0x15c: {  	[tilespmem:s25], [sflag:$0x9] =	stream.linear.gather @!p2 [hbm4b:s24+s23], $0x80, $0x38;
	[tilespmem:$0x10300] =	vst v63  }
0x15d: {  	s22 =	sadd.s32 @!p2 $0x380, s22;
	s24 =	simm.s32 @!p2 $0x3F00  }
0x15e: {  	[tilespmem:s24], [sflag:$0x9] =	stream.linear.gather @!p2 [hbm4b:s22+s23], $0x80, $0x38;
	[tilespmem:$0x10300] =	vst v63  }
0x15f: {  	s22 =	simm.s32 @!p2 $0x9  }
0x160: {  	_ =	swait.ge @!p2 [sflag:s22], $0x400  }
0x161: {  	(v2sf) =	vpush v3, $0x9;
	_ =	sdelay $0xe  }
0x162: {  	s23 =	spop (v2sf)  }
0x163: {  	p1 =	slt.s32 s23, $0x186A0  }
0x164: {  	s24 =	sshll.u32 @!p1 s23, $0xA;
	s23 =	sshll.u32 @!p1 s23, $0x7  }
0x165: {  	s24 =	sand.u32 @!p1 $0xFFFFE000, s24;
	s23 =	sand.u32 @!p1 $0x380, s23  }
0x166: {  	s23 =	sor.u32 @!p1 s23, s24  }
0x167: {  	[sflag:s22] =	ssyncset.done @!p2 $0x0;
	s23 =	sadd.s32 @!p1 $0xF9E58000, s23  }
0x168: {  	[sflag:s22] =	ssyncadd.s32 @!p2 $0xFFFFFC00;
	s22 =	sshrl.u32 @!p1 s23, $0x3  }
0x169: {  	s24 =	simm.s32 @!p1 $0x2380;
	s23 =	simm.s32 @!p1 $0x0;
	s22 =	sadd.s32 @!p1 s2, s22  }
0x16a: {  	[tilespmem:s24], [sflag:$0x9] =	stream.linear.gather @!p1 [hbm4b:s22+s23], $0x80, $0x38;
	[tilespmem:$0x10300] =	vst v63  }
0x16b: {  	s25 =	simm.s32 @!p1 $0x2780;
	s24 =	sadd.s32 @!p1 $0x80, s22  }
0x16c: {  	[tilespmem:s25], [sflag:$0x9] =	stream.linear.gather @!p1 [hbm4b:s24+s23], $0x80, $0x38;
	[tilespmem:$0x10300] =	vst v63  }
0x16d: {  	s24 =	sadd.s32 @!p1 $0x100, s22;
	s25 =	simm.s32 @!p1 $0x2B80  }
0x16e: {  	[tilespmem:s25], [sflag:$0x9] =	stream.linear.gather @!p1 [hbm4b:s24+s23], $0x80, $0x38;
	[tilespmem:$0x10300] =	vst v63  }
0x16f: {  	s24 =	sadd.s32 @!p1 $0x180, s22;
	s25 =	simm.s32 @!p1 $0x2F80  }
0x170: {  	[tilespmem:s25], [sflag:$0x9] =	stream.linear.gather @!p1 [hbm4b:s24+s23], $0x80, $0x38;
	[tilespmem:$0x10300] =	vst v63  }
0x171: {  	s24 =	sadd.s32 @!p1 $0x200, s22;
	s25 =	simm.s32 @!p1 $0x3380  }
0x172: {  	[tilespmem:s25], [sflag:$0x9] =	stream.linear.gather @!p1 [hbm4b:s24+s23], $0x80, $0x38;
	[tilespmem:$0x10300] =	vst v63  }
0x173: {  	s24 =	sadd.s32 @!p1 $0x280, s22;
	s25 =	simm.s32 @!p1 $0x3780  }
0x174: {  	[tilespmem:s25], [sflag:$0x9] =	stream.linear.gather @!p1 [hbm4b:s24+s23], $0x80, $0x38;
	[tilespmem:$0x10300] =	vst v63  }
0x175: {  	s24 =	sadd.s32 @!p1 $0x300, s22;
	s25 =	simm.s32 @!p1 $0x3B80  }
0x176: {  	[tilespmem:s25], [sflag:$0x9] =	stream.linear.gather @!p1 [hbm4b:s24+s23], $0x80, $0x38;
	[tilespmem:$0x10300] =	vst v63  }
0x177: {  	s22 =	sadd.s32 @!p1 $0x380, s22;
	s24 =	simm.s32 @!p1 $0x3F80  }
0x178: {  	[tilespmem:s24], [sflag:$0x9] =	stream.linear.gather @!p1 [hbm4b:s22+s23], $0x80, $0x38;
	[tilespmem:$0x10300] =	vst v63  }
0x179: {  	s22 =	simm.s32 @!p1 $0x9  }
0x17a: {  	_ =	swait.ge @!p1 [sflag:s22], $0x400  }
0x17b: {  	(v2sf) =	vpush v3, $0xA;
	_ =	sdelay $0xe  }
0x17c: {  	s23 =	spop (v2sf)  }
0x17d: {  	p2 =	slt.s32 s23, $0x186A0  }
0x17e: {  	s24 =	sshll.u32 @!p2 s23, $0xA;
	s23 =	sshll.u32 @!p2 s23, $0x7  }
0x17f: {  	s24 =	sand.u32 @!p2 $0xFFFFE000, s24;
	s23 =	sand.u32 @!p2 $0x380, s23  }
0x180: {  	s23 =	sor.u32 @!p2 s23, s24  }
0x181: {  	[sflag:s22] =	ssyncset.done @!p1 $0x0;
	s23 =	sadd.s32 @!p2 $0xF9E58000, s23  }
0x182: {  	[sflag:s22] =	ssyncadd.s32 @!p1 $0xFFFFFC00;
	s22 =	sshrl.u32 @!p2 s23, $0x3  }
0x183: {  	s24 =	simm.s32 @!p2 $0x2400;
	s23 =	simm.s32 @!p2 $0x0;
	s22 =	sadd.s32 @!p2 s2, s22  }
0x184: {  	[tilespmem:s24], [sflag:$0x9] =	stream.linear.gather @!p2 [hbm4b:s22+s23], $0x80, $0x38;
	[tilespmem:$0x10300] =	vst v63  }
0x185: {  	s25 =	simm.s32 @!p2 $0x2800;
	s24 =	sadd.s32 @!p2 $0x80, s22  }
0x186: {  	[tilespmem:s25], [sflag:$0x9] =	stream.linear.gather @!p2 [hbm4b:s24+s23], $0x80, $0x38;
	[tilespmem:$0x10300] =	vst v63  }
0x187: {  	s24 =	sadd.s32 @!p2 $0x100, s22;
	s25 =	simm.s32 @!p2 $0x2C00  }
0x188: {  	[tilespmem:s25], [sflag:$0x9] =	stream.linear.gather @!p2 [hbm4b:s24+s23], $0x80, $0x38;
	[tilespmem:$0x10300] =	vst v63  }
0x189: {  	s24 =	sadd.s32 @!p2 $0x180, s22;
	s25 =	simm.s32 @!p2 $0x3000  }
0x18a: {  	[tilespmem:s25], [sflag:$0x9] =	stream.linear.gather @!p2 [hbm4b:s24+s23], $0x80, $0x38;
	[tilespmem:$0x10300] =	vst v63  }
0x18b: {  	s24 =	sadd.s32 @!p2 $0x200, s22;
	s25 =	simm.s32 @!p2 $0x3400  }
0x18c: {  	[tilespmem:s25], [sflag:$0x9] =	stream.linear.gather @!p2 [hbm4b:s24+s23], $0x80, $0x38;
	[tilespmem:$0x10300] =	vst v63  }
0x18d: {  	s24 =	sadd.s32 @!p2 $0x280, s22;
	s25 =	simm.s32 @!p2 $0x3800  }
0x18e: {  	[tilespmem:s25], [sflag:$0x9] =	stream.linear.gather @!p2 [hbm4b:s24+s23], $0x80, $0x38;
	[tilespmem:$0x10300] =	vst v63  }
0x18f: {  	s24 =	sadd.s32 @!p2 $0x300, s22;
	s25 =	simm.s32 @!p2 $0x3C00  }
0x190: {  	[tilespmem:s25], [sflag:$0x9] =	stream.linear.gather @!p2 [hbm4b:s24+s23], $0x80, $0x38;
	[tilespmem:$0x10300] =	vst v63  }
0x191: {  	s22 =	sadd.s32 @!p2 $0x380, s22;
	s24 =	simm.s32 @!p2 $0x4000  }
0x192: {  	[tilespmem:s24], [sflag:$0x9] =	stream.linear.gather @!p2 [hbm4b:s22+s23], $0x80, $0x38;
	[tilespmem:$0x10300] =	vst v63  }
0x193: {  	s22 =	simm.s32 @!p2 $0x9  }
0x194: {  	_ =	swait.ge @!p2 [sflag:s22], $0x400  }
0x195: {  	(v2sf) =	vpush v3, $0xB;
	_ =	sdelay $0xe  }
0x196: {  	s23 =	spop (v2sf)  }
0x197: {  	p1 =	slt.s32 s23, $0x186A0  }
0x198: {  	s24 =	sshll.u32 @!p1 s23, $0xA;
	s23 =	sshll.u32 @!p1 s23, $0x7  }
0x199: {  	s24 =	sand.u32 @!p1 $0xFFFFE000, s24;
	s23 =	sand.u32 @!p1 $0x380, s23  }
0x19a: {  	s23 =	sor.u32 @!p1 s23, s24  }
0x19b: {  	[sflag:s22] =	ssyncset.done @!p2 $0x0;
	s23 =	sadd.s32 @!p1 $0xF9E58000, s23  }
0x19c: {  	[sflag:s22] =	ssyncadd.s32 @!p2 $0xFFFFFC00;
	s22 =	sshrl.u32 @!p1 s23, $0x3  }
0x19d: {  	s24 =	simm.s32 @!p1 $0x2480;
	s23 =	simm.s32 @!p1 $0x0;
	s22 =	sadd.s32 @!p1 s2, s22  }
0x19e: {  	[tilespmem:s24], [sflag:$0x9] =	stream.linear.gather @!p1 [hbm4b:s22+s23], $0x80, $0x38;
	[tilespmem:$0x10300] =	vst v63  }
0x19f: {  	s25 =	simm.s32 @!p1 $0x2880;
	s24 =	sadd.s32 @!p1 $0x80, s22  }
0x1a0: {  	[tilespmem:s25], [sflag:$0x9] =	stream.linear.gather @!p1 [hbm4b:s24+s23], $0x80, $0x38;
	[tilespmem:$0x10300] =	vst v63  }
0x1a1: {  	s24 =	sadd.s32 @!p1 $0x100, s22;
	s25 =	simm.s32 @!p1 $0x2C80  }
0x1a2: {  	[tilespmem:s25], [sflag:$0x9] =	stream.linear.gather @!p1 [hbm4b:s24+s23], $0x80, $0x38;
	[tilespmem:$0x10300] =	vst v63  }
0x1a3: {  	s24 =	sadd.s32 @!p1 $0x180, s22;
	s25 =	simm.s32 @!p1 $0x3080  }
0x1a4: {  	[tilespmem:s25], [sflag:$0x9] =	stream.linear.gather @!p1 [hbm4b:s24+s23], $0x80, $0x38;
	[tilespmem:$0x10300] =	vst v63  }
0x1a5: {  	s24 =	sadd.s32 @!p1 $0x200, s22;
	s25 =	simm.s32 @!p1 $0x3480  }
0x1a6: {  	[tilespmem:s25], [sflag:$0x9] =	stream.linear.gather @!p1 [hbm4b:s24+s23], $0x80, $0x38;
	[tilespmem:$0x10300] =	vst v63  }
0x1a7: {  	s24 =	sadd.s32 @!p1 $0x280, s22;
	s25 =	simm.s32 @!p1 $0x3880  }
0x1a8: {  	[tilespmem:s25], [sflag:$0x9] =	stream.linear.gather @!p1 [hbm4b:s24+s23], $0x80, $0x38;
	[tilespmem:$0x10300] =	vst v63  }
0x1a9: {  	s24 =	sadd.s32 @!p1 $0x300, s22;
	s25 =	simm.s32 @!p1 $0x3C80  }
0x1aa: {  	[tilespmem:s25], [sflag:$0x9] =	stream.linear.gather @!p1 [hbm4b:s24+s23], $0x80, $0x38;
	[tilespmem:$0x10300] =	vst v63  }
0x1ab: {  	s22 =	sadd.s32 @!p1 $0x380, s22;
	s24 =	simm.s32 @!p1 $0x4080  }
0x1ac: {  	[tilespmem:s24], [sflag:$0x9] =	stream.linear.gather @!p1 [hbm4b:s22+s23], $0x80, $0x38;
	[tilespmem:$0x10300] =	vst v63  }
0x1ad: {  	s22 =	simm.s32 @!p1 $0x9  }
0x1ae: {  	_ =	swait.ge @!p1 [sflag:s22], $0x400  }
0x1af: {  	(v2sf) =	vpush v3, $0xC;
	_ =	sdelay $0xe  }
0x1b0: {  	s23 =	spop (v2sf)  }
0x1b1: {  	p2 =	slt.s32 s23, $0x186A0  }
0x1b2: {  	s24 =	sshll.u32 @!p2 s23, $0xA;
	s23 =	sshll.u32 @!p2 s23, $0x7  }
0x1b3: {  	s24 =	sand.u32 @!p2 $0xFFFFE000, s24;
	s23 =	sand.u32 @!p2 $0x380, s23  }
0x1b4: {  	s23 =	sor.u32 @!p2 s23, s24  }
0x1b5: {  	[sflag:s22] =	ssyncset.done @!p1 $0x0;
	s23 =	sadd.s32 @!p2 $0xF9E58000, s23  }
0x1b6: {  	[sflag:s22] =	ssyncadd.s32 @!p1 $0xFFFFFC00;
	s22 =	sshrl.u32 @!p2 s23, $0x3  }
0x1b7: {  	s24 =	simm.s32 @!p2 $0x2500;
	s23 =	simm.s32 @!p2 $0x0;
	s22 =	sadd.s32 @!p2 s2, s22  }
0x1b8: {  	[tilespmem:s24], [sflag:$0x9] =	stream.linear.gather @!p2 [hbm4b:s22+s23], $0x80, $0x38;
	[tilespmem:$0x10300] =	vst v63  }
0x1b9: {  	s25 =	simm.s32 @!p2 $0x2900;
	s24 =	sadd.s32 @!p2 $0x80, s22  }
0x1ba: {  	[tilespmem:s25], [sflag:$0x9] =	stream.linear.gather @!p2 [hbm4b:s24+s23], $0x80, $0x38;
	[tilespmem:$0x10300] =	vst v63  }
0x1bb: {  	s24 =	sadd.s32 @!p2 $0x100, s22;
	s25 =	simm.s32 @!p2 $0x2D00  }
0x1bc: {  	[tilespmem:s25], [sflag:$0x9] =	stream.linear.gather @!p2 [hbm4b:s24+s23], $0x80, $0x38;
	[tilespmem:$0x10300] =	vst v63  }
0x1bd: {  	s24 =	sadd.s32 @!p2 $0x180, s22;
	s25 =	simm.s32 @!p2 $0x3100  }
0x1be: {  	[tilespmem:s25], [sflag:$0x9] =	stream.linear.gather @!p2 [hbm4b:s24+s23], $0x80, $0x38;
	[tilespmem:$0x10300] =	vst v63  }
0x1bf: {  	s24 =	sadd.s32 @!p2 $0x200, s22;
	s25 =	simm.s32 @!p2 $0x3500  }
0x1c0: {  	[tilespmem:s25], [sflag:$0x9] =	stream.linear.gather @!p2 [hbm4b:s24+s23], $0x80, $0x38;
	[tilespmem:$0x10300] =	vst v63  }
0x1c1: {  	s24 =	sadd.s32 @!p2 $0x280, s22;
	s25 =	simm.s32 @!p2 $0x3900  }
0x1c2: {  	[tilespmem:s25], [sflag:$0x9] =	stream.linear.gather @!p2 [hbm4b:s24+s23], $0x80, $0x38;
	[tilespmem:$0x10300] =	vst v63  }
0x1c3: {  	s24 =	sadd.s32 @!p2 $0x300, s22;
	s25 =	simm.s32 @!p2 $0x3D00  }
0x1c4: {  	[tilespmem:s25], [sflag:$0x9] =	stream.linear.gather @!p2 [hbm4b:s24+s23], $0x80, $0x38;
	[tilespmem:$0x10300] =	vst v63  }
0x1c5: {  	s22 =	sadd.s32 @!p2 $0x380, s22;
	s24 =	simm.s32 @!p2 $0x4100  }
0x1c6: {  	[tilespmem:s24], [sflag:$0x9] =	stream.linear.gather @!p2 [hbm4b:s22+s23], $0x80, $0x38;
	[tilespmem:$0x10300] =	vst v63  }
0x1c7: {  	s22 =	simm.s32 @!p2 $0x9  }
0x1c8: {  	_ =	swait.ge @!p2 [sflag:s22], $0x400  }
0x1c9: {  	(v2sf) =	vpush v3, $0xD;
	_ =	sdelay $0xe  }
0x1ca: {  	s23 =	spop (v2sf)  }
0x1cb: {  	p1 =	slt.s32 s23, $0x186A0  }
0x1cc: {  	s24 =	sshll.u32 @!p1 s23, $0xA;
	s23 =	sshll.u32 @!p1 s23, $0x7  }
0x1cd: {  	s24 =	sand.u32 @!p1 $0xFFFFE000, s24;
	s23 =	sand.u32 @!p1 $0x380, s23  }
0x1ce: {  	s23 =	sor.u32 @!p1 s23, s24  }
0x1cf: {  	[sflag:s22] =	ssyncset.done @!p2 $0x0;
	s23 =	sadd.s32 @!p1 $0xF9E58000, s23  }
0x1d0: {  	[sflag:s22] =	ssyncadd.s32 @!p2 $0xFFFFFC00;
	s22 =	sshrl.u32 @!p1 s23, $0x3  }
0x1d1: {  	s24 =	simm.s32 @!p1 $0x2580;
	s23 =	simm.s32 @!p1 $0x0;
	s22 =	sadd.s32 @!p1 s2, s22  }
0x1d2: {  	[tilespmem:s24], [sflag:$0x9] =	stream.linear.gather @!p1 [hbm4b:s22+s23], $0x80, $0x38;
	[tilespmem:$0x10300] =	vst v63  }
0x1d3: {  	s25 =	simm.s32 @!p1 $0x2980;
	s24 =	sadd.s32 @!p1 $0x80, s22  }
0x1d4: {  	[tilespmem:s25], [sflag:$0x9] =	stream.linear.gather @!p1 [hbm4b:s24+s23], $0x80, $0x38;
	[tilespmem:$0x10300] =	vst v63  }
0x1d5: {  	s24 =	sadd.s32 @!p1 $0x100, s22;
	s25 =	simm.s32 @!p1 $0x2D80  }
0x1d6: {  	[tilespmem:s25], [sflag:$0x9] =	stream.linear.gather @!p1 [hbm4b:s24+s23], $0x80, $0x38;
	[tilespmem:$0x10300] =	vst v63  }
0x1d7: {  	s24 =	sadd.s32 @!p1 $0x180, s22;
	s25 =	simm.s32 @!p1 $0x3180  }
0x1d8: {  	[tilespmem:s25], [sflag:$0x9] =	stream.linear.gather @!p1 [hbm4b:s24+s23], $0x80, $0x38;
	[tilespmem:$0x10300] =	vst v63  }
0x1d9: {  	s24 =	sadd.s32 @!p1 $0x200, s22;
	s25 =	simm.s32 @!p1 $0x3580  }
0x1da: {  	[tilespmem:s25], [sflag:$0x9] =	stream.linear.gather @!p1 [hbm4b:s24+s23], $0x80, $0x38;
	[tilespmem:$0x10300] =	vst v63  }
0x1db: {  	s24 =	sadd.s32 @!p1 $0x280, s22;
	s25 =	simm.s32 @!p1 $0x3980  }
0x1dc: {  	[tilespmem:s25], [sflag:$0x9] =	stream.linear.gather @!p1 [hbm4b:s24+s23], $0x80, $0x38;
	[tilespmem:$0x10300] =	vst v63  }
0x1dd: {  	s24 =	sadd.s32 @!p1 $0x300, s22;
	s25 =	simm.s32 @!p1 $0x3D80  }
0x1de: {  	[tilespmem:s25], [sflag:$0x9] =	stream.linear.gather @!p1 [hbm4b:s24+s23], $0x80, $0x38;
	[tilespmem:$0x10300] =	vst v63  }
0x1df: {  	s22 =	sadd.s32 @!p1 $0x380, s22;
	s24 =	simm.s32 @!p1 $0x4180  }
0x1e0: {  	[tilespmem:s24], [sflag:$0x9] =	stream.linear.gather @!p1 [hbm4b:s22+s23], $0x80, $0x38;
	[tilespmem:$0x10300] =	vst v63  }
0x1e1: {  	s22 =	simm.s32 @!p1 $0x9  }
0x1e2: {  	_ =	swait.ge @!p1 [sflag:s22], $0x400  }
0x1e3: {  	(v2sf) =	vpush v3, $0xE;
	_ =	sdelay $0xe  }
0x1e4: {  	s23 =	spop (v2sf)  }
0x1e5: {  	p2 =	slt.s32 s23, $0x186A0  }
0x1e6: {  	s24 =	sshll.u32 @!p2 s23, $0xA;
	s23 =	sshll.u32 @!p2 s23, $0x7  }
0x1e7: {  	s24 =	sand.u32 @!p2 $0xFFFFE000, s24;
	s23 =	sand.u32 @!p2 $0x380, s23  }
0x1e8: {  	s23 =	sor.u32 @!p2 s23, s24  }
0x1e9: {  	[sflag:s22] =	ssyncset.done @!p1 $0x0;
	s23 =	sadd.s32 @!p2 $0xF9E58000, s23  }
0x1ea: {  	[sflag:s22] =	ssyncadd.s32 @!p1 $0xFFFFFC00;
	s22 =	sshrl.u32 @!p2 s23, $0x3  }
0x1eb: {  	s24 =	simm.s32 @!p2 $0x2600;
	s23 =	simm.s32 @!p2 $0x0;
	s22 =	sadd.s32 @!p2 s2, s22  }
0x1ec: {  	[tilespmem:s24], [sflag:$0x9] =	stream.linear.gather @!p2 [hbm4b:s22+s23], $0x80, $0x38;
	[tilespmem:$0x10300] =	vst v63  }
0x1ed: {  	s25 =	simm.s32 @!p2 $0x2A00;
	s24 =	sadd.s32 @!p2 $0x80, s22  }
0x1ee: {  	[tilespmem:s25], [sflag:$0x9] =	stream.linear.gather @!p2 [hbm4b:s24+s23], $0x80, $0x38;
	[tilespmem:$0x10300] =	vst v63  }
0x1ef: {  	s24 =	sadd.s32 @!p2 $0x100, s22;
	s25 =	simm.s32 @!p2 $0x2E00  }
0x1f0: {  	[tilespmem:s25], [sflag:$0x9] =	stream.linear.gather @!p2 [hbm4b:s24+s23], $0x80, $0x38;
	[tilespmem:$0x10300] =	vst v63  }
0x1f1: {  	s24 =	sadd.s32 @!p2 $0x180, s22;
	s25 =	simm.s32 @!p2 $0x3200  }
0x1f2: {  	[tilespmem:s25], [sflag:$0x9] =	stream.linear.gather @!p2 [hbm4b:s24+s23], $0x80, $0x38;
	[tilespmem:$0x10300] =	vst v63  }
0x1f3: {  	s24 =	sadd.s32 @!p2 $0x200, s22;
	s25 =	simm.s32 @!p2 $0x3600  }
0x1f4: {  	[tilespmem:s25], [sflag:$0x9] =	stream.linear.gather @!p2 [hbm4b:s24+s23], $0x80, $0x38;
	[tilespmem:$0x10300] =	vst v63  }
0x1f5: {  	s24 =	sadd.s32 @!p2 $0x280, s22;
	s25 =	simm.s32 @!p2 $0x3A00  }
0x1f6: {  	[tilespmem:s25], [sflag:$0x9] =	stream.linear.gather @!p2 [hbm4b:s24+s23], $0x80, $0x38;
	[tilespmem:$0x10300] =	vst v63  }
0x1f7: {  	s24 =	sadd.s32 @!p2 $0x300, s22;
	s25 =	simm.s32 @!p2 $0x3E00  }
0x1f8: {  	[tilespmem:s25], [sflag:$0x9] =	stream.linear.gather @!p2 [hbm4b:s24+s23], $0x80, $0x38;
	[tilespmem:$0x10300] =	vst v63  }
0x1f9: {  	s22 =	sadd.s32 @!p2 $0x380, s22;
	s24 =	simm.s32 @!p2 $0x4200  }
0x1fa: {  	[tilespmem:s24], [sflag:$0x9] =	stream.linear.gather @!p2 [hbm4b:s22+s23], $0x80, $0x38;
	[tilespmem:$0x10300] =	vst v63  }
0x1fb: {  	s22 =	simm.s32 @!p2 $0x9  }
0x1fc: {  	_ =	swait.ge @!p2 [sflag:s22], $0x400  }
0x1fd: {  	(v2sf) =	vpush v3, $0xF;
	_ =	sdelay $0xe  }
0x1fe: {  	s23 =	spop (v2sf)  }
0x1ff: {  	p1 =	slt.s32 s23, $0x186A0  }
0x200: {  	s24 =	sshll.u32 @!p1 s23, $0xA;
	s23 =	sshll.u32 @!p1 s23, $0x7  }
0x201: {  	s24 =	sand.u32 @!p1 $0xFFFFE000, s24;
	s23 =	sand.u32 @!p1 $0x380, s23  }
0x202: {  	s23 =	sor.u32 @!p1 s23, s24  }
0x203: {  	[sflag:s22] =	ssyncset.done @!p2 $0x0;
	s23 =	sadd.s32 @!p1 $0xF9E58000, s23  }
0x204: {  	[sflag:s22] =	ssyncadd.s32 @!p2 $0xFFFFFC00;
	s22 =	sshrl.u32 @!p1 s23, $0x3  }
0x205: {  	s24 =	simm.s32 @!p1 $0x2680;
	s23 =	simm.s32 @!p1 $0x0;
	s22 =	sadd.s32 @!p1 s2, s22  }
0x206: {  	[tilespmem:s24], [sflag:$0x9] =	stream.linear.gather @!p1 [hbm4b:s22+s23], $0x80, $0x38;
	[tilespmem:$0x10300] =	vst v63  }
0x207: {  	s25 =	simm.s32 @!p1 $0x2A80;
	s24 =	sadd.s32 @!p1 $0x80, s22  }
0x208: {  	[tilespmem:s25], [sflag:$0x9] =	stream.linear.gather @!p1 [hbm4b:s24+s23], $0x80, $0x38;
	[tilespmem:$0x10300] =	vst v63  }
0x209: {  	s24 =	sadd.s32 @!p1 $0x100, s22;
	s25 =	simm.s32 @!p1 $0x2E80  }
0x20a: {  	[tilespmem:s25], [sflag:$0x9] =	stream.linear.gather @!p1 [hbm4b:s24+s23], $0x80, $0x38;
	[tilespmem:$0x10300] =	vst v63  }
0x20b: {  	s24 =	sadd.s32 @!p1 $0x180, s22;
	s25 =	simm.s32 @!p1 $0x3280  }
0x20c: {  	[tilespmem:s25], [sflag:$0x9] =	stream.linear.gather @!p1 [hbm4b:s24+s23], $0x80, $0x38;
	[tilespmem:$0x10300] =	vst v63  }
0x20d: {  	s24 =	sadd.s32 @!p1 $0x200, s22;
	s25 =	simm.s32 @!p1 $0x3680  }
0x20e: {  	[tilespmem:s25], [sflag:$0x9] =	stream.linear.gather @!p1 [hbm4b:s24+s23], $0x80, $0x38;
	[tilespmem:$0x10300] =	vst v63  }
0x20f: {  	s24 =	sadd.s32 @!p1 $0x280, s22;
	s25 =	simm.s32 @!p1 $0x3A80  }
0x210: {  	[tilespmem:s25], [sflag:$0x9] =	stream.linear.gather @!p1 [hbm4b:s24+s23], $0x80, $0x38;
	[tilespmem:$0x10300] =	vst v63  }
0x211: {  	s24 =	sadd.s32 @!p1 $0x300, s22;
	s25 =	simm.s32 @!p1 $0x3E80  }
0x212: {  	[tilespmem:s25], [sflag:$0x9] =	stream.linear.gather @!p1 [hbm4b:s24+s23], $0x80, $0x38;
	[tilespmem:$0x10300] =	vst v63  }
0x213: {  	s22 =	sadd.s32 @!p1 $0x380, s22;
	s24 =	simm.s32 @!p1 $0x4280  }
0x214: {  	[tilespmem:s24], [sflag:$0x9] =	stream.linear.gather @!p1 [hbm4b:s22+s23], $0x80, $0x38;
	[tilespmem:$0x10300] =	vst v63  }
0x215: {  	s22 =	simm.s32 @!p1 $0x9  }
0x216: {  	_ =	swait.ge @!p1 [sflag:s22], $0x400  }
0x217: {  	s25 =	rddreg [dreg:$0x5];
	[sflag:s22] =	ssyncset.done @!p1 $0x0  }
0x218: {  	[sflag:s22] =	ssyncadd.s32 @!p1 $0xFFFFFC00;
	s26 =	sadd.s32 s20, s25;
	s22 =	simm.s32 @!p0 $0x8  }
0x219: {  	[hbm4b:s26+s4] =	stream.linear.scatter [tilespmem:s13], [sflag:$0x5], $0x4000, $0x38;
	[tilespmem:$0x10300] =	vst v63  }
0x21a: {  	_ =	swait.ge @!p0 [sflag:s22], $0x4000  }
0x21b: {  	[sflag:s22] =	ssyncset.done @!p0 $0x0  }
0x21c: {  	[sflag:s22] =	ssyncadd.s32 @!p0 $0xFFFFC000  }
0x21d: {  	v3 =	vld [tilespmem:s19+$0x0];
	_ =	sdelay $0x4  }
0x21e: {  	vm1 =	vgt.s32 v3, $0x1869F  }
0x21f: {  	v3 =	vsel vm1, $0x0, v3  }
0x220: {  	v61 =	vshll.u32 v3, $0x3  }
0x221: {  	v62 =	vand.u32 $0x7, v3;
	v4 =	vand.u32 $0xFFFFFFC0, v61  }
0x222: {  	v4 =	vor.u32 v62, v4  }
0x223: {  	v5 =	vperm.xlane v4, v0;
	_ =	sdelay $0x1  }
0x224: {  	v5 =	vadd.s32 v1, v5;
	_ =	sdelay $0x3  }
0x225: {  	[tilespmem:$0x280] =	vst v3  }
0x226: {  	[tilespmem:s0], [sflag:$0x4] =	stream.indirect_vreg.gather [hbm4b:s1+s4], $0x80, v5, vm0, $0xb8;
	[tilespmem:$0x10300] =	vst v63  }
0x227: {  	s23 =	rddreg [dreg:$0x10];
	v3 =	vperm.xlane v4, v2  }
0x228: {  	[tilespmem:s23], [sflag:$0x4] =	stream.indirect_vreg.gather [hbm4b:s6+s4], $0x80, v5, vm0, $0xb8;
	[tilespmem:$0x10300] =	vst v63  }
0x229: {  	s24 =	rddreg [dreg:$0x11];
	v3 =	vadd.s32 v1, v3  }
0x22a: {  	[tilespmem:s24], [sflag:$0x4] =	stream.indirect_vreg.gather [hbm4b:s7+s4], $0x80, v5, vm0, $0xb8;
	[tilespmem:$0x10300] =	vst v63  }
0x22b: {  	s25 =	rddreg [dreg:$0x12]  }
0x22c: {  	[tilespmem:s25], [sflag:$0x4] =	stream.indirect_vreg.gather [hbm4b:s8+s4], $0x80, v5, vm0, $0xb8;
	[tilespmem:$0x10300] =	vst v63  }
0x22d: {  	s26 =	rddreg [dreg:$0x13]  }
0x22e: {  	[tilespmem:s26], [sflag:$0x4] =	stream.indirect_vreg.gather [hbm4b:s1+s4], $0x80, v3, vm0, $0xb8;
	[tilespmem:$0x10300] =	vst v63  }
0x22f: {  	s24 =	rddreg [dreg:$0x14]  }
0x230: {  	[tilespmem:s24], [sflag:$0x4] =	stream.indirect_vreg.gather [hbm4b:s6+s4], $0x80, v3, vm0, $0xb8;
	[tilespmem:$0x10300] =	vst v63  }
0x231: {  	s25 =	rddreg [dreg:$0x15]  }
0x232: {  	[tilespmem:s25], [sflag:$0x4] =	stream.indirect_vreg.gather [hbm4b:s7+s4], $0x80, v3, vm0, $0xb8;
	[tilespmem:$0x10300] =	vst v63  }
0x233: {  	s26 =	rddreg [dreg:$0x16]  }
0x234: {  	[tilespmem:s26], [sflag:$0x4] =	stream.indirect_vreg.gather [hbm4b:s8+s4], $0x80, v3, vm0, $0xb8;
	[tilespmem:$0x10300] =	vst v63  }
0x235: {  	_ =	swait.ge [sflag:s3], $0x4000  }
0x236: {  	[sflag:s3] =	ssyncset.done $0x0  }
0x237: {  	[sflag:s3] =	ssyncadd.s32 $0xFFFFC000  }
0x238: {  	v3 =	vld [tilespmem:s19+$0xFFFFFFE0];
	_ =	sdelay $0x4  }
0x239: {  	(v2sf) =	vpush v3, $0x0;
	_ =	sdelay $0xe  }
0x23a: {  	s22 =	spop (v2sf)  }
0x23b: {  	p1 =	slt.s32 s22, $0x186A0  }
0x23c: {  	s23 =	sshll.u32 @!p1 s22, $0xA;
	s22 =	sshll.u32 @!p1 s22, $0x7  }
0x23d: {  	s23 =	sand.u32 @!p1 $0xFFFFE000, s23;
	s22 =	sand.u32 @!p1 $0x380, s22  }
0x23e: {  	s22 =	sor.u32 @!p1 s22, s23  }
0x23f: {  	s22 =	sadd.s32 @!p1 $0xF9E58000, s22  }
0x240: {  	s22 =	sshrl.u32 @!p1 s22, $0x3  }
0x241: {  	s24 =	simm.s32 @!p1 $0x4300;
	s23 =	simm.s32 @!p1 $0x0;
	s22 =	sadd.s32 @!p1 s2, s22  }
0x242: {  	[tilespmem:s24], [sflag:$0x9] =	stream.linear.gather @!p1 [hbm4b:s22+s23], $0x80, $0x38;
	[tilespmem:$0x10300] =	vst v63  }
0x243: {  	s25 =	simm.s32 @!p1 $0x4700;
	s24 =	sadd.s32 @!p1 $0x80, s22  }
0x244: {  	[tilespmem:s25], [sflag:$0x9] =	stream.linear.gather @!p1 [hbm4b:s24+s23], $0x80, $0x38;
	[tilespmem:$0x10300] =	vst v63  }
0x245: {  	s24 =	sadd.s32 @!p1 $0x100, s22;
	s25 =	simm.s32 @!p1 $0x4B00  }
0x246: {  	[tilespmem:s25], [sflag:$0x9] =	stream.linear.gather @!p1 [hbm4b:s24+s23], $0x80, $0x38;
	[tilespmem:$0x10300] =	vst v63  }
0x247: {  	s24 =	sadd.s32 @!p1 $0x180, s22;
	s25 =	simm.s32 @!p1 $0x4F00  }
0x248: {  	[tilespmem:s25], [sflag:$0x9] =	stream.linear.gather @!p1 [hbm4b:s24+s23], $0x80, $0x38;
	[tilespmem:$0x10300] =	vst v63  }
0x249: {  	s24 =	sadd.s32 @!p1 $0x200, s22;
	s25 =	simm.s32 @!p1 $0x5300  }
0x24a: {  	[tilespmem:s25], [sflag:$0x9] =	stream.linear.gather @!p1 [hbm4b:s24+s23], $0x80, $0x38;
	[tilespmem:$0x10300] =	vst v63  }
0x24b: {  	s24 =	sadd.s32 @!p1 $0x280, s22;
	s25 =	simm.s32 @!p1 $0x5700  }
0x24c: {  	[tilespmem:s25], [sflag:$0x9] =	stream.linear.gather @!p1 [hbm4b:s24+s23], $0x80, $0x38;
	[tilespmem:$0x10300] =	vst v63  }
0x24d: {  	s24 =	sadd.s32 @!p1 $0x300, s22;
	s25 =	simm.s32 @!p1 $0x5B00  }
0x24e: {  	[tilespmem:s25], [sflag:$0x9] =	stream.linear.gather @!p1 [hbm4b:s24+s23], $0x80, $0x38;
	[tilespmem:$0x10300] =	vst v63  }
0x24f: {  	s22 =	sadd.s32 @!p1 $0x380, s22;
	s24 =	simm.s32 @!p1 $0x5F00  }
0x250: {  	[tilespmem:s24], [sflag:$0x9] =	stream.linear.gather @!p1 [hbm4b:s22+s23], $0x80, $0x38;
	[tilespmem:$0x10300] =	vst v63  }
0x251: {  	s22 =	simm.s32 @!p1 $0x9  }
0x252: {  	_ =	swait.ge @!p1 [sflag:s22], $0x400  }
0x253: {  	(v2sf) =	vpush v3, $0x1;
	_ =	sdelay $0xe  }
0x254: {  	s23 =	spop (v2sf)  }
0x255: {  	p0 =	slt.s32 s23, $0x186A0  }
0x256: {  	s24 =	sshll.u32 @!p0 s23, $0xA;
	s23 =	sshll.u32 @!p0 s23, $0x7  }
0x257: {  	s24 =	sand.u32 @!p0 $0xFFFFE000, s24;
	s23 =	sand.u32 @!p0 $0x380, s23  }
0x258: {  	s23 =	sor.u32 @!p0 s23, s24  }
0x259: {  	[sflag:s22] =	ssyncset.done @!p1 $0x0;
	s23 =	sadd.s32 @!p0 $0xF9E58000, s23  }
0x25a: {  	[sflag:s22] =	ssyncadd.s32 @!p1 $0xFFFFFC00;
	s22 =	sshrl.u32 @!p0 s23, $0x3  }
0x25b: {  	s24 =	simm.s32 @!p0 $0x4380;
	s23 =	simm.s32 @!p0 $0x0;
	s22 =	sadd.s32 @!p0 s2, s22  }
0x25c: {  	[tilespmem:s24], [sflag:$0x9] =	stream.linear.gather @!p0 [hbm4b:s22+s23], $0x80, $0x38;
	[tilespmem:$0x10300] =	vst v63  }
0x25d: {  	s25 =	simm.s32 @!p0 $0x4780;
	s24 =	sadd.s32 @!p0 $0x80, s22  }
0x25e: {  	[tilespmem:s25], [sflag:$0x9] =	stream.linear.gather @!p0 [hbm4b:s24+s23], $0x80, $0x38;
	[tilespmem:$0x10300] =	vst v63  }
0x25f: {  	s24 =	sadd.s32 @!p0 $0x100, s22;
	s25 =	simm.s32 @!p0 $0x4B80  }
0x260: {  	[tilespmem:s25], [sflag:$0x9] =	stream.linear.gather @!p0 [hbm4b:s24+s23], $0x80, $0x38;
	[tilespmem:$0x10300] =	vst v63  }
0x261: {  	s24 =	sadd.s32 @!p0 $0x180, s22;
	s25 =	simm.s32 @!p0 $0x4F80  }
0x262: {  	[tilespmem:s25], [sflag:$0x9] =	stream.linear.gather @!p0 [hbm4b:s24+s23], $0x80, $0x38;
	[tilespmem:$0x10300] =	vst v63  }
0x263: {  	s24 =	sadd.s32 @!p0 $0x200, s22;
	s25 =	simm.s32 @!p0 $0x5380  }
0x264: {  	[tilespmem:s25], [sflag:$0x9] =	stream.linear.gather @!p0 [hbm4b:s24+s23], $0x80, $0x38;
	[tilespmem:$0x10300] =	vst v63  }
0x265: {  	s24 =	sadd.s32 @!p0 $0x280, s22;
	s25 =	simm.s32 @!p0 $0x5780  }
0x266: {  	[tilespmem:s25], [sflag:$0x9] =	stream.linear.gather @!p0 [hbm4b:s24+s23], $0x80, $0x38;
	[tilespmem:$0x10300] =	vst v63  }
0x267: {  	s24 =	sadd.s32 @!p0 $0x300, s22;
	s25 =	simm.s32 @!p0 $0x5B80  }
0x268: {  	[tilespmem:s25], [sflag:$0x9] =	stream.linear.gather @!p0 [hbm4b:s24+s23], $0x80, $0x38;
	[tilespmem:$0x10300] =	vst v63  }
0x269: {  	s22 =	sadd.s32 @!p0 $0x380, s22;
	s24 =	simm.s32 @!p0 $0x5F80  }
0x26a: {  	[tilespmem:s24], [sflag:$0x9] =	stream.linear.gather @!p0 [hbm4b:s22+s23], $0x80, $0x38;
	[tilespmem:$0x10300] =	vst v63  }
0x26b: {  	s22 =	simm.s32 @!p0 $0x9  }
0x26c: {  	_ =	swait.ge @!p0 [sflag:s22], $0x400  }
0x26d: {  	(v2sf) =	vpush v3, $0x2;
	_ =	sdelay $0xe  }
0x26e: {  	s23 =	spop (v2sf)  }
0x26f: {  	p1 =	slt.s32 s23, $0x186A0  }
0x270: {  	s24 =	sshll.u32 @!p1 s23, $0xA;
	s23 =	sshll.u32 @!p1 s23, $0x7  }
0x271: {  	s24 =	sand.u32 @!p1 $0xFFFFE000, s24;
	s23 =	sand.u32 @!p1 $0x380, s23  }
0x272: {  	s23 =	sor.u32 @!p1 s23, s24  }
0x273: {  	[sflag:s22] =	ssyncset.done @!p0 $0x0;
	s23 =	sadd.s32 @!p1 $0xF9E58000, s23  }
0x274: {  	[sflag:s22] =	ssyncadd.s32 @!p0 $0xFFFFFC00;
	s22 =	sshrl.u32 @!p1 s23, $0x3  }
0x275: {  	s24 =	simm.s32 @!p1 $0x4400;
	s23 =	simm.s32 @!p1 $0x0;
	s22 =	sadd.s32 @!p1 s2, s22  }
0x276: {  	[tilespmem:s24], [sflag:$0x9] =	stream.linear.gather @!p1 [hbm4b:s22+s23], $0x80, $0x38;
	[tilespmem:$0x10300] =	vst v63  }
0x277: {  	s25 =	simm.s32 @!p1 $0x4800;
	s24 =	sadd.s32 @!p1 $0x80, s22  }
0x278: {  	[tilespmem:s25], [sflag:$0x9] =	stream.linear.gather @!p1 [hbm4b:s24+s23], $0x80, $0x38;
	[tilespmem:$0x10300] =	vst v63  }
0x279: {  	s24 =	sadd.s32 @!p1 $0x100, s22;
	s25 =	simm.s32 @!p1 $0x4C00  }
0x27a: {  	[tilespmem:s25], [sflag:$0x9] =	stream.linear.gather @!p1 [hbm4b:s24+s23], $0x80, $0x38;
	[tilespmem:$0x10300] =	vst v63  }
0x27b: {  	s24 =	sadd.s32 @!p1 $0x180, s22;
	s25 =	simm.s32 @!p1 $0x5000  }
0x27c: {  	[tilespmem:s25], [sflag:$0x9] =	stream.linear.gather @!p1 [hbm4b:s24+s23], $0x80, $0x38;
	[tilespmem:$0x10300] =	vst v63  }
0x27d: {  	s24 =	sadd.s32 @!p1 $0x200, s22;
	s25 =	simm.s32 @!p1 $0x5400  }
0x27e: {  	[tilespmem:s25], [sflag:$0x9] =	stream.linear.gather @!p1 [hbm4b:s24+s23], $0x80, $0x38;
	[tilespmem:$0x10300] =	vst v63  }
0x27f: {  	s24 =	sadd.s32 @!p1 $0x280, s22;
	s25 =	simm.s32 @!p1 $0x5800  }
0x280: {  	[tilespmem:s25], [sflag:$0x9] =	stream.linear.gather @!p1 [hbm4b:s24+s23], $0x80, $0x38;
	[tilespmem:$0x10300] =	vst v63  }
0x281: {  	s24 =	sadd.s32 @!p1 $0x300, s22;
	s25 =	simm.s32 @!p1 $0x5C00  }
0x282: {  	[tilespmem:s25], [sflag:$0x9] =	stream.linear.gather @!p1 [hbm4b:s24+s23], $0x80, $0x38;
	[tilespmem:$0x10300] =	vst v63  }
0x283: {  	s22 =	sadd.s32 @!p1 $0x380, s22;
	s24 =	simm.s32 @!p1 $0x6000  }
0x284: {  	[tilespmem:s24], [sflag:$0x9] =	stream.linear.gather @!p1 [hbm4b:s22+s23], $0x80, $0x38;
	[tilespmem:$0x10300] =	vst v63  }
0x285: {  	s22 =	simm.s32 @!p1 $0x9  }
0x286: {  	_ =	swait.ge @!p1 [sflag:s22], $0x400  }
0x287: {  	(v2sf) =	vpush v3, $0x3;
	_ =	sdelay $0xe  }
0x288: {  	s23 =	spop (v2sf)  }
0x289: {  	p0 =	slt.s32 s23, $0x186A0  }
0x28a: {  	s24 =	sshll.u32 @!p0 s23, $0xA;
	s23 =	sshll.u32 @!p0 s23, $0x7  }
0x28b: {  	s24 =	sand.u32 @!p0 $0xFFFFE000, s24;
	s23 =	sand.u32 @!p0 $0x380, s23  }
0x28c: {  	s23 =	sor.u32 @!p0 s23, s24  }
0x28d: {  	[sflag:s22] =	ssyncset.done @!p1 $0x0;
	s23 =	sadd.s32 @!p0 $0xF9E58000, s23  }
0x28e: {  	[sflag:s22] =	ssyncadd.s32 @!p1 $0xFFFFFC00;
	s22 =	sshrl.u32 @!p0 s23, $0x3  }
0x28f: {  	s24 =	simm.s32 @!p0 $0x4480;
	s23 =	simm.s32 @!p0 $0x0;
	s22 =	sadd.s32 @!p0 s2, s22  }
0x290: {  	[tilespmem:s24], [sflag:$0x9] =	stream.linear.gather @!p0 [hbm4b:s22+s23], $0x80, $0x38;
	[tilespmem:$0x10300] =	vst v63  }
0x291: {  	s25 =	simm.s32 @!p0 $0x4880;
	s24 =	sadd.s32 @!p0 $0x80, s22  }
0x292: {  	[tilespmem:s25], [sflag:$0x9] =	stream.linear.gather @!p0 [hbm4b:s24+s23], $0x80, $0x38;
	[tilespmem:$0x10300] =	vst v63  }
0x293: {  	s24 =	sadd.s32 @!p0 $0x100, s22;
	s25 =	simm.s32 @!p0 $0x4C80  }
0x294: {  	[tilespmem:s25], [sflag:$0x9] =	stream.linear.gather @!p0 [hbm4b:s24+s23], $0x80, $0x38;
	[tilespmem:$0x10300] =	vst v63  }
0x295: {  	s24 =	sadd.s32 @!p0 $0x180, s22;
	s25 =	simm.s32 @!p0 $0x5080  }
0x296: {  	[tilespmem:s25], [sflag:$0x9] =	stream.linear.gather @!p0 [hbm4b:s24+s23], $0x80, $0x38;
	[tilespmem:$0x10300] =	vst v63  }
0x297: {  	s24 =	sadd.s32 @!p0 $0x200, s22;
	s25 =	simm.s32 @!p0 $0x5480  }
0x298: {  	[tilespmem:s25], [sflag:$0x9] =	stream.linear.gather @!p0 [hbm4b:s24+s23], $0x80, $0x38;
	[tilespmem:$0x10300] =	vst v63  }
0x299: {  	s24 =	sadd.s32 @!p0 $0x280, s22;
	s25 =	simm.s32 @!p0 $0x5880  }
0x29a: {  	[tilespmem:s25], [sflag:$0x9] =	stream.linear.gather @!p0 [hbm4b:s24+s23], $0x80, $0x38;
	[tilespmem:$0x10300] =	vst v63  }
0x29b: {  	s24 =	sadd.s32 @!p0 $0x300, s22;
	s25 =	simm.s32 @!p0 $0x5C80  }
0x29c: {  	[tilespmem:s25], [sflag:$0x9] =	stream.linear.gather @!p0 [hbm4b:s24+s23], $0x80, $0x38;
	[tilespmem:$0x10300] =	vst v63  }
0x29d: {  	s22 =	sadd.s32 @!p0 $0x380, s22;
	s24 =	simm.s32 @!p0 $0x6080  }
0x29e: {  	[tilespmem:s24], [sflag:$0x9] =	stream.linear.gather @!p0 [hbm4b:s22+s23], $0x80, $0x38;
	[tilespmem:$0x10300] =	vst v63  }
0x29f: {  	s22 =	simm.s32 @!p0 $0x9  }
0x2a0: {  	_ =	swait.ge @!p0 [sflag:s22], $0x400  }
0x2a1: {  	(v2sf) =	vpush v3, $0x4;
	_ =	sdelay $0xe  }
0x2a2: {  	s23 =	spop (v2sf)  }
0x2a3: {  	p1 =	slt.s32 s23, $0x186A0  }
0x2a4: {  	s24 =	sshll.u32 @!p1 s23, $0xA;
	s23 =	sshll.u32 @!p1 s23, $0x7  }
0x2a5: {  	s24 =	sand.u32 @!p1 $0xFFFFE000, s24;
	s23 =	sand.u32 @!p1 $0x380, s23  }
0x2a6: {  	s23 =	sor.u32 @!p1 s23, s24  }
0x2a7: {  	[sflag:s22] =	ssyncset.done @!p0 $0x0;
	s23 =	sadd.s32 @!p1 $0xF9E58000, s23  }
0x2a8: {  	[sflag:s22] =	ssyncadd.s32 @!p0 $0xFFFFFC00;
	s22 =	sshrl.u32 @!p1 s23, $0x3  }
0x2a9: {  	s24 =	simm.s32 @!p1 $0x4500;
	s23 =	simm.s32 @!p1 $0x0;
	s22 =	sadd.s32 @!p1 s2, s22  }
0x2aa: {  	[tilespmem:s24], [sflag:$0x9] =	stream.linear.gather @!p1 [hbm4b:s22+s23], $0x80, $0x38;
	[tilespmem:$0x10300] =	vst v63  }
0x2ab: {  	s25 =	simm.s32 @!p1 $0x4900;
	s24 =	sadd.s32 @!p1 $0x80, s22  }
0x2ac: {  	[tilespmem:s25], [sflag:$0x9] =	stream.linear.gather @!p1 [hbm4b:s24+s23], $0x80, $0x38;
	[tilespmem:$0x10300] =	vst v63  }
0x2ad: {  	s24 =	sadd.s32 @!p1 $0x100, s22;
	s25 =	simm.s32 @!p1 $0x4D00  }
0x2ae: {  	[tilespmem:s25], [sflag:$0x9] =	stream.linear.gather @!p1 [hbm4b:s24+s23], $0x80, $0x38;
	[tilespmem:$0x10300] =	vst v63  }
0x2af: {  	s24 =	sadd.s32 @!p1 $0x180, s22;
	s25 =	simm.s32 @!p1 $0x5100  }
0x2b0: {  	[tilespmem:s25], [sflag:$0x9] =	stream.linear.gather @!p1 [hbm4b:s24+s23], $0x80, $0x38;
	[tilespmem:$0x10300] =	vst v63  }
0x2b1: {  	s24 =	sadd.s32 @!p1 $0x200, s22;
	s25 =	simm.s32 @!p1 $0x5500  }
0x2b2: {  	[tilespmem:s25], [sflag:$0x9] =	stream.linear.gather @!p1 [hbm4b:s24+s23], $0x80, $0x38;
	[tilespmem:$0x10300] =	vst v63  }
0x2b3: {  	s24 =	sadd.s32 @!p1 $0x280, s22;
	s25 =	simm.s32 @!p1 $0x5900  }
0x2b4: {  	[tilespmem:s25], [sflag:$0x9] =	stream.linear.gather @!p1 [hbm4b:s24+s23], $0x80, $0x38;
	[tilespmem:$0x10300] =	vst v63  }
0x2b5: {  	s24 =	sadd.s32 @!p1 $0x300, s22;
	s25 =	simm.s32 @!p1 $0x5D00  }
0x2b6: {  	[tilespmem:s25], [sflag:$0x9] =	stream.linear.gather @!p1 [hbm4b:s24+s23], $0x80, $0x38;
	[tilespmem:$0x10300] =	vst v63  }
0x2b7: {  	s22 =	sadd.s32 @!p1 $0x380, s22;
	s24 =	simm.s32 @!p1 $0x6100  }
0x2b8: {  	[tilespmem:s24], [sflag:$0x9] =	stream.linear.gather @!p1 [hbm4b:s22+s23], $0x80, $0x38;
	[tilespmem:$0x10300] =	vst v63  }
0x2b9: {  	s22 =	simm.s32 @!p1 $0x9  }
0x2ba: {  	_ =	swait.ge @!p1 [sflag:s22], $0x400  }
0x2bb: {  	(v2sf) =	vpush v3, $0x5;
	_ =	sdelay $0xe  }
0x2bc: {  	s23 =	spop (v2sf)  }
0x2bd: {  	p0 =	slt.s32 s23, $0x186A0  }
0x2be: {  	s24 =	sshll.u32 @!p0 s23, $0xA;
	s23 =	sshll.u32 @!p0 s23, $0x7  }
0x2bf: {  	s24 =	sand.u32 @!p0 $0xFFFFE000, s24;
	s23 =	sand.u32 @!p0 $0x380, s23  }
0x2c0: {  	s23 =	sor.u32 @!p0 s23, s24  }
0x2c1: {  	[sflag:s22] =	ssyncset.done @!p1 $0x0;
	s23 =	sadd.s32 @!p0 $0xF9E58000, s23  }
0x2c2: {  	[sflag:s22] =	ssyncadd.s32 @!p1 $0xFFFFFC00;
	s22 =	sshrl.u32 @!p0 s23, $0x3  }
0x2c3: {  	s24 =	simm.s32 @!p0 $0x4580;
	s23 =	simm.s32 @!p0 $0x0;
	s22 =	sadd.s32 @!p0 s2, s22  }
0x2c4: {  	[tilespmem:s24], [sflag:$0x9] =	stream.linear.gather @!p0 [hbm4b:s22+s23], $0x80, $0x38;
	[tilespmem:$0x10300] =	vst v63  }
0x2c5: {  	s25 =	simm.s32 @!p0 $0x4980;
	s24 =	sadd.s32 @!p0 $0x80, s22  }
0x2c6: {  	[tilespmem:s25], [sflag:$0x9] =	stream.linear.gather @!p0 [hbm4b:s24+s23], $0x80, $0x38;
	[tilespmem:$0x10300] =	vst v63  }
0x2c7: {  	s24 =	sadd.s32 @!p0 $0x100, s22;
	s25 =	simm.s32 @!p0 $0x4D80  }
0x2c8: {  	[tilespmem:s25], [sflag:$0x9] =	stream.linear.gather @!p0 [hbm4b:s24+s23], $0x80, $0x38;
	[tilespmem:$0x10300] =	vst v63  }
0x2c9: {  	s24 =	sadd.s32 @!p0 $0x180, s22;
	s25 =	simm.s32 @!p0 $0x5180  }
0x2ca: {  	[tilespmem:s25], [sflag:$0x9] =	stream.linear.gather @!p0 [hbm4b:s24+s23], $0x80, $0x38;
	[tilespmem:$0x10300] =	vst v63  }
0x2cb: {  	s24 =	sadd.s32 @!p0 $0x200, s22;
	s25 =	simm.s32 @!p0 $0x5580  }
0x2cc: {  	[tilespmem:s25], [sflag:$0x9] =	stream.linear.gather @!p0 [hbm4b:s24+s23], $0x80, $0x38;
	[tilespmem:$0x10300] =	vst v63  }
0x2cd: {  	s24 =	sadd.s32 @!p0 $0x280, s22;
	s25 =	simm.s32 @!p0 $0x5980  }
0x2ce: {  	[tilespmem:s25], [sflag:$0x9] =	stream.linear.gather @!p0 [hbm4b:s24+s23], $0x80, $0x38;
	[tilespmem:$0x10300] =	vst v63  }
0x2cf: {  	s24 =	sadd.s32 @!p0 $0x300, s22;
	s25 =	simm.s32 @!p0 $0x5D80  }
0x2d0: {  	[tilespmem:s25], [sflag:$0x9] =	stream.linear.gather @!p0 [hbm4b:s24+s23], $0x80, $0x38;
	[tilespmem:$0x10300] =	vst v63  }
0x2d1: {  	s22 =	sadd.s32 @!p0 $0x380, s22;
	s24 =	simm.s32 @!p0 $0x6180  }
0x2d2: {  	[tilespmem:s24], [sflag:$0x9] =	stream.linear.gather @!p0 [hbm4b:s22+s23], $0x80, $0x38;
	[tilespmem:$0x10300] =	vst v63  }
0x2d3: {  	s22 =	simm.s32 @!p0 $0x9  }
0x2d4: {  	_ =	swait.ge @!p0 [sflag:s22], $0x400  }
0x2d5: {  	(v2sf) =	vpush v3, $0x6;
	_ =	sdelay $0xe  }
0x2d6: {  	s23 =	spop (v2sf)  }
0x2d7: {  	p1 =	slt.s32 s23, $0x186A0  }
0x2d8: {  	s24 =	sshll.u32 @!p1 s23, $0xA;
	s23 =	sshll.u32 @!p1 s23, $0x7  }
0x2d9: {  	s24 =	sand.u32 @!p1 $0xFFFFE000, s24;
	s23 =	sand.u32 @!p1 $0x380, s23  }
0x2da: {  	s23 =	sor.u32 @!p1 s23, s24  }
0x2db: {  	[sflag:s22] =	ssyncset.done @!p0 $0x0;
	s23 =	sadd.s32 @!p1 $0xF9E58000, s23  }
0x2dc: {  	[sflag:s22] =	ssyncadd.s32 @!p0 $0xFFFFFC00;
	s22 =	sshrl.u32 @!p1 s23, $0x3  }
0x2dd: {  	s24 =	simm.s32 @!p1 $0x4600;
	s23 =	simm.s32 @!p1 $0x0;
	s22 =	sadd.s32 @!p1 s2, s22  }
0x2de: {  	[tilespmem:s24], [sflag:$0x9] =	stream.linear.gather @!p1 [hbm4b:s22+s23], $0x80, $0x38;
	[tilespmem:$0x10300] =	vst v63  }
0x2df: {  	s25 =	simm.s32 @!p1 $0x4A00;
	s24 =	sadd.s32 @!p1 $0x80, s22  }
0x2e0: {  	[tilespmem:s25], [sflag:$0x9] =	stream.linear.gather @!p1 [hbm4b:s24+s23], $0x80, $0x38;
	[tilespmem:$0x10300] =	vst v63  }
0x2e1: {  	s24 =	sadd.s32 @!p1 $0x100, s22;
	s25 =	simm.s32 @!p1 $0x4E00  }
0x2e2: {  	[tilespmem:s25], [sflag:$0x9] =	stream.linear.gather @!p1 [hbm4b:s24+s23], $0x80, $0x38;
	[tilespmem:$0x10300] =	vst v63  }
0x2e3: {  	s24 =	sadd.s32 @!p1 $0x180, s22;
	s25 =	simm.s32 @!p1 $0x5200  }
0x2e4: {  	[tilespmem:s25], [sflag:$0x9] =	stream.linear.gather @!p1 [hbm4b:s24+s23], $0x80, $0x38;
	[tilespmem:$0x10300] =	vst v63  }
0x2e5: {  	s24 =	sadd.s32 @!p1 $0x200, s22;
	s25 =	simm.s32 @!p1 $0x5600  }
0x2e6: {  	[tilespmem:s25], [sflag:$0x9] =	stream.linear.gather @!p1 [hbm4b:s24+s23], $0x80, $0x38;
	[tilespmem:$0x10300] =	vst v63  }
0x2e7: {  	s24 =	sadd.s32 @!p1 $0x280, s22;
	s25 =	simm.s32 @!p1 $0x5A00  }
0x2e8: {  	[tilespmem:s25], [sflag:$0x9] =	stream.linear.gather @!p1 [hbm4b:s24+s23], $0x80, $0x38;
	[tilespmem:$0x10300] =	vst v63  }
0x2e9: {  	s24 =	sadd.s32 @!p1 $0x300, s22;
	s25 =	simm.s32 @!p1 $0x5E00  }
0x2ea: {  	[tilespmem:s25], [sflag:$0x9] =	stream.linear.gather @!p1 [hbm4b:s24+s23], $0x80, $0x38;
	[tilespmem:$0x10300] =	vst v63  }
0x2eb: {  	s22 =	sadd.s32 @!p1 $0x380, s22;
	s24 =	simm.s32 @!p1 $0x6200  }
0x2ec: {  	[tilespmem:s24], [sflag:$0x9] =	stream.linear.gather @!p1 [hbm4b:s22+s23], $0x80, $0x38;
	[tilespmem:$0x10300] =	vst v63  }
0x2ed: {  	s22 =	simm.s32 @!p1 $0x9  }
0x2ee: {  	_ =	swait.ge @!p1 [sflag:s22], $0x400  }
0x2ef: {  	(v2sf) =	vpush v3, $0x7;
	_ =	sdelay $0xe  }
0x2f0: {  	s23 =	spop (v2sf)  }
0x2f1: {  	p0 =	slt.s32 s23, $0x186A0  }
0x2f2: {  	s24 =	sshll.u32 @!p0 s23, $0xA;
	s23 =	sshll.u32 @!p0 s23, $0x7  }
0x2f3: {  	s24 =	sand.u32 @!p0 $0xFFFFE000, s24;
	s23 =	sand.u32 @!p0 $0x380, s23  }
0x2f4: {  	s23 =	sor.u32 @!p0 s23, s24  }
0x2f5: {  	[sflag:s22] =	ssyncset.done @!p1 $0x0;
	s23 =	sadd.s32 @!p0 $0xF9E58000, s23  }
0x2f6: {  	[sflag:s22] =	ssyncadd.s32 @!p1 $0xFFFFFC00;
	s22 =	sshrl.u32 @!p0 s23, $0x3  }
0x2f7: {  	s24 =	simm.s32 @!p0 $0x4680;
	s23 =	simm.s32 @!p0 $0x0;
	s22 =	sadd.s32 @!p0 s2, s22  }
0x2f8: {  	[tilespmem:s24], [sflag:$0x9] =	stream.linear.gather @!p0 [hbm4b:s22+s23], $0x80, $0x38;
	[tilespmem:$0x10300] =	vst v63  }
0x2f9: {  	s25 =	simm.s32 @!p0 $0x4A80;
	s24 =	sadd.s32 @!p0 $0x80, s22  }
0x2fa: {  	[tilespmem:s25], [sflag:$0x9] =	stream.linear.gather @!p0 [hbm4b:s24+s23], $0x80, $0x38;
	[tilespmem:$0x10300] =	vst v63  }
0x2fb: {  	s24 =	sadd.s32 @!p0 $0x100, s22;
	s25 =	simm.s32 @!p0 $0x4E80  }
0x2fc: {  	[tilespmem:s25], [sflag:$0x9] =	stream.linear.gather @!p0 [hbm4b:s24+s23], $0x80, $0x38;
	[tilespmem:$0x10300] =	vst v63  }
0x2fd: {  	s24 =	sadd.s32 @!p0 $0x180, s22;
	s25 =	simm.s32 @!p0 $0x5280  }
0x2fe: {  	[tilespmem:s25], [sflag:$0x9] =	stream.linear.gather @!p0 [hbm4b:s24+s23], $0x80, $0x38;
	[tilespmem:$0x10300] =	vst v63  }
0x2ff: {  	s24 =	sadd.s32 @!p0 $0x200, s22;
	s25 =	simm.s32 @!p0 $0x5680  }
0x300: {  	[tilespmem:s25], [sflag:$0x9] =	stream.linear.gather @!p0 [hbm4b:s24+s23], $0x80, $0x38;
	[tilespmem:$0x10300] =	vst v63  }
0x301: {  	s24 =	sadd.s32 @!p0 $0x280, s22;
	s25 =	simm.s32 @!p0 $0x5A80  }
0x302: {  	[tilespmem:s25], [sflag:$0x9] =	stream.linear.gather @!p0 [hbm4b:s24+s23], $0x80, $0x38;
	[tilespmem:$0x10300] =	vst v63  }
0x303: {  	s24 =	sadd.s32 @!p0 $0x300, s22;
	s25 =	simm.s32 @!p0 $0x5E80  }
0x304: {  	[tilespmem:s25], [sflag:$0x9] =	stream.linear.gather @!p0 [hbm4b:s24+s23], $0x80, $0x38;
	[tilespmem:$0x10300] =	vst v63  }
0x305: {  	s22 =	sadd.s32 @!p0 $0x380, s22;
	s24 =	simm.s32 @!p0 $0x6280  }
0x306: {  	[tilespmem:s24], [sflag:$0x9] =	stream.linear.gather @!p0 [hbm4b:s22+s23], $0x80, $0x38;
	[tilespmem:$0x10300] =	vst v63  }
0x307: {  	s22 =	simm.s32 @!p0 $0x9  }
0x308: {  	_ =	swait.ge @!p0 [sflag:s22], $0x400  }
0x309: {  	(v2sf) =	vpush v3, $0x8;
	_ =	sdelay $0xe  }
0x30a: {  	s23 =	spop (v2sf)  }
0x30b: {  	p1 =	slt.s32 s23, $0x186A0  }
0x30c: {  	s24 =	sshll.u32 @!p1 s23, $0xA;
	s23 =	sshll.u32 @!p1 s23, $0x7  }
0x30d: {  	s24 =	sand.u32 @!p1 $0xFFFFE000, s24;
	s23 =	sand.u32 @!p1 $0x380, s23  }
0x30e: {  	s23 =	sor.u32 @!p1 s23, s24  }
0x30f: {  	[sflag:s22] =	ssyncset.done @!p0 $0x0;
	s23 =	sadd.s32 @!p1 $0xF9E58000, s23  }
0x310: {  	[sflag:s22] =	ssyncadd.s32 @!p0 $0xFFFFFC00;
	s22 =	sshrl.u32 @!p1 s23, $0x3  }
0x311: {  	s24 =	simm.s32 @!p1 $0x6300;
	s23 =	simm.s32 @!p1 $0x0;
	s22 =	sadd.s32 @!p1 s2, s22  }
0x312: {  	[tilespmem:s24], [sflag:$0x9] =	stream.linear.gather @!p1 [hbm4b:s22+s23], $0x80, $0x38;
	[tilespmem:$0x10300] =	vst v63  }
0x313: {  	s25 =	simm.s32 @!p1 $0x6700;
	s24 =	sadd.s32 @!p1 $0x80, s22  }
0x314: {  	[tilespmem:s25], [sflag:$0x9] =	stream.linear.gather @!p1 [hbm4b:s24+s23], $0x80, $0x38;
	[tilespmem:$0x10300] =	vst v63  }
0x315: {  	s24 =	sadd.s32 @!p1 $0x100, s22;
	s25 =	simm.s32 @!p1 $0x6B00  }
0x316: {  	[tilespmem:s25], [sflag:$0x9] =	stream.linear.gather @!p1 [hbm4b:s24+s23], $0x80, $0x38;
	[tilespmem:$0x10300] =	vst v63  }
0x317: {  	s24 =	sadd.s32 @!p1 $0x180, s22;
	s25 =	simm.s32 @!p1 $0x6F00  }
0x318: {  	[tilespmem:s25], [sflag:$0x9] =	stream.linear.gather @!p1 [hbm4b:s24+s23], $0x80, $0x38;
	[tilespmem:$0x10300] =	vst v63  }
0x319: {  	s24 =	sadd.s32 @!p1 $0x200, s22;
	s25 =	simm.s32 @!p1 $0x7300  }
0x31a: {  	[tilespmem:s25], [sflag:$0x9] =	stream.linear.gather @!p1 [hbm4b:s24+s23], $0x80, $0x38;
	[tilespmem:$0x10300] =	vst v63  }
0x31b: {  	s24 =	sadd.s32 @!p1 $0x280, s22;
	s25 =	simm.s32 @!p1 $0x7700  }
0x31c: {  	[tilespmem:s25], [sflag:$0x9] =	stream.linear.gather @!p1 [hbm4b:s24+s23], $0x80, $0x38;
	[tilespmem:$0x10300] =	vst v63  }
0x31d: {  	s24 =	sadd.s32 @!p1 $0x300, s22;
	s25 =	simm.s32 @!p1 $0x7B00  }
0x31e: {  	[tilespmem:s25], [sflag:$0x9] =	stream.linear.gather @!p1 [hbm4b:s24+s23], $0x80, $0x38;
	[tilespmem:$0x10300] =	vst v63  }
0x31f: {  	s22 =	sadd.s32 @!p1 $0x380, s22;
	s24 =	simm.s32 @!p1 $0x7F00  }
0x320: {  	[tilespmem:s24], [sflag:$0x9] =	stream.linear.gather @!p1 [hbm4b:s22+s23], $0x80, $0x38;
	[tilespmem:$0x10300] =	vst v63  }
0x321: {  	s22 =	simm.s32 @!p1 $0x9  }
0x322: {  	_ =	swait.ge @!p1 [sflag:s22], $0x400  }
0x323: {  	(v2sf) =	vpush v3, $0x9;
	_ =	sdelay $0xe  }
0x324: {  	s23 =	spop (v2sf)  }
0x325: {  	p0 =	slt.s32 s23, $0x186A0  }
0x326: {  	s24 =	sshll.u32 @!p0 s23, $0xA;
	s23 =	sshll.u32 @!p0 s23, $0x7  }
0x327: {  	s24 =	sand.u32 @!p0 $0xFFFFE000, s24;
	s23 =	sand.u32 @!p0 $0x380, s23  }
0x328: {  	s23 =	sor.u32 @!p0 s23, s24  }
0x329: {  	[sflag:s22] =	ssyncset.done @!p1 $0x0;
	s23 =	sadd.s32 @!p0 $0xF9E58000, s23  }
0x32a: {  	[sflag:s22] =	ssyncadd.s32 @!p1 $0xFFFFFC00;
	s22 =	sshrl.u32 @!p0 s23, $0x3  }
0x32b: {  	s24 =	simm.s32 @!p0 $0x6380;
	s23 =	simm.s32 @!p0 $0x0;
	s22 =	sadd.s32 @!p0 s2, s22  }
0x32c: {  	[tilespmem:s24], [sflag:$0x9] =	stream.linear.gather @!p0 [hbm4b:s22+s23], $0x80, $0x38;
	[tilespmem:$0x10300] =	vst v63  }
0x32d: {  	s25 =	simm.s32 @!p0 $0x6780;
	s24 =	sadd.s32 @!p0 $0x80, s22  }
0x32e: {  	[tilespmem:s25], [sflag:$0x9] =	stream.linear.gather @!p0 [hbm4b:s24+s23], $0x80, $0x38;
	[tilespmem:$0x10300] =	vst v63  }
0x32f: {  	s24 =	sadd.s32 @!p0 $0x100, s22;
	s25 =	simm.s32 @!p0 $0x6B80  }
0x330: {  	[tilespmem:s25], [sflag:$0x9] =	stream.linear.gather @!p0 [hbm4b:s24+s23], $0x80, $0x38;
	[tilespmem:$0x10300] =	vst v63  }
0x331: {  	s24 =	sadd.s32 @!p0 $0x180, s22;
	s25 =	simm.s32 @!p0 $0x6F80  }
0x332: {  	[tilespmem:s25], [sflag:$0x9] =	stream.linear.gather @!p0 [hbm4b:s24+s23], $0x80, $0x38;
	[tilespmem:$0x10300] =	vst v63  }
0x333: {  	s24 =	sadd.s32 @!p0 $0x200, s22;
	s25 =	simm.s32 @!p0 $0x7380  }
0x334: {  	[tilespmem:s25], [sflag:$0x9] =	stream.linear.gather @!p0 [hbm4b:s24+s23], $0x80, $0x38;
	[tilespmem:$0x10300] =	vst v63  }
0x335: {  	s24 =	sadd.s32 @!p0 $0x280, s22;
	s25 =	simm.s32 @!p0 $0x7780  }
0x336: {  	[tilespmem:s25], [sflag:$0x9] =	stream.linear.gather @!p0 [hbm4b:s24+s23], $0x80, $0x38;
	[tilespmem:$0x10300] =	vst v63  }
0x337: {  	s24 =	sadd.s32 @!p0 $0x300, s22;
	s25 =	simm.s32 @!p0 $0x7B80  }
0x338: {  	[tilespmem:s25], [sflag:$0x9] =	stream.linear.gather @!p0 [hbm4b:s24+s23], $0x80, $0x38;
	[tilespmem:$0x10300] =	vst v63  }
0x339: {  	s22 =	sadd.s32 @!p0 $0x380, s22;
	s24 =	simm.s32 @!p0 $0x7F80  }
0x33a: {  	[tilespmem:s24], [sflag:$0x9] =	stream.linear.gather @!p0 [hbm4b:s22+s23], $0x80, $0x38;
	[tilespmem:$0x10300] =	vst v63  }
0x33b: {  	s22 =	simm.s32 @!p0 $0x9  }
0x33c: {  	_ =	swait.ge @!p0 [sflag:s22], $0x400  }
0x33d: {  	(v2sf) =	vpush v3, $0xA;
	_ =	sdelay $0xe  }
0x33e: {  	s23 =	spop (v2sf)  }
0x33f: {  	p1 =	slt.s32 s23, $0x186A0  }
0x340: {  	s24 =	sshll.u32 @!p1 s23, $0xA;
	s23 =	sshll.u32 @!p1 s23, $0x7  }
0x341: {  	s24 =	sand.u32 @!p1 $0xFFFFE000, s24;
	s23 =	sand.u32 @!p1 $0x380, s23  }
0x342: {  	s23 =	sor.u32 @!p1 s23, s24  }
0x343: {  	[sflag:s22] =	ssyncset.done @!p0 $0x0;
	s23 =	sadd.s32 @!p1 $0xF9E58000, s23  }
0x344: {  	[sflag:s22] =	ssyncadd.s32 @!p0 $0xFFFFFC00;
	s22 =	sshrl.u32 @!p1 s23, $0x3  }
0x345: {  	s24 =	simm.s32 @!p1 $0x6400;
	s23 =	simm.s32 @!p1 $0x0;
	s22 =	sadd.s32 @!p1 s2, s22  }
0x346: {  	[tilespmem:s24], [sflag:$0x9] =	stream.linear.gather @!p1 [hbm4b:s22+s23], $0x80, $0x38;
	[tilespmem:$0x10300] =	vst v63  }
0x347: {  	s25 =	simm.s32 @!p1 $0x6800;
	s24 =	sadd.s32 @!p1 $0x80, s22  }
0x348: {  	[tilespmem:s25], [sflag:$0x9] =	stream.linear.gather @!p1 [hbm4b:s24+s23], $0x80, $0x38;
	[tilespmem:$0x10300] =	vst v63  }
0x349: {  	s24 =	sadd.s32 @!p1 $0x100, s22;
	s25 =	simm.s32 @!p1 $0x6C00  }
0x34a: {  	[tilespmem:s25], [sflag:$0x9] =	stream.linear.gather @!p1 [hbm4b:s24+s23], $0x80, $0x38;
	[tilespmem:$0x10300] =	vst v63  }
0x34b: {  	s24 =	sadd.s32 @!p1 $0x180, s22;
	s25 =	simm.s32 @!p1 $0x7000  }
0x34c: {  	[tilespmem:s25], [sflag:$0x9] =	stream.linear.gather @!p1 [hbm4b:s24+s23], $0x80, $0x38;
	[tilespmem:$0x10300] =	vst v63  }
0x34d: {  	s24 =	sadd.s32 @!p1 $0x200, s22;
	s25 =	simm.s32 @!p1 $0x7400  }
0x34e: {  	[tilespmem:s25], [sflag:$0x9] =	stream.linear.gather @!p1 [hbm4b:s24+s23], $0x80, $0x38;
	[tilespmem:$0x10300] =	vst v63  }
0x34f: {  	s24 =	sadd.s32 @!p1 $0x280, s22;
	s25 =	simm.s32 @!p1 $0x7800  }
0x350: {  	[tilespmem:s25], [sflag:$0x9] =	stream.linear.gather @!p1 [hbm4b:s24+s23], $0x80, $0x38;
	[tilespmem:$0x10300] =	vst v63  }
0x351: {  	s24 =	sadd.s32 @!p1 $0x300, s22;
	s25 =	simm.s32 @!p1 $0x7C00  }
0x352: {  	[tilespmem:s25], [sflag:$0x9] =	stream.linear.gather @!p1 [hbm4b:s24+s23], $0x80, $0x38;
	[tilespmem:$0x10300] =	vst v63  }
0x353: {  	s22 =	sadd.s32 @!p1 $0x380, s22;
	s24 =	simm.s32 @!p1 $0x8000  }
0x354: {  	[tilespmem:s24], [sflag:$0x9] =	stream.linear.gather @!p1 [hbm4b:s22+s23], $0x80, $0x38;
	[tilespmem:$0x10300] =	vst v63  }
0x355: {  	s22 =	simm.s32 @!p1 $0x9  }
0x356: {  	_ =	swait.ge @!p1 [sflag:s22], $0x400  }
0x357: {  	(v2sf) =	vpush v3, $0xB;
	_ =	sdelay $0xe  }
0x358: {  	s23 =	spop (v2sf)  }
0x359: {  	p0 =	slt.s32 s23, $0x186A0  }
0x35a: {  	s24 =	sshll.u32 @!p0 s23, $0xA;
	s23 =	sshll.u32 @!p0 s23, $0x7  }
0x35b: {  	s24 =	sand.u32 @!p0 $0xFFFFE000, s24;
	s23 =	sand.u32 @!p0 $0x380, s23  }
0x35c: {  	s23 =	sor.u32 @!p0 s23, s24  }
0x35d: {  	[sflag:s22] =	ssyncset.done @!p1 $0x0;
	s23 =	sadd.s32 @!p0 $0xF9E58000, s23  }
0x35e: {  	[sflag:s22] =	ssyncadd.s32 @!p1 $0xFFFFFC00;
	s22 =	sshrl.u32 @!p0 s23, $0x3  }
0x35f: {  	s24 =	simm.s32 @!p0 $0x6480;
	s23 =	simm.s32 @!p0 $0x0;
	s22 =	sadd.s32 @!p0 s2, s22  }
0x360: {  	[tilespmem:s24], [sflag:$0x9] =	stream.linear.gather @!p0 [hbm4b:s22+s23], $0x80, $0x38;
	[tilespmem:$0x10300] =	vst v63  }
0x361: {  	s25 =	simm.s32 @!p0 $0x6880;
	s24 =	sadd.s32 @!p0 $0x80, s22  }
0x362: {  	[tilespmem:s25], [sflag:$0x9] =	stream.linear.gather @!p0 [hbm4b:s24+s23], $0x80, $0x38;
	[tilespmem:$0x10300] =	vst v63  }
0x363: {  	s24 =	sadd.s32 @!p0 $0x100, s22;
	s25 =	simm.s32 @!p0 $0x6C80  }
0x364: {  	[tilespmem:s25], [sflag:$0x9] =	stream.linear.gather @!p0 [hbm4b:s24+s23], $0x80, $0x38;
	[tilespmem:$0x10300] =	vst v63  }
0x365: {  	s24 =	sadd.s32 @!p0 $0x180, s22;
	s25 =	simm.s32 @!p0 $0x7080  }
0x366: {  	[tilespmem:s25], [sflag:$0x9] =	stream.linear.gather @!p0 [hbm4b:s24+s23], $0x80, $0x38;
	[tilespmem:$0x10300] =	vst v63  }
0x367: {  	s24 =	sadd.s32 @!p0 $0x200, s22;
	s25 =	simm.s32 @!p0 $0x7480  }
0x368: {  	[tilespmem:s25], [sflag:$0x9] =	stream.linear.gather @!p0 [hbm4b:s24+s23], $0x80, $0x38;
	[tilespmem:$0x10300] =	vst v63  }
0x369: {  	s24 =	sadd.s32 @!p0 $0x280, s22;
	s25 =	simm.s32 @!p0 $0x7880  }
0x36a: {  	[tilespmem:s25], [sflag:$0x9] =	stream.linear.gather @!p0 [hbm4b:s24+s23], $0x80, $0x38;
	[tilespmem:$0x10300] =	vst v63  }
0x36b: {  	s24 =	sadd.s32 @!p0 $0x300, s22;
	s25 =	simm.s32 @!p0 $0x7C80  }
0x36c: {  	[tilespmem:s25], [sflag:$0x9] =	stream.linear.gather @!p0 [hbm4b:s24+s23], $0x80, $0x38;
	[tilespmem:$0x10300] =	vst v63  }
0x36d: {  	s22 =	sadd.s32 @!p0 $0x380, s22;
	s24 =	simm.s32 @!p0 $0x8080  }
0x36e: {  	[tilespmem:s24], [sflag:$0x9] =	stream.linear.gather @!p0 [hbm4b:s22+s23], $0x80, $0x38;
	[tilespmem:$0x10300] =	vst v63  }
0x36f: {  	s22 =	simm.s32 @!p0 $0x9  }
0x370: {  	_ =	swait.ge @!p0 [sflag:s22], $0x400  }
0x371: {  	(v2sf) =	vpush v3, $0xC;
	_ =	sdelay $0xe  }
0x372: {  	s23 =	spop (v2sf)  }
0x373: {  	p1 =	slt.s32 s23, $0x186A0  }
0x374: {  	s24 =	sshll.u32 @!p1 s23, $0xA;
	s23 =	sshll.u32 @!p1 s23, $0x7  }
0x375: {  	s24 =	sand.u32 @!p1 $0xFFFFE000, s24;
	s23 =	sand.u32 @!p1 $0x380, s23  }
0x376: {  	s23 =	sor.u32 @!p1 s23, s24  }
0x377: {  	[sflag:s22] =	ssyncset.done @!p0 $0x0;
	s23 =	sadd.s32 @!p1 $0xF9E58000, s23  }
0x378: {  	[sflag:s22] =	ssyncadd.s32 @!p0 $0xFFFFFC00;
	s22 =	sshrl.u32 @!p1 s23, $0x3  }
0x379: {  	s24 =	simm.s32 @!p1 $0x6500;
	s23 =	simm.s32 @!p1 $0x0;
	s22 =	sadd.s32 @!p1 s2, s22  }
0x37a: {  	[tilespmem:s24], [sflag:$0x9] =	stream.linear.gather @!p1 [hbm4b:s22+s23], $0x80, $0x38;
	[tilespmem:$0x10300] =	vst v63  }
0x37b: {  	s25 =	simm.s32 @!p1 $0x6900;
	s24 =	sadd.s32 @!p1 $0x80, s22  }
0x37c: {  	[tilespmem:s25], [sflag:$0x9] =	stream.linear.gather @!p1 [hbm4b:s24+s23], $0x80, $0x38;
	[tilespmem:$0x10300] =	vst v63  }
0x37d: {  	s24 =	sadd.s32 @!p1 $0x100, s22;
	s25 =	simm.s32 @!p1 $0x6D00  }
0x37e: {  	[tilespmem:s25], [sflag:$0x9] =	stream.linear.gather @!p1 [hbm4b:s24+s23], $0x80, $0x38;
	[tilespmem:$0x10300] =	vst v63  }
0x37f: {  	s24 =	sadd.s32 @!p1 $0x180, s22;
	s25 =	simm.s32 @!p1 $0x7100  }
0x380: {  	[tilespmem:s25], [sflag:$0x9] =	stream.linear.gather @!p1 [hbm4b:s24+s23], $0x80, $0x38;
	[tilespmem:$0x10300] =	vst v63  }
0x381: {  	s24 =	sadd.s32 @!p1 $0x200, s22;
	s25 =	simm.s32 @!p1 $0x7500  }
0x382: {  	[tilespmem:s25], [sflag:$0x9] =	stream.linear.gather @!p1 [hbm4b:s24+s23], $0x80, $0x38;
	[tilespmem:$0x10300] =	vst v63  }
0x383: {  	s24 =	sadd.s32 @!p1 $0x280, s22;
	s25 =	simm.s32 @!p1 $0x7900  }
0x384: {  	[tilespmem:s25], [sflag:$0x9] =	stream.linear.gather @!p1 [hbm4b:s24+s23], $0x80, $0x38;
	[tilespmem:$0x10300] =	vst v63  }
0x385: {  	s24 =	sadd.s32 @!p1 $0x300, s22;
	s25 =	simm.s32 @!p1 $0x7D00  }
0x386: {  	[tilespmem:s25], [sflag:$0x9] =	stream.linear.gather @!p1 [hbm4b:s24+s23], $0x80, $0x38;
	[tilespmem:$0x10300] =	vst v63  }
0x387: {  	s22 =	sadd.s32 @!p1 $0x380, s22;
	s24 =	simm.s32 @!p1 $0x8100  }
0x388: {  	[tilespmem:s24], [sflag:$0x9] =	stream.linear.gather @!p1 [hbm4b:s22+s23], $0x80, $0x38;
	[tilespmem:$0x10300] =	vst v63  }
0x389: {  	s22 =	simm.s32 @!p1 $0x9  }
0x38a: {  	_ =	swait.ge @!p1 [sflag:s22], $0x400  }
0x38b: {  	(v2sf) =	vpush v3, $0xD;
	_ =	sdelay $0xe  }
0x38c: {  	s23 =	spop (v2sf)  }
0x38d: {  	p0 =	slt.s32 s23, $0x186A0  }
0x38e: {  	s24 =	sshll.u32 @!p0 s23, $0xA;
	s23 =	sshll.u32 @!p0 s23, $0x7  }
0x38f: {  	s24 =	sand.u32 @!p0 $0xFFFFE000, s24;
	s23 =	sand.u32 @!p0 $0x380, s23  }
0x390: {  	s23 =	sor.u32 @!p0 s23, s24  }
0x391: {  	[sflag:s22] =	ssyncset.done @!p1 $0x0;
	s23 =	sadd.s32 @!p0 $0xF9E58000, s23  }
0x392: {  	[sflag:s22] =	ssyncadd.s32 @!p1 $0xFFFFFC00;
	s22 =	sshrl.u32 @!p0 s23, $0x3  }
0x393: {  	s24 =	simm.s32 @!p0 $0x6580;
	s23 =	simm.s32 @!p0 $0x0;
	s22 =	sadd.s32 @!p0 s2, s22  }
0x394: {  	[tilespmem:s24], [sflag:$0x9] =	stream.linear.gather @!p0 [hbm4b:s22+s23], $0x80, $0x38;
	[tilespmem:$0x10300] =	vst v63  }
0x395: {  	s25 =	simm.s32 @!p0 $0x6980;
	s24 =	sadd.s32 @!p0 $0x80, s22  }
0x396: {  	[tilespmem:s25], [sflag:$0x9] =	stream.linear.gather @!p0 [hbm4b:s24+s23], $0x80, $0x38;
	[tilespmem:$0x10300] =	vst v63  }
0x397: {  	s24 =	sadd.s32 @!p0 $0x100, s22;
	s25 =	simm.s32 @!p0 $0x6D80  }
0x398: {  	[tilespmem:s25], [sflag:$0x9] =	stream.linear.gather @!p0 [hbm4b:s24+s23], $0x80, $0x38;
	[tilespmem:$0x10300] =	vst v63  }
0x399: {  	s24 =	sadd.s32 @!p0 $0x180, s22;
	s25 =	simm.s32 @!p0 $0x7180  }
0x39a: {  	[tilespmem:s25], [sflag:$0x9] =	stream.linear.gather @!p0 [hbm4b:s24+s23], $0x80, $0x38;
	[tilespmem:$0x10300] =	vst v63  }
0x39b: {  	s24 =	sadd.s32 @!p0 $0x200, s22;
	s25 =	simm.s32 @!p0 $0x7580  }
0x39c: {  	[tilespmem:s25], [sflag:$0x9] =	stream.linear.gather @!p0 [hbm4b:s24+s23], $0x80, $0x38;
	[tilespmem:$0x10300] =	vst v63  }
0x39d: {  	s24 =	sadd.s32 @!p0 $0x280, s22;
	s25 =	simm.s32 @!p0 $0x7980  }
0x39e: {  	[tilespmem:s25], [sflag:$0x9] =	stream.linear.gather @!p0 [hbm4b:s24+s23], $0x80, $0x38;
	[tilespmem:$0x10300] =	vst v63  }
0x39f: {  	s24 =	sadd.s32 @!p0 $0x300, s22;
	s25 =	simm.s32 @!p0 $0x7D80  }
0x3a0: {  	[tilespmem:s25], [sflag:$0x9] =	stream.linear.gather @!p0 [hbm4b:s24+s23], $0x80, $0x38;
	[tilespmem:$0x10300] =	vst v63  }
0x3a1: {  	s22 =	sadd.s32 @!p0 $0x380, s22;
	s24 =	simm.s32 @!p0 $0x8180  }
0x3a2: {  	[tilespmem:s24], [sflag:$0x9] =	stream.linear.gather @!p0 [hbm4b:s22+s23], $0x80, $0x38;
	[tilespmem:$0x10300] =	vst v63  }
0x3a3: {  	s22 =	simm.s32 @!p0 $0x9  }
0x3a4: {  	_ =	swait.ge @!p0 [sflag:s22], $0x400  }
0x3a5: {  	(v2sf) =	vpush v3, $0xE;
	_ =	sdelay $0xe  }
0x3a6: {  	s23 =	spop (v2sf)  }
0x3a7: {  	p1 =	slt.s32 s23, $0x186A0  }
0x3a8: {  	s24 =	sshll.u32 @!p1 s23, $0xA;
	s23 =	sshll.u32 @!p1 s23, $0x7  }
0x3a9: {  	s24 =	sand.u32 @!p1 $0xFFFFE000, s24;
	s23 =	sand.u32 @!p1 $0x380, s23  }
0x3aa: {  	s23 =	sor.u32 @!p1 s23, s24  }
0x3ab: {  	[sflag:s22] =	ssyncset.done @!p0 $0x0;
	s23 =	sadd.s32 @!p1 $0xF9E58000, s23  }
0x3ac: {  	[sflag:s22] =	ssyncadd.s32 @!p0 $0xFFFFFC00;
	s22 =	sshrl.u32 @!p1 s23, $0x3  }
0x3ad: {  	s24 =	simm.s32 @!p1 $0x6600;
	s23 =	simm.s32 @!p1 $0x0;
	s22 =	sadd.s32 @!p1 s2, s22  }
0x3ae: {  	[tilespmem:s24], [sflag:$0x9] =	stream.linear.gather @!p1 [hbm4b:s22+s23], $0x80, $0x38;
	[tilespmem:$0x10300] =	vst v63  }
0x3af: {  	s25 =	simm.s32 @!p1 $0x6A00;
	s24 =	sadd.s32 @!p1 $0x80, s22  }
0x3b0: {  	[tilespmem:s25], [sflag:$0x9] =	stream.linear.gather @!p1 [hbm4b:s24+s23], $0x80, $0x38;
	[tilespmem:$0x10300] =	vst v63  }
0x3b1: {  	s24 =	sadd.s32 @!p1 $0x100, s22;
	s25 =	simm.s32 @!p1 $0x6E00  }
0x3b2: {  	[tilespmem:s25], [sflag:$0x9] =	stream.linear.gather @!p1 [hbm4b:s24+s23], $0x80, $0x38;
	[tilespmem:$0x10300] =	vst v63  }
0x3b3: {  	s24 =	sadd.s32 @!p1 $0x180, s22;
	s25 =	simm.s32 @!p1 $0x7200  }
0x3b4: {  	[tilespmem:s25], [sflag:$0x9] =	stream.linear.gather @!p1 [hbm4b:s24+s23], $0x80, $0x38;
	[tilespmem:$0x10300] =	vst v63  }
0x3b5: {  	s24 =	sadd.s32 @!p1 $0x200, s22;
	s25 =	simm.s32 @!p1 $0x7600  }
0x3b6: {  	[tilespmem:s25], [sflag:$0x9] =	stream.linear.gather @!p1 [hbm4b:s24+s23], $0x80, $0x38;
	[tilespmem:$0x10300] =	vst v63  }
0x3b7: {  	s24 =	sadd.s32 @!p1 $0x280, s22;
	s25 =	simm.s32 @!p1 $0x7A00  }
0x3b8: {  	[tilespmem:s25], [sflag:$0x9] =	stream.linear.gather @!p1 [hbm4b:s24+s23], $0x80, $0x38;
	[tilespmem:$0x10300] =	vst v63  }
0x3b9: {  	s24 =	sadd.s32 @!p1 $0x300, s22;
	s25 =	simm.s32 @!p1 $0x7E00  }
0x3ba: {  	[tilespmem:s25], [sflag:$0x9] =	stream.linear.gather @!p1 [hbm4b:s24+s23], $0x80, $0x38;
	[tilespmem:$0x10300] =	vst v63  }
0x3bb: {  	s22 =	sadd.s32 @!p1 $0x380, s22;
	s24 =	simm.s32 @!p1 $0x8200  }
0x3bc: {  	[tilespmem:s24], [sflag:$0x9] =	stream.linear.gather @!p1 [hbm4b:s22+s23], $0x80, $0x38;
	[tilespmem:$0x10300] =	vst v63  }
0x3bd: {  	s22 =	simm.s32 @!p1 $0x9  }
0x3be: {  	_ =	swait.ge @!p1 [sflag:s22], $0x400  }
0x3bf: {  	(v2sf) =	vpush v3, $0xF;
	_ =	sdelay $0xe  }
0x3c0: {  	s23 =	spop (v2sf)  }
0x3c1: {  	p0 =	slt.s32 s23, $0x186A0  }
0x3c2: {  	s24 =	sshll.u32 @!p0 s23, $0xA;
	s23 =	sshll.u32 @!p0 s23, $0x7  }
0x3c3: {  	s24 =	sand.u32 @!p0 $0xFFFFE000, s24;
	s23 =	sand.u32 @!p0 $0x380, s23  }
0x3c4: {  	s23 =	sor.u32 @!p0 s23, s24  }
0x3c5: {  	[sflag:s22] =	ssyncset.done @!p1 $0x0;
	s23 =	sadd.s32 @!p0 $0xF9E58000, s23  }
0x3c6: {  	[sflag:s22] =	ssyncadd.s32 @!p1 $0xFFFFFC00;
	s22 =	sshrl.u32 @!p0 s23, $0x3  }
0x3c7: {  	s24 =	simm.s32 @!p0 $0x6680;
	s23 =	simm.s32 @!p0 $0x0;
	s22 =	sadd.s32 @!p0 s2, s22  }
0x3c8: {  	[tilespmem:s24], [sflag:$0x9] =	stream.linear.gather @!p0 [hbm4b:s22+s23], $0x80, $0x38;
	[tilespmem:$0x10300] =	vst v63  }
0x3c9: {  	s25 =	simm.s32 @!p0 $0x6A80;
	s24 =	sadd.s32 @!p0 $0x80, s22  }
0x3ca: {  	[tilespmem:s25], [sflag:$0x9] =	stream.linear.gather @!p0 [hbm4b:s24+s23], $0x80, $0x38;
	[tilespmem:$0x10300] =	vst v63  }
0x3cb: {  	s24 =	sadd.s32 @!p0 $0x100, s22;
	s25 =	simm.s32 @!p0 $0x6E80  }
0x3cc: {  	[tilespmem:s25], [sflag:$0x9] =	stream.linear.gather @!p0 [hbm4b:s24+s23], $0x80, $0x38;
	[tilespmem:$0x10300] =	vst v63  }
0x3cd: {  	s24 =	sadd.s32 @!p0 $0x180, s22;
	s25 =	simm.s32 @!p0 $0x7280  }
0x3ce: {  	[tilespmem:s25], [sflag:$0x9] =	stream.linear.gather @!p0 [hbm4b:s24+s23], $0x80, $0x38;
	[tilespmem:$0x10300] =	vst v63  }
0x3cf: {  	s24 =	sadd.s32 @!p0 $0x200, s22;
	s25 =	simm.s32 @!p0 $0x7680  }
0x3d0: {  	[tilespmem:s25], [sflag:$0x9] =	stream.linear.gather @!p0 [hbm4b:s24+s23], $0x80, $0x38;
	[tilespmem:$0x10300] =	vst v63  }
0x3d1: {  	s24 =	sadd.s32 @!p0 $0x280, s22;
	s25 =	simm.s32 @!p0 $0x7A80  }
0x3d2: {  	[tilespmem:s25], [sflag:$0x9] =	stream.linear.gather @!p0 [hbm4b:s24+s23], $0x80, $0x38;
	[tilespmem:$0x10300] =	vst v63  }
0x3d3: {  	s24 =	sadd.s32 @!p0 $0x300, s22;
	s25 =	simm.s32 @!p0 $0x7E80  }
0x3d4: {  	[tilespmem:s25], [sflag:$0x9] =	stream.linear.gather @!p0 [hbm4b:s24+s23], $0x80, $0x38;
	[tilespmem:$0x10300] =	vst v63  }
0x3d5: {  	s22 =	sadd.s32 @!p0 $0x380, s22;
	s24 =	simm.s32 @!p0 $0x8280  }
0x3d6: {  	[tilespmem:s24], [sflag:$0x9] =	stream.linear.gather @!p0 [hbm4b:s22+s23], $0x80, $0x38;
	[tilespmem:$0x10300] =	vst v63  }
0x3d7: {  	s22 =	simm.s32 @!p0 $0x9  }
0x3d8: {  	_ =	swait.ge @!p0 [sflag:s22], $0x400  }
0x3d9: {  	s24 =	rddreg [dreg:$0x6];
	[sflag:s22] =	ssyncset.done @!p0 $0x0  }
0x3da: {  	[sflag:s22] =	ssyncadd.s32 @!p0 $0xFFFFFC00;
	s25 =	sadd.s32 s20, s24;
	p0 =	seq.s32 s20, $0x6000  }
0x3db: {  	[hbm4b:s25+s4] =	stream.linear.scatter [tilespmem:s21], [sflag:$0x6], $0x4000, $0x38;
	[tilespmem:$0x10300] =	vst v63  }
0x3dc: {  	s22 =	simm.s32 @!p0 $0x5  }
0x3dd: {  	_ =	swait.ge @!p0 [sflag:s22], $0x4000  }
0x3de: {  	[sflag:s22] =	ssyncset.done @!p0 $0x0  }
0x3df: {  	[sflag:s22] =	ssyncadd.s32 @!p0 $0xFFFFC000  }
0x3e0: {  	v3 =	vld @!p0 [tilespmem:s19+$0x10];
	_ =	sdelay $0x4  }
0x3e1: {  	vm1 =	vgt.s32 @!p0 v3, $0x1869F  }
0x3e2: {  	v5 =	vsel @!p0 vm1, $0x0, v3  }
0x3e3: {  	v3 =	vshll.u32 @!p0 v5, $0x3  }
0x3e4: {  	v6 =	vlaneseq.u32 @!p0;
	v4 =	vand.u32 @!p0 $0x7, v5;
	v3 =	vand.u32 @!p0 $0xFFFFFFC0, v3  }
0x3e5: {  	v7 =	vor.u32 @!p0 v4, v3;
	v4 =	vand.u32 @!p0 $0x7, v6;
	v3 =	vshrl.u32 @!p0 v6, $0x3  }
0x3e6: {  	v8 =	vperm.xlane @!p0 v7, v4;
	v3 =	vmul.u32 @!p0 $0x8, v3;
	_ =	sdelay $0x1  }
0x3e7: {  	v8 =	vadd.s32 @!p0 v3, v8;
	_ =	sdelay $0x3  }
0x3e8: {  	s23 =	simm.s32 @!p0 $0x300;
	s22 =	simm.s32 @!p0 $0x0;
	vm1 =	vmmov @!p0 $0xffff;
	[tilespmem:$0x100] =	vst @!p0 v5  }
0x3e9: {  	v5 =	vor.u32 @!p0 $0x8, v6;
	[tilespmem:s23], [sflag:$0x1] =	stream.indirect_vreg.gather @!p0 [hbm4b:s1+s22], $0x80, v8, vm1, $0xb8;
	[tilespmem:$0x10300] =	vst v63  }
0x3ea: {  	v6 =	vperm.xlane @!p0 v7, v5;
	s23 =	simm.s32 @!p0 $0xB00  }
0x3eb: {  	[tilespmem:s23], [sflag:$0x1] =	stream.indirect_vreg.gather @!p0 [hbm4b:s6+s22], $0x80, v8, vm1, $0xb8;
	[tilespmem:$0x10300] =	vst v63  }
0x3ec: {  	v6 =	vadd.s32 @!p0 v3, v6;
	s23 =	simm.s32 @!p0 $0x1300  }
0x3ed: {  	[tilespmem:s23], [sflag:$0x1] =	stream.indirect_vreg.gather @!p0 [hbm4b:s7+s22], $0x80, v8, vm1, $0xb8;
	[tilespmem:$0x10300] =	vst v63  }
0x3ee: {  	s23 =	simm.s32 @!p0 $0x1B00  }
0x3ef: {  	[tilespmem:s23], [sflag:$0x1] =	stream.indirect_vreg.gather @!p0 [hbm4b:s8+s22], $0x80, v8, vm1, $0xb8;
	[tilespmem:$0x10300] =	vst v63  }
0x3f0: {  	s23 =	simm.s32 @!p0 $0x2300  }
0x3f1: {  	[tilespmem:s23], [sflag:$0x1] =	stream.indirect_vreg.gather @!p0 [hbm4b:s1+s22], $0x80, v6, vm1, $0xb8;
	[tilespmem:$0x10300] =	vst v63  }
0x3f2: {  	s23 =	simm.s32 @!p0 $0x2B00  }
0x3f3: {  	[tilespmem:s23], [sflag:$0x1] =	stream.indirect_vreg.gather @!p0 [hbm4b:s6+s22], $0x80, v6, vm1, $0xb8;
	[tilespmem:$0x10300] =	vst v63  }
0x3f4: {  	s23 =	simm.s32 @!p0 $0x3300  }
0x3f5: {  	[tilespmem:s23], [sflag:$0x1] =	stream.indirect_vreg.gather @!p0 [hbm4b:s7+s22], $0x80, v6, vm1, $0xb8;
	[tilespmem:$0x10300] =	vst v63  }
0x3f6: {  	s23 =	simm.s32 @!p0 $0x3B00  }
0x3f7: {  	[tilespmem:s23], [sflag:$0x1] =	stream.indirect_vreg.gather @!p0 [hbm4b:s8+s22], $0x80, v6, vm1, $0xb8;
	[tilespmem:$0x10300] =	vst v63  }
0x3f8: {  	_ =	swait.ge [sflag:s10], $0x4000  }
0x3f9: {  	[sflag:s10] =	ssyncset.done $0x0  }
0x3fa: {  	[sflag:s10] =	ssyncadd.s32 $0xFFFFC000  }
0x3fb: {  	v63 =	vld [tilespmem:s19+$0xFFFFFFF0];
	_ =	sdelay $0x4  }
0x3fc: {  	(v2sf) =	vpush v63, $0x0;
	_ =	sdelay $0xe  }
0x3fd: {  	s23 =	spop (v2sf)  }
0x3fe: {  	p2 =	slt.s32 s23, $0x186A0  }
0x3ff: {  	s24 =	sshll.u32 @!p2 s23, $0xA;
	s23 =	sshll.u32 @!p2 s23, $0x7  }
0x400: {  	s24 =	sand.u32 @!p2 $0xFFFFE000, s24;
	s23 =	sand.u32 @!p2 $0x380, s23  }
0x401: {  	s23 =	sor.u32 @!p2 s23, s24  }
0x402: {  	s23 =	sadd.s32 @!p2 $0xF9E58000, s23  }
0x403: {  	s23 =	sshrl.u32 @!p2 s23, $0x3  }
0x404: {  	s25 =	simm.s32 @!p2 $0x8300;
	s24 =	simm.s32 @!p2 $0x0;
	s23 =	sadd.s32 @!p2 s2, s23  }
0x405: {  	[tilespmem:s25], [sflag:$0x9] =	stream.linear.gather @!p2 [hbm4b:s23+s24], $0x80, $0x38;
	[tilespmem:$0x10300] =	vst v63  }
0x406: {  	s26 =	simm.s32 @!p2 $0x8700;
	s25 =	sadd.s32 @!p2 $0x80, s23  }
0x407: {  	[tilespmem:s26], [sflag:$0x9] =	stream.linear.gather @!p2 [hbm4b:s25+s24], $0x80, $0x38;
	[tilespmem:$0x10300] =	vst v63  }
0x408: {  	s25 =	sadd.s32 @!p2 $0x100, s23;
	s26 =	simm.s32 @!p2 $0x8B00  }
0x409: {  	[tilespmem:s26], [sflag:$0x9] =	stream.linear.gather @!p2 [hbm4b:s25+s24], $0x80, $0x38;
	[tilespmem:$0x10300] =	vst v63  }
0x40a: {  	s25 =	sadd.s32 @!p2 $0x180, s23;
	s26 =	simm.s32 @!p2 $0x8F00  }
0x40b: {  	[tilespmem:s26], [sflag:$0x9] =	stream.linear.gather @!p2 [hbm4b:s25+s24], $0x80, $0x38;
	[tilespmem:$0x10300] =	vst v63  }
0x40c: {  	s25 =	sadd.s32 @!p2 $0x200, s23;
	s26 =	simm.s32 @!p2 $0x9300  }
0x40d: {  	[tilespmem:s26], [sflag:$0x9] =	stream.linear.gather @!p2 [hbm4b:s25+s24], $0x80, $0x38;
	[tilespmem:$0x10300] =	vst v63  }
0x40e: {  	s25 =	sadd.s32 @!p2 $0x280, s23;
	s26 =	simm.s32 @!p2 $0x9700  }
0x40f: {  	[tilespmem:s26], [sflag:$0x9] =	stream.linear.gather @!p2 [hbm4b:s25+s24], $0x80, $0x38;
	[tilespmem:$0x10300] =	vst v63  }
0x410: {  	s25 =	sadd.s32 @!p2 $0x300, s23;
	s26 =	simm.s32 @!p2 $0x9B00  }
0x411: {  	[tilespmem:s26], [sflag:$0x9] =	stream.linear.gather @!p2 [hbm4b:s25+s24], $0x80, $0x38;
	[tilespmem:$0x10300] =	vst v63  }
0x412: {  	s23 =	sadd.s32 @!p2 $0x380, s23;
	s25 =	simm.s32 @!p2 $0x9F00  }
0x413: {  	[tilespmem:s25], [sflag:$0x9] =	stream.linear.gather @!p2 [hbm4b:s23+s24], $0x80, $0x38;
	[tilespmem:$0x10300] =	vst v63  }
0x414: {  	s23 =	simm.s32 @!p2 $0x9  }
0x415: {  	_ =	swait.ge @!p2 [sflag:s23], $0x400  }
0x416: {  	(v2sf) =	vpush v63, $0x1;
	_ =	sdelay $0xe  }
0x417: {  	s24 =	spop (v2sf)  }
0x418: {  	p1 =	slt.s32 s24, $0x186A0  }
0x419: {  	s25 =	sshll.u32 @!p1 s24, $0xA;
	s24 =	sshll.u32 @!p1 s24, $0x7  }
0x41a: {  	s25 =	sand.u32 @!p1 $0xFFFFE000, s25;
	s24 =	sand.u32 @!p1 $0x380, s24  }
0x41b: {  	s24 =	sor.u32 @!p1 s24, s25  }
0x41c: {  	[sflag:s23] =	ssyncset.done @!p2 $0x0;
	s24 =	sadd.s32 @!p1 $0xF9E58000, s24  }
0x41d: {  	[sflag:s23] =	ssyncadd.s32 @!p2 $0xFFFFFC00;
	s23 =	sshrl.u32 @!p1 s24, $0x3  }
0x41e: {  	s25 =	simm.s32 @!p1 $0x8380;
	s24 =	simm.s32 @!p1 $0x0;
	s23 =	sadd.s32 @!p1 s2, s23  }
0x41f: {  	[tilespmem:s25], [sflag:$0x9] =	stream.linear.gather @!p1 [hbm4b:s23+s24], $0x80, $0x38;
	[tilespmem:$0x10300] =	vst v63  }
0x420: {  	s26 =	simm.s32 @!p1 $0x8780;
	s25 =	sadd.s32 @!p1 $0x80, s23  }
0x421: {  	[tilespmem:s26], [sflag:$0x9] =	stream.linear.gather @!p1 [hbm4b:s25+s24], $0x80, $0x38;
	[tilespmem:$0x10300] =	vst v63  }
0x422: {  	s25 =	sadd.s32 @!p1 $0x100, s23;
	s26 =	simm.s32 @!p1 $0x8B80  }
0x423: {  	[tilespmem:s26], [sflag:$0x9] =	stream.linear.gather @!p1 [hbm4b:s25+s24], $0x80, $0x38;
	[tilespmem:$0x10300] =	vst v63  }
0x424: {  	s25 =	sadd.s32 @!p1 $0x180, s23;
	s26 =	simm.s32 @!p1 $0x8F80  }
0x425: {  	[tilespmem:s26], [sflag:$0x9] =	stream.linear.gather @!p1 [hbm4b:s25+s24], $0x80, $0x38;
	[tilespmem:$0x10300] =	vst v63  }
0x426: {  	s25 =	sadd.s32 @!p1 $0x200, s23;
	s26 =	simm.s32 @!p1 $0x9380  }
0x427: {  	[tilespmem:s26], [sflag:$0x9] =	stream.linear.gather @!p1 [hbm4b:s25+s24], $0x80, $0x38;
	[tilespmem:$0x10300] =	vst v63  }
0x428: {  	s25 =	sadd.s32 @!p1 $0x280, s23;
	s26 =	simm.s32 @!p1 $0x9780  }
0x429: {  	[tilespmem:s26], [sflag:$0x9] =	stream.linear.gather @!p1 [hbm4b:s25+s24], $0x80, $0x38;
	[tilespmem:$0x10300] =	vst v63  }
0x42a: {  	s25 =	sadd.s32 @!p1 $0x300, s23;
	s26 =	simm.s32 @!p1 $0x9B80  }
0x42b: {  	[tilespmem:s26], [sflag:$0x9] =	stream.linear.gather @!p1 [hbm4b:s25+s24], $0x80, $0x38;
	[tilespmem:$0x10300] =	vst v63  }
0x42c: {  	s23 =	sadd.s32 @!p1 $0x380, s23;
	s25 =	simm.s32 @!p1 $0x9F80  }
0x42d: {  	[tilespmem:s25], [sflag:$0x9] =	stream.linear.gather @!p1 [hbm4b:s23+s24], $0x80, $0x38;
	[tilespmem:$0x10300] =	vst v63  }
0x42e: {  	s23 =	simm.s32 @!p1 $0x9  }
0x42f: {  	_ =	swait.ge @!p1 [sflag:s23], $0x400  }
0x430: {  	(v2sf) =	vpush v63, $0x2;
	_ =	sdelay $0xe  }
0x431: {  	s24 =	spop (v2sf)  }
0x432: {  	p2 =	slt.s32 s24, $0x186A0  }
0x433: {  	s25 =	sshll.u32 @!p2 s24, $0xA;
	s24 =	sshll.u32 @!p2 s24, $0x7  }
0x434: {  	s25 =	sand.u32 @!p2 $0xFFFFE000, s25;
	s24 =	sand.u32 @!p2 $0x380, s24  }
0x435: {  	s24 =	sor.u32 @!p2 s24, s25  }
0x436: {  	[sflag:s23] =	ssyncset.done @!p1 $0x0;
	s24 =	sadd.s32 @!p2 $0xF9E58000, s24  }
0x437: {  	[sflag:s23] =	ssyncadd.s32 @!p1 $0xFFFFFC00;
	s23 =	sshrl.u32 @!p2 s24, $0x3  }
0x438: {  	s25 =	simm.s32 @!p2 $0x8400;
	s24 =	simm.s32 @!p2 $0x0;
	s23 =	sadd.s32 @!p2 s2, s23  }
0x439: {  	[tilespmem:s25], [sflag:$0x9] =	stream.linear.gather @!p2 [hbm4b:s23+s24], $0x80, $0x38;
	[tilespmem:$0x10300] =	vst v63  }
0x43a: {  	s26 =	simm.s32 @!p2 $0x8800;
	s25 =	sadd.s32 @!p2 $0x80, s23  }
0x43b: {  	[tilespmem:s26], [sflag:$0x9] =	stream.linear.gather @!p2 [hbm4b:s25+s24], $0x80, $0x38;
	[tilespmem:$0x10300] =	vst v63  }
0x43c: {  	s25 =	sadd.s32 @!p2 $0x100, s23;
	s26 =	simm.s32 @!p2 $0x8C00  }
0x43d: {  	[tilespmem:s26], [sflag:$0x9] =	stream.linear.gather @!p2 [hbm4b:s25+s24], $0x80, $0x38;
	[tilespmem:$0x10300] =	vst v63  }
0x43e: {  	s25 =	sadd.s32 @!p2 $0x180, s23;
	s26 =	simm.s32 @!p2 $0x9000  }
0x43f: {  	[tilespmem:s26], [sflag:$0x9] =	stream.linear.gather @!p2 [hbm4b:s25+s24], $0x80, $0x38;
	[tilespmem:$0x10300] =	vst v63  }
0x440: {  	s25 =	sadd.s32 @!p2 $0x200, s23;
	s26 =	simm.s32 @!p2 $0x9400  }
0x441: {  	[tilespmem:s26], [sflag:$0x9] =	stream.linear.gather @!p2 [hbm4b:s25+s24], $0x80, $0x38;
	[tilespmem:$0x10300] =	vst v63  }
0x442: {  	s25 =	sadd.s32 @!p2 $0x280, s23;
	s26 =	simm.s32 @!p2 $0x9800  }
0x443: {  	[tilespmem:s26], [sflag:$0x9] =	stream.linear.gather @!p2 [hbm4b:s25+s24], $0x80, $0x38;
	[tilespmem:$0x10300] =	vst v63  }
0x444: {  	s25 =	sadd.s32 @!p2 $0x300, s23;
	s26 =	simm.s32 @!p2 $0x9C00  }
0x445: {  	[tilespmem:s26], [sflag:$0x9] =	stream.linear.gather @!p2 [hbm4b:s25+s24], $0x80, $0x38;
	[tilespmem:$0x10300] =	vst v63  }
0x446: {  	s23 =	sadd.s32 @!p2 $0x380, s23;
	s25 =	simm.s32 @!p2 $0xA000  }
0x447: {  	[tilespmem:s25], [sflag:$0x9] =	stream.linear.gather @!p2 [hbm4b:s23+s24], $0x80, $0x38;
	[tilespmem:$0x10300] =	vst v63  }
0x448: {  	s23 =	simm.s32 @!p2 $0x9  }
0x449: {  	_ =	swait.ge @!p2 [sflag:s23], $0x400  }
0x44a: {  	(v2sf) =	vpush v63, $0x3;
	_ =	sdelay $0xe  }
0x44b: {  	s24 =	spop (v2sf)  }
0x44c: {  	p1 =	slt.s32 s24, $0x186A0  }
0x44d: {  	s25 =	sshll.u32 @!p1 s24, $0xA;
	s24 =	sshll.u32 @!p1 s24, $0x7  }
0x44e: {  	s25 =	sand.u32 @!p1 $0xFFFFE000, s25;
	s24 =	sand.u32 @!p1 $0x380, s24  }
0x44f: {  	s24 =	sor.u32 @!p1 s24, s25  }
0x450: {  	[sflag:s23] =	ssyncset.done @!p2 $0x0;
	s24 =	sadd.s32 @!p1 $0xF9E58000, s24  }
0x451: {  	[sflag:s23] =	ssyncadd.s32 @!p2 $0xFFFFFC00;
	s23 =	sshrl.u32 @!p1 s24, $0x3  }
0x452: {  	s25 =	simm.s32 @!p1 $0x8480;
	s24 =	simm.s32 @!p1 $0x0;
	s23 =	sadd.s32 @!p1 s2, s23  }
0x453: {  	[tilespmem:s25], [sflag:$0x9] =	stream.linear.gather @!p1 [hbm4b:s23+s24], $0x80, $0x38;
	[tilespmem:$0x10300] =	vst v63  }
0x454: {  	s26 =	simm.s32 @!p1 $0x8880;
	s25 =	sadd.s32 @!p1 $0x80, s23  }
0x455: {  	[tilespmem:s26], [sflag:$0x9] =	stream.linear.gather @!p1 [hbm4b:s25+s24], $0x80, $0x38;
	[tilespmem:$0x10300] =	vst v63  }
0x456: {  	s25 =	sadd.s32 @!p1 $0x100, s23;
	s26 =	simm.s32 @!p1 $0x8C80  }
0x457: {  	[tilespmem:s26], [sflag:$0x9] =	stream.linear.gather @!p1 [hbm4b:s25+s24], $0x80, $0x38;
	[tilespmem:$0x10300] =	vst v63  }
0x458: {  	s25 =	sadd.s32 @!p1 $0x180, s23;
	s26 =	simm.s32 @!p1 $0x9080  }
0x459: {  	[tilespmem:s26], [sflag:$0x9] =	stream.linear.gather @!p1 [hbm4b:s25+s24], $0x80, $0x38;
	[tilespmem:$0x10300] =	vst v63  }
0x45a: {  	s25 =	sadd.s32 @!p1 $0x200, s23;
	s26 =	simm.s32 @!p1 $0x9480  }
0x45b: {  	[tilespmem:s26], [sflag:$0x9] =	stream.linear.gather @!p1 [hbm4b:s25+s24], $0x80, $0x38;
	[tilespmem:$0x10300] =	vst v63  }
0x45c: {  	s25 =	sadd.s32 @!p1 $0x280, s23;
	s26 =	simm.s32 @!p1 $0x9880  }
0x45d: {  	[tilespmem:s26], [sflag:$0x9] =	stream.linear.gather @!p1 [hbm4b:s25+s24], $0x80, $0x38;
	[tilespmem:$0x10300] =	vst v63  }
0x45e: {  	s25 =	sadd.s32 @!p1 $0x300, s23;
	s26 =	simm.s32 @!p1 $0x9C80  }
0x45f: {  	[tilespmem:s26], [sflag:$0x9] =	stream.linear.gather @!p1 [hbm4b:s25+s24], $0x80, $0x38;
	[tilespmem:$0x10300] =	vst v63  }
0x460: {  	s23 =	sadd.s32 @!p1 $0x380, s23;
	s25 =	simm.s32 @!p1 $0xA080  }
0x461: {  	[tilespmem:s25], [sflag:$0x9] =	stream.linear.gather @!p1 [hbm4b:s23+s24], $0x80, $0x38;
	[tilespmem:$0x10300] =	vst v63  }
0x462: {  	s23 =	simm.s32 @!p1 $0x9  }
0x463: {  	_ =	swait.ge @!p1 [sflag:s23], $0x400  }
0x464: {  	(v2sf) =	vpush v63, $0x4;
	_ =	sdelay $0xe  }
0x465: {  	s24 =	spop (v2sf)  }
0x466: {  	p2 =	slt.s32 s24, $0x186A0  }
0x467: {  	s25 =	sshll.u32 @!p2 s24, $0xA;
	s24 =	sshll.u32 @!p2 s24, $0x7  }
0x468: {  	s25 =	sand.u32 @!p2 $0xFFFFE000, s25;
	s24 =	sand.u32 @!p2 $0x380, s24  }
0x469: {  	s24 =	sor.u32 @!p2 s24, s25  }
0x46a: {  	[sflag:s23] =	ssyncset.done @!p1 $0x0;
	s24 =	sadd.s32 @!p2 $0xF9E58000, s24  }
0x46b: {  	[sflag:s23] =	ssyncadd.s32 @!p1 $0xFFFFFC00;
	s23 =	sshrl.u32 @!p2 s24, $0x3  }
0x46c: {  	s25 =	simm.s32 @!p2 $0x8500;
	s24 =	simm.s32 @!p2 $0x0;
	s23 =	sadd.s32 @!p2 s2, s23  }
0x46d: {  	[tilespmem:s25], [sflag:$0x9] =	stream.linear.gather @!p2 [hbm4b:s23+s24], $0x80, $0x38;
	[tilespmem:$0x10300] =	vst v63  }
0x46e: {  	s26 =	simm.s32 @!p2 $0x8900;
	s25 =	sadd.s32 @!p2 $0x80, s23  }
0x46f: {  	[tilespmem:s26], [sflag:$0x9] =	stream.linear.gather @!p2 [hbm4b:s25+s24], $0x80, $0x38;
	[tilespmem:$0x10300] =	vst v63  }
0x470: {  	s25 =	sadd.s32 @!p2 $0x100, s23;
	s26 =	simm.s32 @!p2 $0x8D00  }
0x471: {  	[tilespmem:s26], [sflag:$0x9] =	stream.linear.gather @!p2 [hbm4b:s25+s24], $0x80, $0x38;
	[tilespmem:$0x10300] =	vst v63  }
0x472: {  	s25 =	sadd.s32 @!p2 $0x180, s23;
	s26 =	simm.s32 @!p2 $0x9100  }
0x473: {  	[tilespmem:s26], [sflag:$0x9] =	stream.linear.gather @!p2 [hbm4b:s25+s24], $0x80, $0x38;
	[tilespmem:$0x10300] =	vst v63  }
0x474: {  	s25 =	sadd.s32 @!p2 $0x200, s23;
	s26 =	simm.s32 @!p2 $0x9500  }
0x475: {  	[tilespmem:s26], [sflag:$0x9] =	stream.linear.gather @!p2 [hbm4b:s25+s24], $0x80, $0x38;
	[tilespmem:$0x10300] =	vst v63  }
0x476: {  	s25 =	sadd.s32 @!p2 $0x280, s23;
	s26 =	simm.s32 @!p2 $0x9900  }
0x477: {  	[tilespmem:s26], [sflag:$0x9] =	stream.linear.gather @!p2 [hbm4b:s25+s24], $0x80, $0x38;
	[tilespmem:$0x10300] =	vst v63  }
0x478: {  	s25 =	sadd.s32 @!p2 $0x300, s23;
	s26 =	simm.s32 @!p2 $0x9D00  }
0x479: {  	[tilespmem:s26], [sflag:$0x9] =	stream.linear.gather @!p2 [hbm4b:s25+s24], $0x80, $0x38;
	[tilespmem:$0x10300] =	vst v63  }
0x47a: {  	s23 =	sadd.s32 @!p2 $0x380, s23;
	s25 =	simm.s32 @!p2 $0xA100  }
0x47b: {  	[tilespmem:s25], [sflag:$0x9] =	stream.linear.gather @!p2 [hbm4b:s23+s24], $0x80, $0x38;
	[tilespmem:$0x10300] =	vst v63  }
0x47c: {  	s23 =	simm.s32 @!p2 $0x9  }
0x47d: {  	_ =	swait.ge @!p2 [sflag:s23], $0x400  }
0x47e: {  	(v2sf) =	vpush v63, $0x5;
	_ =	sdelay $0xe  }
0x47f: {  	s24 =	spop (v2sf)  }
0x480: {  	p1 =	slt.s32 s24, $0x186A0  }
0x481: {  	s25 =	sshll.u32 @!p1 s24, $0xA;
	s24 =	sshll.u32 @!p1 s24, $0x7  }
0x482: {  	s25 =	sand.u32 @!p1 $0xFFFFE000, s25;
	s24 =	sand.u32 @!p1 $0x380, s24  }
0x483: {  	s24 =	sor.u32 @!p1 s24, s25  }
0x484: {  	[sflag:s23] =	ssyncset.done @!p2 $0x0;
	s24 =	sadd.s32 @!p1 $0xF9E58000, s24  }
0x485: {  	[sflag:s23] =	ssyncadd.s32 @!p2 $0xFFFFFC00;
	s23 =	sshrl.u32 @!p1 s24, $0x3  }
0x486: {  	s25 =	simm.s32 @!p1 $0x8580;
	s24 =	simm.s32 @!p1 $0x0;
	s23 =	sadd.s32 @!p1 s2, s23  }
0x487: {  	[tilespmem:s25], [sflag:$0x9] =	stream.linear.gather @!p1 [hbm4b:s23+s24], $0x80, $0x38;
	[tilespmem:$0x10300] =	vst v63  }
0x488: {  	s26 =	simm.s32 @!p1 $0x8980;
	s25 =	sadd.s32 @!p1 $0x80, s23  }
0x489: {  	[tilespmem:s26], [sflag:$0x9] =	stream.linear.gather @!p1 [hbm4b:s25+s24], $0x80, $0x38;
	[tilespmem:$0x10300] =	vst v63  }
0x48a: {  	s25 =	sadd.s32 @!p1 $0x100, s23;
	s26 =	simm.s32 @!p1 $0x8D80  }
0x48b: {  	[tilespmem:s26], [sflag:$0x9] =	stream.linear.gather @!p1 [hbm4b:s25+s24], $0x80, $0x38;
	[tilespmem:$0x10300] =	vst v63  }
0x48c: {  	s25 =	sadd.s32 @!p1 $0x180, s23;
	s26 =	simm.s32 @!p1 $0x9180  }
0x48d: {  	[tilespmem:s26], [sflag:$0x9] =	stream.linear.gather @!p1 [hbm4b:s25+s24], $0x80, $0x38;
	[tilespmem:$0x10300] =	vst v63  }
0x48e: {  	s25 =	sadd.s32 @!p1 $0x200, s23;
	s26 =	simm.s32 @!p1 $0x9580  }
0x48f: {  	[tilespmem:s26], [sflag:$0x9] =	stream.linear.gather @!p1 [hbm4b:s25+s24], $0x80, $0x38;
	[tilespmem:$0x10300] =	vst v63  }
0x490: {  	s25 =	sadd.s32 @!p1 $0x280, s23;
	s26 =	simm.s32 @!p1 $0x9980  }
0x491: {  	[tilespmem:s26], [sflag:$0x9] =	stream.linear.gather @!p1 [hbm4b:s25+s24], $0x80, $0x38;
	[tilespmem:$0x10300] =	vst v63  }
0x492: {  	s25 =	sadd.s32 @!p1 $0x300, s23;
	s26 =	simm.s32 @!p1 $0x9D80  }
0x493: {  	[tilespmem:s26], [sflag:$0x9] =	stream.linear.gather @!p1 [hbm4b:s25+s24], $0x80, $0x38;
	[tilespmem:$0x10300] =	vst v63  }
0x494: {  	s23 =	sadd.s32 @!p1 $0x380, s23;
	s25 =	simm.s32 @!p1 $0xA180  }
0x495: {  	[tilespmem:s25], [sflag:$0x9] =	stream.linear.gather @!p1 [hbm4b:s23+s24], $0x80, $0x38;
	[tilespmem:$0x10300] =	vst v63  }
0x496: {  	s23 =	simm.s32 @!p1 $0x9  }
0x497: {  	_ =	swait.ge @!p1 [sflag:s23], $0x400  }
0x498: {  	(v2sf) =	vpush v63, $0x6;
	_ =	sdelay $0xe  }
0x499: {  	s24 =	spop (v2sf)  }
0x49a: {  	p2 =	slt.s32 s24, $0x186A0  }
0x49b: {  	s25 =	sshll.u32 @!p2 s24, $0xA;
	s24 =	sshll.u32 @!p2 s24, $0x7  }
0x49c: {  	s25 =	sand.u32 @!p2 $0xFFFFE000, s25;
	s24 =	sand.u32 @!p2 $0x380, s24  }
0x49d: {  	s24 =	sor.u32 @!p2 s24, s25  }
0x49e: {  	[sflag:s23] =	ssyncset.done @!p1 $0x0;
	s24 =	sadd.s32 @!p2 $0xF9E58000, s24  }
0x49f: {  	[sflag:s23] =	ssyncadd.s32 @!p1 $0xFFFFFC00;
	s23 =	sshrl.u32 @!p2 s24, $0x3  }
0x4a0: {  	s25 =	simm.s32 @!p2 $0x8600;
	s24 =	simm.s32 @!p2 $0x0;
	s23 =	sadd.s32 @!p2 s2, s23  }
0x4a1: {  	[tilespmem:s25], [sflag:$0x9] =	stream.linear.gather @!p2 [hbm4b:s23+s24], $0x80, $0x38;
	[tilespmem:$0x10300] =	vst v63  }
0x4a2: {  	s26 =	simm.s32 @!p2 $0x8A00;
	s25 =	sadd.s32 @!p2 $0x80, s23  }
0x4a3: {  	[tilespmem:s26], [sflag:$0x9] =	stream.linear.gather @!p2 [hbm4b:s25+s24], $0x80, $0x38;
	[tilespmem:$0x10300] =	vst v63  }
0x4a4: {  	s25 =	sadd.s32 @!p2 $0x100, s23;
	s26 =	simm.s32 @!p2 $0x8E00  }
0x4a5: {  	[tilespmem:s26], [sflag:$0x9] =	stream.linear.gather @!p2 [hbm4b:s25+s24], $0x80, $0x38;
	[tilespmem:$0x10300] =	vst v63  }
0x4a6: {  	s25 =	sadd.s32 @!p2 $0x180, s23;
	s26 =	simm.s32 @!p2 $0x9200  }
0x4a7: {  	[tilespmem:s26], [sflag:$0x9] =	stream.linear.gather @!p2 [hbm4b:s25+s24], $0x80, $0x38;
	[tilespmem:$0x10300] =	vst v63  }
0x4a8: {  	s25 =	sadd.s32 @!p2 $0x200, s23;
	s26 =	simm.s32 @!p2 $0x9600  }
0x4a9: {  	[tilespmem:s26], [sflag:$0x9] =	stream.linear.gather @!p2 [hbm4b:s25+s24], $0x80, $0x38;
	[tilespmem:$0x10300] =	vst v63  }
0x4aa: {  	s25 =	sadd.s32 @!p2 $0x280, s23;
	s26 =	simm.s32 @!p2 $0x9A00  }
0x4ab: {  	[tilespmem:s26], [sflag:$0x9] =	stream.linear.gather @!p2 [hbm4b:s25+s24], $0x80, $0x38;
	[tilespmem:$0x10300] =	vst v63  }
0x4ac: {  	s25 =	sadd.s32 @!p2 $0x300, s23;
	s26 =	simm.s32 @!p2 $0x9E00  }
0x4ad: {  	[tilespmem:s26], [sflag:$0x9] =	stream.linear.gather @!p2 [hbm4b:s25+s24], $0x80, $0x38;
	[tilespmem:$0x10300] =	vst v63  }
0x4ae: {  	s23 =	sadd.s32 @!p2 $0x380, s23;
	s25 =	simm.s32 @!p2 $0xA200  }
0x4af: {  	[tilespmem:s25], [sflag:$0x9] =	stream.linear.gather @!p2 [hbm4b:s23+s24], $0x80, $0x38;
	[tilespmem:$0x10300] =	vst v63  }
0x4b0: {  	s23 =	simm.s32 @!p2 $0x9  }
0x4b1: {  	_ =	swait.ge @!p2 [sflag:s23], $0x400  }
0x4b2: {  	(v2sf) =	vpush v63, $0x7;
	_ =	sdelay $0xe  }
0x4b3: {  	s24 =	spop (v2sf)  }
0x4b4: {  	p1 =	slt.s32 s24, $0x186A0  }
0x4b5: {  	s25 =	sshll.u32 @!p1 s24, $0xA;
	s24 =	sshll.u32 @!p1 s24, $0x7  }
0x4b6: {  	s25 =	sand.u32 @!p1 $0xFFFFE000, s25;
	s24 =	sand.u32 @!p1 $0x380, s24  }
0x4b7: {  	s24 =	sor.u32 @!p1 s24, s25  }
0x4b8: {  	[sflag:s23] =	ssyncset.done @!p2 $0x0;
	s24 =	sadd.s32 @!p1 $0xF9E58000, s24  }
0x4b9: {  	[sflag:s23] =	ssyncadd.s32 @!p2 $0xFFFFFC00;
	s23 =	sshrl.u32 @!p1 s24, $0x3  }
0x4ba: {  	s25 =	simm.s32 @!p1 $0x8680;
	s24 =	simm.s32 @!p1 $0x0;
	s23 =	sadd.s32 @!p1 s2, s23  }
0x4bb: {  	[tilespmem:s25], [sflag:$0x9] =	stream.linear.gather @!p1 [hbm4b:s23+s24], $0x80, $0x38;
	[tilespmem:$0x10300] =	vst v63  }
0x4bc: {  	s26 =	simm.s32 @!p1 $0x8A80;
	s25 =	sadd.s32 @!p1 $0x80, s23  }
0x4bd: {  	[tilespmem:s26], [sflag:$0x9] =	stream.linear.gather @!p1 [hbm4b:s25+s24], $0x80, $0x38;
	[tilespmem:$0x10300] =	vst v63  }
0x4be: {  	s25 =	sadd.s32 @!p1 $0x100, s23;
	s26 =	simm.s32 @!p1 $0x8E80  }
0x4bf: {  	[tilespmem:s26], [sflag:$0x9] =	stream.linear.gather @!p1 [hbm4b:s25+s24], $0x80, $0x38;
	[tilespmem:$0x10300] =	vst v63  }
0x4c0: {  	s25 =	sadd.s32 @!p1 $0x180, s23;
	s26 =	simm.s32 @!p1 $0x9280  }
0x4c1: {  	[tilespmem:s26], [sflag:$0x9] =	stream.linear.gather @!p1 [hbm4b:s25+s24], $0x80, $0x38;
	[tilespmem:$0x10300] =	vst v63  }
0x4c2: {  	s25 =	sadd.s32 @!p1 $0x200, s23;
	s26 =	simm.s32 @!p1 $0x9680  }
0x4c3: {  	[tilespmem:s26], [sflag:$0x9] =	stream.linear.gather @!p1 [hbm4b:s25+s24], $0x80, $0x38;
	[tilespmem:$0x10300] =	vst v63  }
0x4c4: {  	s25 =	sadd.s32 @!p1 $0x280, s23;
	s26 =	simm.s32 @!p1 $0x9A80  }
0x4c5: {  	[tilespmem:s26], [sflag:$0x9] =	stream.linear.gather @!p1 [hbm4b:s25+s24], $0x80, $0x38;
	[tilespmem:$0x10300] =	vst v63  }
0x4c6: {  	s25 =	sadd.s32 @!p1 $0x300, s23;
	s26 =	simm.s32 @!p1 $0x9E80  }
0x4c7: {  	[tilespmem:s26], [sflag:$0x9] =	stream.linear.gather @!p1 [hbm4b:s25+s24], $0x80, $0x38;
	[tilespmem:$0x10300] =	vst v63  }
0x4c8: {  	s23 =	sadd.s32 @!p1 $0x380, s23;
	s25 =	simm.s32 @!p1 $0xA280  }
0x4c9: {  	[tilespmem:s25], [sflag:$0x9] =	stream.linear.gather @!p1 [hbm4b:s23+s24], $0x80, $0x38;
	[tilespmem:$0x10300] =	vst v63  }
0x4ca: {  	s23 =	simm.s32 @!p1 $0x9  }
0x4cb: {  	_ =	swait.ge @!p1 [sflag:s23], $0x400  }
0x4cc: {  	(v2sf) =	vpush v63, $0x8;
	_ =	sdelay $0xe  }
0x4cd: {  	s24 =	spop (v2sf)  }
0x4ce: {  	p2 =	slt.s32 s24, $0x186A0  }
0x4cf: {  	s25 =	sshll.u32 @!p2 s24, $0xA;
	s24 =	sshll.u32 @!p2 s24, $0x7  }
0x4d0: {  	s25 =	sand.u32 @!p2 $0xFFFFE000, s25;
	s24 =	sand.u32 @!p2 $0x380, s24  }
0x4d1: {  	s24 =	sor.u32 @!p2 s24, s25  }
0x4d2: {  	[sflag:s23] =	ssyncset.done @!p1 $0x0;
	s24 =	sadd.s32 @!p2 $0xF9E58000, s24  }
0x4d3: {  	[sflag:s23] =	ssyncadd.s32 @!p1 $0xFFFFFC00;
	s23 =	sshrl.u32 @!p2 s24, $0x3  }
0x4d4: {  	s25 =	simm.s32 @!p2 $0xA300;
	s24 =	simm.s32 @!p2 $0x0;
	s23 =	sadd.s32 @!p2 s2, s23  }
0x4d5: {  	[tilespmem:s25], [sflag:$0x9] =	stream.linear.gather @!p2 [hbm4b:s23+s24], $0x80, $0x38;
	[tilespmem:$0x10300] =	vst v63  }
0x4d6: {  	s26 =	simm.s32 @!p2 $0xA700;
	s25 =	sadd.s32 @!p2 $0x80, s23  }
0x4d7: {  	[tilespmem:s26], [sflag:$0x9] =	stream.linear.gather @!p2 [hbm4b:s25+s24], $0x80, $0x38;
	[tilespmem:$0x10300] =	vst v63  }
0x4d8: {  	s25 =	sadd.s32 @!p2 $0x100, s23;
	s26 =	simm.s32 @!p2 $0xAB00  }
0x4d9: {  	[tilespmem:s26], [sflag:$0x9] =	stream.linear.gather @!p2 [hbm4b:s25+s24], $0x80, $0x38;
	[tilespmem:$0x10300] =	vst v63  }
0x4da: {  	s25 =	sadd.s32 @!p2 $0x180, s23;
	s26 =	simm.s32 @!p2 $0xAF00  }
0x4db: {  	[tilespmem:s26], [sflag:$0x9] =	stream.linear.gather @!p2 [hbm4b:s25+s24], $0x80, $0x38;
	[tilespmem:$0x10300] =	vst v63  }
0x4dc: {  	s25 =	sadd.s32 @!p2 $0x200, s23;
	s26 =	simm.s32 @!p2 $0xB300  }
0x4dd: {  	[tilespmem:s26], [sflag:$0x9] =	stream.linear.gather @!p2 [hbm4b:s25+s24], $0x80, $0x38;
	[tilespmem:$0x10300] =	vst v63  }
0x4de: {  	s25 =	sadd.s32 @!p2 $0x280, s23;
	s26 =	simm.s32 @!p2 $0xB700  }
0x4df: {  	[tilespmem:s26], [sflag:$0x9] =	stream.linear.gather @!p2 [hbm4b:s25+s24], $0x80, $0x38;
	[tilespmem:$0x10300] =	vst v63  }
0x4e0: {  	s25 =	sadd.s32 @!p2 $0x300, s23;
	s26 =	simm.s32 @!p2 $0xBB00  }
0x4e1: {  	[tilespmem:s26], [sflag:$0x9] =	stream.linear.gather @!p2 [hbm4b:s25+s24], $0x80, $0x38;
	[tilespmem:$0x10300] =	vst v63  }
0x4e2: {  	s23 =	sadd.s32 @!p2 $0x380, s23;
	s25 =	simm.s32 @!p2 $0xBF00  }
0x4e3: {  	[tilespmem:s25], [sflag:$0x9] =	stream.linear.gather @!p2 [hbm4b:s23+s24], $0x80, $0x38;
	[tilespmem:$0x10300] =	vst v63  }
0x4e4: {  	s23 =	simm.s32 @!p2 $0x9  }
0x4e5: {  	_ =	swait.ge @!p2 [sflag:s23], $0x400  }
0x4e6: {  	(v2sf) =	vpush v63, $0x9;
	_ =	sdelay $0xe  }
0x4e7: {  	s24 =	spop (v2sf)  }
0x4e8: {  	p1 =	slt.s32 s24, $0x186A0  }
0x4e9: {  	s25 =	sshll.u32 @!p1 s24, $0xA;
	s24 =	sshll.u32 @!p1 s24, $0x7  }
0x4ea: {  	s25 =	sand.u32 @!p1 $0xFFFFE000, s25;
	s24 =	sand.u32 @!p1 $0x380, s24  }
0x4eb: {  	s24 =	sor.u32 @!p1 s24, s25  }
0x4ec: {  	[sflag:s23] =	ssyncset.done @!p2 $0x0;
	s24 =	sadd.s32 @!p1 $0xF9E58000, s24  }
0x4ed: {  	[sflag:s23] =	ssyncadd.s32 @!p2 $0xFFFFFC00;
	s23 =	sshrl.u32 @!p1 s24, $0x3  }
0x4ee: {  	s25 =	simm.s32 @!p1 $0xA380;
	s24 =	simm.s32 @!p1 $0x0;
	s23 =	sadd.s32 @!p1 s2, s23  }
0x4ef: {  	[tilespmem:s25], [sflag:$0x9] =	stream.linear.gather @!p1 [hbm4b:s23+s24], $0x80, $0x38;
	[tilespmem:$0x10300] =	vst v63  }
0x4f0: {  	s26 =	simm.s32 @!p1 $0xA780;
	s25 =	sadd.s32 @!p1 $0x80, s23  }
0x4f1: {  	[tilespmem:s26], [sflag:$0x9] =	stream.linear.gather @!p1 [hbm4b:s25+s24], $0x80, $0x38;
	[tilespmem:$0x10300] =	vst v63  }
0x4f2: {  	s25 =	sadd.s32 @!p1 $0x100, s23;
	s26 =	simm.s32 @!p1 $0xAB80  }
0x4f3: {  	[tilespmem:s26], [sflag:$0x9] =	stream.linear.gather @!p1 [hbm4b:s25+s24], $0x80, $0x38;
	[tilespmem:$0x10300] =	vst v63  }
0x4f4: {  	s25 =	sadd.s32 @!p1 $0x180, s23;
	s26 =	simm.s32 @!p1 $0xAF80  }
0x4f5: {  	[tilespmem:s26], [sflag:$0x9] =	stream.linear.gather @!p1 [hbm4b:s25+s24], $0x80, $0x38;
	[tilespmem:$0x10300] =	vst v63  }
0x4f6: {  	s25 =	sadd.s32 @!p1 $0x200, s23;
	s26 =	simm.s32 @!p1 $0xB380  }
0x4f7: {  	[tilespmem:s26], [sflag:$0x9] =	stream.linear.gather @!p1 [hbm4b:s25+s24], $0x80, $0x38;
	[tilespmem:$0x10300] =	vst v63  }
0x4f8: {  	s25 =	sadd.s32 @!p1 $0x280, s23;
	s26 =	simm.s32 @!p1 $0xB780  }
0x4f9: {  	[tilespmem:s26], [sflag:$0x9] =	stream.linear.gather @!p1 [hbm4b:s25+s24], $0x80, $0x38;
	[tilespmem:$0x10300] =	vst v63  }
0x4fa: {  	s25 =	sadd.s32 @!p1 $0x300, s23;
	s26 =	simm.s32 @!p1 $0xBB80  }
0x4fb: {  	[tilespmem:s26], [sflag:$0x9] =	stream.linear.gather @!p1 [hbm4b:s25+s24], $0x80, $0x38;
	[tilespmem:$0x10300] =	vst v63  }
0x4fc: {  	s23 =	sadd.s32 @!p1 $0x380, s23;
	s25 =	simm.s32 @!p1 $0xBF80  }
0x4fd: {  	[tilespmem:s25], [sflag:$0x9] =	stream.linear.gather @!p1 [hbm4b:s23+s24], $0x80, $0x38;
	[tilespmem:$0x10300] =	vst v63  }
0x4fe: {  	s23 =	simm.s32 @!p1 $0x9  }
0x4ff: {  	_ =	swait.ge @!p1 [sflag:s23], $0x400  }
0x500: {  	(v2sf) =	vpush v63, $0xA;
	_ =	sdelay $0xe  }
0x501: {  	s24 =	spop (v2sf)  }
0x502: {  	p2 =	slt.s32 s24, $0x186A0  }
0x503: {  	s25 =	sshll.u32 @!p2 s24, $0xA;
	s24 =	sshll.u32 @!p2 s24, $0x7  }
0x504: {  	s25 =	sand.u32 @!p2 $0xFFFFE000, s25;
	s24 =	sand.u32 @!p2 $0x380, s24  }
0x505: {  	s24 =	sor.u32 @!p2 s24, s25  }
0x506: {  	[sflag:s23] =	ssyncset.done @!p1 $0x0;
	s24 =	sadd.s32 @!p2 $0xF9E58000, s24  }
0x507: {  	[sflag:s23] =	ssyncadd.s32 @!p1 $0xFFFFFC00;
	s23 =	sshrl.u32 @!p2 s24, $0x3  }
0x508: {  	s25 =	simm.s32 @!p2 $0xA400;
	s24 =	simm.s32 @!p2 $0x0;
	s23 =	sadd.s32 @!p2 s2, s23  }
0x509: {  	[tilespmem:s25], [sflag:$0x9] =	stream.linear.gather @!p2 [hbm4b:s23+s24], $0x80, $0x38;
	[tilespmem:$0x10300] =	vst v63  }
0x50a: {  	s26 =	simm.s32 @!p2 $0xA800;
	s25 =	sadd.s32 @!p2 $0x80, s23  }
0x50b: {  	[tilespmem:s26], [sflag:$0x9] =	stream.linear.gather @!p2 [hbm4b:s25+s24], $0x80, $0x38;
	[tilespmem:$0x10300] =	vst v63  }
0x50c: {  	s25 =	sadd.s32 @!p2 $0x100, s23;
	s26 =	simm.s32 @!p2 $0xAC00  }
0x50d: {  	[tilespmem:s26], [sflag:$0x9] =	stream.linear.gather @!p2 [hbm4b:s25+s24], $0x80, $0x38;
	[tilespmem:$0x10300] =	vst v63  }
0x50e: {  	s25 =	sadd.s32 @!p2 $0x180, s23;
	s26 =	simm.s32 @!p2 $0xB000  }
0x50f: {  	[tilespmem:s26], [sflag:$0x9] =	stream.linear.gather @!p2 [hbm4b:s25+s24], $0x80, $0x38;
	[tilespmem:$0x10300] =	vst v63  }
0x510: {  	s25 =	sadd.s32 @!p2 $0x200, s23;
	s26 =	simm.s32 @!p2 $0xB400  }
0x511: {  	[tilespmem:s26], [sflag:$0x9] =	stream.linear.gather @!p2 [hbm4b:s25+s24], $0x80, $0x38;
	[tilespmem:$0x10300] =	vst v63  }
0x512: {  	s25 =	sadd.s32 @!p2 $0x280, s23;
	s26 =	simm.s32 @!p2 $0xB800  }
0x513: {  	[tilespmem:s26], [sflag:$0x9] =	stream.linear.gather @!p2 [hbm4b:s25+s24], $0x80, $0x38;
	[tilespmem:$0x10300] =	vst v63  }
0x514: {  	s25 =	sadd.s32 @!p2 $0x300, s23;
	s26 =	simm.s32 @!p2 $0xBC00  }
0x515: {  	[tilespmem:s26], [sflag:$0x9] =	stream.linear.gather @!p2 [hbm4b:s25+s24], $0x80, $0x38;
	[tilespmem:$0x10300] =	vst v63  }
0x516: {  	s23 =	sadd.s32 @!p2 $0x380, s23;
	s25 =	simm.s32 @!p2 $0xC000  }
0x517: {  	[tilespmem:s25], [sflag:$0x9] =	stream.linear.gather @!p2 [hbm4b:s23+s24], $0x80, $0x38;
	[tilespmem:$0x10300] =	vst v63  }
0x518: {  	s23 =	simm.s32 @!p2 $0x9  }
0x519: {  	_ =	swait.ge @!p2 [sflag:s23], $0x400  }
0x51a: {  	(v2sf) =	vpush v63, $0xB;
	_ =	sdelay $0xe  }
0x51b: {  	s24 =	spop (v2sf)  }
0x51c: {  	p1 =	slt.s32 s24, $0x186A0  }
0x51d: {  	s25 =	sshll.u32 @!p1 s24, $0xA;
	s24 =	sshll.u32 @!p1 s24, $0x7  }
0x51e: {  	s25 =	sand.u32 @!p1 $0xFFFFE000, s25;
	s24 =	sand.u32 @!p1 $0x380, s24  }
0x51f: {  	s24 =	sor.u32 @!p1 s24, s25  }
0x520: {  	[sflag:s23] =	ssyncset.done @!p2 $0x0;
	s24 =	sadd.s32 @!p1 $0xF9E58000, s24  }
0x521: {  	[sflag:s23] =	ssyncadd.s32 @!p2 $0xFFFFFC00;
	s23 =	sshrl.u32 @!p1 s24, $0x3  }
0x522: {  	s25 =	simm.s32 @!p1 $0xA480;
	s24 =	simm.s32 @!p1 $0x0;
	s23 =	sadd.s32 @!p1 s2, s23  }
0x523: {  	[tilespmem:s25], [sflag:$0x9] =	stream.linear.gather @!p1 [hbm4b:s23+s24], $0x80, $0x38;
	[tilespmem:$0x10300] =	vst v63  }
0x524: {  	s26 =	simm.s32 @!p1 $0xA880;
	s25 =	sadd.s32 @!p1 $0x80, s23  }
0x525: {  	[tilespmem:s26], [sflag:$0x9] =	stream.linear.gather @!p1 [hbm4b:s25+s24], $0x80, $0x38;
	[tilespmem:$0x10300] =	vst v63  }
0x526: {  	s25 =	sadd.s32 @!p1 $0x100, s23;
	s26 =	simm.s32 @!p1 $0xAC80  }
0x527: {  	[tilespmem:s26], [sflag:$0x9] =	stream.linear.gather @!p1 [hbm4b:s25+s24], $0x80, $0x38;
	[tilespmem:$0x10300] =	vst v63  }
0x528: {  	s25 =	sadd.s32 @!p1 $0x180, s23;
	s26 =	simm.s32 @!p1 $0xB080  }
0x529: {  	[tilespmem:s26], [sflag:$0x9] =	stream.linear.gather @!p1 [hbm4b:s25+s24], $0x80, $0x38;
	[tilespmem:$0x10300] =	vst v63  }
0x52a: {  	s25 =	sadd.s32 @!p1 $0x200, s23;
	s26 =	simm.s32 @!p1 $0xB480  }
0x52b: {  	[tilespmem:s26], [sflag:$0x9] =	stream.linear.gather @!p1 [hbm4b:s25+s24], $0x80, $0x38;
	[tilespmem:$0x10300] =	vst v63  }
0x52c: {  	s25 =	sadd.s32 @!p1 $0x280, s23;
	s26 =	simm.s32 @!p1 $0xB880  }
0x52d: {  	[tilespmem:s26], [sflag:$0x9] =	stream.linear.gather @!p1 [hbm4b:s25+s24], $0x80, $0x38;
	[tilespmem:$0x10300] =	vst v63  }
0x52e: {  	s25 =	sadd.s32 @!p1 $0x300, s23;
	s26 =	simm.s32 @!p1 $0xBC80  }
0x52f: {  	[tilespmem:s26], [sflag:$0x9] =	stream.linear.gather @!p1 [hbm4b:s25+s24], $0x80, $0x38;
	[tilespmem:$0x10300] =	vst v63  }
0x530: {  	s23 =	sadd.s32 @!p1 $0x380, s23;
	s25 =	simm.s32 @!p1 $0xC080  }
0x531: {  	[tilespmem:s25], [sflag:$0x9] =	stream.linear.gather @!p1 [hbm4b:s23+s24], $0x80, $0x38;
	[tilespmem:$0x10300] =	vst v63  }
0x532: {  	s23 =	simm.s32 @!p1 $0x9  }
0x533: {  	_ =	swait.ge @!p1 [sflag:s23], $0x400  }
0x534: {  	(v2sf) =	vpush v63, $0xC;
	_ =	sdelay $0xe  }
0x535: {  	s24 =	spop (v2sf)  }
0x536: {  	p2 =	slt.s32 s24, $0x186A0  }
0x537: {  	s25 =	sshll.u32 @!p2 s24, $0xA;
	s24 =	sshll.u32 @!p2 s24, $0x7  }
0x538: {  	s25 =	sand.u32 @!p2 $0xFFFFE000, s25;
	s24 =	sand.u32 @!p2 $0x380, s24  }
0x539: {  	s24 =	sor.u32 @!p2 s24, s25  }
0x53a: {  	[sflag:s23] =	ssyncset.done @!p1 $0x0;
	s24 =	sadd.s32 @!p2 $0xF9E58000, s24  }
0x53b: {  	[sflag:s23] =	ssyncadd.s32 @!p1 $0xFFFFFC00;
	s23 =	sshrl.u32 @!p2 s24, $0x3  }
0x53c: {  	s25 =	simm.s32 @!p2 $0xA500;
	s24 =	simm.s32 @!p2 $0x0;
	s23 =	sadd.s32 @!p2 s2, s23  }
0x53d: {  	[tilespmem:s25], [sflag:$0x9] =	stream.linear.gather @!p2 [hbm4b:s23+s24], $0x80, $0x38;
	[tilespmem:$0x10300] =	vst v63  }
0x53e: {  	s26 =	simm.s32 @!p2 $0xA900;
	s25 =	sadd.s32 @!p2 $0x80, s23  }
0x53f: {  	[tilespmem:s26], [sflag:$0x9] =	stream.linear.gather @!p2 [hbm4b:s25+s24], $0x80, $0x38;
	[tilespmem:$0x10300] =	vst v63  }
0x540: {  	s25 =	sadd.s32 @!p2 $0x100, s23;
	s26 =	simm.s32 @!p2 $0xAD00  }
0x541: {  	[tilespmem:s26], [sflag:$0x9] =	stream.linear.gather @!p2 [hbm4b:s25+s24], $0x80, $0x38;
	[tilespmem:$0x10300] =	vst v63  }
0x542: {  	s25 =	sadd.s32 @!p2 $0x180, s23;
	s26 =	simm.s32 @!p2 $0xB100  }
0x543: {  	[tilespmem:s26], [sflag:$0x9] =	stream.linear.gather @!p2 [hbm4b:s25+s24], $0x80, $0x38;
	[tilespmem:$0x10300] =	vst v63  }
0x544: {  	s25 =	sadd.s32 @!p2 $0x200, s23;
	s26 =	simm.s32 @!p2 $0xB500  }
0x545: {  	[tilespmem:s26], [sflag:$0x9] =	stream.linear.gather @!p2 [hbm4b:s25+s24], $0x80, $0x38;
	[tilespmem:$0x10300] =	vst v63  }
0x546: {  	s25 =	sadd.s32 @!p2 $0x280, s23;
	s26 =	simm.s32 @!p2 $0xB900  }
0x547: {  	[tilespmem:s26], [sflag:$0x9] =	stream.linear.gather @!p2 [hbm4b:s25+s24], $0x80, $0x38;
	[tilespmem:$0x10300] =	vst v63  }
0x548: {  	s25 =	sadd.s32 @!p2 $0x300, s23;
	s26 =	simm.s32 @!p2 $0xBD00  }
0x549: {  	[tilespmem:s26], [sflag:$0x9] =	stream.linear.gather @!p2 [hbm4b:s25+s24], $0x80, $0x38;
	[tilespmem:$0x10300] =	vst v63  }
0x54a: {  	s23 =	sadd.s32 @!p2 $0x380, s23;
	s25 =	simm.s32 @!p2 $0xC100  }
0x54b: {  	[tilespmem:s25], [sflag:$0x9] =	stream.linear.gather @!p2 [hbm4b:s23+s24], $0x80, $0x38;
	[tilespmem:$0x10300] =	vst v63  }
0x54c: {  	s23 =	simm.s32 @!p2 $0x9  }
0x54d: {  	_ =	swait.ge @!p2 [sflag:s23], $0x400  }
0x54e: {  	(v2sf) =	vpush v63, $0xD;
	_ =	sdelay $0xe  }
0x54f: {  	s24 =	spop (v2sf)  }
0x550: {  	p1 =	slt.s32 s24, $0x186A0  }
0x551: {  	s25 =	sshll.u32 @!p1 s24, $0xA;
	s24 =	sshll.u32 @!p1 s24, $0x7  }
0x552: {  	s25 =	sand.u32 @!p1 $0xFFFFE000, s25;
	s24 =	sand.u32 @!p1 $0x380, s24  }
0x553: {  	s24 =	sor.u32 @!p1 s24, s25  }
0x554: {  	[sflag:s23] =	ssyncset.done @!p2 $0x0;
	s24 =	sadd.s32 @!p1 $0xF9E58000, s24  }
0x555: {  	[sflag:s23] =	ssyncadd.s32 @!p2 $0xFFFFFC00;
	s23 =	sshrl.u32 @!p1 s24, $0x3  }
0x556: {  	s25 =	simm.s32 @!p1 $0xA580;
	s24 =	simm.s32 @!p1 $0x0;
	s23 =	sadd.s32 @!p1 s2, s23  }
0x557: {  	[tilespmem:s25], [sflag:$0x9] =	stream.linear.gather @!p1 [hbm4b:s23+s24], $0x80, $0x38;
	[tilespmem:$0x10300] =	vst v63  }
0x558: {  	s26 =	simm.s32 @!p1 $0xA980;
	s25 =	sadd.s32 @!p1 $0x80, s23  }
0x559: {  	[tilespmem:s26], [sflag:$0x9] =	stream.linear.gather @!p1 [hbm4b:s25+s24], $0x80, $0x38;
	[tilespmem:$0x10300] =	vst v63  }
0x55a: {  	s25 =	sadd.s32 @!p1 $0x100, s23;
	s26 =	simm.s32 @!p1 $0xAD80  }
0x55b: {  	[tilespmem:s26], [sflag:$0x9] =	stream.linear.gather @!p1 [hbm4b:s25+s24], $0x80, $0x38;
	[tilespmem:$0x10300] =	vst v63  }
0x55c: {  	s25 =	sadd.s32 @!p1 $0x180, s23;
	s26 =	simm.s32 @!p1 $0xB180  }
0x55d: {  	[tilespmem:s26], [sflag:$0x9] =	stream.linear.gather @!p1 [hbm4b:s25+s24], $0x80, $0x38;
	[tilespmem:$0x10300] =	vst v63  }
0x55e: {  	s25 =	sadd.s32 @!p1 $0x200, s23;
	s26 =	simm.s32 @!p1 $0xB580  }
0x55f: {  	[tilespmem:s26], [sflag:$0x9] =	stream.linear.gather @!p1 [hbm4b:s25+s24], $0x80, $0x38;
	[tilespmem:$0x10300] =	vst v63  }
0x560: {  	s25 =	sadd.s32 @!p1 $0x280, s23;
	s26 =	simm.s32 @!p1 $0xB980  }
0x561: {  	[tilespmem:s26], [sflag:$0x9] =	stream.linear.gather @!p1 [hbm4b:s25+s24], $0x80, $0x38;
	[tilespmem:$0x10300] =	vst v63  }
0x562: {  	s25 =	sadd.s32 @!p1 $0x300, s23;
	s26 =	simm.s32 @!p1 $0xBD80  }
0x563: {  	[tilespmem:s26], [sflag:$0x9] =	stream.linear.gather @!p1 [hbm4b:s25+s24], $0x80, $0x38;
	[tilespmem:$0x10300] =	vst v63  }
0x564: {  	s23 =	sadd.s32 @!p1 $0x380, s23;
	s25 =	simm.s32 @!p1 $0xC180  }
0x565: {  	[tilespmem:s25], [sflag:$0x9] =	stream.linear.gather @!p1 [hbm4b:s23+s24], $0x80, $0x38;
	[tilespmem:$0x10300] =	vst v63  }
0x566: {  	s23 =	simm.s32 @!p1 $0x9  }
0x567: {  	_ =	swait.ge @!p1 [sflag:s23], $0x400  }
0x568: {  	(v2sf) =	vpush v63, $0xE;
	_ =	sdelay $0xe  }
0x569: {  	s24 =	spop (v2sf)  }
0x56a: {  	p2 =	slt.s32 s24, $0x186A0  }
0x56b: {  	s25 =	sshll.u32 @!p2 s24, $0xA;
	s24 =	sshll.u32 @!p2 s24, $0x7  }
0x56c: {  	s25 =	sand.u32 @!p2 $0xFFFFE000, s25;
	s24 =	sand.u32 @!p2 $0x380, s24  }
0x56d: {  	s24 =	sor.u32 @!p2 s24, s25  }
0x56e: {  	[sflag:s23] =	ssyncset.done @!p1 $0x0;
	s24 =	sadd.s32 @!p2 $0xF9E58000, s24  }
0x56f: {  	[sflag:s23] =	ssyncadd.s32 @!p1 $0xFFFFFC00;
	s23 =	sshrl.u32 @!p2 s24, $0x3  }
0x570: {  	s25 =	simm.s32 @!p2 $0xA600;
	s24 =	simm.s32 @!p2 $0x0;
	s23 =	sadd.s32 @!p2 s2, s23  }
0x571: {  	[tilespmem:s25], [sflag:$0x9] =	stream.linear.gather @!p2 [hbm4b:s23+s24], $0x80, $0x38;
	[tilespmem:$0x10300] =	vst v63  }
0x572: {  	s26 =	simm.s32 @!p2 $0xAA00;
	s25 =	sadd.s32 @!p2 $0x80, s23  }
0x573: {  	[tilespmem:s26], [sflag:$0x9] =	stream.linear.gather @!p2 [hbm4b:s25+s24], $0x80, $0x38;
	[tilespmem:$0x10300] =	vst v63  }
0x574: {  	s25 =	sadd.s32 @!p2 $0x100, s23;
	s26 =	simm.s32 @!p2 $0xAE00  }
0x575: {  	[tilespmem:s26], [sflag:$0x9] =	stream.linear.gather @!p2 [hbm4b:s25+s24], $0x80, $0x38;
	[tilespmem:$0x10300] =	vst v63  }
0x576: {  	s25 =	sadd.s32 @!p2 $0x180, s23;
	s26 =	simm.s32 @!p2 $0xB200  }
0x577: {  	[tilespmem:s26], [sflag:$0x9] =	stream.linear.gather @!p2 [hbm4b:s25+s24], $0x80, $0x38;
	[tilespmem:$0x10300] =	vst v63  }
0x578: {  	s25 =	sadd.s32 @!p2 $0x200, s23;
	s26 =	simm.s32 @!p2 $0xB600  }
0x579: {  	[tilespmem:s26], [sflag:$0x9] =	stream.linear.gather @!p2 [hbm4b:s25+s24], $0x80, $0x38;
	[tilespmem:$0x10300] =	vst v63  }
0x57a: {  	s25 =	sadd.s32 @!p2 $0x280, s23;
	s26 =	simm.s32 @!p2 $0xBA00  }
0x57b: {  	[tilespmem:s26], [sflag:$0x9] =	stream.linear.gather @!p2 [hbm4b:s25+s24], $0x80, $0x38;
	[tilespmem:$0x10300] =	vst v63  }
0x57c: {  	s25 =	sadd.s32 @!p2 $0x300, s23;
	s26 =	simm.s32 @!p2 $0xBE00  }
0x57d: {  	[tilespmem:s26], [sflag:$0x9] =	stream.linear.gather @!p2 [hbm4b:s25+s24], $0x80, $0x38;
	[tilespmem:$0x10300] =	vst v63  }
0x57e: {  	s23 =	sadd.s32 @!p2 $0x380, s23;
	s25 =	simm.s32 @!p2 $0xC200  }
0x57f: {  	[tilespmem:s25], [sflag:$0x9] =	stream.linear.gather @!p2 [hbm4b:s23+s24], $0x80, $0x38;
	[tilespmem:$0x10300] =	vst v63  }
0x580: {  	s23 =	simm.s32 @!p2 $0x9  }
0x581: {  	_ =	swait.ge @!p2 [sflag:s23], $0x400  }
0x582: {  	(v2sf) =	vpush v63, $0xF;
	_ =	sdelay $0xe  }
0x583: {  	s24 =	spop (v2sf)  }
0x584: {  	p1 =	slt.s32 s24, $0x186A0  }
0x585: {  	s25 =	sshll.u32 @!p1 s24, $0xA;
	s24 =	sshll.u32 @!p1 s24, $0x7  }
0x586: {  	s25 =	sand.u32 @!p1 $0xFFFFE000, s25;
	s24 =	sand.u32 @!p1 $0x380, s24  }
0x587: {  	s24 =	sor.u32 @!p1 s24, s25  }
0x588: {  	[sflag:s23] =	ssyncset.done @!p2 $0x0;
	s24 =	sadd.s32 @!p1 $0xF9E58000, s24  }
0x589: {  	[sflag:s23] =	ssyncadd.s32 @!p2 $0xFFFFFC00;
	s23 =	sshrl.u32 @!p1 s24, $0x3  }
0x58a: {  	s25 =	simm.s32 @!p1 $0xA680;
	s24 =	simm.s32 @!p1 $0x0;
	s23 =	sadd.s32 @!p1 s2, s23  }
0x58b: {  	[tilespmem:s25], [sflag:$0x9] =	stream.linear.gather @!p1 [hbm4b:s23+s24], $0x80, $0x38;
	[tilespmem:$0x10300] =	vst v63  }
0x58c: {  	s26 =	simm.s32 @!p1 $0xAA80;
	s25 =	sadd.s32 @!p1 $0x80, s23  }
0x58d: {  	[tilespmem:s26], [sflag:$0x9] =	stream.linear.gather @!p1 [hbm4b:s25+s24], $0x80, $0x38;
	[tilespmem:$0x10300] =	vst v63  }
0x58e: {  	s25 =	sadd.s32 @!p1 $0x100, s23;
	s26 =	simm.s32 @!p1 $0xAE80  }
0x58f: {  	[tilespmem:s26], [sflag:$0x9] =	stream.linear.gather @!p1 [hbm4b:s25+s24], $0x80, $0x38;
	[tilespmem:$0x10300] =	vst v63  }
0x590: {  	s25 =	sadd.s32 @!p1 $0x180, s23;
	s26 =	simm.s32 @!p1 $0xB280  }
0x591: {  	[tilespmem:s26], [sflag:$0x9] =	stream.linear.gather @!p1 [hbm4b:s25+s24], $0x80, $0x38;
	[tilespmem:$0x10300] =	vst v63  }
0x592: {  	s25 =	sadd.s32 @!p1 $0x200, s23;
	s26 =	simm.s32 @!p1 $0xB680  }
0x593: {  	[tilespmem:s26], [sflag:$0x9] =	stream.linear.gather @!p1 [hbm4b:s25+s24], $0x80, $0x38;
	[tilespmem:$0x10300] =	vst v63  }
0x594: {  	s25 =	sadd.s32 @!p1 $0x280, s23;
	s26 =	simm.s32 @!p1 $0xBA80  }
0x595: {  	[tilespmem:s26], [sflag:$0x9] =	stream.linear.gather @!p1 [hbm4b:s25+s24], $0x80, $0x38;
	[tilespmem:$0x10300] =	vst v63  }
0x596: {  	s25 =	sadd.s32 @!p1 $0x300, s23;
	s26 =	simm.s32 @!p1 $0xBE80  }
0x597: {  	[tilespmem:s26], [sflag:$0x9] =	stream.linear.gather @!p1 [hbm4b:s25+s24], $0x80, $0x38;
	[tilespmem:$0x10300] =	vst v63  }
0x598: {  	s23 =	sadd.s32 @!p1 $0x380, s23;
	s25 =	simm.s32 @!p1 $0xC280  }
0x599: {  	[tilespmem:s25], [sflag:$0x9] =	stream.linear.gather @!p1 [hbm4b:s23+s24], $0x80, $0x38;
	[tilespmem:$0x10300] =	vst v63  }
0x59a: {  	s23 =	simm.s32 @!p1 $0x9  }
0x59b: {  	_ =	swait.ge @!p1 [sflag:s23], $0x400  }
0x59c: {  	s26 =	rddreg [dreg:$0x7];
	[sflag:s23] =	ssyncset.done @!p1 $0x0  }
0x59d: {  	[sflag:s23] =	ssyncadd.s32 @!p1 $0xFFFFFC00;
	s24 =	sadd.s32 s20, s26;
	s23 =	simm.s32 @!p0 $0x6  }
0x59e: {  	[hbm4b:s24+s4] =	stream.linear.scatter [tilespmem:s30], [sflag:$0x7], $0x4000, $0x38;
	[tilespmem:$0x10300] =	vst v63  }
0x59f: {  	_ =	swait.ge @!p0 [sflag:s23], $0x4000  }
0x5a0: {  	[sflag:s23] =	ssyncset.done @!p0 $0x0  }
0x5a1: {  	[sflag:s23] =	ssyncadd.s32 @!p0 $0xFFFFC000  }
0x5a2: {  	v6 =	vld @!p0 [tilespmem:s19+$0x20];
	_ =	sdelay $0x4  }
0x5a3: {  	vm2 =	vgt.s32 @!p0 v6, $0x1869F  }
0x5a4: {  	v6 =	vsel @!p0 vm2, $0x0, v6  }
0x5a5: {  	v7 =	vshll.u32 @!p0 v6, $0x3  }
0x5a6: {  	v8 =	vand.u32 @!p0 $0x7, v6;
	v7 =	vand.u32 @!p0 $0xFFFFFFC0, v7  }
0x5a7: {  	v7 =	vor.u32 @!p0 v8, v7  }
0x5a8: {  	v4 =	vperm.xlane @!p0 v7, v4;
	_ =	sdelay $0x1  }
0x5a9: {  	v4 =	vadd.s32 @!p0 v3, v4;
	_ =	sdelay $0x3  }
0x5aa: {  	s23 =	simm.s32 @!p0 $0x4300;
	[tilespmem:$0x180] =	vst @!p0 v6  }
0x5ab: {  	[tilespmem:s23], [sflag:$0x2] =	stream.indirect_vreg.gather @!p0 [hbm4b:s1+s22], $0x80, v4, vm1, $0xb8;
	[tilespmem:$0x10300] =	vst v63  }
0x5ac: {  	v5 =	vperm.xlane @!p0 v7, v5;
	s23 =	simm.s32 @!p0 $0x4B00  }
0x5ad: {  	[tilespmem:s23], [sflag:$0x2] =	stream.indirect_vreg.gather @!p0 [hbm4b:s6+s22], $0x80, v4, vm1, $0xb8;
	[tilespmem:$0x10300] =	vst v63  }
0x5ae: {  	v3 =	vadd.s32 @!p0 v3, v5;
	s23 =	simm.s32 @!p0 $0x5300  }
0x5af: {  	[tilespmem:s23], [sflag:$0x2] =	stream.indirect_vreg.gather @!p0 [hbm4b:s7+s22], $0x80, v4, vm1, $0xb8;
	[tilespmem:$0x10300] =	vst v63  }
0x5b0: {  	s23 =	simm.s32 @!p0 $0x5B00  }
0x5b1: {  	[tilespmem:s23], [sflag:$0x2] =	stream.indirect_vreg.gather @!p0 [hbm4b:s8+s22], $0x80, v4, vm1, $0xb8;
	[tilespmem:$0x10300] =	vst v63  }
0x5b2: {  	s23 =	simm.s32 @!p0 $0x6300  }
0x5b3: {  	[tilespmem:s23], [sflag:$0x2] =	stream.indirect_vreg.gather @!p0 [hbm4b:s1+s22], $0x80, v3, vm1, $0xb8;
	[tilespmem:$0x10300] =	vst v63  }
0x5b4: {  	s23 =	simm.s32 @!p0 $0x6B00  }
0x5b5: {  	[tilespmem:s23], [sflag:$0x2] =	stream.indirect_vreg.gather @!p0 [hbm4b:s6+s22], $0x80, v3, vm1, $0xb8;
	[tilespmem:$0x10300] =	vst v63  }
0x5b6: {  	s23 =	simm.s32 @!p0 $0x7300  }
0x5b7: {  	[tilespmem:s23], [sflag:$0x2] =	stream.indirect_vreg.gather @!p0 [hbm4b:s7+s22], $0x80, v3, vm1, $0xb8;
	[tilespmem:$0x10300] =	vst v63  }
0x5b8: {  	s23 =	simm.s32 @!p0 $0x7B00  }
0x5b9: {  	[tilespmem:s23], [sflag:$0x2] =	stream.indirect_vreg.gather @!p0 [hbm4b:s8+s22], $0x80, v3, vm1, $0xb8;
	[tilespmem:$0x10300] =	vst v63  }
0x5ba: {  	_ =	swait.ge [sflag:s11], $0x4000  }
0x5bb: {  	[sflag:s11] =	ssyncset.done $0x0  }
0x5bc: {  	[sflag:s11] =	ssyncadd.s32 $0xFFFFC000  }
0x5bd: {  	v3 =	vld [tilespmem:s19+$0x0];
	_ =	sdelay $0x4  }
0x5be: {  	(v2sf) =	vpush v3, $0x0;
	_ =	sdelay $0xe  }
0x5bf: {  	s22 =	spop (v2sf)  }
0x5c0: {  	p1 =	slt.s32 s22, $0x186A0  }
0x5c1: {  	s23 =	sshll.u32 @!p1 s22, $0xA;
	s22 =	sshll.u32 @!p1 s22, $0x7  }
0x5c2: {  	s23 =	sand.u32 @!p1 $0xFFFFE000, s23;
	s22 =	sand.u32 @!p1 $0x380, s22  }
0x5c3: {  	s22 =	sor.u32 @!p1 s22, s23  }
0x5c4: {  	s22 =	sadd.s32 @!p1 $0xF9E58000, s22  }
0x5c5: {  	s22 =	sshrl.u32 @!p1 s22, $0x3  }
0x5c6: {  	s24 =	simm.s32 @!p1 $0xC300;
	s23 =	simm.s32 @!p1 $0x0;
	s22 =	sadd.s32 @!p1 s2, s22  }
0x5c7: {  	[tilespmem:s24], [sflag:$0x9] =	stream.linear.gather @!p1 [hbm4b:s22+s23], $0x80, $0x38;
	[tilespmem:$0x10300] =	vst v63  }
0x5c8: {  	s25 =	simm.s32 @!p1 $0xC700;
	s24 =	sadd.s32 @!p1 $0x80, s22  }
0x5c9: {  	[tilespmem:s25], [sflag:$0x9] =	stream.linear.gather @!p1 [hbm4b:s24+s23], $0x80, $0x38;
	[tilespmem:$0x10300] =	vst v63  }
0x5ca: {  	s24 =	sadd.s32 @!p1 $0x100, s22;
	s25 =	simm.s32 @!p1 $0xCB00  }
0x5cb: {  	[tilespmem:s25], [sflag:$0x9] =	stream.linear.gather @!p1 [hbm4b:s24+s23], $0x80, $0x38;
	[tilespmem:$0x10300] =	vst v63  }
0x5cc: {  	s24 =	sadd.s32 @!p1 $0x180, s22;
	s25 =	simm.s32 @!p1 $0xCF00  }
0x5cd: {  	[tilespmem:s25], [sflag:$0x9] =	stream.linear.gather @!p1 [hbm4b:s24+s23], $0x80, $0x38;
	[tilespmem:$0x10300] =	vst v63  }
0x5ce: {  	s24 =	sadd.s32 @!p1 $0x200, s22;
	s25 =	simm.s32 @!p1 $0xD300  }
0x5cf: {  	[tilespmem:s25], [sflag:$0x9] =	stream.linear.gather @!p1 [hbm4b:s24+s23], $0x80, $0x38;
	[tilespmem:$0x10300] =	vst v63  }
0x5d0: {  	s24 =	sadd.s32 @!p1 $0x280, s22;
	s25 =	simm.s32 @!p1 $0xD700  }
0x5d1: {  	[tilespmem:s25], [sflag:$0x9] =	stream.linear.gather @!p1 [hbm4b:s24+s23], $0x80, $0x38;
	[tilespmem:$0x10300] =	vst v63  }
0x5d2: {  	s24 =	sadd.s32 @!p1 $0x300, s22;
	s25 =	simm.s32 @!p1 $0xDB00  }
0x5d3: {  	[tilespmem:s25], [sflag:$0x9] =	stream.linear.gather @!p1 [hbm4b:s24+s23], $0x80, $0x38;
	[tilespmem:$0x10300] =	vst v63  }
0x5d4: {  	s22 =	sadd.s32 @!p1 $0x380, s22;
	s24 =	simm.s32 @!p1 $0xDF00  }
0x5d5: {  	[tilespmem:s24], [sflag:$0x9] =	stream.linear.gather @!p1 [hbm4b:s22+s23], $0x80, $0x38;
	[tilespmem:$0x10300] =	vst v63  }
0x5d6: {  	s22 =	simm.s32 @!p1 $0x9  }
0x5d7: {  	_ =	swait.ge @!p1 [sflag:s22], $0x400  }
0x5d8: {  	(v2sf) =	vpush v3, $0x1;
	_ =	sdelay $0xe  }
0x5d9: {  	s23 =	spop (v2sf)  }
0x5da: {  	p0 =	slt.s32 s23, $0x186A0  }
0x5db: {  	s24 =	sshll.u32 @!p0 s23, $0xA;
	s23 =	sshll.u32 @!p0 s23, $0x7  }
0x5dc: {  	s24 =	sand.u32 @!p0 $0xFFFFE000, s24;
	s23 =	sand.u32 @!p0 $0x380, s23  }
0x5dd: {  	s23 =	sor.u32 @!p0 s23, s24  }
0x5de: {  	[sflag:s22] =	ssyncset.done @!p1 $0x0;
	s23 =	sadd.s32 @!p0 $0xF9E58000, s23  }
0x5df: {  	[sflag:s22] =	ssyncadd.s32 @!p1 $0xFFFFFC00;
	s22 =	sshrl.u32 @!p0 s23, $0x3  }
0x5e0: {  	s24 =	simm.s32 @!p0 $0xC380;
	s23 =	simm.s32 @!p0 $0x0;
	s22 =	sadd.s32 @!p0 s2, s22  }
0x5e1: {  	[tilespmem:s24], [sflag:$0x9] =	stream.linear.gather @!p0 [hbm4b:s22+s23], $0x80, $0x38;
	[tilespmem:$0x10300] =	vst v63  }
0x5e2: {  	s25 =	simm.s32 @!p0 $0xC780;
	s24 =	sadd.s32 @!p0 $0x80, s22  }
0x5e3: {  	[tilespmem:s25], [sflag:$0x9] =	stream.linear.gather @!p0 [hbm4b:s24+s23], $0x80, $0x38;
	[tilespmem:$0x10300] =	vst v63  }
0x5e4: {  	s24 =	sadd.s32 @!p0 $0x100, s22;
	s25 =	simm.s32 @!p0 $0xCB80  }
0x5e5: {  	[tilespmem:s25], [sflag:$0x9] =	stream.linear.gather @!p0 [hbm4b:s24+s23], $0x80, $0x38;
	[tilespmem:$0x10300] =	vst v63  }
0x5e6: {  	s24 =	sadd.s32 @!p0 $0x180, s22;
	s25 =	simm.s32 @!p0 $0xCF80  }
0x5e7: {  	[tilespmem:s25], [sflag:$0x9] =	stream.linear.gather @!p0 [hbm4b:s24+s23], $0x80, $0x38;
	[tilespmem:$0x10300] =	vst v63  }
0x5e8: {  	s24 =	sadd.s32 @!p0 $0x200, s22;
	s25 =	simm.s32 @!p0 $0xD380  }
0x5e9: {  	[tilespmem:s25], [sflag:$0x9] =	stream.linear.gather @!p0 [hbm4b:s24+s23], $0x80, $0x38;
	[tilespmem:$0x10300] =	vst v63  }
0x5ea: {  	s24 =	sadd.s32 @!p0 $0x280, s22;
	s25 =	simm.s32 @!p0 $0xD780  }
0x5eb: {  	[tilespmem:s25], [sflag:$0x9] =	stream.linear.gather @!p0 [hbm4b:s24+s23], $0x80, $0x38;
	[tilespmem:$0x10300] =	vst v63  }
0x5ec: {  	s24 =	sadd.s32 @!p0 $0x300, s22;
	s25 =	simm.s32 @!p0 $0xDB80  }
0x5ed: {  	[tilespmem:s25], [sflag:$0x9] =	stream.linear.gather @!p0 [hbm4b:s24+s23], $0x80, $0x38;
	[tilespmem:$0x10300] =	vst v63  }
0x5ee: {  	s22 =	sadd.s32 @!p0 $0x380, s22;
	s24 =	simm.s32 @!p0 $0xDF80  }
0x5ef: {  	[tilespmem:s24], [sflag:$0x9] =	stream.linear.gather @!p0 [hbm4b:s22+s23], $0x80, $0x38;
	[tilespmem:$0x10300] =	vst v63  }
0x5f0: {  	s22 =	simm.s32 @!p0 $0x9  }
0x5f1: {  	_ =	swait.ge @!p0 [sflag:s22], $0x400  }
0x5f2: {  	(v2sf) =	vpush v3, $0x2;
	_ =	sdelay $0xe  }
0x5f3: {  	s23 =	spop (v2sf)  }
0x5f4: {  	p1 =	slt.s32 s23, $0x186A0  }
0x5f5: {  	s24 =	sshll.u32 @!p1 s23, $0xA;
	s23 =	sshll.u32 @!p1 s23, $0x7  }
0x5f6: {  	s24 =	sand.u32 @!p1 $0xFFFFE000, s24;
	s23 =	sand.u32 @!p1 $0x380, s23  }
0x5f7: {  	s23 =	sor.u32 @!p1 s23, s24  }
0x5f8: {  	[sflag:s22] =	ssyncset.done @!p0 $0x0;
	s23 =	sadd.s32 @!p1 $0xF9E58000, s23  }
0x5f9: {  	[sflag:s22] =	ssyncadd.s32 @!p0 $0xFFFFFC00;
	s22 =	sshrl.u32 @!p1 s23, $0x3  }
0x5fa: {  	s24 =	simm.s32 @!p1 $0xC400;
	s23 =	simm.s32 @!p1 $0x0;
	s22 =	sadd.s32 @!p1 s2, s22  }
0x5fb: {  	[tilespmem:s24], [sflag:$0x9] =	stream.linear.gather @!p1 [hbm4b:s22+s23], $0x80, $0x38;
	[tilespmem:$0x10300] =	vst v63  }
0x5fc: {  	s25 =	simm.s32 @!p1 $0xC800;
	s24 =	sadd.s32 @!p1 $0x80, s22  }
0x5fd: {  	[tilespmem:s25], [sflag:$0x9] =	stream.linear.gather @!p1 [hbm4b:s24+s23], $0x80, $0x38;
	[tilespmem:$0x10300] =	vst v63  }
0x5fe: {  	s24 =	sadd.s32 @!p1 $0x100, s22;
	s25 =	simm.s32 @!p1 $0xCC00  }
0x5ff: {  	[tilespmem:s25], [sflag:$0x9] =	stream.linear.gather @!p1 [hbm4b:s24+s23], $0x80, $0x38;
	[tilespmem:$0x10300] =	vst v63  }
0x600: {  	s24 =	sadd.s32 @!p1 $0x180, s22;
	s25 =	simm.s32 @!p1 $0xD000  }
0x601: {  	[tilespmem:s25], [sflag:$0x9] =	stream.linear.gather @!p1 [hbm4b:s24+s23], $0x80, $0x38;
	[tilespmem:$0x10300] =	vst v63  }
0x602: {  	s24 =	sadd.s32 @!p1 $0x200, s22;
	s25 =	simm.s32 @!p1 $0xD400  }
0x603: {  	[tilespmem:s25], [sflag:$0x9] =	stream.linear.gather @!p1 [hbm4b:s24+s23], $0x80, $0x38;
	[tilespmem:$0x10300] =	vst v63  }
0x604: {  	s24 =	sadd.s32 @!p1 $0x280, s22;
	s25 =	simm.s32 @!p1 $0xD800  }
0x605: {  	[tilespmem:s25], [sflag:$0x9] =	stream.linear.gather @!p1 [hbm4b:s24+s23], $0x80, $0x38;
	[tilespmem:$0x10300] =	vst v63  }
0x606: {  	s24 =	sadd.s32 @!p1 $0x300, s22;
	s25 =	simm.s32 @!p1 $0xDC00  }
0x607: {  	[tilespmem:s25], [sflag:$0x9] =	stream.linear.gather @!p1 [hbm4b:s24+s23], $0x80, $0x38;
	[tilespmem:$0x10300] =	vst v63  }
0x608: {  	s22 =	sadd.s32 @!p1 $0x380, s22;
	s24 =	simm.s32 @!p1 $0xE000  }
0x609: {  	[tilespmem:s24], [sflag:$0x9] =	stream.linear.gather @!p1 [hbm4b:s22+s23], $0x80, $0x38;
	[tilespmem:$0x10300] =	vst v63  }
0x60a: {  	s22 =	simm.s32 @!p1 $0x9  }
0x60b: {  	_ =	swait.ge @!p1 [sflag:s22], $0x400  }
0x60c: {  	(v2sf) =	vpush v3, $0x3;
	_ =	sdelay $0xe  }
0x60d: {  	s23 =	spop (v2sf)  }
0x60e: {  	p0 =	slt.s32 s23, $0x186A0  }
0x60f: {  	s24 =	sshll.u32 @!p0 s23, $0xA;
	s23 =	sshll.u32 @!p0 s23, $0x7  }
0x610: {  	s24 =	sand.u32 @!p0 $0xFFFFE000, s24;
	s23 =	sand.u32 @!p0 $0x380, s23  }
0x611: {  	s23 =	sor.u32 @!p0 s23, s24  }
0x612: {  	[sflag:s22] =	ssyncset.done @!p1 $0x0;
	s23 =	sadd.s32 @!p0 $0xF9E58000, s23  }
0x613: {  	[sflag:s22] =	ssyncadd.s32 @!p1 $0xFFFFFC00;
	s22 =	sshrl.u32 @!p0 s23, $0x3  }
0x614: {  	s24 =	simm.s32 @!p0 $0xC480;
	s23 =	simm.s32 @!p0 $0x0;
	s22 =	sadd.s32 @!p0 s2, s22  }
0x615: {  	[tilespmem:s24], [sflag:$0x9] =	stream.linear.gather @!p0 [hbm4b:s22+s23], $0x80, $0x38;
	[tilespmem:$0x10300] =	vst v63  }
0x616: {  	s25 =	simm.s32 @!p0 $0xC880;
	s24 =	sadd.s32 @!p0 $0x80, s22  }
0x617: {  	[tilespmem:s25], [sflag:$0x9] =	stream.linear.gather @!p0 [hbm4b:s24+s23], $0x80, $0x38;
	[tilespmem:$0x10300] =	vst v63  }
0x618: {  	s24 =	sadd.s32 @!p0 $0x100, s22;
	s25 =	simm.s32 @!p0 $0xCC80  }
0x619: {  	[tilespmem:s25], [sflag:$0x9] =	stream.linear.gather @!p0 [hbm4b:s24+s23], $0x80, $0x38;
	[tilespmem:$0x10300] =	vst v63  }
0x61a: {  	s24 =	sadd.s32 @!p0 $0x180, s22;
	s25 =	simm.s32 @!p0 $0xD080  }
0x61b: {  	[tilespmem:s25], [sflag:$0x9] =	stream.linear.gather @!p0 [hbm4b:s24+s23], $0x80, $0x38;
	[tilespmem:$0x10300] =	vst v63  }
0x61c: {  	s24 =	sadd.s32 @!p0 $0x200, s22;
	s25 =	simm.s32 @!p0 $0xD480  }
0x61d: {  	[tilespmem:s25], [sflag:$0x9] =	stream.linear.gather @!p0 [hbm4b:s24+s23], $0x80, $0x38;
	[tilespmem:$0x10300] =	vst v63  }
0x61e: {  	s24 =	sadd.s32 @!p0 $0x280, s22;
	s25 =	simm.s32 @!p0 $0xD880  }
0x61f: {  	[tilespmem:s25], [sflag:$0x9] =	stream.linear.gather @!p0 [hbm4b:s24+s23], $0x80, $0x38;
	[tilespmem:$0x10300] =	vst v63  }
0x620: {  	s24 =	sadd.s32 @!p0 $0x300, s22;
	s25 =	simm.s32 @!p0 $0xDC80  }
0x621: {  	[tilespmem:s25], [sflag:$0x9] =	stream.linear.gather @!p0 [hbm4b:s24+s23], $0x80, $0x38;
	[tilespmem:$0x10300] =	vst v63  }
0x622: {  	s22 =	sadd.s32 @!p0 $0x380, s22;
	s24 =	simm.s32 @!p0 $0xE080  }
0x623: {  	[tilespmem:s24], [sflag:$0x9] =	stream.linear.gather @!p0 [hbm4b:s22+s23], $0x80, $0x38;
	[tilespmem:$0x10300] =	vst v63  }
0x624: {  	s22 =	simm.s32 @!p0 $0x9  }
0x625: {  	_ =	swait.ge @!p0 [sflag:s22], $0x400  }
0x626: {  	(v2sf) =	vpush v3, $0x4;
	_ =	sdelay $0xe  }
0x627: {  	s23 =	spop (v2sf)  }
0x628: {  	p1 =	slt.s32 s23, $0x186A0  }
0x629: {  	s24 =	sshll.u32 @!p1 s23, $0xA;
	s23 =	sshll.u32 @!p1 s23, $0x7  }
0x62a: {  	s24 =	sand.u32 @!p1 $0xFFFFE000, s24;
	s23 =	sand.u32 @!p1 $0x380, s23  }
0x62b: {  	s23 =	sor.u32 @!p1 s23, s24  }
0x62c: {  	[sflag:s22] =	ssyncset.done @!p0 $0x0;
	s23 =	sadd.s32 @!p1 $0xF9E58000, s23  }
0x62d: {  	[sflag:s22] =	ssyncadd.s32 @!p0 $0xFFFFFC00;
	s22 =	sshrl.u32 @!p1 s23, $0x3  }
0x62e: {  	s24 =	simm.s32 @!p1 $0xC500;
	s23 =	simm.s32 @!p1 $0x0;
	s22 =	sadd.s32 @!p1 s2, s22  }
0x62f: {  	[tilespmem:s24], [sflag:$0x9] =	stream.linear.gather @!p1 [hbm4b:s22+s23], $0x80, $0x38;
	[tilespmem:$0x10300] =	vst v63  }
0x630: {  	s25 =	simm.s32 @!p1 $0xC900;
	s24 =	sadd.s32 @!p1 $0x80, s22  }
0x631: {  	[tilespmem:s25], [sflag:$0x9] =	stream.linear.gather @!p1 [hbm4b:s24+s23], $0x80, $0x38;
	[tilespmem:$0x10300] =	vst v63  }
0x632: {  	s24 =	sadd.s32 @!p1 $0x100, s22;
	s25 =	simm.s32 @!p1 $0xCD00  }
0x633: {  	[tilespmem:s25], [sflag:$0x9] =	stream.linear.gather @!p1 [hbm4b:s24+s23], $0x80, $0x38;
	[tilespmem:$0x10300] =	vst v63  }
0x634: {  	s24 =	sadd.s32 @!p1 $0x180, s22;
	s25 =	simm.s32 @!p1 $0xD100  }
0x635: {  	[tilespmem:s25], [sflag:$0x9] =	stream.linear.gather @!p1 [hbm4b:s24+s23], $0x80, $0x38;
	[tilespmem:$0x10300] =	vst v63  }
0x636: {  	s24 =	sadd.s32 @!p1 $0x200, s22;
	s25 =	simm.s32 @!p1 $0xD500  }
0x637: {  	[tilespmem:s25], [sflag:$0x9] =	stream.linear.gather @!p1 [hbm4b:s24+s23], $0x80, $0x38;
	[tilespmem:$0x10300] =	vst v63  }
0x638: {  	s24 =	sadd.s32 @!p1 $0x280, s22;
	s25 =	simm.s32 @!p1 $0xD900  }
0x639: {  	[tilespmem:s25], [sflag:$0x9] =	stream.linear.gather @!p1 [hbm4b:s24+s23], $0x80, $0x38;
	[tilespmem:$0x10300] =	vst v63  }
0x63a: {  	s24 =	sadd.s32 @!p1 $0x300, s22;
	s25 =	simm.s32 @!p1 $0xDD00  }
0x63b: {  	[tilespmem:s25], [sflag:$0x9] =	stream.linear.gather @!p1 [hbm4b:s24+s23], $0x80, $0x38;
	[tilespmem:$0x10300] =	vst v63  }
0x63c: {  	s22 =	sadd.s32 @!p1 $0x380, s22;
	s24 =	simm.s32 @!p1 $0xE100  }
0x63d: {  	[tilespmem:s24], [sflag:$0x9] =	stream.linear.gather @!p1 [hbm4b:s22+s23], $0x80, $0x38;
	[tilespmem:$0x10300] =	vst v63  }
0x63e: {  	s22 =	simm.s32 @!p1 $0x9  }
0x63f: {  	_ =	swait.ge @!p1 [sflag:s22], $0x400  }
0x640: {  	(v2sf) =	vpush v3, $0x5;
	_ =	sdelay $0xe  }
0x641: {  	s23 =	spop (v2sf)  }
0x642: {  	p0 =	slt.s32 s23, $0x186A0  }
0x643: {  	s24 =	sshll.u32 @!p0 s23, $0xA;
	s23 =	sshll.u32 @!p0 s23, $0x7  }
0x644: {  	s24 =	sand.u32 @!p0 $0xFFFFE000, s24;
	s23 =	sand.u32 @!p0 $0x380, s23  }
0x645: {  	s23 =	sor.u32 @!p0 s23, s24  }
0x646: {  	[sflag:s22] =	ssyncset.done @!p1 $0x0;
	s23 =	sadd.s32 @!p0 $0xF9E58000, s23  }
0x647: {  	[sflag:s22] =	ssyncadd.s32 @!p1 $0xFFFFFC00;
	s22 =	sshrl.u32 @!p0 s23, $0x3  }
0x648: {  	s24 =	simm.s32 @!p0 $0xC580;
	s23 =	simm.s32 @!p0 $0x0;
	s22 =	sadd.s32 @!p0 s2, s22  }
0x649: {  	[tilespmem:s24], [sflag:$0x9] =	stream.linear.gather @!p0 [hbm4b:s22+s23], $0x80, $0x38;
	[tilespmem:$0x10300] =	vst v63  }
0x64a: {  	s25 =	simm.s32 @!p0 $0xC980;
	s24 =	sadd.s32 @!p0 $0x80, s22  }
0x64b: {  	[tilespmem:s25], [sflag:$0x9] =	stream.linear.gather @!p0 [hbm4b:s24+s23], $0x80, $0x38;
	[tilespmem:$0x10300] =	vst v63  }
0x64c: {  	s24 =	sadd.s32 @!p0 $0x100, s22;
	s25 =	simm.s32 @!p0 $0xCD80  }
0x64d: {  	[tilespmem:s25], [sflag:$0x9] =	stream.linear.gather @!p0 [hbm4b:s24+s23], $0x80, $0x38;
	[tilespmem:$0x10300] =	vst v63  }
0x64e: {  	s24 =	sadd.s32 @!p0 $0x180, s22;
	s25 =	simm.s32 @!p0 $0xD180  }
0x64f: {  	[tilespmem:s25], [sflag:$0x9] =	stream.linear.gather @!p0 [hbm4b:s24+s23], $0x80, $0x38;
	[tilespmem:$0x10300] =	vst v63  }
0x650: {  	s24 =	sadd.s32 @!p0 $0x200, s22;
	s25 =	simm.s32 @!p0 $0xD580  }
0x651: {  	[tilespmem:s25], [sflag:$0x9] =	stream.linear.gather @!p0 [hbm4b:s24+s23], $0x80, $0x38;
	[tilespmem:$0x10300] =	vst v63  }
0x652: {  	s24 =	sadd.s32 @!p0 $0x280, s22;
	s25 =	simm.s32 @!p0 $0xD980  }
0x653: {  	[tilespmem:s25], [sflag:$0x9] =	stream.linear.gather @!p0 [hbm4b:s24+s23], $0x80, $0x38;
	[tilespmem:$0x10300] =	vst v63  }
0x654: {  	s24 =	sadd.s32 @!p0 $0x300, s22;
	s25 =	simm.s32 @!p0 $0xDD80  }
0x655: {  	[tilespmem:s25], [sflag:$0x9] =	stream.linear.gather @!p0 [hbm4b:s24+s23], $0x80, $0x38;
	[tilespmem:$0x10300] =	vst v63  }
0x656: {  	s22 =	sadd.s32 @!p0 $0x380, s22;
	s24 =	simm.s32 @!p0 $0xE180  }
0x657: {  	[tilespmem:s24], [sflag:$0x9] =	stream.linear.gather @!p0 [hbm4b:s22+s23], $0x80, $0x38;
	[tilespmem:$0x10300] =	vst v63  }
0x658: {  	s22 =	simm.s32 @!p0 $0x9  }
0x659: {  	_ =	swait.ge @!p0 [sflag:s22], $0x400  }
0x65a: {  	(v2sf) =	vpush v3, $0x6;
	_ =	sdelay $0xe  }
0x65b: {  	s23 =	spop (v2sf)  }
0x65c: {  	p1 =	slt.s32 s23, $0x186A0  }
0x65d: {  	s24 =	sshll.u32 @!p1 s23, $0xA;
	s23 =	sshll.u32 @!p1 s23, $0x7  }
0x65e: {  	s24 =	sand.u32 @!p1 $0xFFFFE000, s24;
	s23 =	sand.u32 @!p1 $0x380, s23  }
0x65f: {  	s23 =	sor.u32 @!p1 s23, s24  }
0x660: {  	[sflag:s22] =	ssyncset.done @!p0 $0x0;
	s23 =	sadd.s32 @!p1 $0xF9E58000, s23  }
0x661: {  	[sflag:s22] =	ssyncadd.s32 @!p0 $0xFFFFFC00;
	s22 =	sshrl.u32 @!p1 s23, $0x3  }
0x662: {  	s24 =	simm.s32 @!p1 $0xC600;
	s23 =	simm.s32 @!p1 $0x0;
	s22 =	sadd.s32 @!p1 s2, s22  }
0x663: {  	[tilespmem:s24], [sflag:$0x9] =	stream.linear.gather @!p1 [hbm4b:s22+s23], $0x80, $0x38;
	[tilespmem:$0x10300] =	vst v63  }
0x664: {  	s25 =	simm.s32 @!p1 $0xCA00;
	s24 =	sadd.s32 @!p1 $0x80, s22  }
0x665: {  	[tilespmem:s25], [sflag:$0x9] =	stream.linear.gather @!p1 [hbm4b:s24+s23], $0x80, $0x38;
	[tilespmem:$0x10300] =	vst v63  }
0x666: {  	s24 =	sadd.s32 @!p1 $0x100, s22;
	s25 =	simm.s32 @!p1 $0xCE00  }
0x667: {  	[tilespmem:s25], [sflag:$0x9] =	stream.linear.gather @!p1 [hbm4b:s24+s23], $0x80, $0x38;
	[tilespmem:$0x10300] =	vst v63  }
0x668: {  	s24 =	sadd.s32 @!p1 $0x180, s22;
	s25 =	simm.s32 @!p1 $0xD200  }
0x669: {  	[tilespmem:s25], [sflag:$0x9] =	stream.linear.gather @!p1 [hbm4b:s24+s23], $0x80, $0x38;
	[tilespmem:$0x10300] =	vst v63  }
0x66a: {  	s24 =	sadd.s32 @!p1 $0x200, s22;
	s25 =	simm.s32 @!p1 $0xD600  }
0x66b: {  	[tilespmem:s25], [sflag:$0x9] =	stream.linear.gather @!p1 [hbm4b:s24+s23], $0x80, $0x38;
	[tilespmem:$0x10300] =	vst v63  }
0x66c: {  	s24 =	sadd.s32 @!p1 $0x280, s22;
	s25 =	simm.s32 @!p1 $0xDA00  }
0x66d: {  	[tilespmem:s25], [sflag:$0x9] =	stream.linear.gather @!p1 [hbm4b:s24+s23], $0x80, $0x38;
	[tilespmem:$0x10300] =	vst v63  }
0x66e: {  	s24 =	sadd.s32 @!p1 $0x300, s22;
	s25 =	simm.s32 @!p1 $0xDE00  }
0x66f: {  	[tilespmem:s25], [sflag:$0x9] =	stream.linear.gather @!p1 [hbm4b:s24+s23], $0x80, $0x38;
	[tilespmem:$0x10300] =	vst v63  }
0x670: {  	s22 =	sadd.s32 @!p1 $0x380, s22;
	s24 =	simm.s32 @!p1 $0xE200  }
0x671: {  	[tilespmem:s24], [sflag:$0x9] =	stream.linear.gather @!p1 [hbm4b:s22+s23], $0x80, $0x38;
	[tilespmem:$0x10300] =	vst v63  }
0x672: {  	s22 =	simm.s32 @!p1 $0x9  }
0x673: {  	_ =	swait.ge @!p1 [sflag:s22], $0x400  }
0x674: {  	(v2sf) =	vpush v3, $0x7;
	_ =	sdelay $0xe  }
0x675: {  	s23 =	spop (v2sf)  }
0x676: {  	p0 =	slt.s32 s23, $0x186A0  }
0x677: {  	s24 =	sshll.u32 @!p0 s23, $0xA;
	s23 =	sshll.u32 @!p0 s23, $0x7  }
0x678: {  	s24 =	sand.u32 @!p0 $0xFFFFE000, s24;
	s23 =	sand.u32 @!p0 $0x380, s23  }
0x679: {  	s23 =	sor.u32 @!p0 s23, s24  }
0x67a: {  	[sflag:s22] =	ssyncset.done @!p1 $0x0;
	s23 =	sadd.s32 @!p0 $0xF9E58000, s23  }
0x67b: {  	[sflag:s22] =	ssyncadd.s32 @!p1 $0xFFFFFC00;
	s22 =	sshrl.u32 @!p0 s23, $0x3  }
0x67c: {  	s24 =	simm.s32 @!p0 $0xC680;
	s23 =	simm.s32 @!p0 $0x0;
	s22 =	sadd.s32 @!p0 s2, s22  }
0x67d: {  	[tilespmem:s24], [sflag:$0x9] =	stream.linear.gather @!p0 [hbm4b:s22+s23], $0x80, $0x38;
	[tilespmem:$0x10300] =	vst v63  }
0x67e: {  	s25 =	simm.s32 @!p0 $0xCA80;
	s24 =	sadd.s32 @!p0 $0x80, s22  }
0x67f: {  	[tilespmem:s25], [sflag:$0x9] =	stream.linear.gather @!p0 [hbm4b:s24+s23], $0x80, $0x38;
	[tilespmem:$0x10300] =	vst v63  }
0x680: {  	s24 =	sadd.s32 @!p0 $0x100, s22;
	s25 =	simm.s32 @!p0 $0xCE80  }
0x681: {  	[tilespmem:s25], [sflag:$0x9] =	stream.linear.gather @!p0 [hbm4b:s24+s23], $0x80, $0x38;
	[tilespmem:$0x10300] =	vst v63  }
0x682: {  	s24 =	sadd.s32 @!p0 $0x180, s22;
	s25 =	simm.s32 @!p0 $0xD280  }
0x683: {  	[tilespmem:s25], [sflag:$0x9] =	stream.linear.gather @!p0 [hbm4b:s24+s23], $0x80, $0x38;
	[tilespmem:$0x10300] =	vst v63  }
0x684: {  	s24 =	sadd.s32 @!p0 $0x200, s22;
	s25 =	simm.s32 @!p0 $0xD680  }
0x685: {  	[tilespmem:s25], [sflag:$0x9] =	stream.linear.gather @!p0 [hbm4b:s24+s23], $0x80, $0x38;
	[tilespmem:$0x10300] =	vst v63  }
0x686: {  	s24 =	sadd.s32 @!p0 $0x280, s22;
	s25 =	simm.s32 @!p0 $0xDA80  }
0x687: {  	[tilespmem:s25], [sflag:$0x9] =	stream.linear.gather @!p0 [hbm4b:s24+s23], $0x80, $0x38;
	[tilespmem:$0x10300] =	vst v63  }
0x688: {  	s24 =	sadd.s32 @!p0 $0x300, s22;
	s25 =	simm.s32 @!p0 $0xDE80  }
0x689: {  	[tilespmem:s25], [sflag:$0x9] =	stream.linear.gather @!p0 [hbm4b:s24+s23], $0x80, $0x38;
	[tilespmem:$0x10300] =	vst v63  }
0x68a: {  	s22 =	sadd.s32 @!p0 $0x380, s22;
	s24 =	simm.s32 @!p0 $0xE280  }
0x68b: {  	[tilespmem:s24], [sflag:$0x9] =	stream.linear.gather @!p0 [hbm4b:s22+s23], $0x80, $0x38;
	[tilespmem:$0x10300] =	vst v63  }
0x68c: {  	s22 =	simm.s32 @!p0 $0x9  }
0x68d: {  	_ =	swait.ge @!p0 [sflag:s22], $0x400  }
0x68e: {  	(v2sf) =	vpush v3, $0x8;
	_ =	sdelay $0xe  }
0x68f: {  	s23 =	spop (v2sf)  }
0x690: {  	p1 =	slt.s32 s23, $0x186A0  }
0x691: {  	s24 =	sshll.u32 @!p1 s23, $0xA;
	s23 =	sshll.u32 @!p1 s23, $0x7  }
0x692: {  	s24 =	sand.u32 @!p1 $0xFFFFE000, s24;
	s23 =	sand.u32 @!p1 $0x380, s23  }
0x693: {  	s23 =	sor.u32 @!p1 s23, s24  }
0x694: {  	[sflag:s22] =	ssyncset.done @!p0 $0x0;
	s23 =	sadd.s32 @!p1 $0xF9E58000, s23  }
0x695: {  	[sflag:s22] =	ssyncadd.s32 @!p0 $0xFFFFFC00;
	s22 =	sshrl.u32 @!p1 s23, $0x3  }
0x696: {  	s24 =	simm.s32 @!p1 $0xE300;
	s23 =	simm.s32 @!p1 $0x0;
	s22 =	sadd.s32 @!p1 s2, s22  }
0x697: {  	[tilespmem:s24], [sflag:$0x9] =	stream.linear.gather @!p1 [hbm4b:s22+s23], $0x80, $0x38;
	[tilespmem:$0x10300] =	vst v63  }
0x698: {  	s25 =	simm.s32 @!p1 $0xE700;
	s24 =	sadd.s32 @!p1 $0x80, s22  }
0x699: {  	[tilespmem:s25], [sflag:$0x9] =	stream.linear.gather @!p1 [hbm4b:s24+s23], $0x80, $0x38;
	[tilespmem:$0x10300] =	vst v63  }
0x69a: {  	s24 =	sadd.s32 @!p1 $0x100, s22;
	s25 =	simm.s32 @!p1 $0xEB00  }
0x69b: {  	[tilespmem:s25], [sflag:$0x9] =	stream.linear.gather @!p1 [hbm4b:s24+s23], $0x80, $0x38;
	[tilespmem:$0x10300] =	vst v63  }
0x69c: {  	s24 =	sadd.s32 @!p1 $0x180, s22;
	s25 =	simm.s32 @!p1 $0xEF00  }
0x69d: {  	[tilespmem:s25], [sflag:$0x9] =	stream.linear.gather @!p1 [hbm4b:s24+s23], $0x80, $0x38;
	[tilespmem:$0x10300] =	vst v63  }
0x69e: {  	s24 =	sadd.s32 @!p1 $0x200, s22;
	s25 =	simm.s32 @!p1 $0xF300  }
0x69f: {  	[tilespmem:s25], [sflag:$0x9] =	stream.linear.gather @!p1 [hbm4b:s24+s23], $0x80, $0x38;
	[tilespmem:$0x10300] =	vst v63  }
0x6a0: {  	s24 =	sadd.s32 @!p1 $0x280, s22;
	s25 =	simm.s32 @!p1 $0xF700  }
0x6a1: {  	[tilespmem:s25], [sflag:$0x9] =	stream.linear.gather @!p1 [hbm4b:s24+s23], $0x80, $0x38;
	[tilespmem:$0x10300] =	vst v63  }
0x6a2: {  	s24 =	sadd.s32 @!p1 $0x300, s22;
	s25 =	simm.s32 @!p1 $0xFB00  }
0x6a3: {  	[tilespmem:s25], [sflag:$0x9] =	stream.linear.gather @!p1 [hbm4b:s24+s23], $0x80, $0x38;
	[tilespmem:$0x10300] =	vst v63  }
0x6a4: {  	s22 =	sadd.s32 @!p1 $0x380, s22;
	s24 =	simm.s32 @!p1 $0xFF00  }
0x6a5: {  	[tilespmem:s24], [sflag:$0x9] =	stream.linear.gather @!p1 [hbm4b:s22+s23], $0x80, $0x38;
	[tilespmem:$0x10300] =	vst v63  }
0x6a6: {  	s22 =	simm.s32 @!p1 $0x9  }
0x6a7: {  	_ =	swait.ge @!p1 [sflag:s22], $0x400  }
0x6a8: {  	(v2sf) =	vpush v3, $0x9;
	_ =	sdelay $0xe  }
0x6a9: {  	s23 =	spop (v2sf)  }
0x6aa: {  	p0 =	slt.s32 s23, $0x186A0  }
0x6ab: {  	s24 =	sshll.u32 @!p0 s23, $0xA;
	s23 =	sshll.u32 @!p0 s23, $0x7  }
0x6ac: {  	s24 =	sand.u32 @!p0 $0xFFFFE000, s24;
	s23 =	sand.u32 @!p0 $0x380, s23  }
0x6ad: {  	s23 =	sor.u32 @!p0 s23, s24  }
0x6ae: {  	[sflag:s22] =	ssyncset.done @!p1 $0x0;
	s23 =	sadd.s32 @!p0 $0xF9E58000, s23  }
0x6af: {  	[sflag:s22] =	ssyncadd.s32 @!p1 $0xFFFFFC00;
	s22 =	sshrl.u32 @!p0 s23, $0x3  }
0x6b0: {  	s24 =	simm.s32 @!p0 $0xE380;
	s23 =	simm.s32 @!p0 $0x0;
	s22 =	sadd.s32 @!p0 s2, s22  }
0x6b1: {  	[tilespmem:s24], [sflag:$0x9] =	stream.linear.gather @!p0 [hbm4b:s22+s23], $0x80, $0x38;
	[tilespmem:$0x10300] =	vst v63  }
0x6b2: {  	s25 =	simm.s32 @!p0 $0xE780;
	s24 =	sadd.s32 @!p0 $0x80, s22  }
0x6b3: {  	[tilespmem:s25], [sflag:$0x9] =	stream.linear.gather @!p0 [hbm4b:s24+s23], $0x80, $0x38;
	[tilespmem:$0x10300] =	vst v63  }
0x6b4: {  	s24 =	sadd.s32 @!p0 $0x100, s22;
	s25 =	simm.s32 @!p0 $0xEB80  }
0x6b5: {  	[tilespmem:s25], [sflag:$0x9] =	stream.linear.gather @!p0 [hbm4b:s24+s23], $0x80, $0x38;
	[tilespmem:$0x10300] =	vst v63  }
0x6b6: {  	s24 =	sadd.s32 @!p0 $0x180, s22;
	s25 =	simm.s32 @!p0 $0xEF80  }
0x6b7: {  	[tilespmem:s25], [sflag:$0x9] =	stream.linear.gather @!p0 [hbm4b:s24+s23], $0x80, $0x38;
	[tilespmem:$0x10300] =	vst v63  }
0x6b8: {  	s24 =	sadd.s32 @!p0 $0x200, s22;
	s25 =	simm.s32 @!p0 $0xF380  }
0x6b9: {  	[tilespmem:s25], [sflag:$0x9] =	stream.linear.gather @!p0 [hbm4b:s24+s23], $0x80, $0x38;
	[tilespmem:$0x10300] =	vst v63  }
0x6ba: {  	s24 =	sadd.s32 @!p0 $0x280, s22;
	s25 =	simm.s32 @!p0 $0xF780  }
0x6bb: {  	[tilespmem:s25], [sflag:$0x9] =	stream.linear.gather @!p0 [hbm4b:s24+s23], $0x80, $0x38;
	[tilespmem:$0x10300] =	vst v63  }
0x6bc: {  	s24 =	sadd.s32 @!p0 $0x300, s22;
	s25 =	simm.s32 @!p0 $0xFB80  }
0x6bd: {  	[tilespmem:s25], [sflag:$0x9] =	stream.linear.gather @!p0 [hbm4b:s24+s23], $0x80, $0x38;
	[tilespmem:$0x10300] =	vst v63  }
0x6be: {  	s22 =	sadd.s32 @!p0 $0x380, s22;
	s24 =	simm.s32 @!p0 $0xFF80  }
0x6bf: {  	[tilespmem:s24], [sflag:$0x9] =	stream.linear.gather @!p0 [hbm4b:s22+s23], $0x80, $0x38;
	[tilespmem:$0x10300] =	vst v63  }
0x6c0: {  	s22 =	simm.s32 @!p0 $0x9  }
0x6c1: {  	_ =	swait.ge @!p0 [sflag:s22], $0x400  }
0x6c2: {  	(v2sf) =	vpush v3, $0xA;
	_ =	sdelay $0xe  }
0x6c3: {  	s23 =	spop (v2sf)  }
0x6c4: {  	p1 =	slt.s32 s23, $0x186A0  }
0x6c5: {  	s24 =	sshll.u32 @!p1 s23, $0xA;
	s23 =	sshll.u32 @!p1 s23, $0x7  }
0x6c6: {  	s24 =	sand.u32 @!p1 $0xFFFFE000, s24;
	s23 =	sand.u32 @!p1 $0x380, s23  }
0x6c7: {  	s23 =	sor.u32 @!p1 s23, s24  }
0x6c8: {  	[sflag:s22] =	ssyncset.done @!p0 $0x0;
	s23 =	sadd.s32 @!p1 $0xF9E58000, s23  }
0x6c9: {  	[sflag:s22] =	ssyncadd.s32 @!p0 $0xFFFFFC00;
	s22 =	sshrl.u32 @!p1 s23, $0x3  }
0x6ca: {  	s24 =	simm.s32 @!p1 $0xE400;
	s23 =	simm.s32 @!p1 $0x0;
	s22 =	sadd.s32 @!p1 s2, s22  }
0x6cb: {  	[tilespmem:s24], [sflag:$0x9] =	stream.linear.gather @!p1 [hbm4b:s22+s23], $0x80, $0x38;
	[tilespmem:$0x10300] =	vst v63  }
0x6cc: {  	s25 =	simm.s32 @!p1 $0xE800;
	s24 =	sadd.s32 @!p1 $0x80, s22  }
0x6cd: {  	[tilespmem:s25], [sflag:$0x9] =	stream.linear.gather @!p1 [hbm4b:s24+s23], $0x80, $0x38;
	[tilespmem:$0x10300] =	vst v63  }
0x6ce: {  	s24 =	sadd.s32 @!p1 $0x100, s22;
	s25 =	simm.s32 @!p1 $0xEC00  }
0x6cf: {  	[tilespmem:s25], [sflag:$0x9] =	stream.linear.gather @!p1 [hbm4b:s24+s23], $0x80, $0x38;
	[tilespmem:$0x10300] =	vst v63  }
0x6d0: {  	s24 =	sadd.s32 @!p1 $0x180, s22;
	s25 =	simm.s32 @!p1 $0xF000  }
0x6d1: {  	[tilespmem:s25], [sflag:$0x9] =	stream.linear.gather @!p1 [hbm4b:s24+s23], $0x80, $0x38;
	[tilespmem:$0x10300] =	vst v63  }
0x6d2: {  	s24 =	sadd.s32 @!p1 $0x200, s22;
	s25 =	simm.s32 @!p1 $0xF400  }
0x6d3: {  	[tilespmem:s25], [sflag:$0x9] =	stream.linear.gather @!p1 [hbm4b:s24+s23], $0x80, $0x38;
	[tilespmem:$0x10300] =	vst v63  }
0x6d4: {  	s24 =	sadd.s32 @!p1 $0x280, s22;
	s25 =	simm.s32 @!p1 $0xF800  }
0x6d5: {  	[tilespmem:s25], [sflag:$0x9] =	stream.linear.gather @!p1 [hbm4b:s24+s23], $0x80, $0x38;
	[tilespmem:$0x10300] =	vst v63  }
0x6d6: {  	s24 =	sadd.s32 @!p1 $0x300, s22;
	s25 =	simm.s32 @!p1 $0xFC00  }
0x6d7: {  	[tilespmem:s25], [sflag:$0x9] =	stream.linear.gather @!p1 [hbm4b:s24+s23], $0x80, $0x38;
	[tilespmem:$0x10300] =	vst v63  }
0x6d8: {  	s22 =	sadd.s32 @!p1 $0x380, s22;
	s24 =	simm.s32 @!p1 $0x10000  }
0x6d9: {  	[tilespmem:s24], [sflag:$0x9] =	stream.linear.gather @!p1 [hbm4b:s22+s23], $0x80, $0x38;
	[tilespmem:$0x10300] =	vst v63  }
0x6da: {  	s22 =	simm.s32 @!p1 $0x9  }
0x6db: {  	_ =	swait.ge @!p1 [sflag:s22], $0x400  }
0x6dc: {  	(v2sf) =	vpush v3, $0xB;
	_ =	sdelay $0xe  }
0x6dd: {  	s23 =	spop (v2sf)  }
0x6de: {  	p0 =	slt.s32 s23, $0x186A0  }
0x6df: {  	s24 =	sshll.u32 @!p0 s23, $0xA;
	s23 =	sshll.u32 @!p0 s23, $0x7  }
0x6e0: {  	s24 =	sand.u32 @!p0 $0xFFFFE000, s24;
	s23 =	sand.u32 @!p0 $0x380, s23  }
0x6e1: {  	s23 =	sor.u32 @!p0 s23, s24  }
0x6e2: {  	[sflag:s22] =	ssyncset.done @!p1 $0x0;
	s23 =	sadd.s32 @!p0 $0xF9E58000, s23  }
0x6e3: {  	[sflag:s22] =	ssyncadd.s32 @!p1 $0xFFFFFC00;
	s22 =	sshrl.u32 @!p0 s23, $0x3  }
0x6e4: {  	s24 =	simm.s32 @!p0 $0xE480;
	s23 =	simm.s32 @!p0 $0x0;
	s22 =	sadd.s32 @!p0 s2, s22  }
0x6e5: {  	[tilespmem:s24], [sflag:$0x9] =	stream.linear.gather @!p0 [hbm4b:s22+s23], $0x80, $0x38;
	[tilespmem:$0x10300] =	vst v63  }
0x6e6: {  	s25 =	simm.s32 @!p0 $0xE880;
	s24 =	sadd.s32 @!p0 $0x80, s22  }
0x6e7: {  	[tilespmem:s25], [sflag:$0x9] =	stream.linear.gather @!p0 [hbm4b:s24+s23], $0x80, $0x38;
	[tilespmem:$0x10300] =	vst v63  }
0x6e8: {  	s24 =	sadd.s32 @!p0 $0x100, s22;
	s25 =	simm.s32 @!p0 $0xEC80  }
0x6e9: {  	[tilespmem:s25], [sflag:$0x9] =	stream.linear.gather @!p0 [hbm4b:s24+s23], $0x80, $0x38;
	[tilespmem:$0x10300] =	vst v63  }
0x6ea: {  	s24 =	sadd.s32 @!p0 $0x180, s22;
	s25 =	simm.s32 @!p0 $0xF080  }
0x6eb: {  	[tilespmem:s25], [sflag:$0x9] =	stream.linear.gather @!p0 [hbm4b:s24+s23], $0x80, $0x38;
	[tilespmem:$0x10300] =	vst v63  }
0x6ec: {  	s24 =	sadd.s32 @!p0 $0x200, s22;
	s25 =	simm.s32 @!p0 $0xF480  }
0x6ed: {  	[tilespmem:s25], [sflag:$0x9] =	stream.linear.gather @!p0 [hbm4b:s24+s23], $0x80, $0x38;
	[tilespmem:$0x10300] =	vst v63  }
0x6ee: {  	s24 =	sadd.s32 @!p0 $0x280, s22;
	s25 =	simm.s32 @!p0 $0xF880  }
0x6ef: {  	[tilespmem:s25], [sflag:$0x9] =	stream.linear.gather @!p0 [hbm4b:s24+s23], $0x80, $0x38;
	[tilespmem:$0x10300] =	vst v63  }
0x6f0: {  	s24 =	sadd.s32 @!p0 $0x300, s22;
	s25 =	simm.s32 @!p0 $0xFC80  }
0x6f1: {  	[tilespmem:s25], [sflag:$0x9] =	stream.linear.gather @!p0 [hbm4b:s24+s23], $0x80, $0x38;
	[tilespmem:$0x10300] =	vst v63  }
0x6f2: {  	s22 =	sadd.s32 @!p0 $0x380, s22;
	s24 =	simm.s32 @!p0 $0x10080  }
0x6f3: {  	[tilespmem:s24], [sflag:$0x9] =	stream.linear.gather @!p0 [hbm4b:s22+s23], $0x80, $0x38;
	[tilespmem:$0x10300] =	vst v63  }
0x6f4: {  	s22 =	simm.s32 @!p0 $0x9  }
0x6f5: {  	_ =	swait.ge @!p0 [sflag:s22], $0x400  }
0x6f6: {  	(v2sf) =	vpush v3, $0xC;
	_ =	sdelay $0xe  }
0x6f7: {  	s23 =	spop (v2sf)  }
0x6f8: {  	p1 =	slt.s32 s23, $0x186A0  }
0x6f9: {  	s24 =	sshll.u32 @!p1 s23, $0xA;
	s23 =	sshll.u32 @!p1 s23, $0x7  }
0x6fa: {  	s24 =	sand.u32 @!p1 $0xFFFFE000, s24;
	s23 =	sand.u32 @!p1 $0x380, s23  }
0x6fb: {  	s23 =	sor.u32 @!p1 s23, s24  }
0x6fc: {  	[sflag:s22] =	ssyncset.done @!p0 $0x0;
	s23 =	sadd.s32 @!p1 $0xF9E58000, s23  }
0x6fd: {  	[sflag:s22] =	ssyncadd.s32 @!p0 $0xFFFFFC00;
	s22 =	sshrl.u32 @!p1 s23, $0x3  }
0x6fe: {  	s24 =	simm.s32 @!p1 $0xE500;
	s23 =	simm.s32 @!p1 $0x0;
	s22 =	sadd.s32 @!p1 s2, s22  }
0x6ff: {  	[tilespmem:s24], [sflag:$0x9] =	stream.linear.gather @!p1 [hbm4b:s22+s23], $0x80, $0x38;
	[tilespmem:$0x10300] =	vst v63  }
0x700: {  	s25 =	simm.s32 @!p1 $0xE900;
	s24 =	sadd.s32 @!p1 $0x80, s22  }
0x701: {  	[tilespmem:s25], [sflag:$0x9] =	stream.linear.gather @!p1 [hbm4b:s24+s23], $0x80, $0x38;
	[tilespmem:$0x10300] =	vst v63  }
0x702: {  	s24 =	sadd.s32 @!p1 $0x100, s22;
	s25 =	simm.s32 @!p1 $0xED00  }
0x703: {  	[tilespmem:s25], [sflag:$0x9] =	stream.linear.gather @!p1 [hbm4b:s24+s23], $0x80, $0x38;
	[tilespmem:$0x10300] =	vst v63  }
0x704: {  	s24 =	sadd.s32 @!p1 $0x180, s22;
	s25 =	simm.s32 @!p1 $0xF100  }
0x705: {  	[tilespmem:s25], [sflag:$0x9] =	stream.linear.gather @!p1 [hbm4b:s24+s23], $0x80, $0x38;
	[tilespmem:$0x10300] =	vst v63  }
0x706: {  	s24 =	sadd.s32 @!p1 $0x200, s22;
	s25 =	simm.s32 @!p1 $0xF500  }
0x707: {  	[tilespmem:s25], [sflag:$0x9] =	stream.linear.gather @!p1 [hbm4b:s24+s23], $0x80, $0x38;
	[tilespmem:$0x10300] =	vst v63  }
0x708: {  	s24 =	sadd.s32 @!p1 $0x280, s22;
	s25 =	simm.s32 @!p1 $0xF900  }
0x709: {  	[tilespmem:s25], [sflag:$0x9] =	stream.linear.gather @!p1 [hbm4b:s24+s23], $0x80, $0x38;
	[tilespmem:$0x10300] =	vst v63  }
0x70a: {  	s24 =	sadd.s32 @!p1 $0x300, s22;
	s25 =	simm.s32 @!p1 $0xFD00  }
0x70b: {  	[tilespmem:s25], [sflag:$0x9] =	stream.linear.gather @!p1 [hbm4b:s24+s23], $0x80, $0x38;
	[tilespmem:$0x10300] =	vst v63  }
0x70c: {  	s22 =	sadd.s32 @!p1 $0x380, s22;
	s24 =	simm.s32 @!p1 $0x10100  }
0x70d: {  	[tilespmem:s24], [sflag:$0x9] =	stream.linear.gather @!p1 [hbm4b:s22+s23], $0x80, $0x38;
	[tilespmem:$0x10300] =	vst v63  }
0x70e: {  	s22 =	simm.s32 @!p1 $0x9  }
0x70f: {  	_ =	swait.ge @!p1 [sflag:s22], $0x400  }
0x710: {  	(v2sf) =	vpush v3, $0xD;
	_ =	sdelay $0xe  }
0x711: {  	s23 =	spop (v2sf)  }
0x712: {  	p0 =	slt.s32 s23, $0x186A0  }
0x713: {  	s24 =	sshll.u32 @!p0 s23, $0xA;
	s23 =	sshll.u32 @!p0 s23, $0x7  }
0x714: {  	s24 =	sand.u32 @!p0 $0xFFFFE000, s24;
	s23 =	sand.u32 @!p0 $0x380, s23  }
0x715: {  	s23 =	sor.u32 @!p0 s23, s24  }
0x716: {  	[sflag:s22] =	ssyncset.done @!p1 $0x0;
	s23 =	sadd.s32 @!p0 $0xF9E58000, s23  }
0x717: {  	[sflag:s22] =	ssyncadd.s32 @!p1 $0xFFFFFC00;
	s22 =	sshrl.u32 @!p0 s23, $0x3  }
0x718: {  	s24 =	simm.s32 @!p0 $0xE580;
	s23 =	simm.s32 @!p0 $0x0;
	s22 =	sadd.s32 @!p0 s2, s22  }
0x719: {  	[tilespmem:s24], [sflag:$0x9] =	stream.linear.gather @!p0 [hbm4b:s22+s23], $0x80, $0x38;
	[tilespmem:$0x10300] =	vst v63  }
0x71a: {  	s25 =	simm.s32 @!p0 $0xE980;
	s24 =	sadd.s32 @!p0 $0x80, s22  }
0x71b: {  	[tilespmem:s25], [sflag:$0x9] =	stream.linear.gather @!p0 [hbm4b:s24+s23], $0x80, $0x38;
	[tilespmem:$0x10300] =	vst v63  }
0x71c: {  	s24 =	sadd.s32 @!p0 $0x100, s22;
	s25 =	simm.s32 @!p0 $0xED80  }
0x71d: {  	[tilespmem:s25], [sflag:$0x9] =	stream.linear.gather @!p0 [hbm4b:s24+s23], $0x80, $0x38;
	[tilespmem:$0x10300] =	vst v63  }
0x71e: {  	s24 =	sadd.s32 @!p0 $0x180, s22;
	s25 =	simm.s32 @!p0 $0xF180  }
0x71f: {  	[tilespmem:s25], [sflag:$0x9] =	stream.linear.gather @!p0 [hbm4b:s24+s23], $0x80, $0x38;
	[tilespmem:$0x10300] =	vst v63  }
0x720: {  	s24 =	sadd.s32 @!p0 $0x200, s22;
	s25 =	simm.s32 @!p0 $0xF580  }
0x721: {  	[tilespmem:s25], [sflag:$0x9] =	stream.linear.gather @!p0 [hbm4b:s24+s23], $0x80, $0x38;
	[tilespmem:$0x10300] =	vst v63  }
0x722: {  	s24 =	sadd.s32 @!p0 $0x280, s22;
	s25 =	simm.s32 @!p0 $0xF980  }
0x723: {  	[tilespmem:s25], [sflag:$0x9] =	stream.linear.gather @!p0 [hbm4b:s24+s23], $0x80, $0x38;
	[tilespmem:$0x10300] =	vst v63  }
0x724: {  	s24 =	sadd.s32 @!p0 $0x300, s22;
	s25 =	simm.s32 @!p0 $0xFD80  }
0x725: {  	[tilespmem:s25], [sflag:$0x9] =	stream.linear.gather @!p0 [hbm4b:s24+s23], $0x80, $0x38;
	[tilespmem:$0x10300] =	vst v63  }
0x726: {  	s22 =	sadd.s32 @!p0 $0x380, s22;
	s24 =	simm.s32 @!p0 $0x10180  }
0x727: {  	[tilespmem:s24], [sflag:$0x9] =	stream.linear.gather @!p0 [hbm4b:s22+s23], $0x80, $0x38;
	[tilespmem:$0x10300] =	vst v63  }
0x728: {  	s22 =	simm.s32 @!p0 $0x9  }
0x729: {  	_ =	swait.ge @!p0 [sflag:s22], $0x400  }
0x72a: {  	(v2sf) =	vpush v3, $0xE;
	_ =	sdelay $0xe  }
0x72b: {  	s23 =	spop (v2sf)  }
0x72c: {  	p1 =	slt.s32 s23, $0x186A0  }
0x72d: {  	s24 =	sshll.u32 @!p1 s23, $0xA;
	s23 =	sshll.u32 @!p1 s23, $0x7  }
0x72e: {  	s24 =	sand.u32 @!p1 $0xFFFFE000, s24;
	s23 =	sand.u32 @!p1 $0x380, s23  }
0x72f: {  	s23 =	sor.u32 @!p1 s23, s24  }
0x730: {  	[sflag:s22] =	ssyncset.done @!p0 $0x0;
	s23 =	sadd.s32 @!p1 $0xF9E58000, s23  }
0x731: {  	[sflag:s22] =	ssyncadd.s32 @!p0 $0xFFFFFC00;
	s22 =	sshrl.u32 @!p1 s23, $0x3  }
0x732: {  	s24 =	simm.s32 @!p1 $0xE600;
	s23 =	simm.s32 @!p1 $0x0;
	s22 =	sadd.s32 @!p1 s2, s22  }
0x733: {  	[tilespmem:s24], [sflag:$0x9] =	stream.linear.gather @!p1 [hbm4b:s22+s23], $0x80, $0x38;
	[tilespmem:$0x10300] =	vst v63  }
0x734: {  	s25 =	simm.s32 @!p1 $0xEA00;
	s24 =	sadd.s32 @!p1 $0x80, s22  }
0x735: {  	[tilespmem:s25], [sflag:$0x9] =	stream.linear.gather @!p1 [hbm4b:s24+s23], $0x80, $0x38;
	[tilespmem:$0x10300] =	vst v63  }
0x736: {  	s24 =	sadd.s32 @!p1 $0x100, s22;
	s25 =	simm.s32 @!p1 $0xEE00  }
0x737: {  	[tilespmem:s25], [sflag:$0x9] =	stream.linear.gather @!p1 [hbm4b:s24+s23], $0x80, $0x38;
	[tilespmem:$0x10300] =	vst v63  }
0x738: {  	s24 =	sadd.s32 @!p1 $0x180, s22;
	s25 =	simm.s32 @!p1 $0xF200  }
0x739: {  	[tilespmem:s25], [sflag:$0x9] =	stream.linear.gather @!p1 [hbm4b:s24+s23], $0x80, $0x38;
	[tilespmem:$0x10300] =	vst v63  }
0x73a: {  	s24 =	sadd.s32 @!p1 $0x200, s22;
	s25 =	simm.s32 @!p1 $0xF600  }
0x73b: {  	[tilespmem:s25], [sflag:$0x9] =	stream.linear.gather @!p1 [hbm4b:s24+s23], $0x80, $0x38;
	[tilespmem:$0x10300] =	vst v63  }
0x73c: {  	s24 =	sadd.s32 @!p1 $0x280, s22;
	s25 =	simm.s32 @!p1 $0xFA00  }
0x73d: {  	[tilespmem:s25], [sflag:$0x9] =	stream.linear.gather @!p1 [hbm4b:s24+s23], $0x80, $0x38;
	[tilespmem:$0x10300] =	vst v63  }
0x73e: {  	s24 =	sadd.s32 @!p1 $0x300, s22;
	s25 =	simm.s32 @!p1 $0xFE00  }
0x73f: {  	[tilespmem:s25], [sflag:$0x9] =	stream.linear.gather @!p1 [hbm4b:s24+s23], $0x80, $0x38;
	[tilespmem:$0x10300] =	vst v63  }
0x740: {  	s22 =	sadd.s32 @!p1 $0x380, s22;
	s24 =	simm.s32 @!p1 $0x10200  }
0x741: {  	[tilespmem:s24], [sflag:$0x9] =	stream.linear.gather @!p1 [hbm4b:s22+s23], $0x80, $0x38;
	[tilespmem:$0x10300] =	vst v63  }
0x742: {  	s22 =	simm.s32 @!p1 $0x9  }
0x743: {  	_ =	swait.ge @!p1 [sflag:s22], $0x400  }
0x744: {  	(v2sf) =	vpush v3, $0xF;
	_ =	sdelay $0xe  }
0x745: {  	s23 =	spop (v2sf)  }
0x746: {  	p0 =	slt.s32 s23, $0x186A0  }
0x747: {  	s24 =	sshll.u32 @!p0 s23, $0xA;
	s23 =	sshll.u32 @!p0 s23, $0x7  }
0x748: {  	s24 =	sand.u32 @!p0 $0xFFFFE000, s24;
	s23 =	sand.u32 @!p0 $0x380, s23  }
0x749: {  	s23 =	sor.u32 @!p0 s23, s24  }
0x74a: {  	[sflag:s22] =	ssyncset.done @!p1 $0x0;
	s23 =	sadd.s32 @!p0 $0xF9E58000, s23  }
0x74b: {  	[sflag:s22] =	ssyncadd.s32 @!p1 $0xFFFFFC00;
	s22 =	sshrl.u32 @!p0 s23, $0x3  }
0x74c: {  	s24 =	simm.s32 @!p0 $0xE680;
	s23 =	simm.s32 @!p0 $0x0;
	s22 =	sadd.s32 @!p0 s2, s22  }
0x74d: {  	[tilespmem:s24], [sflag:$0x9] =	stream.linear.gather @!p0 [hbm4b:s22+s23], $0x80, $0x38;
	[tilespmem:$0x10300] =	vst v63  }
0x74e: {  	s25 =	simm.s32 @!p0 $0xEA80;
	s24 =	sadd.s32 @!p0 $0x80, s22  }
0x74f: {  	[tilespmem:s25], [sflag:$0x9] =	stream.linear.gather @!p0 [hbm4b:s24+s23], $0x80, $0x38;
	[tilespmem:$0x10300] =	vst v63  }
0x750: {  	s24 =	sadd.s32 @!p0 $0x100, s22;
	s25 =	simm.s32 @!p0 $0xEE80  }
0x751: {  	[tilespmem:s25], [sflag:$0x9] =	stream.linear.gather @!p0 [hbm4b:s24+s23], $0x80, $0x38;
	[tilespmem:$0x10300] =	vst v63  }
0x752: {  	s24 =	sadd.s32 @!p0 $0x180, s22;
	s25 =	simm.s32 @!p0 $0xF280  }
0x753: {  	[tilespmem:s25], [sflag:$0x9] =	stream.linear.gather @!p0 [hbm4b:s24+s23], $0x80, $0x38;
	[tilespmem:$0x10300] =	vst v63  }
0x754: {  	s24 =	sadd.s32 @!p0 $0x200, s22;
	s25 =	simm.s32 @!p0 $0xF680  }
0x755: {  	[tilespmem:s25], [sflag:$0x9] =	stream.linear.gather @!p0 [hbm4b:s24+s23], $0x80, $0x38;
	[tilespmem:$0x10300] =	vst v63  }
0x756: {  	s24 =	sadd.s32 @!p0 $0x280, s22;
	s25 =	simm.s32 @!p0 $0xFA80  }
0x757: {  	[tilespmem:s25], [sflag:$0x9] =	stream.linear.gather @!p0 [hbm4b:s24+s23], $0x80, $0x38;
	[tilespmem:$0x10300] =	vst v63  }
0x758: {  	s24 =	sadd.s32 @!p0 $0x300, s22;
	s25 =	simm.s32 @!p0 $0xFE80  }
0x759: {  	[tilespmem:s25], [sflag:$0x9] =	stream.linear.gather @!p0 [hbm4b:s24+s23], $0x80, $0x38;
	[tilespmem:$0x10300] =	vst v63  }
0x75a: {  	s22 =	sadd.s32 @!p0 $0x380, s22;
	s24 =	simm.s32 @!p0 $0x10280  }
0x75b: {  	[tilespmem:s24], [sflag:$0x9] =	stream.linear.gather @!p0 [hbm4b:s22+s23], $0x80, $0x38;
	[tilespmem:$0x10300] =	vst v63  }
0x75c: {  	s22 =	simm.s32 @!p0 $0x9  }
0x75d: {  	_ =	swait.ge @!p0 [sflag:s22], $0x400  }
0x75e: {  	s25 =	rddreg [dreg:$0x8]  }
0x75f: {  	[sflag:s22] =	ssyncset.done @!p0 $0x0;
	s26 =	sadd.s32 s20, s25;
	s20 =	sadd.s32 $0x2000, s20  }
0x760: {  	[sflag:s22] =	ssyncadd.s32 @!p0 $0xFFFFFC00;
	p0 =	sne.s32 s20, $0x8000  }
.Ltmp0:
0x761: {  	_ = 	snop;
	(pc) =	sbr.rel @p0 .LBB2_2-.Ltmp0, $3  }
0x762: {  	_ =	sdelay $0x1  }
0x763: {  	s19 =	sadd.s32 $0x40, s19  }
0x764: {  	[hbm4b:s26+s4] =	stream.linear.scatter [tilespmem:s0], [sflag:$0x8], $0x4000, $0x38;
	[tilespmem:$0x10300] =	vst v63  }
0x765: {  	_ =	swait.ge [sflag:s14], $0x4000  }
0x766: {  	[sflag:s14] =	ssyncset.done $0x0  }
0x767: {  	[sflag:s14] =	ssyncadd.s32 $0xFFFFC000  }
0x768: {  	_ =	swait.ge [sflag:s15], $0x4000  }
0x769: {  	[sflag:s15] =	ssyncset.done $0x0  }
0x76a: {  	s18 =	sadd.s32 $0x1, s18;
	[sflag:s15] =	ssyncadd.s32 $0xFFFFC000  }
0x76b: {  	p0 =	sne.s32 s18, s9;
	_ =	swait.ge [sflag:s16], $0x4000  }
.Ltmp1:
0x76c: {  	[sflag:s16] =	ssyncset.done $0x0;
	(pc) =	sbr.rel @p0 .LBB2_1-.Ltmp1, $4  }
0x76d: {  	[sflag:s16] =	ssyncadd.s32 $0xFFFFC000  }
0x76e: {  	_ =	swait.ge [sflag:s17], $0x4000  }
0x76f: {  	[sflag:s17] =	ssyncset.done $0x0  }
0x770: {  	[sflag:s17] =	ssyncadd.s32 $0xFFFFC000  }
0x771: {  	_ =	sfence.sel $0x180000  }
0x772: {  	[bflag:$0x0] =	sbarrier.arrive $0xFFFF  }
0x773: {  	_ =	strace $0x90000047  }
0x774: {  	s0 =	stileid.u32;
	[bflag:$0x2] =	sbarrier.arrive $0xFFFF  }
0x775: {  	p0 =	sne.s32 s0, $0x0;
	s0 =	rddreg [dreg:$0x4]  }
0x776: {  	s0 =	sadd.s32 @!p0 $0x100000, s0  }
0x777: {  	[sflag:s0] =	ssyncadd.tile.s32 @!p0 $0x1;
	_ =	shalt  }
.Lfunc_end2:
_tile_overlayer_lowered:
.L_overlay_start_2:
0x778: {  	(tag) =	ssettag $0x2  }
0x779: {  	s0 =	rddreg [dreg:$0x0];
	s2 =	stileid.u32  }
0x77a: {  	s1 =	rddreg [dreg:$0x1];
	p0 =	sne.s32 s2, $0x0  }
0x77b: {  	s3 =	rddreg [dreg:$0x2];
	[bflag:$0x3] =	sbarrier.arrive $0xFFFF;
	s2 =	simm.s32 @!p0 $0x1C09  }
0x77c: {  	[timem:s3], [sflag:s2] =	dma.local @!p0 [hbm:s0], s1  }
0x77d: {  	s0 =	simm.s32 @!p0 $0x9  }
0x77e: {  	_ =	swait.ge @!p0 [sflag:s0], s1  }
0x77f: {  	s1 =	ssub.s32 @!p0 $0x0, s1;
	[sflag:s0] =	ssyncset.done @!p0 $0x0  }
0x780: {  	[sflag:s0] =	ssyncadd.s32 @!p0 s1  }
0x781: {  	[bflag:$0x3] =	sbarrier.arrive $0xFFFF  }
0x782: {  	_ =	shalt  }

</sc_bundles>
